<compile_context>
chip_gen: v7x
topology: tpu7x:2x2x1
jax: 0.10.2.dev20260603
libtpu: 0.0.44.dev20260713+nightly
codegen_flags: <defaults>
</compile_context>

<pallas_src>
import functools

import jax
import jax.numpy as jnp
from jax import lax
from jax.experimental import pallas as pl
from jax.experimental.pallas import tpu as pltpu
from jax.experimental.pallas import tpu_sc as plsc

N = 10000
E = 320000
D = 128

NPAD = 10240
EPAD = 327680
K2 = EPAD // (16 * 128)
K3 = EPAD // (32 * 128)
RPS = NPAD // 16
IDXBLK = 40

_MESH = plsc.VectorSubcoreMesh(core_axis_name="c", subcore_axis_name="s")

_SCRATCH = [
    pltpu.VMEM((IDXBLK, 128), jnp.int32),
    pltpu.VMEM((IDXBLK, 128), jnp.int32),
    pltpu.VMEM((128, D), jnp.float32),
    pltpu.VMEM((128, D), jnp.float32),
    pltpu.VMEM_SHARED((NPAD, D), jnp.float32),
    pltpu.SemaphoreType.DMA,
    pltpu.SemaphoreType.DMA,
]


def _edge_loop(table_hbm, src_view, dst_view, k_chunks,
               src_v, dst_v, rows0_v, rows1_v, acc, sem0, sem1):
    for st in range(k_chunks // IDXBLK):
        pltpu.sync_copy(src_view.at[pl.ds(st * IDXBLK, IDXBLK)], src_v)
        pltpu.sync_copy(dst_view.at[pl.ds(st * IDXBLK, IDXBLK)], dst_v)
        pltpu.async_copy(table_hbm.at[src_v.at[0]], rows0_v, sem0)

        def body(i, carry):
            j = 2 * i
            pltpu.async_copy(table_hbm.at[src_v.at[j + 1]], rows1_v, sem1)
            pltpu.make_async_copy(table_hbm.at[src_v.at[j]], rows0_v,
                                  sem0).wait()
            pltpu.sync_copy(rows0_v, acc.at[dst_v.at[j]], add=True)
            pltpu.async_copy(table_hbm.at[src_v.at[j + 2]], rows0_v, sem0)
            pltpu.make_async_copy(table_hbm.at[src_v.at[j + 1]], rows1_v,
                                  sem1).wait()
            pltpu.sync_copy(rows1_v, acc.at[dst_v.at[j + 1]], add=True)
            return carry

        lax.fori_loop(0, IDXBLK // 2 - 1, body, 0)
        jl = IDXBLK - 2
        pltpu.async_copy(table_hbm.at[src_v.at[jl + 1]], rows1_v, sem1)
        pltpu.make_async_copy(table_hbm.at[src_v.at[jl]], rows0_v,
                              sem0).wait()
        pltpu.sync_copy(rows0_v, acc.at[dst_v.at[jl]], add=True)
        pltpu.make_async_copy(table_hbm.at[src_v.at[jl + 1]], rows1_v,
                              sem1).wait()
        pltpu.sync_copy(rows1_v, acc.at[dst_v.at[jl + 1]], add=True)


@functools.partial(
    pl.kernel,
    out_type=[jax.ShapeDtypeStruct((NPAD, D), jnp.float32)] * 2,
    mesh=_MESH,
    scratch_types=_SCRATCH,
)
def _spmm_pass1(y1p, y2p, src_hbm, dst_hbm, zeros_hbm, out_x1, out_t,
                src_v, dst_v, rows0_v, rows1_v, acc, sem0, sem1):
    c = lax.axis_index("c")
    s = lax.axis_index("s")
    sl = pl.ds(s * RPS, RPS)
    pltpu.sync_copy(zeros_hbm.at[sl], acc.at[sl])
    plsc.subcore_barrier()

    @pl.when(c == 0)
    def _():
        _edge_loop(y1p, src_hbm.at[s], dst_hbm.at[s], K2,
                   src_v, dst_v, rows0_v, rows1_v, acc, sem0, sem1)

    @pl.when(c == 1)
    def _():
        _edge_loop(y2p, src_hbm.at[s], dst_hbm.at[s], K2,
                   src_v, dst_v, rows0_v, rows1_v, acc, sem0, sem1)

    plsc.subcore_barrier()

    @pl.when(c == 0)
    def _():
        pltpu.sync_copy(acc.at[sl], out_x1.at[sl])

    @pl.when(c == 1)
    def _():
        pltpu.sync_copy(acc.at[sl], out_t.at[sl])


@functools.partial(
    pl.kernel,
    out_type=jax.ShapeDtypeStruct((2, NPAD, D), jnp.float32),
    mesh=_MESH,
    scratch_types=_SCRATCH,
)
def _spmm_pass2(t, src_hbm, dst_hbm, zeros_hbm, out_r,
                src_v, dst_v, rows0_v, rows1_v, acc, sem0, sem1):
    c = lax.axis_index("c")
    s = lax.axis_index("s")
    sl = pl.ds(s * RPS, RPS)
    pltpu.sync_copy(zeros_hbm.at[sl], acc.at[sl])
    plsc.subcore_barrier()

    _edge_loop(t, src_hbm.at[c, s], dst_hbm.at[c, s], K3,
               src_v, dst_v, rows0_v, rows1_v, acc, sem0, sem1)
    plsc.subcore_barrier()
    pltpu.sync_copy(acc.at[sl], out_r.at[c, sl])


def _mm_body(x_ref, w_ref, b_ref, o0_ref, o1_ref, o2_ref):
    y = (jnp.dot(x_ref[...], w_ref[...], preferred_element_type=jnp.float32)
         + b_ref[0, :][None, :])
    o0_ref[...] = y[:, 0:D]
    o1_ref[...] = y[:, D:2 * D]
    o2_ref[...] = y[:, 2 * D:3 * D]


def _cat_body(a_ref, b_ref, c0_ref, c1_ref, o_ref):
    o_ref[:, 0:D] = a_ref[...]
    o_ref[:, D:2 * D] = b_ref[...]
    o_ref[:, 2 * D:3 * D] = c0_ref[0] + c1_ref[0]


def kernel(x, edge_index, W0, b0, W1, b1, W2, b2):
    src = edge_index[0].astype(jnp.int32)
    dst = edge_index[1].astype(jnp.int32)
    pad = N + (jnp.arange(EPAD - E, dtype=jnp.int32) % (NPAD - N))
    srcp = jnp.concatenate([src, pad])
    dstp = jnp.concatenate([dst, pad])

    Wcat = jnp.concatenate([W0, W1, W2], axis=1)
    bcat = jnp.tile(jnp.concatenate([b0, b1, b2])[None, :], (8, 1))

    x0p, y1p, y2p = pl.pallas_call(
        _mm_body,
        grid=(10,),
        in_specs=[
            pl.BlockSpec((1024, D), lambda i: (i, 0)),
            pl.BlockSpec((D, 3 * D), lambda i: (0, 0)),
            pl.BlockSpec((8, 3 * D), lambda i: (0, 0)),
        ],
        out_specs=[pl.BlockSpec((1024, D), lambda i: (i, 0))] * 3,
        out_shape=[jax.ShapeDtypeStruct((NPAD, D), jnp.float32)] * 3,
    )(x, Wcat, bcat)

    zeros = jnp.zeros((NPAD, D), jnp.float32)

    src16 = srcp.reshape(16, K2, 128)
    dst16 = dstp.reshape(16, K2, 128)
    x1full, t = _spmm_pass1(y1p, y2p, src16, dst16, zeros)

    src32 = srcp.reshape(2, 16, K3, 128)
    dst32 = dstp.reshape(2, 16, K3, 128)
    r = _spmm_pass2(t, src32, dst32, zeros)

    out = pl.pallas_call(
        _cat_body,
        grid=(10,),
        in_specs=[
            pl.BlockSpec((1000, D), lambda i: (i, 0)),
            pl.BlockSpec((1000, D), lambda i: (i, 0)),
            pl.BlockSpec((1, 1000, D), lambda i: (0, i, 0)),
            pl.BlockSpec((1, 1000, D), lambda i: (1, i, 0)),
        ],
        out_specs=pl.BlockSpec((1000, 3 * D), lambda i: (i, 0)),
        out_shape=jax.ShapeDtypeStruct((N, 3 * D), jnp.float32),
    )(x0p, x1full, r, r)
    return out

# --- scband reference (transcript-rebuilt; emitter-appended) ---
"""Pipeline reference for scband-mix-hop-layer-4501125726317 (READ-ONLY COPY).

The authoritative reference and input builder live on the scoring server;
editing this copy changes nothing except your own understanding.
"""

import jax, jax.numpy as jnp
import numpy as np

N = 10000
E = 320000
D_IN = 128
D_OUT = 128


def setup_inputs(seed: int = 0) -> dict:
    key = jax.random.key(seed)
    ks = jax.random.split(key, 9)
    x = jax.random.normal(ks[0], (N, D_IN), dtype=jnp.float32)
    edge_index = jax.random.randint(ks[1], (2, E), 0, N)
    scale = 1.0 / np.sqrt(D_IN)
    W0 = jax.random.normal(ks[2], (D_IN, D_OUT), dtype=jnp.float32) * scale
    b0 = jax.random.normal(ks[3], (D_OUT,), dtype=jnp.float32) * scale
    W1 = jax.random.normal(ks[4], (D_IN, D_OUT), dtype=jnp.float32) * scale
    b1 = jax.random.normal(ks[5], (D_OUT,), dtype=jnp.float32) * scale
    W2 = jax.random.normal(ks[6], (D_IN, D_OUT), dtype=jnp.float32) * scale
    b2 = jax.random.normal(ks[7], (D_OUT,), dtype=jnp.float32) * scale
    return {"x": x, "edge_index": edge_index, "W0": W0, "b0": b0, "W1": W1, "b1": b1, "W2": W2, "b2": b2}


def reference(x, edge_index, W0, b0, W1, b1, W2, b2):
    src = edge_index[0]
    dst = edge_index[1]

    def spmm(xj):
        # sparse adjacency matmul: out[dst] += xj[src]  (gather + scatter-add)
        return jax.ops.segment_sum(jnp.take(xj, src, axis=0), dst, num_segments=N)

    # hop 0: plain linear
    x0 = x @ W0 + b0
    # hop 1: linear then one adjacency propagation
    x1 = spmm(x @ W1 + b1)
    # hop 2: linear then two adjacency propagations
    x2 = spmm(spmm(x @ W2 + b2))
    return jnp.concatenate([x0, x1, x2], axis=1)

if __name__ == "__main__":
    import jax
    _d = setup_inputs()
    print(jax.jit(kernel)(*tuple(_d.values())))

</pallas_src>

<mosaic_0001>
#map = affine_map<(d0, d1) -> (0, 0)>
#map1 = affine_map<(d0, d1) -> (0, 0, 0)>
module attributes {stable_mosaic.version = 14 : i64} {
  func.func @_spmm_pass1(%arg0: i32, %arg1: i32, %arg2: memref<10240x128xf32, #tpu.memory_space<hbm>>, %arg3: memref<10240x128xf32, #tpu.memory_space<hbm>>, %arg4: memref<16x160x128xi32, #tpu.memory_space<hbm>>, %arg5: memref<16x160x128xi32, #tpu.memory_space<hbm>>, %arg6: memref<10240x128xf32, #tpu.memory_space<hbm>>, %arg7: memref<10240x128xf32, #tpu.memory_space<hbm>>, %arg8: memref<10240x128xf32, #tpu.memory_space<hbm>>, %arg9: memref<40x128xi32, #tpu.memory_space<vmem>>, %arg10: memref<40x128xi32, #tpu.memory_space<vmem>>, %arg11: memref<128x128xf32, #tpu.memory_space<vmem>>, %arg12: memref<128x128xf32, #tpu.memory_space<vmem>>, %arg13: memref<10240x128xf32, #tpu.memory_space<vmem_shared>>, %arg14: memref<!tpu.dma_semaphore, #tpu.memory_space<semaphore_mem>>, %arg15: memref<!tpu.dma_semaphore, #tpu.memory_space<semaphore_mem>>) attributes {dimension_semantics = [#tpu.dimension_semantics<core_parallel>, #tpu.dimension_semantics<subcore_parallel>], iteration_bounds = array<i64: 2, 16>, scalar_prefetch = 0 : i64, scratch_operands = 7 : i64, tpu.core_type = #tpu.core_type<sc_vector_subcore>, window_params = [{transform_indices = #map}, {transform_indices = #map}, {transform_indices = #map1}, {transform_indices = #map1}, {transform_indices = #map}, {transform_indices = #map}, {transform_indices = #map}]} {
    %mul3A = arith.constant 640 : i32
    %mul3A_0 = arith.muli %arg1, %mul3A : i32
    "tpu.region"() ({
      %run_scoped3A = tpu.sem_alloc : memref<!tpu.dma_semaphore, #tpu.memory_space<semaphore_mem>>
      %dma_start3A = arith.constant 0 : i32
      %dma_start3A_19 = tpu.memref_slice %arg13[%mul3A_0, %dma_start3A] : memref<10240x128xf32, #tpu.memory_space<vmem_shared>> -> memref<640x128xf32, #tpu.memory_space<vmem_shared>>
      %dma_start3A_20 = arith.constant 0 : i32
      %dma_start3A_21 = tpu.memref_slice %arg6[%mul3A_0, %dma_start3A_20] : memref<10240x128xf32, #tpu.memory_space<hbm>> -> memref<640x128xf32, #tpu.memory_space<hbm>>
      tpu.enqueue_dma source(%dma_start3A_21 : memref<640x128xf32, #tpu.memory_space<hbm>>) target(%dma_start3A_19 : memref<640x128xf32, #tpu.memory_space<vmem_shared>>) target_semaphore(%run_scoped3A : memref<!tpu.dma_semaphore, #tpu.memory_space<semaphore_mem>>)
      %dma_wait3A = arith.constant 0 : i32
      %dma_wait3A_22 = tpu.memref_slice %arg13[%mul3A_0, %dma_wait3A] : memref<10240x128xf32, #tpu.memory_space<vmem_shared>> -> memref<640x128xf32, #tpu.memory_space<vmem_shared>>
      %dma_wait3A_23 = arith.constant 0 : i32
      %dma_wait3A_24 = tpu.memref_slice %arg6[%mul3A_0, %dma_wait3A_23] : memref<10240x128xf32, #tpu.memory_space<hbm>> -> memref<640x128xf32, #tpu.memory_space<hbm>>
      tpu.wait_dma2 semaphore(%run_scoped3A : memref<!tpu.dma_semaphore, #tpu.memory_space<semaphore_mem>>) src(%dma_wait3A_24 : memref<640x128xf32, #tpu.memory_space<hbm>>) dst(%dma_wait3A_22 : memref<640x128xf32, #tpu.memory_space<vmem_shared>>)
      tpu.yield
    }) : () -> ()
    %barrier3A = arith.constant 0 : index
    tpu.barrier barrier_id(%barrier3A)
    %eq3A = arith.constant 0 : i32
    %eq3A_1 = arith.cmpi eq, %arg0, %eq3A : i32
    %convert_element_type3A = arith.extui %eq3A_1 : i1 to i32
    %cond3A = arith.constant 0 : i32
    %cond3A_2 = arith.cmpi ne, %convert_element_type3A, %cond3A : i32
    scf.if %cond3A_2 {
      "tpu.region"() ({
        %run_scoped3A_159 = tpu.sem_alloc : memref<!tpu.dma_semaphore, #tpu.memory_space<semaphore_mem>>
        %dma_start3A_160 = arith.constant 0 : i32
        %dma_start3A_161 = arith.constant 0 : i32
        %dma_start3A_162 = tpu.memref_slice %arg4[%arg1, %dma_start3A_160, %dma_start3A_161] : memref<16x160x128xi32, #tpu.memory_space<hbm>> -> memref<1x160x128xi32, #tpu.memory_space<hbm>>
        %dma_start3A_163 = tpu.memref_squeeze %dma_start3A_162 : memref<1x160x128xi32, #tpu.memory_space<hbm>> -> memref<160x128xi32, #tpu.memory_space<hbm>>
        %dma_start3A_164 = arith.constant 0 : i32
        %dma_start3A_165 = arith.constant 0 : i32
        %dma_start3A_166 = tpu.memref_slice %dma_start3A_163[%dma_start3A_164, %dma_start3A_165] : memref<160x128xi32, #tpu.memory_space<hbm>> -> memref<40x128xi32, #tpu.memory_space<hbm>>
        %dma_start3A_167 = arith.constant 0 : i32
        %dma_start3A_168 = arith.constant 0 : i32
        %dma_start3A_169 = tpu.memref_slice %arg4[%arg1, %dma_start3A_167, %dma_start3A_168] : memref<16x160x128xi32, #tpu.memory_space<hbm>> -> memref<1x160x128xi32, #tpu.memory_space<hbm>>
        %dma_start3A_170 = tpu.memref_squeeze %dma_start3A_169 : memref<1x160x128xi32, #tpu.memory_space<hbm>> -> memref<160x128xi32, #tpu.memory_space<hbm>>
        %dma_start3A_171 = arith.constant 0 : i32
        %dma_start3A_172 = arith.constant 0 : i32
        %dma_start3A_173 = tpu.memref_slice %dma_start3A_170[%dma_start3A_171, %dma_start3A_172] : memref<160x128xi32, #tpu.memory_space<hbm>> -> memref<40x128xi32, #tpu.memory_space<hbm>>
        tpu.enqueue_dma source(%dma_start3A_173 : memref<40x128xi32, #tpu.memory_space<hbm>>) target(%arg9 : memref<40x128xi32, #tpu.memory_space<vmem>>) target_semaphore(%run_scoped3A_159 : memref<!tpu.dma_semaphore, #tpu.memory_space<semaphore_mem>>)
        %dma_wait3A_174 = arith.constant 0 : i32
        %dma_wait3A_175 = arith.constant 0 : i32
        %dma_wait3A_176 = tpu.memref_slice %arg4[%arg1, %dma_wait3A_174, %dma_wait3A_175] : memref<16x160x128xi32, #tpu.memory_space<hbm>> -> memref<1x160x128xi32, #tpu.memory_space<hbm>>
        %dma_wait3A_177 = tpu.memref_squeeze %dma_wait3A_176 : memref<1x160x128xi32, #tpu.memory_space<hbm>> -> memref<160x128xi32, #tpu.memory_space<hbm>>
        %dma_wait3A_178 = arith.constant 0 : i32
        %dma_wait3A_179 = arith.constant 0 : i32
        %dma_wait3A_180 = tpu.memref_slice %dma_wait3A_177[%dma_wait3A_178, %dma_wait3A_179] : memref<160x128xi32, #tpu.memory_space<hbm>> -> memref<40x128xi32, #tpu.memory_space<hbm>>
        %dma_wait3A_181 = arith.constant 0 : i32
        %dma_wait3A_182 = arith.constant 0 : i32
        %dma_wait3A_183 = tpu.memref_slice %arg4[%arg1, %dma_wait3A_181, %dma_wait3A_182] : memref<16x160x128xi32, #tpu.memory_space<hbm>> -> memref<1x160x128xi32, #tpu.memory_space<hbm>>
        %dma_wait3A_184 = tpu.memref_squeeze %dma_wait3A_183 : memref<1x160x128xi32, #tpu.memory_space<hbm>> -> memref<160x128xi32, #tpu.memory_space<hbm>>
        %dma_wait3A_185 = arith.constant 0 : i32
        %dma_wait3A_186 = arith.constant 0 : i32
        %dma_wait3A_187 = tpu.memref_slice %dma_wait3A_184[%dma_wait3A_185, %dma_wait3A_186] : memref<160x128xi32, #tpu.memory_space<hbm>> -> memref<40x128xi32, #tpu.memory_space<hbm>>
        tpu.wait_dma2 semaphore(%run_scoped3A_159 : memref<!tpu.dma_semaphore, #tpu.memory_space<semaphore_mem>>) src(%dma_wait3A_187 : memref<40x128xi32, #tpu.memory_space<hbm>>) dst(%arg9 : memref<40x128xi32, #tpu.memory_space<vmem>>)
        tpu.yield
      }) : () -> ()
      "tpu.region"() ({
        %run_scoped3A_159 = tpu.sem_alloc : memref<!tpu.dma_semaphore, #tpu.memory_space<semaphore_mem>>
        %dma_start3A_160 = arith.constant 0 : i32
        %dma_start3A_161 = arith.constant 0 : i32
        %dma_start3A_162 = tpu.memref_slice %arg5[%arg1, %dma_start3A_160, %dma_start3A_161] : memref<16x160x128xi32, #tpu.memory_space<hbm>> -> memref<1x160x128xi32, #tpu.memory_space<hbm>>
        %dma_start3A_163 = tpu.memref_squeeze %dma_start3A_162 : memref<1x160x128xi32, #tpu.memory_space<hbm>> -> memref<160x128xi32, #tpu.memory_space<hbm>>
        %dma_start3A_164 = arith.constant 0 : i32
        %dma_start3A_165 = arith.constant 0 : i32
        %dma_start3A_166 = tpu.memref_slice %dma_start3A_163[%dma_start3A_164, %dma_start3A_165] : memref<160x128xi32, #tpu.memory_space<hbm>> -> memref<40x128xi32, #tpu.memory_space<hbm>>
        %dma_start3A_167 = arith.constant 0 : i32
        %dma_start3A_168 = arith.constant 0 : i32
        %dma_start3A_169 = tpu.memref_slice %arg5[%arg1, %dma_start3A_167, %dma_start3A_168] : memref<16x160x128xi32, #tpu.memory_space<hbm>> -> memref<1x160x128xi32, #tpu.memory_space<hbm>>
        %dma_start3A_170 = tpu.memref_squeeze %dma_start3A_169 : memref<1x160x128xi32, #tpu.memory_space<hbm>> -> memref<160x128xi32, #tpu.memory_space<hbm>>
        %dma_start3A_171 = arith.constant 0 : i32
        %dma_start3A_172 = arith.constant 0 : i32
        %dma_start3A_173 = tpu.memref_slice %dma_start3A_170[%dma_start3A_171, %dma_start3A_172] : memref<160x128xi32, #tpu.memory_space<hbm>> -> memref<40x128xi32, #tpu.memory_space<hbm>>
        tpu.enqueue_dma source(%dma_start3A_173 : memref<40x128xi32, #tpu.memory_space<hbm>>) target(%arg10 : memref<40x128xi32, #tpu.memory_space<vmem>>) target_semaphore(%run_scoped3A_159 : memref<!tpu.dma_semaphore, #tpu.memory_space<semaphore_mem>>)
        %dma_wait3A_174 = arith.constant 0 : i32
        %dma_wait3A_175 = arith.constant 0 : i32
        %dma_wait3A_176 = tpu.memref_slice %arg5[%arg1, %dma_wait3A_174, %dma_wait3A_175] : memref<16x160x128xi32, #tpu.memory_space<hbm>> -> memref<1x160x128xi32, #tpu.memory_space<hbm>>
        %dma_wait3A_177 = tpu.memref_squeeze %dma_wait3A_176 : memref<1x160x128xi32, #tpu.memory_space<hbm>> -> memref<160x128xi32, #tpu.memory_space<hbm>>
        %dma_wait3A_178 = arith.constant 0 : i32
        %dma_wait3A_179 = arith.constant 0 : i32
        %dma_wait3A_180 = tpu.memref_slice %dma_wait3A_177[%dma_wait3A_178, %dma_wait3A_179] : memref<160x128xi32, #tpu.memory_space<hbm>> -> memref<40x128xi32, #tpu.memory_space<hbm>>
        %dma_wait3A_181 = arith.constant 0 : i32
        %dma_wait3A_182 = arith.constant 0 : i32
        %dma_wait3A_183 = tpu.memref_slice %arg5[%arg1, %dma_wait3A_181, %dma_wait3A_182] : memref<16x160x128xi32, #tpu.memory_space<hbm>> -> memref<1x160x128xi32, #tpu.memory_space<hbm>>
        %dma_wait3A_184 = tpu.memref_squeeze %dma_wait3A_183 : memref<1x160x128xi32, #tpu.memory_space<hbm>> -> memref<160x128xi32, #tpu.memory_space<hbm>>
        %dma_wait3A_185 = arith.constant 0 : i32
        %dma_wait3A_186 = arith.constant 0 : i32
        %dma_wait3A_187 = tpu.memref_slice %dma_wait3A_184[%dma_wait3A_185, %dma_wait3A_186] : memref<160x128xi32, #tpu.memory_space<hbm>> -> memref<40x128xi32, #tpu.memory_space<hbm>>
        tpu.wait_dma2 semaphore(%run_scoped3A_159 : memref<!tpu.dma_semaphore, #tpu.memory_space<semaphore_mem>>) src(%dma_wait3A_187 : memref<40x128xi32, #tpu.memory_space<hbm>>) dst(%arg10 : memref<40x128xi32, #tpu.memory_space<vmem>>)
        tpu.yield
      }) : () -> ()
      %dma_start3A = arith.constant 0 : i32
      %dma_start3A_19 = arith.constant 0 : i32
      %dma_start3A_20 = tpu.memref_slice %arg9[%dma_start3A, %dma_start3A_19] : memref<40x128xi32, #tpu.memory_space<vmem>> -> memref<1x128xi32, #tpu.memory_space<vmem>>
      %dma_start3A_21 = tpu.memref_squeeze %dma_start3A_20 : memref<1x128xi32, #tpu.memory_space<vmem>> -> memref<128xi32, #tpu.memory_space<vmem>>
      %dma_start3A_22 = arith.constant 0 : i32
      %dma_start3A_23 = arith.constant 0 : i32
      %dma_start3A_24 = tpu.memref_slice %arg2[%dma_start3A_22, %dma_start3A_23] : memref<10240x128xf32, #tpu.memory_space<hbm>> -> memref<10240x128xf32, #tpu.memory_space<hbm>>
      tpu.enqueue_indirect_dma source(%dma_start3A_24 : memref<10240x128xf32, #tpu.memory_space<hbm>>) target(%arg11 : memref<128x128xf32, #tpu.memory_space<vmem>>) offsets(%dma_start3A_21 : memref<128xi32, #tpu.memory_space<vmem>>) semaphore(%arg14 : memref<!tpu.dma_semaphore, #tpu.memory_space<semaphore_mem>>)
      %scan3A = arith.constant 0 : i32
      %scan3A_25 = arith.constant 0 : i32
      %scan3A_26 = arith.constant 19 : i32
      %scan3A_27 = arith.addi %scan3A_25, %scan3A_26 : i32
      %scan3A_28 = arith.constant 1 : i32
      scf.for %scan3A_159 = %scan3A_25 to %scan3A_27 step %scan3A_28  : i32 {
        %mul3A_160 = arith.constant 2 : i32
        %mul3A_161 = arith.muli %mul3A_160, %scan3A_159 : i32
        %add3A = arith.constant 1 : i32
        %add3A_162 = arith.addi %mul3A_161, %add3A : i32
        %dma_start3A_163 = arith.constant 0 : i32
        %dma_start3A_164 = tpu.memref_slice %arg9[%add3A_162, %dma_start3A_163] : memref<40x128xi32, #tpu.memory_space<vmem>> -> memref<1x128xi32, #tpu.memory_space<vmem>>
        %dma_start3A_165 = tpu.memref_squeeze %dma_start3A_164 : memref<1x128xi32, #tpu.memory_space<vmem>> -> memref<128xi32, #tpu.memory_space<vmem>>
        %dma_start3A_166 = arith.constant 0 : i32
        %dma_start3A_167 = arith.constant 0 : i32
        %dma_start3A_168 = tpu.memref_slice %arg2[%dma_start3A_166, %dma_start3A_167] : memref<10240x128xf32, #tpu.memory_space<hbm>> -> memref<10240x128xf32, #tpu.memory_space<hbm>>
        tpu.enqueue_indirect_dma source(%dma_start3A_168 : memref<10240x128xf32, #tpu.memory_space<hbm>>) target(%arg12 : memref<128x128xf32, #tpu.memory_space<vmem>>) offsets(%dma_start3A_165 : memref<128xi32, #tpu.memory_space<vmem>>) semaphore(%arg15 : memref<!tpu.dma_semaphore, #tpu.memory_space<semaphore_mem>>)
        %dma_wait3A_169 = arith.constant 0 : i32
        %dma_wait3A_170 = tpu.memref_slice %arg9[%mul3A_161, %dma_wait3A_169] : memref<40x128xi32, #tpu.memory_space<vmem>> -> memref<1x128xi32, #tpu.memory_space<vmem>>
        %dma_wait3A_171 = tpu.memref_squeeze %dma_wait3A_170 : memref<1x128xi32, #tpu.memory_space<vmem>> -> memref<128xi32, #tpu.memory_space<vmem>>
        %dma_wait3A_172 = arith.constant 0 : i32
        %dma_wait3A_173 = arith.constant 0 : i32
        %dma_wait3A_174 = tpu.memref_slice %arg2[%dma_wait3A_172, %dma_wait3A_173] : memref<10240x128xf32, #tpu.memory_space<hbm>> -> memref<10240x128xf32, #tpu.memory_space<hbm>>
        tpu.wait_indirect_dma semaphore(%arg14 : memref<!tpu.dma_semaphore, #tpu.memory_space<semaphore_mem>>) src(%dma_wait3A_174 : memref<10240x128xf32, #tpu.memory_space<hbm>>) dst(%arg11 : memref<128x128xf32, #tpu.memory_space<vmem>>)
        "tpu.region"() ({
          %run_scoped3A_193 = tpu.sem_alloc : memref<!tpu.dma_semaphore, #tpu.memory_space<semaphore_mem>>
          %dma_start3A_194 = arith.constant 0 : i32
          %dma_start3A_195 = tpu.memref_slice %arg10[%mul3A_161, %dma_start3A_194] : memref<40x128xi32, #tpu.memory_space<vmem>> -> memref<1x128xi32, #tpu.memory_space<vmem>>
          %dma_start3A_196 = tpu.memref_squeeze %dma_start3A_195 : memref<1x128xi32, #tpu.memory_space<vmem>> -> memref<128xi32, #tpu.memory_space<vmem>>
          %dma_start3A_197 = arith.constant 0 : i32
          %dma_start3A_198 = arith.constant 0 : i32
          %dma_start3A_199 = tpu.memref_slice %arg13[%dma_start3A_197, %dma_start3A_198] : memref<10240x128xf32, #tpu.memory_space<vmem_shared>> -> memref<10240x128xf32, #tpu.memory_space<vmem_shared>>
          tpu.enqueue_indirect_dma source(%arg11 : memref<128x128xf32, #tpu.memory_space<vmem>>) target(%dma_start3A_199 : memref<10240x128xf32, #tpu.memory_space<vmem_shared>>) offsets(%dma_start3A_196 : memref<128xi32, #tpu.memory_space<vmem>>) semaphore(%run_scoped3A_193 : memref<!tpu.dma_semaphore, #tpu.memory_space<semaphore_mem>>) {add = true}
          %dma_wait3A_200 = arith.constant 0 : i32
          %dma_wait3A_201 = tpu.memref_slice %arg10[%mul3A_161, %dma_wait3A_200] : memref<40x128xi32, #tpu.memory_space<vmem>> -> memref<1x128xi32, #tpu.memory_space<vmem>>
          %dma_wait3A_202 = tpu.memref_squeeze %dma_wait3A_201 : memref<1x128xi32, #tpu.memory_space<vmem>> -> memref<128xi32, #tpu.memory_space<vmem>>
          %dma_wait3A_203 = arith.constant 0 : i32
          %dma_wait3A_204 = arith.constant 0 : i32
          %dma_wait3A_205 = tpu.memref_slice %arg13[%dma_wait3A_203, %dma_wait3A_204] : memref<10240x128xf32, #tpu.memory_space<vmem_shared>> -> memref<10240x128xf32, #tpu.memory_space<vmem_shared>>
          tpu.wait_indirect_dma semaphore(%run_scoped3A_193 : memref<!tpu.dma_semaphore, #tpu.memory_space<semaphore_mem>>) src(%arg11 : memref<128x128xf32, #tpu.memory_space<vmem>>) dst(%dma_wait3A_205 : memref<10240x128xf32, #tpu.memory_space<vmem_shared>>)
          tpu.yield
        }) : () -> ()
        %add3A_175 = arith.constant 2 : i32
        %add3A_176 = arith.addi %mul3A_161, %add3A_175 : i32
        %dma_start3A_177 = arith.constant 0 : i32
        %dma_start3A_178 = tpu.memref_slice %arg9[%add3A_176, %dma_start3A_177] : memref<40x128xi32, #tpu.memory_space<vmem>> -> memref<1x128xi32, #tpu.memory_space<vmem>>
        %dma_start3A_179 = tpu.memref_squeeze %dma_start3A_178 : memref<1x128xi32, #tpu.memory_space<vmem>> -> memref<128xi32, #tpu.memory_space<vmem>>
        %dma_start3A_180 = arith.constant 0 : i32
        %dma_start3A_181 = arith.constant 0 : i32
        %dma_start3A_182 = tpu.memref_slice %arg2[%dma_start3A_180, %dma_start3A_181] : memref<10240x128xf32, #tpu.memory_space<hbm>> -> memref<10240x128xf32, #tpu.memory_space<hbm>>
        tpu.enqueue_indirect_dma source(%dma_start3A_182 : memref<10240x128xf32, #tpu.memory_space<hbm>>) target(%arg11 : memref<128x128xf32, #tpu.memory_space<vmem>>) offsets(%dma_start3A_179 : memref<128xi32, #tpu.memory_space<vmem>>) semaphore(%arg14 : memref<!tpu.dma_semaphore, #tpu.memory_space<semaphore_mem>>)
        %add3A_183 = arith.constant 1 : i32
        %add3A_184 = arith.addi %mul3A_161, %add3A_183 : i32
        %dma_wait3A_185 = arith.constant 0 : i32
        %dma_wait3A_186 = tpu.memref_slice %arg9[%add3A_184, %dma_wait3A_185] : memref<40x128xi32, #tpu.memory_space<vmem>> -> memref<1x128xi32, #tpu.memory_space<vmem>>
        %dma_wait3A_187 = tpu.memref_squeeze %dma_wait3A_186 : memref<1x128xi32, #tpu.memory_space<vmem>> -> memref<128xi32, #tpu.memory_space<vmem>>
        %dma_wait3A_188 = arith.constant 0 : i32
        %dma_wait3A_189 = arith.constant 0 : i32
        %dma_wait3A_190 = tpu.memref_slice %arg2[%dma_wait3A_188, %dma_wait3A_189] : memref<10240x128xf32, #tpu.memory_space<hbm>> -> memref<10240x128xf32, #tpu.memory_space<hbm>>
        tpu.wait_indirect_dma semaphore(%arg15 : memref<!tpu.dma_semaphore, #tpu.memory_space<semaphore_mem>>) src(%dma_wait3A_190 : memref<10240x128xf32, #tpu.memory_space<hbm>>) dst(%arg12 : memref<128x128xf32, #tpu.memory_space<vmem>>)
        %add3A_191 = arith.constant 1 : i32
        %add3A_192 = arith.addi %mul3A_161, %add3A_191 : i32
        "tpu.region"() ({
          %run_scoped3A_193 = tpu.sem_alloc : memref<!tpu.dma_semaphore, #tpu.memory_space<semaphore_mem>>
          %dma_start3A_194 = arith.constant 0 : i32
          %dma_start3A_195 = tpu.memref_slice %arg10[%add3A_192, %dma_start3A_194] : memref<40x128xi32, #tpu.memory_space<vmem>> -> memref<1x128xi32, #tpu.memory_space<vmem>>
          %dma_start3A_196 = tpu.memref_squeeze %dma_start3A_195 : memref<1x128xi32, #tpu.memory_space<vmem>> -> memref<128xi32, #tpu.memory_space<vmem>>
          %dma_start3A_197 = arith.constant 0 : i32
          %dma_start3A_198 = arith.constant 0 : i32
          %dma_start3A_199 = tpu.memref_slice %arg13[%dma_start3A_197, %dma_start3A_198] : memref<10240x128xf32, #tpu.memory_space<vmem_shared>> -> memref<10240x128xf32, #tpu.memory_space<vmem_shared>>
          tpu.enqueue_indirect_dma source(%arg12 : memref<128x128xf32, #tpu.memory_space<vmem>>) target(%dma_start3A_199 : memref<10240x128xf32, #tpu.memory_space<vmem_shared>>) offsets(%dma_start3A_196 : memref<128xi32, #tpu.memory_space<vmem>>) semaphore(%run_scoped3A_193 : memref<!tpu.dma_semaphore, #tpu.memory_space<semaphore_mem>>) {add = true}
          %dma_wait3A_200 = arith.constant 0 : i32
          %dma_wait3A_201 = tpu.memref_slice %arg10[%add3A_192, %dma_wait3A_200] : memref<40x128xi32, #tpu.memory_space<vmem>> -> memref<1x128xi32, #tpu.memory_space<vmem>>
          %dma_wait3A_202 = tpu.memref_squeeze %dma_wait3A_201 : memref<1x128xi32, #tpu.memory_space<vmem>> -> memref<128xi32, #tpu.memory_space<vmem>>
          %dma_wait3A_203 = arith.constant 0 : i32
          %dma_wait3A_204 = arith.constant 0 : i32
          %dma_wait3A_205 = tpu.memref_slice %arg13[%dma_wait3A_203, %dma_wait3A_204] : memref<10240x128xf32, #tpu.memory_space<vmem_shared>> -> memref<10240x128xf32, #tpu.memory_space<vmem_shared>>
          tpu.wait_indirect_dma semaphore(%run_scoped3A_193 : memref<!tpu.dma_semaphore, #tpu.memory_space<semaphore_mem>>) src(%arg12 : memref<128x128xf32, #tpu.memory_space<vmem>>) dst(%dma_wait3A_205 : memref<10240x128xf32, #tpu.memory_space<vmem_shared>>)
          tpu.yield
        }) : () -> ()
      }
      %scan3A_29 = arith.constant 19 : i32
      %dma_start3A_30 = arith.constant 39 : i32
      %dma_start3A_31 = arith.constant 0 : i32
      %dma_start3A_32 = tpu.memref_slice %arg9[%dma_start3A_30, %dma_start3A_31] : memref<40x128xi32, #tpu.memory_space<vmem>> -> memref<1x128xi32, #tpu.memory_space<vmem>>
      %dma_start3A_33 = tpu.memref_squeeze %dma_start3A_32 : memref<1x128xi32, #tpu.memory_space<vmem>> -> memref<128xi32, #tpu.memory_space<vmem>>
      %dma_start3A_34 = arith.constant 0 : i32
      %dma_start3A_35 = arith.constant 0 : i32
      %dma_start3A_36 = tpu.memref_slice %arg2[%dma_start3A_34, %dma_start3A_35] : memref<10240x128xf32, #tpu.memory_space<hbm>> -> memref<10240x128xf32, #tpu.memory_space<hbm>>
      tpu.enqueue_indirect_dma source(%dma_start3A_36 : memref<10240x128xf32, #tpu.memory_space<hbm>>) target(%arg12 : memref<128x128xf32, #tpu.memory_space<vmem>>) offsets(%dma_start3A_33 : memref<128xi32, #tpu.memory_space<vmem>>) semaphore(%arg15 : memref<!tpu.dma_semaphore, #tpu.memory_space<semaphore_mem>>)
      %dma_wait3A = arith.constant 38 : i32
      %dma_wait3A_37 = arith.constant 0 : i32
      %dma_wait3A_38 = tpu.memref_slice %arg9[%dma_wait3A, %dma_wait3A_37] : memref<40x128xi32, #tpu.memory_space<vmem>> -> memref<1x128xi32, #tpu.memory_space<vmem>>
      %dma_wait3A_39 = tpu.memref_squeeze %dma_wait3A_38 : memref<1x128xi32, #tpu.memory_space<vmem>> -> memref<128xi32, #tpu.memory_space<vmem>>
      %dma_wait3A_40 = arith.constant 0 : i32
      %dma_wait3A_41 = arith.constant 0 : i32
      %dma_wait3A_42 = tpu.memref_slice %arg2[%dma_wait3A_40, %dma_wait3A_41] : memref<10240x128xf32, #tpu.memory_space<hbm>> -> memref<10240x128xf32, #tpu.memory_space<hbm>>
      tpu.wait_indirect_dma semaphore(%arg14 : memref<!tpu.dma_semaphore, #tpu.memory_space<semaphore_mem>>) src(%dma_wait3A_42 : memref<10240x128xf32, #tpu.memory_space<hbm>>) dst(%arg11 : memref<128x128xf32, #tpu.memory_space<vmem>>)
      %run_scoped3A = arith.constant 38 : i32
      "tpu.region"() ({
        %run_scoped3A_159 = tpu.sem_alloc : memref<!tpu.dma_semaphore, #tpu.memory_space<semaphore_mem>>
        %dma_start3A_160 = arith.constant 0 : i32
        %dma_start3A_161 = tpu.memref_slice %arg10[%run_scoped3A, %dma_start3A_160] : memref<40x128xi32, #tpu.memory_space<vmem>> -> memref<1x128xi32, #tpu.memory_space<vmem>>
        %dma_start3A_162 = tpu.memref_squeeze %dma_start3A_161 : memref<1x128xi32, #tpu.memory_space<vmem>> -> memref<128xi32, #tpu.memory_space<vmem>>
        %dma_start3A_163 = arith.constant 0 : i32
        %dma_start3A_164 = arith.constant 0 : i32
        %dma_start3A_165 = tpu.memref_slice %arg13[%dma_start3A_163, %dma_start3A_164] : memref<10240x128xf32, #tpu.memory_space<vmem_shared>> -> memref<10240x128xf32, #tpu.memory_space<vmem_shared>>
        tpu.enqueue_indirect_dma source(%arg11 : memref<128x128xf32, #tpu.memory_space<vmem>>) target(%dma_start3A_165 : memref<10240x128xf32, #tpu.memory_space<vmem_shared>>) offsets(%dma_start3A_162 : memref<128xi32, #tpu.memory_space<vmem>>) semaphore(%run_scoped3A_159 : memref<!tpu.dma_semaphore, #tpu.memory_space<semaphore_mem>>) {add = true}
        %dma_wait3A_166 = arith.constant 0 : i32
        %dma_wait3A_167 = tpu.memref_slice %arg10[%run_scoped3A, %dma_wait3A_166] : memref<40x128xi32, #tpu.memory_space<vmem>> -> memref<1x128xi32, #tpu.memory_space<vmem>>
        %dma_wait3A_168 = tpu.memref_squeeze %dma_wait3A_167 : memref<1x128xi32, #tpu.memory_space<vmem>> -> memref<128xi32, #tpu.memory_space<vmem>>
        %dma_wait3A_169 = arith.constant 0 : i32
        %dma_wait3A_170 = arith.constant 0 : i32
        %dma_wait3A_171 = tpu.memref_slice %arg13[%dma_wait3A_169, %dma_wait3A_170] : memref<10240x128xf32, #tpu.memory_space<vmem_shared>> -> memref<10240x128xf32, #tpu.memory_space<vmem_shared>>
        tpu.wait_indirect_dma semaphore(%run_scoped3A_159 : memref<!tpu.dma_semaphore, #tpu.memory_space<semaphore_mem>>) src(%arg11 : memref<128x128xf32, #tpu.memory_space<vmem>>) dst(%dma_wait3A_171 : memref<10240x128xf32, #tpu.memory_space<vmem_shared>>)
        tpu.yield
      }) : () -> ()
      %dma_wait3A_43 = arith.constant 39 : i32
      %dma_wait3A_44 = arith.constant 0 : i32
      %dma_wait3A_45 = tpu.memref_slice %arg9[%dma_wait3A_43, %dma_wait3A_44] : memref<40x128xi32, #tpu.memory_space<vmem>> -> memref<1x128xi32, #tpu.memory_space<vmem>>
      %dma_wait3A_46 = tpu.memref_squeeze %dma_wait3A_45 : memref<1x128xi32, #tpu.memory_space<vmem>> -> memref<128xi32, #tpu.memory_space<vmem>>
      %dma_wait3A_47 = arith.constant 0 : i32
      %dma_wait3A_48 = arith.constant 0 : i32
      %dma_wait3A_49 = tpu.memref_slice %arg2[%dma_wait3A_47, %dma_wait3A_48] : memref<10240x128xf32, #tpu.memory_space<hbm>> -> memref<10240x128xf32, #tpu.memory_space<hbm>>
      tpu.wait_indirect_dma semaphore(%arg15 : memref<!tpu.dma_semaphore, #tpu.memory_space<semaphore_mem>>) src(%dma_wait3A_49 : memref<10240x128xf32, #tpu.memory_space<hbm>>) dst(%arg12 : memref<128x128xf32, #tpu.memory_space<vmem>>)
      %run_scoped3A_50 = arith.constant 39 : i32
      "tpu.region"() ({
        %run_scoped3A_159 = tpu.sem_alloc : memref<!tpu.dma_semaphore, #tpu.memory_space<semaphore_mem>>
        %dma_start3A_160 = arith.constant 0 : i32
        %dma_start3A_161 = tpu.memref_slice %arg10[%run_scoped3A_50, %dma_start3A_160] : memref<40x128xi32, #tpu.memory_space<vmem>> -> memref<1x128xi32, #tpu.memory_space<vmem>>
        %dma_start3A_162 = tpu.memref_squeeze %dma_start3A_161 : memref<1x128xi32, #tpu.memory_space<vmem>> -> memref<128xi32, #tpu.memory_space<vmem>>
        %dma_start3A_163 = arith.constant 0 : i32
        %dma_start3A_164 = arith.constant 0 : i32
        %dma_start3A_165 = tpu.memref_slice %arg13[%dma_start3A_163, %dma_start3A_164] : memref<10240x128xf32, #tpu.memory_space<vmem_shared>> -> memref<10240x128xf32, #tpu.memory_space<vmem_shared>>
        tpu.enqueue_indirect_dma source(%arg12 : memref<128x128xf32, #tpu.memory_space<vmem>>) target(%dma_start3A_165 : memref<10240x128xf32, #tpu.memory_space<vmem_shared>>) offsets(%dma_start3A_162 : memref<128xi32, #tpu.memory_space<vmem>>) semaphore(%run_scoped3A_159 : memref<!tpu.dma_semaphore, #tpu.memory_space<semaphore_mem>>) {add = true}
        %dma_wait3A_166 = arith.constant 0 : i32
        %dma_wait3A_167 = tpu.memref_slice %arg10[%run_scoped3A_50, %dma_wait3A_166] : memref<40x128xi32, #tpu.memory_space<vmem>> -> memref<1x128xi32, #tpu.memory_space<vmem>>
        %dma_wait3A_168 = tpu.memref_squeeze %dma_wait3A_167 : memref<1x128xi32, #tpu.memory_space<vmem>> -> memref<128xi32, #tpu.memory_space<vmem>>
        %dma_wait3A_169 = arith.constant 0 : i32
        %dma_wait3A_170 = arith.constant 0 : i32
        %dma_wait3A_171 = tpu.memref_slice %arg13[%dma_wait3A_169, %dma_wait3A_170] : memref<10240x128xf32, #tpu.memory_space<vmem_shared>> -> memref<10240x128xf32, #tpu.memory_space<vmem_shared>>
        tpu.wait_indirect_dma semaphore(%run_scoped3A_159 : memref<!tpu.dma_semaphore, #tpu.memory_space<semaphore_mem>>) src(%arg12 : memref<128x128xf32, #tpu.memory_space<vmem>>) dst(%dma_wait3A_171 : memref<10240x128xf32, #tpu.memory_space<vmem_shared>>)
        tpu.yield
      }) : () -> ()
      "tpu.region"() ({
        %run_scoped3A_159 = tpu.sem_alloc : memref<!tpu.dma_semaphore, #tpu.memory_space<semaphore_mem>>
        %dma_start3A_160 = arith.constant 0 : i32
        %dma_start3A_161 = arith.constant 0 : i32
        %dma_start3A_162 = tpu.memref_slice %arg4[%arg1, %dma_start3A_160, %dma_start3A_161] : memref<16x160x128xi32, #tpu.memory_space<hbm>> -> memref<1x160x128xi32, #tpu.memory_space<hbm>>
        %dma_start3A_163 = tpu.memref_squeeze %dma_start3A_162 : memref<1x160x128xi32, #tpu.memory_space<hbm>> -> memref<160x128xi32, #tpu.memory_space<hbm>>
        %dma_start3A_164 = arith.constant 40 : i32
        %dma_start3A_165 = arith.constant 0 : i32
        %dma_start3A_166 = tpu.memref_slice %dma_start3A_163[%dma_start3A_164, %dma_start3A_165] : memref<160x128xi32, #tpu.memory_space<hbm>> -> memref<40x128xi32, #tpu.memory_space<hbm>>
        %dma_start3A_167 = arith.constant 0 : i32
        %dma_start3A_168 = arith.constant 0 : i32
        %dma_start3A_169 = tpu.memref_slice %arg4[%arg1, %dma_start3A_167, %dma_start3A_168] : memref<16x160x128xi32, #tpu.memory_space<hbm>> -> memref<1x160x128xi32, #tpu.memory_space<hbm>>
        %dma_start3A_170 = tpu.memref_squeeze %dma_start3A_169 : memref<1x160x128xi32, #tpu.memory_space<hbm>> -> memref<160x128xi32, #tpu.memory_space<hbm>>
        %dma_start3A_171 = arith.constant 40 : i32
        %dma_start3A_172 = arith.constant 0 : i32
        %dma_start3A_173 = tpu.memref_slice %dma_start3A_170[%dma_start3A_171, %dma_start3A_172] : memref<160x128xi32, #tpu.memory_space<hbm>> -> memref<40x128xi32, #tpu.memory_space<hbm>>
        tpu.enqueue_dma source(%dma_start3A_173 : memref<40x128xi32, #tpu.memory_space<hbm>>) target(%arg9 : memref<40x128xi32, #tpu.memory_space<vmem>>) target_semaphore(%run_scoped3A_159 : memref<!tpu.dma_semaphore, #tpu.memory_space<semaphore_mem>>)
        %dma_wait3A_174 = arith.constant 0 : i32
        %dma_wait3A_175 = arith.constant 0 : i32
        %dma_wait3A_176 = tpu.memref_slice %arg4[%arg1, %dma_wait3A_174, %dma_wait3A_175] : memref<16x160x128xi32, #tpu.memory_space<hbm>> -> memref<1x160x128xi32, #tpu.memory_space<hbm>>
        %dma_wait3A_177 = tpu.memref_squeeze %dma_wait3A_176 : memref<1x160x128xi32, #tpu.memory_space<hbm>> -> memref<160x128xi32, #tpu.memory_space<hbm>>
        %dma_wait3A_178 = arith.constant 40 : i32
        %dma_wait3A_179 = arith.constant 0 : i32
        %dma_wait3A_180 = tpu.memref_slice %dma_wait3A_177[%dma_wait3A_178, %dma_wait3A_179] : memref<160x128xi32, #tpu.memory_space<hbm>> -> memref<40x128xi32, #tpu.memory_space<hbm>>
        %dma_wait3A_181 = arith.constant 0 : i32
        %dma_wait3A_182 = arith.constant 0 : i32
        %dma_wait3A_183 = tpu.memref_slice %arg4[%arg1, %dma_wait3A_181, %dma_wait3A_182] : memref<16x160x128xi32, #tpu.memory_space<hbm>> -> memref<1x160x128xi32, #tpu.memory_space<hbm>>
        %dma_wait3A_184 = tpu.memref_squeeze %dma_wait3A_183 : memref<1x160x128xi32, #tpu.memory_space<hbm>> -> memref<160x128xi32, #tpu.memory_space<hbm>>
        %dma_wait3A_185 = arith.constant 40 : i32
        %dma_wait3A_186 = arith.constant 0 : i32
        %dma_wait3A_187 = tpu.memref_slice %dma_wait3A_184[%dma_wait3A_185, %dma_wait3A_186] : memref<160x128xi32, #tpu.memory_space<hbm>> -> memref<40x128xi32, #tpu.memory_space<hbm>>
        tpu.wait_dma2 semaphore(%run_scoped3A_159 : memref<!tpu.dma_semaphore, #tpu.memory_space<semaphore_mem>>) src(%dma_wait3A_187 : memref<40x128xi32, #tpu.memory_space<hbm>>) dst(%arg9 : memref<40x128xi32, #tpu.memory_space<vmem>>)
        tpu.yield
      }) : () -> ()
      "tpu.region"() ({
        %run_scoped3A_159 = tpu.sem_alloc : memref<!tpu.dma_semaphore, #tpu.memory_space<semaphore_mem>>
        %dma_start3A_160 = arith.constant 0 : i32
        %dma_start3A_161 = arith.constant 0 : i32
        %dma_start3A_162 = tpu.memref_slice %arg5[%arg1, %dma_start3A_160, %dma_start3A_161] : memref<16x160x128xi32, #tpu.memory_space<hbm>> -> memref<1x160x128xi32, #tpu.memory_space<hbm>>
        %dma_start3A_163 = tpu.memref_squeeze %dma_start3A_162 : memref<1x160x128xi32, #tpu.memory_space<hbm>> -> memref<160x128xi32, #tpu.memory_space<hbm>>
        %dma_start3A_164 = arith.constant 40 : i32
        %dma_start3A_165 = arith.constant 0 : i32
        %dma_start3A_166 = tpu.memref_slice %dma_start3A_163[%dma_start3A_164, %dma_start3A_165] : memref<160x128xi32, #tpu.memory_space<hbm>> -> memref<40x128xi32, #tpu.memory_space<hbm>>
        %dma_start3A_167 = arith.constant 0 : i32
        %dma_start3A_168 = arith.constant 0 : i32
        %dma_start3A_169 = tpu.memref_slice %arg5[%arg1, %dma_start3A_167, %dma_start3A_168] : memref<16x160x128xi32, #tpu.memory_space<hbm>> -> memref<1x160x128xi32, #tpu.memory_space<hbm>>
        %dma_start3A_170 = tpu.memref_squeeze %dma_start3A_169 : memref<1x160x128xi32, #tpu.memory_space<hbm>> -> memref<160x128xi32, #tpu.memory_space<hbm>>
        %dma_start3A_171 = arith.constant 40 : i32
        %dma_start3A_172 = arith.constant 0 : i32
        %dma_start3A_173 = tpu.memref_slice %dma_start3A_170[%dma_start3A_171, %dma_start3A_172] : memref<160x128xi32, #tpu.memory_space<hbm>> -> memref<40x128xi32, #tpu.memory_space<hbm>>
        tpu.enqueue_dma source(%dma_start3A_173 : memref<40x128xi32, #tpu.memory_space<hbm>>) target(%arg10 : memref<40x128xi32, #tpu.memory_space<vmem>>) target_semaphore(%run_scoped3A_159 : memref<!tpu.dma_semaphore, #tpu.memory_space<semaphore_mem>>)
        %dma_wait3A_174 = arith.constant 0 : i32
        %dma_wait3A_175 = arith.constant 0 : i32
        %dma_wait3A_176 = tpu.memref_slice %arg5[%arg1, %dma_wait3A_174, %dma_wait3A_175] : memref<16x160x128xi32, #tpu.memory_space<hbm>> -> memref<1x160x128xi32, #tpu.memory_space<hbm>>
        %dma_wait3A_177 = tpu.memref_squeeze %dma_wait3A_176 : memref<1x160x128xi32, #tpu.memory_space<hbm>> -> memref<160x128xi32, #tpu.memory_space<hbm>>
        %dma_wait3A_178 = arith.constant 40 : i32
        %dma_wait3A_179 = arith.constant 0 : i32
        %dma_wait3A_180 = tpu.memref_slice %dma_wait3A_177[%dma_wait3A_178, %dma_wait3A_179] : memref<160x128xi32, #tpu.memory_space<hbm>> -> memref<40x128xi32, #tpu.memory_space<hbm>>
        %dma_wait3A_181 = arith.constant 0 : i32
        %dma_wait3A_182 = arith.constant 0 : i32
        %dma_wait3A_183 = tpu.memref_slice %arg5[%arg1, %dma_wait3A_181, %dma_wait3A_182] : memref<16x160x128xi32, #tpu.memory_space<hbm>> -> memref<1x160x128xi32, #tpu.memory_space<hbm>>
        %dma_wait3A_184 = tpu.memref_squeeze %dma_wait3A_183 : memref<1x160x128xi32, #tpu.memory_space<hbm>> -> memref<160x128xi32, #tpu.memory_space<hbm>>
        %dma_wait3A_185 = arith.constant 40 : i32
        %dma_wait3A_186 = arith.constant 0 : i32
        %dma_wait3A_187 = tpu.memref_slice %dma_wait3A_184[%dma_wait3A_185, %dma_wait3A_186] : memref<160x128xi32, #tpu.memory_space<hbm>> -> memref<40x128xi32, #tpu.memory_space<hbm>>
        tpu.wait_dma2 semaphore(%run_scoped3A_159 : memref<!tpu.dma_semaphore, #tpu.memory_space<semaphore_mem>>) src(%dma_wait3A_187 : memref<40x128xi32, #tpu.memory_space<hbm>>) dst(%arg10 : memref<40x128xi32, #tpu.memory_space<vmem>>)
        tpu.yield
      }) : () -> ()
      %dma_start3A_51 = arith.constant 0 : i32
      %dma_start3A_52 = arith.constant 0 : i32
      %dma_start3A_53 = tpu.memref_slice %arg9[%dma_start3A_51, %dma_start3A_52] : memref<40x128xi32, #tpu.memory_space<vmem>> -> memref<1x128xi32, #tpu.memory_space<vmem>>
      %dma_start3A_54 = tpu.memref_squeeze %dma_start3A_53 : memref<1x128xi32, #tpu.memory_space<vmem>> -> memref<128xi32, #tpu.memory_space<vmem>>
      %dma_start3A_55 = arith.constant 0 : i32
      %dma_start3A_56 = arith.constant 0 : i32
      %dma_start3A_57 = tpu.memref_slice %arg2[%dma_start3A_55, %dma_start3A_56] : memref<10240x128xf32, #tpu.memory_space<hbm>> -> memref<10240x128xf32, #tpu.memory_space<hbm>>
      tpu.enqueue_indirect_dma source(%dma_start3A_57 : memref<10240x128xf32, #tpu.memory_space<hbm>>) target(%arg11 : memref<128x128xf32, #tpu.memory_space<vmem>>) offsets(%dma_start3A_54 : memref<128xi32, #tpu.memory_space<vmem>>) semaphore(%arg14 : memref<!tpu.dma_semaphore, #tpu.memory_space<semaphore_mem>>)
      %scan3A_58 = arith.constant 0 : i32
      %scan3A_59 = arith.constant 0 : i32
      %scan3A_60 = arith.constant 19 : i32
      %scan3A_61 = arith.addi %scan3A_59, %scan3A_60 : i32
      %scan3A_62 = arith.constant 1 : i32
      scf.for %scan3A_159 = %scan3A_59 to %scan3A_61 step %scan3A_62  : i32 {
        %mul3A_160 = arith.constant 2 : i32
        %mul3A_161 = arith.muli %mul3A_160, %scan3A_159 : i32
        %add3A = arith.constant 1 : i32
        %add3A_162 = arith.addi %mul3A_161, %add3A : i32
        %dma_start3A_163 = arith.constant 0 : i32
        %dma_start3A_164 = tpu.memref_slice %arg9[%add3A_162, %dma_start3A_163] : memref<40x128xi32, #tpu.memory_space<vmem>> -> memref<1x128xi32, #tpu.memory_space<vmem>>
        %dma_start3A_165 = tpu.memref_squeeze %dma_start3A_164 : memref<1x128xi32, #tpu.memory_space<vmem>> -> memref<128xi32, #tpu.memory_space<vmem>>
        %dma_start3A_166 = arith.constant 0 : i32
        %dma_start3A_167 = arith.constant 0 : i32
        %dma_start3A_168 = tpu.memref_slice %arg2[%dma_start3A_166, %dma_start3A_167] : memref<10240x128xf32, #tpu.memory_space<hbm>> -> memref<10240x128xf32, #tpu.memory_space<hbm>>
        tpu.enqueue_indirect_dma source(%dma_start3A_168 : memref<10240x128xf32, #tpu.memory_space<hbm>>) target(%arg12 : memref<128x128xf32, #tpu.memory_space<vmem>>) offsets(%dma_start3A_165 : memref<128xi32, #tpu.memory_space<vmem>>) semaphore(%arg15 : memref<!tpu.dma_semaphore, #tpu.memory_space<semaphore_mem>>)
        %dma_wait3A_169 = arith.constant 0 : i32
        %dma_wait3A_170 = tpu.memref_slice %arg9[%mul3A_161, %dma_wait3A_169] : memref<40x128xi32, #tpu.memory_space<vmem>> -> memref<1x128xi32, #tpu.memory_space<vmem>>
        %dma_wait3A_171 = tpu.memref_squeeze %dma_wait3A_170 : memref<1x128xi32, #tpu.memory_space<vmem>> -> memref<128xi32, #tpu.memory_space<vmem>>
        %dma_wait3A_172 = arith.constant 0 : i32
        %dma_wait3A_173 = arith.constant 0 : i32
        %dma_wait3A_174 = tpu.memref_slice %arg2[%dma_wait3A_172, %dma_wait3A_173] : memref<10240x128xf32, #tpu.memory_space<hbm>> -> memref<10240x128xf32, #tpu.memory_space<hbm>>
        tpu.wait_indirect_dma semaphore(%arg14 : memref<!tpu.dma_semaphore, #tpu.memory_space<semaphore_mem>>) src(%dma_wait3A_174 : memref<10240x128xf32, #tpu.memory_space<hbm>>) dst(%arg11 : memref<128x128xf32, #tpu.memory_space<vmem>>)
        "tpu.region"() ({
          %run_scoped3A_193 = tpu.sem_alloc : memref<!tpu.dma_semaphore, #tpu.memory_space<semaphore_mem>>
          %dma_start3A_194 = arith.constant 0 : i32
          %dma_start3A_195 = tpu.memref_slice %arg10[%mul3A_161, %dma_start3A_194] : memref<40x128xi32, #tpu.memory_space<vmem>> -> memref<1x128xi32, #tpu.memory_space<vmem>>
          %dma_start3A_196 = tpu.memref_squeeze %dma_start3A_195 : memref<1x128xi32, #tpu.memory_space<vmem>> -> memref<128xi32, #tpu.memory_space<vmem>>
          %dma_start3A_197 = arith.constant 0 : i32
          %dma_start3A_198 = arith.constant 0 : i32
          %dma_start3A_199 = tpu.memref_slice %arg13[%dma_start3A_197, %dma_start3A_198] : memref<10240x128xf32, #tpu.memory_space<vmem_shared>> -> memref<10240x128xf32, #tpu.memory_space<vmem_shared>>
          tpu.enqueue_indirect_dma source(%arg11 : memref<128x128xf32, #tpu.memory_space<vmem>>) target(%dma_start3A_199 : memref<10240x128xf32, #tpu.memory_space<vmem_shared>>) offsets(%dma_start3A_196 : memref<128xi32, #tpu.memory_space<vmem>>) semaphore(%run_scoped3A_193 : memref<!tpu.dma_semaphore, #tpu.memory_space<semaphore_mem>>) {add = true}
          %dma_wait3A_200 = arith.constant 0 : i32
          %dma_wait3A_201 = tpu.memref_slice %arg10[%mul3A_161, %dma_wait3A_200] : memref<40x128xi32, #tpu.memory_space<vmem>> -> memref<1x128xi32, #tpu.memory_space<vmem>>
          %dma_wait3A_202 = tpu.memref_squeeze %dma_wait3A_201 : memref<1x128xi32, #tpu.memory_space<vmem>> -> memref<128xi32, #tpu.memory_space<vmem>>
          %dma_wait3A_203 = arith.constant 0 : i32
          %dma_wait3A_204 = arith.constant 0 : i32
          %dma_wait3A_205 = tpu.memref_slice %arg13[%dma_wait3A_203, %dma_wait3A_204] : memref<10240x128xf32, #tpu.memory_space<vmem_shared>> -> memref<10240x128xf32, #tpu.memory_space<vmem_shared>>
          tpu.wait_indirect_dma semaphore(%run_scoped3A_193 : memref<!tpu.dma_semaphore, #tpu.memory_space<semaphore_mem>>) src(%arg11 : memref<128x128xf32, #tpu.memory_space<vmem>>) dst(%dma_wait3A_205 : memref<10240x128xf32, #tpu.memory_space<vmem_shared>>)
          tpu.yield
        }) : () -> ()
        %add3A_175 = arith.constant 2 : i32
        %add3A_176 = arith.addi %mul3A_161, %add3A_175 : i32
        %dma_start3A_177 = arith.constant 0 : i32
        %dma_start3A_178 = tpu.memref_slice %arg9[%add3A_176, %dma_start3A_177] : memref<40x128xi32, #tpu.memory_space<vmem>> -> memref<1x128xi32, #tpu.memory_space<vmem>>
        %dma_start3A_179 = tpu.memref_squeeze %dma_start3A_178 : memref<1x128xi32, #tpu.memory_space<vmem>> -> memref<128xi32, #tpu.memory_space<vmem>>
        %dma_start3A_180 = arith.constant 0 : i32
        %dma_start3A_181 = arith.constant 0 : i32
        %dma_start3A_182 = tpu.memref_slice %arg2[%dma_start3A_180, %dma_start3A_181] : memref<10240x128xf32, #tpu.memory_space<hbm>> -> memref<10240x128xf32, #tpu.memory_space<hbm>>
        tpu.enqueue_indirect_dma source(%dma_start3A_182 : memref<10240x128xf32, #tpu.memory_space<hbm>>) target(%arg11 : memref<128x128xf32, #tpu.memory_space<vmem>>) offsets(%dma_start3A_179 : memref<128xi32, #tpu.memory_space<vmem>>) semaphore(%arg14 : memref<!tpu.dma_semaphore, #tpu.memory_space<semaphore_mem>>)
        %add3A_183 = arith.constant 1 : i32
        %add3A_184 = arith.addi %mul3A_161, %add3A_183 : i32
        %dma_wait3A_185 = arith.constant 0 : i32
        %dma_wait3A_186 = tpu.memref_slice %arg9[%add3A_184, %dma_wait3A_185] : memref<40x128xi32, #tpu.memory_space<vmem>> -> memref<1x128xi32, #tpu.memory_space<vmem>>
        %dma_wait3A_187 = tpu.memref_squeeze %dma_wait3A_186 : memref<1x128xi32, #tpu.memory_space<vmem>> -> memref<128xi32, #tpu.memory_space<vmem>>
        %dma_wait3A_188 = arith.constant 0 : i32
        %dma_wait3A_189 = arith.constant 0 : i32
        %dma_wait3A_190 = tpu.memref_slice %arg2[%dma_wait3A_188, %dma_wait3A_189] : memref<10240x128xf32, #tpu.memory_space<hbm>> -> memref<10240x128xf32, #tpu.memory_space<hbm>>
        tpu.wait_indirect_dma semaphore(%arg15 : memref<!tpu.dma_semaphore, #tpu.memory_space<semaphore_mem>>) src(%dma_wait3A_190 : memref<10240x128xf32, #tpu.memory_space<hbm>>) dst(%arg12 : memref<128x128xf32, #tpu.memory_space<vmem>>)
        %add3A_191 = arith.constant 1 : i32
        %add3A_192 = arith.addi %mul3A_161, %add3A_191 : i32
        "tpu.region"() ({
          %run_scoped3A_193 = tpu.sem_alloc : memref<!tpu.dma_semaphore, #tpu.memory_space<semaphore_mem>>
          %dma_start3A_194 = arith.constant 0 : i32
          %dma_start3A_195 = tpu.memref_slice %arg10[%add3A_192, %dma_start3A_194] : memref<40x128xi32, #tpu.memory_space<vmem>> -> memref<1x128xi32, #tpu.memory_space<vmem>>
          %dma_start3A_196 = tpu.memref_squeeze %dma_start3A_195 : memref<1x128xi32, #tpu.memory_space<vmem>> -> memref<128xi32, #tpu.memory_space<vmem>>
          %dma_start3A_197 = arith.constant 0 : i32
          %dma_start3A_198 = arith.constant 0 : i32
          %dma_start3A_199 = tpu.memref_slice %arg13[%dma_start3A_197, %dma_start3A_198] : memref<10240x128xf32, #tpu.memory_space<vmem_shared>> -> memref<10240x128xf32, #tpu.memory_space<vmem_shared>>
          tpu.enqueue_indirect_dma source(%arg12 : memref<128x128xf32, #tpu.memory_space<vmem>>) target(%dma_start3A_199 : memref<10240x128xf32, #tpu.memory_space<vmem_shared>>) offsets(%dma_start3A_196 : memref<128xi32, #tpu.memory_space<vmem>>) semaphore(%run_scoped3A_193 : memref<!tpu.dma_semaphore, #tpu.memory_space<semaphore_mem>>) {add = true}
          %dma_wait3A_200 = arith.constant 0 : i32
          %dma_wait3A_201 = tpu.memref_slice %arg10[%add3A_192, %dma_wait3A_200] : memref<40x128xi32, #tpu.memory_space<vmem>> -> memref<1x128xi32, #tpu.memory_space<vmem>>
          %dma_wait3A_202 = tpu.memref_squeeze %dma_wait3A_201 : memref<1x128xi32, #tpu.memory_space<vmem>> -> memref<128xi32, #tpu.memory_space<vmem>>
          %dma_wait3A_203 = arith.constant 0 : i32
          %dma_wait3A_204 = arith.constant 0 : i32
          %dma_wait3A_205 = tpu.memref_slice %arg13[%dma_wait3A_203, %dma_wait3A_204] : memref<10240x128xf32, #tpu.memory_space<vmem_shared>> -> memref<10240x128xf32, #tpu.memory_space<vmem_shared>>
          tpu.wait_indirect_dma semaphore(%run_scoped3A_193 : memref<!tpu.dma_semaphore, #tpu.memory_space<semaphore_mem>>) src(%arg12 : memref<128x128xf32, #tpu.memory_space<vmem>>) dst(%dma_wait3A_205 : memref<10240x128xf32, #tpu.memory_space<vmem_shared>>)
          tpu.yield
        }) : () -> ()
      }
      %scan3A_63 = arith.constant 19 : i32
      %dma_start3A_64 = arith.constant 39 : i32
      %dma_start3A_65 = arith.constant 0 : i32
      %dma_start3A_66 = tpu.memref_slice %arg9[%dma_start3A_64, %dma_start3A_65] : memref<40x128xi32, #tpu.memory_space<vmem>> -> memref<1x128xi32, #tpu.memory_space<vmem>>
      %dma_start3A_67 = tpu.memref_squeeze %dma_start3A_66 : memref<1x128xi32, #tpu.memory_space<vmem>> -> memref<128xi32, #tpu.memory_space<vmem>>
      %dma_start3A_68 = arith.constant 0 : i32
      %dma_start3A_69 = arith.constant 0 : i32
      %dma_start3A_70 = tpu.memref_slice %arg2[%dma_start3A_68, %dma_start3A_69] : memref<10240x128xf32, #tpu.memory_space<hbm>> -> memref<10240x128xf32, #tpu.memory_space<hbm>>
      tpu.enqueue_indirect_dma source(%dma_start3A_70 : memref<10240x128xf32, #tpu.memory_space<hbm>>) target(%arg12 : memref<128x128xf32, #tpu.memory_space<vmem>>) offsets(%dma_start3A_67 : memref<128xi32, #tpu.memory_space<vmem>>) semaphore(%arg15 : memref<!tpu.dma_semaphore, #tpu.memory_space<semaphore_mem>>)
      %dma_wait3A_71 = arith.constant 38 : i32
      %dma_wait3A_72 = arith.constant 0 : i32
      %dma_wait3A_73 = tpu.memref_slice %arg9[%dma_wait3A_71, %dma_wait3A_72] : memref<40x128xi32, #tpu.memory_space<vmem>> -> memref<1x128xi32, #tpu.memory_space<vmem>>
      %dma_wait3A_74 = tpu.memref_squeeze %dma_wait3A_73 : memref<1x128xi32, #tpu.memory_space<vmem>> -> memref<128xi32, #tpu.memory_space<vmem>>
      %dma_wait3A_75 = arith.constant 0 : i32
      %dma_wait3A_76 = arith.constant 0 : i32
      %dma_wait3A_77 = tpu.memref_slice %arg2[%dma_wait3A_75, %dma_wait3A_76] : memref<10240x128xf32, #tpu.memory_space<hbm>> -> memref<10240x128xf32, #tpu.memory_space<hbm>>
      tpu.wait_indirect_dma semaphore(%arg14 : memref<!tpu.dma_semaphore, #tpu.memory_space<semaphore_mem>>) src(%dma_wait3A_77 : memref<10240x128xf32, #tpu.memory_space<hbm>>) dst(%arg11 : memref<128x128xf32, #tpu.memory_space<vmem>>)
      %run_scoped3A_78 = arith.constant 38 : i32
      "tpu.region"() ({
        %run_scoped3A_159 = tpu.sem_alloc : memref<!tpu.dma_semaphore, #tpu.memory_space<semaphore_mem>>
        %dma_start3A_160 = arith.constant 0 : i32
        %dma_start3A_161 = tpu.memref_slice %arg10[%run_scoped3A_78, %dma_start3A_160] : memref<40x128xi32, #tpu.memory_space<vmem>> -> memref<1x128xi32, #tpu.memory_space<vmem>>
        %dma_start3A_162 = tpu.memref_squeeze %dma_start3A_161 : memref<1x128xi32, #tpu.memory_space<vmem>> -> memref<128xi32, #tpu.memory_space<vmem>>
        %dma_start3A_163 = arith.constant 0 : i32
        %dma_start3A_164 = arith.constant 0 : i32
        %dma_start3A_165 = tpu.memref_slice %arg13[%dma_start3A_163, %dma_start3A_164] : memref<10240x128xf32, #tpu.memory_space<vmem_shared>> -> memref<10240x128xf32, #tpu.memory_space<vmem_shared>>
        tpu.enqueue_indirect_dma source(%arg11 : memref<128x128xf32, #tpu.memory_space<vmem>>) target(%dma_start3A_165 : memref<10240x128xf32, #tpu.memory_space<vmem_shared>>) offsets(%dma_start3A_162 : memref<128xi32, #tpu.memory_space<vmem>>) semaphore(%run_scoped3A_159 : memref<!tpu.dma_semaphore, #tpu.memory_space<semaphore_mem>>) {add = true}
        %dma_wait3A_166 = arith.constant 0 : i32
        %dma_wait3A_167 = tpu.memref_slice %arg10[%run_scoped3A_78, %dma_wait3A_166] : memref<40x128xi32, #tpu.memory_space<vmem>> -> memref<1x128xi32, #tpu.memory_space<vmem>>
        %dma_wait3A_168 = tpu.memref_squeeze %dma_wait3A_167 : memref<1x128xi32, #tpu.memory_space<vmem>> -> memref<128xi32, #tpu.memory_space<vmem>>
        %dma_wait3A_169 = arith.constant 0 : i32
        %dma_wait3A_170 = arith.constant 0 : i32
        %dma_wait3A_171 = tpu.memref_slice %arg13[%dma_wait3A_169, %dma_wait3A_170] : memref<10240x128xf32, #tpu.memory_space<vmem_shared>> -> memref<10240x128xf32, #tpu.memory_space<vmem_shared>>
        tpu.wait_indirect_dma semaphore(%run_scoped3A_159 : memref<!tpu.dma_semaphore, #tpu.memory_space<semaphore_mem>>) src(%arg11 : memref<128x128xf32, #tpu.memory_space<vmem>>) dst(%dma_wait3A_171 : memref<10240x128xf32, #tpu.memory_space<vmem_shared>>)
        tpu.yield
      }) : () -> ()
      %dma_wait3A_79 = arith.constant 39 : i32
      %dma_wait3A_80 = arith.constant 0 : i32
      %dma_wait3A_81 = tpu.memref_slice %arg9[%dma_wait3A_79, %dma_wait3A_80] : memref<40x128xi32, #tpu.memory_space<vmem>> -> memref<1x128xi32, #tpu.memory_space<vmem>>
      %dma_wait3A_82 = tpu.memref_squeeze %dma_wait3A_81 : memref<1x128xi32, #tpu.memory_space<vmem>> -> memref<128xi32, #tpu.memory_space<vmem>>
      %dma_wait3A_83 = arith.constant 0 : i32
      %dma_wait3A_84 = arith.constant 0 : i32
      %dma_wait3A_85 = tpu.memref_slice %arg2[%dma_wait3A_83, %dma_wait3A_84] : memref<10240x128xf32, #tpu.memory_space<hbm>> -> memref<10240x128xf32, #tpu.memory_space<hbm>>
      tpu.wait_indirect_dma semaphore(%arg15 : memref<!tpu.dma_semaphore, #tpu.memory_space<semaphore_mem>>) src(%dma_wait3A_85 : memref<10240x128xf32, #tpu.memory_space<hbm>>) dst(%arg12 : memref<128x128xf32, #tpu.memory_space<vmem>>)
      %run_scoped3A_86 = arith.constant 39 : i32
      "tpu.region"() ({
        %run_scoped3A_159 = tpu.sem_alloc : memref<!tpu.dma_semaphore, #tpu.memory_space<semaphore_mem>>
        %dma_start3A_160 = arith.constant 0 : i32
        %dma_start3A_161 = tpu.memref_slice %arg10[%run_scoped3A_86, %dma_start3A_160] : memref<40x128xi32, #tpu.memory_space<vmem>> -> memref<1x128xi32, #tpu.memory_space<vmem>>
        %dma_start3A_162 = tpu.memref_squeeze %dma_start3A_161 : memref<1x128xi32, #tpu.memory_space<vmem>> -> memref<128xi32, #tpu.memory_space<vmem>>
        %dma_start3A_163 = arith.constant 0 : i32
        %dma_start3A_164 = arith.constant 0 : i32
        %dma_start3A_165 = tpu.memref_slice %arg13[%dma_start3A_163, %dma_start3A_164] : memref<10240x128xf32, #tpu.memory_space<vmem_shared>> -> memref<10240x128xf32, #tpu.memory_space<vmem_shared>>
        tpu.enqueue_indirect_dma source(%arg12 : memref<128x128xf32, #tpu.memory_space<vmem>>) target(%dma_start3A_165 : memref<10240x128xf32, #tpu.memory_space<vmem_shared>>) offsets(%dma_start3A_162 : memref<128xi32, #tpu.memory_space<vmem>>) semaphore(%run_scoped3A_159 : memref<!tpu.dma_semaphore, #tpu.memory_space<semaphore_mem>>) {add = true}
        %dma_wait3A_166 = arith.constant 0 : i32
        %dma_wait3A_167 = tpu.memref_slice %arg10[%run_scoped3A_86, %dma_wait3A_166] : memref<40x128xi32, #tpu.memory_space<vmem>> -> memref<1x128xi32, #tpu.memory_space<vmem>>
        %dma_wait3A_168 = tpu.memref_squeeze %dma_wait3A_167 : memref<1x128xi32, #tpu.memory_space<vmem>> -> memref<128xi32, #tpu.memory_space<vmem>>
        %dma_wait3A_169 = arith.constant 0 : i32
        %dma_wait3A_170 = arith.constant 0 : i32
        %dma_wait3A_171 = tpu.memref_slice %arg13[%dma_wait3A_169, %dma_wait3A_170] : memref<10240x128xf32, #tpu.memory_space<vmem_shared>> -> memref<10240x128xf32, #tpu.memory_space<vmem_shared>>
        tpu.wait_indirect_dma semaphore(%run_scoped3A_159 : memref<!tpu.dma_semaphore, #tpu.memory_space<semaphore_mem>>) src(%arg12 : memref<128x128xf32, #tpu.memory_space<vmem>>) dst(%dma_wait3A_171 : memref<10240x128xf32, #tpu.memory_space<vmem_shared>>)
        tpu.yield
      }) : () -> ()
      "tpu.region"() ({
        %run_scoped3A_159 = tpu.sem_alloc : memref<!tpu.dma_semaphore, #tpu.memory_space<semaphore_mem>>
        %dma_start3A_160 = arith.constant 0 : i32
        %dma_start3A_161 = arith.constant 0 : i32
        %dma_start3A_162 = tpu.memref_slice %arg4[%arg1, %dma_start3A_160, %dma_start3A_161] : memref<16x160x128xi32, #tpu.memory_space<hbm>> -> memref<1x160x128xi32, #tpu.memory_space<hbm>>
        %dma_start3A_163 = tpu.memref_squeeze %dma_start3A_162 : memref<1x160x128xi32, #tpu.memory_space<hbm>> -> memref<160x128xi32, #tpu.memory_space<hbm>>
        %dma_start3A_164 = arith.constant 80 : i32
        %dma_start3A_165 = arith.constant 0 : i32
        %dma_start3A_166 = tpu.memref_slice %dma_start3A_163[%dma_start3A_164, %dma_start3A_165] : memref<160x128xi32, #tpu.memory_space<hbm>> -> memref<40x128xi32, #tpu.memory_space<hbm>>
        %dma_start3A_167 = arith.constant 0 : i32
        %dma_start3A_168 = arith.constant 0 : i32
        %dma_start3A_169 = tpu.memref_slice %arg4[%arg1, %dma_start3A_167, %dma_start3A_168] : memref<16x160x128xi32, #tpu.memory_space<hbm>> -> memref<1x160x128xi32, #tpu.memory_space<hbm>>
        %dma_start3A_170 = tpu.memref_squeeze %dma_start3A_169 : memref<1x160x128xi32, #tpu.memory_space<hbm>> -> memref<160x128xi32, #tpu.memory_space<hbm>>
        %dma_start3A_171 = arith.constant 80 : i32
        %dma_start3A_172 = arith.constant 0 : i32
        %dma_start3A_173 = tpu.memref_slice %dma_start3A_170[%dma_start3A_171, %dma_start3A_172] : memref<160x128xi32, #tpu.memory_space<hbm>> -> memref<40x128xi32, #tpu.memory_space<hbm>>
        tpu.enqueue_dma source(%dma_start3A_173 : memref<40x128xi32, #tpu.memory_space<hbm>>) target(%arg9 : memref<40x128xi32, #tpu.memory_space<vmem>>) target_semaphore(%run_scoped3A_159 : memref<!tpu.dma_semaphore, #tpu.memory_space<semaphore_mem>>)
        %dma_wait3A_174 = arith.constant 0 : i32
        %dma_wait3A_175 = arith.constant 0 : i32
        %dma_wait3A_176 = tpu.memref_slice %arg4[%arg1, %dma_wait3A_174, %dma_wait3A_175] : memref<16x160x128xi32, #tpu.memory_space<hbm>> -> memref<1x160x128xi32, #tpu.memory_space<hbm>>
        %dma_wait3A_177 = tpu.memref_squeeze %dma_wait3A_176 : memref<1x160x128xi32, #tpu.memory_space<hbm>> -> memref<160x128xi32, #tpu.memory_space<hbm>>
        %dma_wait3A_178 = arith.constant 80 : i32
        %dma_wait3A_179 = arith.constant 0 : i32
        %dma_wait3A_180 = tpu.memref_slice %dma_wait3A_177[%dma_wait3A_178, %dma_wait3A_179] : memref<160x128xi32, #tpu.memory_space<hbm>> -> memref<40x128xi32, #tpu.memory_space<hbm>>
        %dma_wait3A_181 = arith.constant 0 : i32
        %dma_wait3A_182 = arith.constant 0 : i32
        %dma_wait3A_183 = tpu.memref_slice %arg4[%arg1, %dma_wait3A_181, %dma_wait3A_182] : memref<16x160x128xi32, #tpu.memory_space<hbm>> -> memref<1x160x128xi32, #tpu.memory_space<hbm>>
        %dma_wait3A_184 = tpu.memref_squeeze %dma_wait3A_183 : memref<1x160x128xi32, #tpu.memory_space<hbm>> -> memref<160x128xi32, #tpu.memory_space<hbm>>
        %dma_wait3A_185 = arith.constant 80 : i32
        %dma_wait3A_186 = arith.constant 0 : i32
        %dma_wait3A_187 = tpu.memref_slice %dma_wait3A_184[%dma_wait3A_185, %dma_wait3A_186] : memref<160x128xi32, #tpu.memory_space<hbm>> -> memref<40x128xi32, #tpu.memory_space<hbm>>
        tpu.wait_dma2 semaphore(%run_scoped3A_159 : memref<!tpu.dma_semaphore, #tpu.memory_space<semaphore_mem>>) src(%dma_wait3A_187 : memref<40x128xi32, #tpu.memory_space<hbm>>) dst(%arg9 : memref<40x128xi32, #tpu.memory_space<vmem>>)
        tpu.yield
      }) : () -> ()
      "tpu.region"() ({
        %run_scoped3A_159 = tpu.sem_alloc : memref<!tpu.dma_semaphore, #tpu.memory_space<semaphore_mem>>
        %dma_start3A_160 = arith.constant 0 : i32
        %dma_start3A_161 = arith.constant 0 : i32
        %dma_start3A_162 = tpu.memref_slice %arg5[%arg1, %dma_start3A_160, %dma_start3A_161] : memref<16x160x128xi32, #tpu.memory_space<hbm>> -> memref<1x160x128xi32, #tpu.memory_space<hbm>>
        %dma_start3A_163 = tpu.memref_squeeze %dma_start3A_162 : memref<1x160x128xi32, #tpu.memory_space<hbm>> -> memref<160x128xi32, #tpu.memory_space<hbm>>
        %dma_start3A_164 = arith.constant 80 : i32
        %dma_start3A_165 = arith.constant 0 : i32
        %dma_start3A_166 = tpu.memref_slice %dma_start3A_163[%dma_start3A_164, %dma_start3A_165] : memref<160x128xi32, #tpu.memory_space<hbm>> -> memref<40x128xi32, #tpu.memory_space<hbm>>
        %dma_start3A_167 = arith.constant 0 : i32
        %dma_start3A_168 = arith.constant 0 : i32
        %dma_start3A_169 = tpu.memref_slice %arg5[%arg1, %dma_start3A_167, %dma_start3A_168] : memref<16x160x128xi32, #tpu.memory_space<hbm>> -> memref<1x160x128xi32, #tpu.memory_space<hbm>>
        %dma_start3A_170 = tpu.memref_squeeze %dma_start3A_169 : memref<1x160x128xi32, #tpu.memory_space<hbm>> -> memref<160x128xi32, #tpu.memory_space<hbm>>
        %dma_start3A_171 = arith.constant 80 : i32
        %dma_start3A_172 = arith.constant 0 : i32
        %dma_start3A_173 = tpu.memref_slice %dma_start3A_170[%dma_start3A_171, %dma_start3A_172] : memref<160x128xi32, #tpu.memory_space<hbm>> -> memref<40x128xi32, #tpu.memory_space<hbm>>
        tpu.enqueue_dma source(%dma_start3A_173 : memref<40x128xi32, #tpu.memory_space<hbm>>) target(%arg10 : memref<40x128xi32, #tpu.memory_space<vmem>>) target_semaphore(%run_scoped3A_159 : memref<!tpu.dma_semaphore, #tpu.memory_space<semaphore_mem>>)
        %dma_wait3A_174 = arith.constant 0 : i32
        %dma_wait3A_175 = arith.constant 0 : i32
        %dma_wait3A_176 = tpu.memref_slice %arg5[%arg1, %dma_wait3A_174, %dma_wait3A_175] : memref<16x160x128xi32, #tpu.memory_space<hbm>> -> memref<1x160x128xi32, #tpu.memory_space<hbm>>
        %dma_wait3A_177 = tpu.memref_squeeze %dma_wait3A_176 : memref<1x160x128xi32, #tpu.memory_space<hbm>> -> memref<160x128xi32, #tpu.memory_space<hbm>>
        %dma_wait3A_178 = arith.constant 80 : i32
        %dma_wait3A_179 = arith.constant 0 : i32
        %dma_wait3A_180 = tpu.memref_slice %dma_wait3A_177[%dma_wait3A_178, %dma_wait3A_179] : memref<160x128xi32, #tpu.memory_space<hbm>> -> memref<40x128xi32, #tpu.memory_space<hbm>>
        %dma_wait3A_181 = arith.constant 0 : i32
        %dma_wait3A_182 = arith.constant 0 : i32
        %dma_wait3A_183 = tpu.memref_slice %arg5[%arg1, %dma_wait3A_181, %dma_wait3A_182] : memref<16x160x128xi32, #tpu.memory_space<hbm>> -> memref<1x160x128xi32, #tpu.memory_space<hbm>>
        %dma_wait3A_184 = tpu.memref_squeeze %dma_wait3A_183 : memref<1x160x128xi32, #tpu.memory_space<hbm>> -> memref<160x128xi32, #tpu.memory_space<hbm>>
        %dma_wait3A_185 = arith.constant 80 : i32
        %dma_wait3A_186 = arith.constant 0 : i32
        %dma_wait3A_187 = tpu.memref_slice %dma_wait3A_184[%dma_wait3A_185, %dma_wait3A_186] : memref<160x128xi32, #tpu.memory_space<hbm>> -> memref<40x128xi32, #tpu.memory_space<hbm>>
        tpu.wait_dma2 semaphore(%run_scoped3A_159 : memref<!tpu.dma_semaphore, #tpu.memory_space<semaphore_mem>>) src(%dma_wait3A_187 : memref<40x128xi32, #tpu.memory_space<hbm>>) dst(%arg10 : memref<40x128xi32, #tpu.memory_space<vmem>>)
        tpu.yield
      }) : () -> ()
      %dma_start3A_87 = arith.constant 0 : i32
      %dma_start3A_88 = arith.constant 0 : i32
      %dma_start3A_89 = tpu.memref_slice %arg9[%dma_start3A_87, %dma_start3A_88] : memref<40x128xi32, #tpu.memory_space<vmem>> -> memref<1x128xi32, #tpu.memory_space<vmem>>
      %dma_start3A_90 = tpu.memref_squeeze %dma_start3A_89 : memref<1x128xi32, #tpu.memory_space<vmem>> -> memref<128xi32, #tpu.memory_space<vmem>>
      %dma_start3A_91 = arith.constant 0 : i32
      %dma_start3A_92 = arith.constant 0 : i32
      %dma_start3A_93 = tpu.memref_slice %arg2[%dma_start3A_91, %dma_start3A_92] : memref<10240x128xf32, #tpu.memory_space<hbm>> -> memref<10240x128xf32, #tpu.memory_space<hbm>>
      tpu.enqueue_indirect_dma source(%dma_start3A_93 : memref<10240x128xf32, #tpu.memory_space<hbm>>) target(%arg11 : memref<128x128xf32, #tpu.memory_space<vmem>>) offsets(%dma_start3A_90 : memref<128xi32, #tpu.memory_space<vmem>>) semaphore(%arg14 : memref<!tpu.dma_semaphore, #tpu.memory_space<semaphore_mem>>)
      %scan3A_94 = arith.constant 0 : i32
      %scan3A_95 = arith.constant 0 : i32
      %scan3A_96 = arith.constant 19 : i32
      %scan3A_97 = arith.addi %scan3A_95, %scan3A_96 : i32
      %scan3A_98 = arith.constant 1 : i32
      scf.for %scan3A_159 = %scan3A_95 to %scan3A_97 step %scan3A_98  : i32 {
        %mul3A_160 = arith.constant 2 : i32
        %mul3A_161 = arith.muli %mul3A_160, %scan3A_159 : i32
        %add3A = arith.constant 1 : i32
        %add3A_162 = arith.addi %mul3A_161, %add3A : i32
        %dma_start3A_163 = arith.constant 0 : i32
        %dma_start3A_164 = tpu.memref_slice %arg9[%add3A_162, %dma_start3A_163] : memref<40x128xi32, #tpu.memory_space<vmem>> -> memref<1x128xi32, #tpu.memory_space<vmem>>
        %dma_start3A_165 = tpu.memref_squeeze %dma_start3A_164 : memref<1x128xi32, #tpu.memory_space<vmem>> -> memref<128xi32, #tpu.memory_space<vmem>>
        %dma_start3A_166 = arith.constant 0 : i32
        %dma_start3A_167 = arith.constant 0 : i32
        %dma_start3A_168 = tpu.memref_slice %arg2[%dma_start3A_166, %dma_start3A_167] : memref<10240x128xf32, #tpu.memory_space<hbm>> -> memref<10240x128xf32, #tpu.memory_space<hbm>>
        tpu.enqueue_indirect_dma source(%dma_start3A_168 : memref<10240x128xf32, #tpu.memory_space<hbm>>) target(%arg12 : memref<128x128xf32, #tpu.memory_space<vmem>>) offsets(%dma_start3A_165 : memref<128xi32, #tpu.memory_space<vmem>>) semaphore(%arg15 : memref<!tpu.dma_semaphore, #tpu.memory_space<semaphore_mem>>)
        %dma_wait3A_169 = arith.constant 0 : i32
        %dma_wait3A_170 = tpu.memref_slice %arg9[%mul3A_161, %dma_wait3A_169] : memref<40x128xi32, #tpu.memory_space<vmem>> -> memref<1x128xi32, #tpu.memory_space<vmem>>
        %dma_wait3A_171 = tpu.memref_squeeze %dma_wait3A_170 : memref<1x128xi32, #tpu.memory_space<vmem>> -> memref<128xi32, #tpu.memory_space<vmem>>
        %dma_wait3A_172 = arith.constant 0 : i32
        %dma_wait3A_173 = arith.constant 0 : i32
        %dma_wait3A_174 = tpu.memref_slice %arg2[%dma_wait3A_172, %dma_wait3A_173] : memref<10240x128xf32, #tpu.memory_space<hbm>> -> memref<10240x128xf32, #tpu.memory_space<hbm>>
        tpu.wait_indirect_dma semaphore(%arg14 : memref<!tpu.dma_semaphore, #tpu.memory_space<semaphore_mem>>) src(%dma_wait3A_174 : memref<10240x128xf32, #tpu.memory_space<hbm>>) dst(%arg11 : memref<128x128xf32, #tpu.memory_space<vmem>>)
        "tpu.region"() ({
          %run_scoped3A_193 = tpu.sem_alloc : memref<!tpu.dma_semaphore, #tpu.memory_space<semaphore_mem>>
          %dma_start3A_194 = arith.constant 0 : i32
          %dma_start3A_195 = tpu.memref_slice %arg10[%mul3A_161, %dma_start3A_194] : memref<40x128xi32, #tpu.memory_space<vmem>> -> memref<1x128xi32, #tpu.memory_space<vmem>>
          %dma_start3A_196 = tpu.memref_squeeze %dma_start3A_195 : memref<1x128xi32, #tpu.memory_space<vmem>> -> memref<128xi32, #tpu.memory_space<vmem>>
          %dma_start3A_197 = arith.constant 0 : i32
          %dma_start3A_198 = arith.constant 0 : i32
          %dma_start3A_199 = tpu.memref_slice %arg13[%dma_start3A_197, %dma_start3A_198] : memref<10240x128xf32, #tpu.memory_space<vmem_shared>> -> memref<10240x128xf32, #tpu.memory_space<vmem_shared>>
          tpu.enqueue_indirect_dma source(%arg11 : memref<128x128xf32, #tpu.memory_space<vmem>>) target(%dma_start3A_199 : memref<10240x128xf32, #tpu.memory_space<vmem_shared>>) offsets(%dma_start3A_196 : memref<128xi32, #tpu.memory_space<vmem>>) semaphore(%run_scoped3A_193 : memref<!tpu.dma_semaphore, #tpu.memory_space<semaphore_mem>>) {add = true}
          %dma_wait3A_200 = arith.constant 0 : i32
          %dma_wait3A_201 = tpu.memref_slice %arg10[%mul3A_161, %dma_wait3A_200] : memref<40x128xi32, #tpu.memory_space<vmem>> -> memref<1x128xi32, #tpu.memory_space<vmem>>
          %dma_wait3A_202 = tpu.memref_squeeze %dma_wait3A_201 : memref<1x128xi32, #tpu.memory_space<vmem>> -> memref<128xi32, #tpu.memory_space<vmem>>
          %dma_wait3A_203 = arith.constant 0 : i32
          %dma_wait3A_204 = arith.constant 0 : i32
          %dma_wait3A_205 = tpu.memref_slice %arg13[%dma_wait3A_203, %dma_wait3A_204] : memref<10240x128xf32, #tpu.memory_space<vmem_shared>> -> memref<10240x128xf32, #tpu.memory_space<vmem_shared>>
          tpu.wait_indirect_dma semaphore(%run_scoped3A_193 : memref<!tpu.dma_semaphore, #tpu.memory_space<semaphore_mem>>) src(%arg11 : memref<128x128xf32, #tpu.memory_space<vmem>>) dst(%dma_wait3A_205 : memref<10240x128xf32, #tpu.memory_space<vmem_shared>>)
          tpu.yield
        }) : () -> ()
        %add3A_175 = arith.constant 2 : i32
        %add3A_176 = arith.addi %mul3A_161, %add3A_175 : i32
        %dma_start3A_177 = arith.constant 0 : i32
        %dma_start3A_178 = tpu.memref_slice %arg9[%add3A_176, %dma_start3A_177] : memref<40x128xi32, #tpu.memory_space<vmem>> -> memref<1x128xi32, #tpu.memory_space<vmem>>
        %dma_start3A_179 = tpu.memref_squeeze %dma_start3A_178 : memref<1x128xi32, #tpu.memory_space<vmem>> -> memref<128xi32, #tpu.memory_space<vmem>>
        %dma_start3A_180 = arith.constant 0 : i32
        %dma_start3A_181 = arith.constant 0 : i32
        %dma_start3A_182 = tpu.memref_slice %arg2[%dma_start3A_180, %dma_start3A_181] : memref<10240x128xf32, #tpu.memory_space<hbm>> -> memref<10240x128xf32, #tpu.memory_space<hbm>>
        tpu.enqueue_indirect_dma source(%dma_start3A_182 : memref<10240x128xf32, #tpu.memory_space<hbm>>) target(%arg11 : memref<128x128xf32, #tpu.memory_space<vmem>>) offsets(%dma_start3A_179 : memref<128xi32, #tpu.memory_space<vmem>>) semaphore(%arg14 : memref<!tpu.dma_semaphore, #tpu.memory_space<semaphore_mem>>)
        %add3A_183 = arith.constant 1 : i32
        %add3A_184 = arith.addi %mul3A_161, %add3A_183 : i32
        %dma_wait3A_185 = arith.constant 0 : i32
        %dma_wait3A_186 = tpu.memref_slice %arg9[%add3A_184, %dma_wait3A_185] : memref<40x128xi32, #tpu.memory_space<vmem>> -> memref<1x128xi32, #tpu.memory_space<vmem>>
        %dma_wait3A_187 = tpu.memref_squeeze %dma_wait3A_186 : memref<1x128xi32, #tpu.memory_space<vmem>> -> memref<128xi32, #tpu.memory_space<vmem>>
        %dma_wait3A_188 = arith.constant 0 : i32
        %dma_wait3A_189 = arith.constant 0 : i32
        %dma_wait3A_190 = tpu.memref_slice %arg2[%dma_wait3A_188, %dma_wait3A_189] : memref<10240x128xf32, #tpu.memory_space<hbm>> -> memref<10240x128xf32, #tpu.memory_space<hbm>>
        tpu.wait_indirect_dma semaphore(%arg15 : memref<!tpu.dma_semaphore, #tpu.memory_space<semaphore_mem>>) src(%dma_wait3A_190 : memref<10240x128xf32, #tpu.memory_space<hbm>>) dst(%arg12 : memref<128x128xf32, #tpu.memory_space<vmem>>)
        %add3A_191 = arith.constant 1 : i32
        %add3A_192 = arith.addi %mul3A_161, %add3A_191 : i32
        "tpu.region"() ({
          %run_scoped3A_193 = tpu.sem_alloc : memref<!tpu.dma_semaphore, #tpu.memory_space<semaphore_mem>>
          %dma_start3A_194 = arith.constant 0 : i32
          %dma_start3A_195 = tpu.memref_slice %arg10[%add3A_192, %dma_start3A_194] : memref<40x128xi32, #tpu.memory_space<vmem>> -> memref<1x128xi32, #tpu.memory_space<vmem>>
          %dma_start3A_196 = tpu.memref_squeeze %dma_start3A_195 : memref<1x128xi32, #tpu.memory_space<vmem>> -> memref<128xi32, #tpu.memory_space<vmem>>
          %dma_start3A_197 = arith.constant 0 : i32
          %dma_start3A_198 = arith.constant 0 : i32
          %dma_start3A_199 = tpu.memref_slice %arg13[%dma_start3A_197, %dma_start3A_198] : memref<10240x128xf32, #tpu.memory_space<vmem_shared>> -> memref<10240x128xf32, #tpu.memory_space<vmem_shared>>
          tpu.enqueue_indirect_dma source(%arg12 : memref<128x128xf32, #tpu.memory_space<vmem>>) target(%dma_start3A_199 : memref<10240x128xf32, #tpu.memory_space<vmem_shared>>) offsets(%dma_start3A_196 : memref<128xi32, #tpu.memory_space<vmem>>) semaphore(%run_scoped3A_193 : memref<!tpu.dma_semaphore, #tpu.memory_space<semaphore_mem>>) {add = true}
          %dma_wait3A_200 = arith.constant 0 : i32
          %dma_wait3A_201 = tpu.memref_slice %arg10[%add3A_192, %dma_wait3A_200] : memref<40x128xi32, #tpu.memory_space<vmem>> -> memref<1x128xi32, #tpu.memory_space<vmem>>
          %dma_wait3A_202 = tpu.memref_squeeze %dma_wait3A_201 : memref<1x128xi32, #tpu.memory_space<vmem>> -> memref<128xi32, #tpu.memory_space<vmem>>
          %dma_wait3A_203 = arith.constant 0 : i32
          %dma_wait3A_204 = arith.constant 0 : i32
          %dma_wait3A_205 = tpu.memref_slice %arg13[%dma_wait3A_203, %dma_wait3A_204] : memref<10240x128xf32, #tpu.memory_space<vmem_shared>> -> memref<10240x128xf32, #tpu.memory_space<vmem_shared>>
          tpu.wait_indirect_dma semaphore(%run_scoped3A_193 : memref<!tpu.dma_semaphore, #tpu.memory_space<semaphore_mem>>) src(%arg12 : memref<128x128xf32, #tpu.memory_space<vmem>>) dst(%dma_wait3A_205 : memref<10240x128xf32, #tpu.memory_space<vmem_shared>>)
          tpu.yield
        }) : () -> ()
      }
      %scan3A_99 = arith.constant 19 : i32
      %dma_start3A_100 = arith.constant 39 : i32
      %dma_start3A_101 = arith.constant 0 : i32
      %dma_start3A_102 = tpu.memref_slice %arg9[%dma_start3A_100, %dma_start3A_101] : memref<40x128xi32, #tpu.memory_space<vmem>> -> memref<1x128xi32, #tpu.memory_space<vmem>>
      %dma_start3A_103 = tpu.memref_squeeze %dma_start3A_102 : memref<1x128xi32, #tpu.memory_space<vmem>> -> memref<128xi32, #tpu.memory_space<vmem>>
      %dma_start3A_104 = arith.constant 0 : i32
      %dma_start3A_105 = arith.constant 0 : i32
      %dma_start3A_106 = tpu.memref_slice %arg2[%dma_start3A_104, %dma_start3A_105] : memref<10240x128xf32, #tpu.memory_space<hbm>> -> memref<10240x128xf32, #tpu.memory_space<hbm>>
      tpu.enqueue_indirect_dma source(%dma_start3A_106 : memref<10240x128xf32, #tpu.memory_space<hbm>>) target(%arg12 : memref<128x128xf32, #tpu.memory_space<vmem>>) offsets(%dma_start3A_103 : memref<128xi32, #tpu.memory_space<vmem>>) semaphore(%arg15 : memref<!tpu.dma_semaphore, #tpu.memory_space<semaphore_mem>>)
      %dma_wait3A_107 = arith.constant 38 : i32
      %dma_wait3A_108 = arith.constant 0 : i32
      %dma_wait3A_109 = tpu.memref_slice %arg9[%dma_wait3A_107, %dma_wait3A_108] : memref<40x128xi32, #tpu.memory_space<vmem>> -> memref<1x128xi32, #tpu.memory_space<vmem>>
      %dma_wait3A_110 = tpu.memref_squeeze %dma_wait3A_109 : memref<1x128xi32, #tpu.memory_space<vmem>> -> memref<128xi32, #tpu.memory_space<vmem>>
      %dma_wait3A_111 = arith.constant 0 : i32
      %dma_wait3A_112 = arith.constant 0 : i32
      %dma_wait3A_113 = tpu.memref_slice %arg2[%dma_wait3A_111, %dma_wait3A_112] : memref<10240x128xf32, #tpu.memory_space<hbm>> -> memref<10240x128xf32, #tpu.memory_space<hbm>>
      tpu.wait_indirect_dma semaphore(%arg14 : memref<!tpu.dma_semaphore, #tpu.memory_space<semaphore_mem>>) src(%dma_wait3A_113 : memref<10240x128xf32, #tpu.memory_space<hbm>>) dst(%arg11 : memref<128x128xf32, #tpu.memory_space<vmem>>)
      %run_scoped3A_114 = arith.constant 38 : i32
      "tpu.region"() ({
        %run_scoped3A_159 = tpu.sem_alloc : memref<!tpu.dma_semaphore, #tpu.memory_space<semaphore_mem>>
        %dma_start3A_160 = arith.constant 0 : i32
        %dma_start3A_161 = tpu.memref_slice %arg10[%run_scoped3A_114, %dma_start3A_160] : memref<40x128xi32, #tpu.memory_space<vmem>> -> memref<1x128xi32, #tpu.memory_space<vmem>>
        %dma_start3A_162 = tpu.memref_squeeze %dma_start3A_161 : memref<1x128xi32, #tpu.memory_space<vmem>> -> memref<128xi32, #tpu.memory_space<vmem>>
        %dma_start3A_163 = arith.constant 0 : i32
        %dma_start3A_164 = arith.constant 0 : i32
        %dma_start3A_165 = tpu.memref_slice %arg13[%dma_start3A_163, %dma_start3A_164] : memref<10240x128xf32, #tpu.memory_space<vmem_shared>> -> memref<10240x128xf32, #tpu.memory_space<vmem_shared>>
        tpu.enqueue_indirect_dma source(%arg11 : memref<128x128xf32, #tpu.memory_space<vmem>>) target(%dma_start3A_165 : memref<10240x128xf32, #tpu.memory_space<vmem_shared>>) offsets(%dma_start3A_162 : memref<128xi32, #tpu.memory_space<vmem>>) semaphore(%run_scoped3A_159 : memref<!tpu.dma_semaphore, #tpu.memory_space<semaphore_mem>>) {add = true}
        %dma_wait3A_166 = arith.constant 0 : i32
        %dma_wait3A_167 = tpu.memref_slice %arg10[%run_scoped3A_114, %dma_wait3A_166] : memref<40x128xi32, #tpu.memory_space<vmem>> -> memref<1x128xi32, #tpu.memory_space<vmem>>
        %dma_wait3A_168 = tpu.memref_squeeze %dma_wait3A_167 : memref<1x128xi32, #tpu.memory_space<vmem>> -> memref<128xi32, #tpu.memory_space<vmem>>
        %dma_wait3A_169 = arith.constant 0 : i32
        %dma_wait3A_170 = arith.constant 0 : i32
        %dma_wait3A_171 = tpu.memref_slice %arg13[%dma_wait3A_169, %dma_wait3A_170] : memref<10240x128xf32, #tpu.memory_space<vmem_shared>> -> memref<10240x128xf32, #tpu.memory_space<vmem_shared>>
        tpu.wait_indirect_dma semaphore(%run_scoped3A_159 : memref<!tpu.dma_semaphore, #tpu.memory_space<semaphore_mem>>) src(%arg11 : memref<128x128xf32, #tpu.memory_space<vmem>>) dst(%dma_wait3A_171 : memref<10240x128xf32, #tpu.memory_space<vmem_shared>>)
        tpu.yield
      }) : () -> ()
      %dma_wait3A_115 = arith.constant 39 : i32
      %dma_wait3A_116 = arith.constant 0 : i32
      %dma_wait3A_117 = tpu.memref_slice %arg9[%dma_wait3A_115, %dma_wait3A_116] : memref<40x128xi32, #tpu.memory_space<vmem>> -> memref<1x128xi32, #tpu.memory_space<vmem>>
      %dma_wait3A_118 = tpu.memref_squeeze %dma_wait3A_117 : memref<1x128xi32, #tpu.memory_space<vmem>> -> memref<128xi32, #tpu.memory_space<vmem>>
      %dma_wait3A_119 = arith.constant 0 : i32
      %dma_wait3A_120 = arith.constant 0 : i32
      %dma_wait3A_121 = tpu.memref_slice %arg2[%dma_wait3A_119, %dma_wait3A_120] : memref<10240x128xf32, #tpu.memory_space<hbm>> -> memref<10240x128xf32, #tpu.memory_space<hbm>>
      tpu.wait_indirect_dma semaphore(%arg15 : memref<!tpu.dma_semaphore, #tpu.memory_space<semaphore_mem>>) src(%dma_wait3A_121 : memref<10240x128xf32, #tpu.memory_space<hbm>>) dst(%arg12 : memref<128x128xf32, #tpu.memory_space<vmem>>)
      %run_scoped3A_122 = arith.constant 39 : i32
      "tpu.region"() ({
        %run_scoped3A_159 = tpu.sem_alloc : memref<!tpu.dma_semaphore, #tpu.memory_space<semaphore_mem>>
        %dma_start3A_160 = arith.constant 0 : i32
        %dma_start3A_161 = tpu.memref_slice %arg10[%run_scoped3A_122, %dma_start3A_160] : memref<40x128xi32, #tpu.memory_space<vmem>> -> memref<1x128xi32, #tpu.memory_space<vmem>>
        %dma_start3A_162 = tpu.memref_squeeze %dma_start3A_161 : memref<1x128xi32, #tpu.memory_space<vmem>> -> memref<128xi32, #tpu.memory_space<vmem>>
        %dma_start3A_163 = arith.constant 0 : i32
        %dma_start3A_164 = arith.constant 0 : i32
        %dma_start3A_165 = tpu.memref_slice %arg13[%dma_start3A_163, %dma_start3A_164] : memref<10240x128xf32, #tpu.memory_space<vmem_shared>> -> memref<10240x128xf32, #tpu.memory_space<vmem_shared>>
        tpu.enqueue_indirect_dma source(%arg12 : memref<128x128xf32, #tpu.memory_space<vmem>>) target(%dma_start3A_165 : memref<10240x128xf32, #tpu.memory_space<vmem_shared>>) offsets(%dma_start3A_162 : memref<128xi32, #tpu.memory_space<vmem>>) semaphore(%run_scoped3A_159 : memref<!tpu.dma_semaphore, #tpu.memory_space<semaphore_mem>>) {add = true}
        %dma_wait3A_166 = arith.constant 0 : i32
        %dma_wait3A_167 = tpu.memref_slice %arg10[%run_scoped3A_122, %dma_wait3A_166] : memref<40x128xi32, #tpu.memory_space<vmem>> -> memref<1x128xi32, #tpu.memory_space<vmem>>
        %dma_wait3A_168 = tpu.memref_squeeze %dma_wait3A_167 : memref<1x128xi32, #tpu.memory_space<vmem>> -> memref<128xi32, #tpu.memory_space<vmem>>
        %dma_wait3A_169 = arith.constant 0 : i32
        %dma_wait3A_170 = arith.constant 0 : i32
        %dma_wait3A_171 = tpu.memref_slice %arg13[%dma_wait3A_169, %dma_wait3A_170] : memref<10240x128xf32, #tpu.memory_space<vmem_shared>> -> memref<10240x128xf32, #tpu.memory_space<vmem_shared>>
        tpu.wait_indirect_dma semaphore(%run_scoped3A_159 : memref<!tpu.dma_semaphore, #tpu.memory_space<semaphore_mem>>) src(%arg12 : memref<128x128xf32, #tpu.memory_space<vmem>>) dst(%dma_wait3A_171 : memref<10240x128xf32, #tpu.memory_space<vmem_shared>>)
        tpu.yield
      }) : () -> ()
      "tpu.region"() ({
        %run_scoped3A_159 = tpu.sem_alloc : memref<!tpu.dma_semaphore, #tpu.memory_space<semaphore_mem>>
        %dma_start3A_160 = arith.constant 0 : i32
        %dma_start3A_161 = arith.constant 0 : i32
        %dma_start3A_162 = tpu.memref_slice %arg4[%arg1, %dma_start3A_160, %dma_start3A_161] : memref<16x160x128xi32, #tpu.memory_space<hbm>> -> memref<1x160x128xi32, #tpu.memory_space<hbm>>
        %dma_start3A_163 = tpu.memref_squeeze %dma_start3A_162 : memref<1x160x128xi32, #tpu.memory_space<hbm>> -> memref<160x128xi32, #tpu.memory_space<hbm>>
        %dma_start3A_164 = arith.constant 120 : i32
        %dma_start3A_165 = arith.constant 0 : i32
        %dma_start3A_166 = tpu.memref_slice %dma_start3A_163[%dma_start3A_164, %dma_start3A_165] : memref<160x128xi32, #tpu.memory_space<hbm>> -> memref<40x128xi32, #tpu.memory_space<hbm>>
        %dma_start3A_167 = arith.constant 0 : i32
        %dma_start3A_168 = arith.constant 0 : i32
        %dma_start3A_169 = tpu.memref_slice %arg4[%arg1, %dma_start3A_167, %dma_start3A_168] : memref<16x160x128xi32, #tpu.memory_space<hbm>> -> memref<1x160x128xi32, #tpu.memory_space<hbm>>
        %dma_start3A_170 = tpu.memref_squeeze %dma_start3A_169 : memref<1x160x128xi32, #tpu.memory_space<hbm>> -> memref<160x128xi32, #tpu.memory_space<hbm>>
        %dma_start3A_171 = arith.constant 120 : i32
        %dma_start3A_172 = arith.constant 0 : i32
        %dma_start3A_173 = tpu.memref_slice %dma_start3A_170[%dma_start3A_171, %dma_start3A_172] : memref<160x128xi32, #tpu.memory_space<hbm>> -> memref<40x128xi32, #tpu.memory_space<hbm>>
        tpu.enqueue_dma source(%dma_start3A_173 : memref<40x128xi32, #tpu.memory_space<hbm>>) target(%arg9 : memref<40x128xi32, #tpu.memory_space<vmem>>) target_semaphore(%run_scoped3A_159 : memref<!tpu.dma_semaphore, #tpu.memory_space<semaphore_mem>>)
        %dma_wait3A_174 = arith.constant 0 : i32
        %dma_wait3A_175 = arith.constant 0 : i32
        %dma_wait3A_176 = tpu.memref_slice %arg4[%arg1, %dma_wait3A_174, %dma_wait3A_175] : memref<16x160x128xi32, #tpu.memory_space<hbm>> -> memref<1x160x128xi32, #tpu.memory_space<hbm>>
        %dma_wait3A_177 = tpu.memref_squeeze %dma_wait3A_176 : memref<1x160x128xi32, #tpu.memory_space<hbm>> -> memref<160x128xi32, #tpu.memory_space<hbm>>
        %dma_wait3A_178 = arith.constant 120 : i32
        %dma_wait3A_179 = arith.constant 0 : i32
        %dma_wait3A_180 = tpu.memref_slice %dma_wait3A_177[%dma_wait3A_178, %dma_wait3A_179] : memref<160x128xi32, #tpu.memory_space<hbm>> -> memref<40x128xi32, #tpu.memory_space<hbm>>
        %dma_wait3A_181 = arith.constant 0 : i32
        %dma_wait3A_182 = arith.constant 0 : i32
        %dma_wait3A_183 = tpu.memref_slice %arg4[%arg1, %dma_wait3A_181, %dma_wait3A_182] : memref<16x160x128xi32, #tpu.memory_space<hbm>> -> memref<1x160x128xi32, #tpu.memory_space<hbm>>
        %dma_wait3A_184 = tpu.memref_squeeze %dma_wait3A_183 : memref<1x160x128xi32, #tpu.memory_space<hbm>> -> memref<160x128xi32, #tpu.memory_space<hbm>>
        %dma_wait3A_185 = arith.constant 120 : i32
        %dma_wait3A_186 = arith.constant 0 : i32
        %dma_wait3A_187 = tpu.memref_slice %dma_wait3A_184[%dma_wait3A_185, %dma_wait3A_186] : memref<160x128xi32, #tpu.memory_space<hbm>> -> memref<40x128xi32, #tpu.memory_space<hbm>>
        tpu.wait_dma2 semaphore(%run_scoped3A_159 : memref<!tpu.dma_semaphore, #tpu.memory_space<semaphore_mem>>) src(%dma_wait3A_187 : memref<40x128xi32, #tpu.memory_space<hbm>>) dst(%arg9 : memref<40x128xi32, #tpu.memory_space<vmem>>)
        tpu.yield
      }) : () -> ()
      "tpu.region"() ({
        %run_scoped3A_159 = tpu.sem_alloc : memref<!tpu.dma_semaphore, #tpu.memory_space<semaphore_mem>>
        %dma_start3A_160 = arith.constant 0 : i32
        %dma_start3A_161 = arith.constant 0 : i32
        %dma_start3A_162 = tpu.memref_slice %arg5[%arg1, %dma_start3A_160, %dma_start3A_161] : memref<16x160x128xi32, #tpu.memory_space<hbm>> -> memref<1x160x128xi32, #tpu.memory_space<hbm>>
        %dma_start3A_163 = tpu.memref_squeeze %dma_start3A_162 : memref<1x160x128xi32, #tpu.memory_space<hbm>> -> memref<160x128xi32, #tpu.memory_space<hbm>>
        %dma_start3A_164 = arith.constant 120 : i32
        %dma_start3A_165 = arith.constant 0 : i32
        %dma_start3A_166 = tpu.memref_slice %dma_start3A_163[%dma_start3A_164, %dma_start3A_165] : memref<160x128xi32, #tpu.memory_space<hbm>> -> memref<40x128xi32, #tpu.memory_space<hbm>>
        %dma_start3A_167 = arith.constant 0 : i32
        %dma_start3A_168 = arith.constant 0 : i32
        %dma_start3A_169 = tpu.memref_slice %arg5[%arg1, %dma_start3A_167, %dma_start3A_168] : memref<16x160x128xi32, #tpu.memory_space<hbm>> -> memref<1x160x128xi32, #tpu.memory_space<hbm>>
        %dma_start3A_170 = tpu.memref_squeeze %dma_start3A_169 : memref<1x160x128xi32, #tpu.memory_space<hbm>> -> memref<160x128xi32, #tpu.memory_space<hbm>>
        %dma_start3A_171 = arith.constant 120 : i32
        %dma_start3A_172 = arith.constant 0 : i32
        %dma_start3A_173 = tpu.memref_slice %dma_start3A_170[%dma_start3A_171, %dma_start3A_172] : memref<160x128xi32, #tpu.memory_space<hbm>> -> memref<40x128xi32, #tpu.memory_space<hbm>>
        tpu.enqueue_dma source(%dma_start3A_173 : memref<40x128xi32, #tpu.memory_space<hbm>>) target(%arg10 : memref<40x128xi32, #tpu.memory_space<vmem>>) target_semaphore(%run_scoped3A_159 : memref<!tpu.dma_semaphore, #tpu.memory_space<semaphore_mem>>)
        %dma_wait3A_174 = arith.constant 0 : i32
        %dma_wait3A_175 = arith.constant 0 : i32
        %dma_wait3A_176 = tpu.memref_slice %arg5[%arg1, %dma_wait3A_174, %dma_wait3A_175] : memref<16x160x128xi32, #tpu.memory_space<hbm>> -> memref<1x160x128xi32, #tpu.memory_space<hbm>>
        %dma_wait3A_177 = tpu.memref_squeeze %dma_wait3A_176 : memref<1x160x128xi32, #tpu.memory_space<hbm>> -> memref<160x128xi32, #tpu.memory_space<hbm>>
        %dma_wait3A_178 = arith.constant 120 : i32
        %dma_wait3A_179 = arith.constant 0 : i32
        %dma_wait3A_180 = tpu.memref_slice %dma_wait3A_177[%dma_wait3A_178, %dma_wait3A_179] : memref<160x128xi32, #tpu.memory_space<hbm>> -> memref<40x128xi32, #tpu.memory_space<hbm>>
        %dma_wait3A_181 = arith.constant 0 : i32
        %dma_wait3A_182 = arith.constant 0 : i32
        %dma_wait3A_183 = tpu.memref_slice %arg5[%arg1, %dma_wait3A_181, %dma_wait3A_182] : memref<16x160x128xi32, #tpu.memory_space<hbm>> -> memref<1x160x128xi32, #tpu.memory_space<hbm>>
        %dma_wait3A_184 = tpu.memref_squeeze %dma_wait3A_183 : memref<1x160x128xi32, #tpu.memory_space<hbm>> -> memref<160x128xi32, #tpu.memory_space<hbm>>
        %dma_wait3A_185 = arith.constant 120 : i32
        %dma_wait3A_186 = arith.constant 0 : i32
        %dma_wait3A_187 = tpu.memref_slice %dma_wait3A_184[%dma_wait3A_185, %dma_wait3A_186] : memref<160x128xi32, #tpu.memory_space<hbm>> -> memref<40x128xi32, #tpu.memory_space<hbm>>
        tpu.wait_dma2 semaphore(%run_scoped3A_159 : memref<!tpu.dma_semaphore, #tpu.memory_space<semaphore_mem>>) src(%dma_wait3A_187 : memref<40x128xi32, #tpu.memory_space<hbm>>) dst(%arg10 : memref<40x128xi32, #tpu.memory_space<vmem>>)
        tpu.yield
      }) : () -> ()
      %dma_start3A_123 = arith.constant 0 : i32
      %dma_start3A_124 = arith.constant 0 : i32
      %dma_start3A_125 = tpu.memref_slice %arg9[%dma_start3A_123, %dma_start3A_124] : memref<40x128xi32, #tpu.memory_space<vmem>> -> memref<1x128xi32, #tpu.memory_space<vmem>>
      %dma_start3A_126 = tpu.memref_squeeze %dma_start3A_125 : memref<1x128xi32, #tpu.memory_space<vmem>> -> memref<128xi32, #tpu.memory_space<vmem>>
      %dma_start3A_127 = arith.constant 0 : i32
      %dma_start3A_128 = arith.constant 0 : i32
      %dma_start3A_129 = tpu.memref_slice %arg2[%dma_start3A_127, %dma_start3A_128] : memref<10240x128xf32, #tpu.memory_space<hbm>> -> memref<10240x128xf32, #tpu.memory_space<hbm>>
      tpu.enqueue_indirect_dma source(%dma_start3A_129 : memref<10240x128xf32, #tpu.memory_space<hbm>>) target(%arg11 : memref<128x128xf32, #tpu.memory_space<vmem>>) offsets(%dma_start3A_126 : memref<128xi32, #tpu.memory_space<vmem>>) semaphore(%arg14 : memref<!tpu.dma_semaphore, #tpu.memory_space<semaphore_mem>>)
      %scan3A_130 = arith.constant 0 : i32
      %scan3A_131 = arith.constant 0 : i32
      %scan3A_132 = arith.constant 19 : i32
      %scan3A_133 = arith.addi %scan3A_131, %scan3A_132 : i32
      %scan3A_134 = arith.constant 1 : i32
      scf.for %scan3A_159 = %scan3A_131 to %scan3A_133 step %scan3A_134  : i32 {
        %mul3A_160 = arith.constant 2 : i32
        %mul3A_161 = arith.muli %mul3A_160, %scan3A_159 : i32
        %add3A = arith.constant 1 : i32
        %add3A_162 = arith.addi %mul3A_161, %add3A : i32
        %dma_start3A_163 = arith.constant 0 : i32
        %dma_start3A_164 = tpu.memref_slice %arg9[%add3A_162, %dma_start3A_163] : memref<40x128xi32, #tpu.memory_space<vmem>> -> memref<1x128xi32, #tpu.memory_space<vmem>>
        %dma_start3A_165 = tpu.memref_squeeze %dma_start3A_164 : memref<1x128xi32, #tpu.memory_space<vmem>> -> memref<128xi32, #tpu.memory_space<vmem>>
        %dma_start3A_166 = arith.constant 0 : i32
        %dma_start3A_167 = arith.constant 0 : i32
        %dma_start3A_168 = tpu.memref_slice %arg2[%dma_start3A_166, %dma_start3A_167] : memref<10240x128xf32, #tpu.memory_space<hbm>> -> memref<10240x128xf32, #tpu.memory_space<hbm>>
        tpu.enqueue_indirect_dma source(%dma_start3A_168 : memref<10240x128xf32, #tpu.memory_space<hbm>>) target(%arg12 : memref<128x128xf32, #tpu.memory_space<vmem>>) offsets(%dma_start3A_165 : memref<128xi32, #tpu.memory_space<vmem>>) semaphore(%arg15 : memref<!tpu.dma_semaphore, #tpu.memory_space<semaphore_mem>>)
        %dma_wait3A_169 = arith.constant 0 : i32
        %dma_wait3A_170 = tpu.memref_slice %arg9[%mul3A_161, %dma_wait3A_169] : memref<40x128xi32, #tpu.memory_space<vmem>> -> memref<1x128xi32, #tpu.memory_space<vmem>>
        %dma_wait3A_171 = tpu.memref_squeeze %dma_wait3A_170 : memref<1x128xi32, #tpu.memory_space<vmem>> -> memref<128xi32, #tpu.memory_space<vmem>>
        %dma_wait3A_172 = arith.constant 0 : i32
        %dma_wait3A_173 = arith.constant 0 : i32
        %dma_wait3A_174 = tpu.memref_slice %arg2[%dma_wait3A_172, %dma_wait3A_173] : memref<10240x128xf32, #tpu.memory_space<hbm>> -> memref<10240x128xf32, #tpu.memory_space<hbm>>
        tpu.wait_indirect_dma semaphore(%arg14 : memref<!tpu.dma_semaphore, #tpu.memory_space<semaphore_mem>>) src(%dma_wait3A_174 : memref<10240x128xf32, #tpu.memory_space<hbm>>) dst(%arg11 : memref<128x128xf32, #tpu.memory_space<vmem>>)
        "tpu.region"() ({
          %run_scoped3A_193 = tpu.sem_alloc : memref<!tpu.dma_semaphore, #tpu.memory_space<semaphore_mem>>
          %dma_start3A_194 = arith.constant 0 : i32
          %dma_start3A_195 = tpu.memref_slice %arg10[%mul3A_161, %dma_start3A_194] : memref<40x128xi32, #tpu.memory_space<vmem>> -> memref<1x128xi32, #tpu.memory_space<vmem>>
          %dma_start3A_196 = tpu.memref_squeeze %dma_start3A_195 : memref<1x128xi32, #tpu.memory_space<vmem>> -> memref<128xi32, #tpu.memory_space<vmem>>
          %dma_start3A_197 = arith.constant 0 : i32
          %dma_start3A_198 = arith.constant 0 : i32
          %dma_start3A_199 = tpu.memref_slice %arg13[%dma_start3A_197, %dma_start3A_198] : memref<10240x128xf32, #tpu.memory_space<vmem_shared>> -> memref<10240x128xf32, #tpu.memory_space<vmem_shared>>
          tpu.enqueue_indirect_dma source(%arg11 : memref<128x128xf32, #tpu.memory_space<vmem>>) target(%dma_start3A_199 : memref<10240x128xf32, #tpu.memory_space<vmem_shared>>) offsets(%dma_start3A_196 : memref<128xi32, #tpu.memory_space<vmem>>) semaphore(%run_scoped3A_193 : memref<!tpu.dma_semaphore, #tpu.memory_space<semaphore_mem>>) {add = true}
          %dma_wait3A_200 = arith.constant 0 : i32
          %dma_wait3A_201 = tpu.memref_slice %arg10[%mul3A_161, %dma_wait3A_200] : memref<40x128xi32, #tpu.memory_space<vmem>> -> memref<1x128xi32, #tpu.memory_space<vmem>>
          %dma_wait3A_202 = tpu.memref_squeeze %dma_wait3A_201 : memref<1x128xi32, #tpu.memory_space<vmem>> -> memref<128xi32, #tpu.memory_space<vmem>>
          %dma_wait3A_203 = arith.constant 0 : i32
          %dma_wait3A_204 = arith.constant 0 : i32
          %dma_wait3A_205 = tpu.memref_slice %arg13[%dma_wait3A_203, %dma_wait3A_204] : memref<10240x128xf32, #tpu.memory_space<vmem_shared>> -> memref<10240x128xf32, #tpu.memory_space<vmem_shared>>
          tpu.wait_indirect_dma semaphore(%run_scoped3A_193 : memref<!tpu.dma_semaphore, #tpu.memory_space<semaphore_mem>>) src(%arg11 : memref<128x128xf32, #tpu.memory_space<vmem>>) dst(%dma_wait3A_205 : memref<10240x128xf32, #tpu.memory_space<vmem_shared>>)
          tpu.yield
        }) : () -> ()
        %add3A_175 = arith.constant 2 : i32
        %add3A_176 = arith.addi %mul3A_161, %add3A_175 : i32
        %dma_start3A_177 = arith.constant 0 : i32
        %dma_start3A_178 = tpu.memref_slice %arg9[%add3A_176, %dma_start3A_177] : memref<40x128xi32, #tpu.memory_space<vmem>> -> memref<1x128xi32, #tpu.memory_space<vmem>>
        %dma_start3A_179 = tpu.memref_squeeze %dma_start3A_178 : memref<1x128xi32, #tpu.memory_space<vmem>> -> memref<128xi32, #tpu.memory_space<vmem>>
        %dma_start3A_180 = arith.constant 0 : i32
        %dma_start3A_181 = arith.constant 0 : i32
        %dma_start3A_182 = tpu.memref_slice %arg2[%dma_start3A_180, %dma_start3A_181] : memref<10240x128xf32, #tpu.memory_space<hbm>> -> memref<10240x128xf32, #tpu.memory_space<hbm>>
        tpu.enqueue_indirect_dma source(%dma_start3A_182 : memref<10240x128xf32, #tpu.memory_space<hbm>>) target(%arg11 : memref<128x128xf32, #tpu.memory_space<vmem>>) offsets(%dma_start3A_179 : memref<128xi32, #tpu.memory_space<vmem>>) semaphore(%arg14 : memref<!tpu.dma_semaphore, #tpu.memory_space<semaphore_mem>>)
        %add3A_183 = arith.constant 1 : i32
        %add3A_184 = arith.addi %mul3A_161, %add3A_183 : i32
        %dma_wait3A_185 = arith.constant 0 : i32
        %dma_wait3A_186 = tpu.memref_slice %arg9[%add3A_184, %dma_wait3A_185] : memref<40x128xi32, #tpu.memory_space<vmem>> -> memref<1x128xi32, #tpu.memory_space<vmem>>
        %dma_wait3A_187 = tpu.memref_squeeze %dma_wait3A_186 : memref<1x128xi32, #tpu.memory_space<vmem>> -> memref<128xi32, #tpu.memory_space<vmem>>
        %dma_wait3A_188 = arith.constant 0 : i32
        %dma_wait3A_189 = arith.constant 0 : i32
        %dma_wait3A_190 = tpu.memref_slice %arg2[%dma_wait3A_188, %dma_wait3A_189] : memref<10240x128xf32, #tpu.memory_space<hbm>> -> memref<10240x128xf32, #tpu.memory_space<hbm>>
        tpu.wait_indirect_dma semaphore(%arg15 : memref<!tpu.dma_semaphore, #tpu.memory_space<semaphore_mem>>) src(%dma_wait3A_190 : memref<10240x128xf32, #tpu.memory_space<hbm>>) dst(%arg12 : memref<128x128xf32, #tpu.memory_space<vmem>>)
        %add3A_191 = arith.constant 1 : i32
        %add3A_192 = arith.addi %mul3A_161, %add3A_191 : i32
        "tpu.region"() ({
          %run_scoped3A_193 = tpu.sem_alloc : memref<!tpu.dma_semaphore, #tpu.memory_space<semaphore_mem>>
          %dma_start3A_194 = arith.constant 0 : i32
          %dma_start3A_195 = tpu.memref_slice %arg10[%add3A_192, %dma_start3A_194] : memref<40x128xi32, #tpu.memory_space<vmem>> -> memref<1x128xi32, #tpu.memory_space<vmem>>
          %dma_start3A_196 = tpu.memref_squeeze %dma_start3A_195 : memref<1x128xi32, #tpu.memory_space<vmem>> -> memref<128xi32, #tpu.memory_space<vmem>>
          %dma_start3A_197 = arith.constant 0 : i32
          %dma_start3A_198 = arith.constant 0 : i32
          %dma_start3A_199 = tpu.memref_slice %arg13[%dma_start3A_197, %dma_start3A_198] : memref<10240x128xf32, #tpu.memory_space<vmem_shared>> -> memref<10240x128xf32, #tpu.memory_space<vmem_shared>>
          tpu.enqueue_indirect_dma source(%arg12 : memref<128x128xf32, #tpu.memory_space<vmem>>) target(%dma_start3A_199 : memref<10240x128xf32, #tpu.memory_space<vmem_shared>>) offsets(%dma_start3A_196 : memref<128xi32, #tpu.memory_space<vmem>>) semaphore(%run_scoped3A_193 : memref<!tpu.dma_semaphore, #tpu.memory_space<semaphore_mem>>) {add = true}
          %dma_wait3A_200 = arith.constant 0 : i32
          %dma_wait3A_201 = tpu.memref_slice %arg10[%add3A_192, %dma_wait3A_200] : memref<40x128xi32, #tpu.memory_space<vmem>> -> memref<1x128xi32, #tpu.memory_space<vmem>>
          %dma_wait3A_202 = tpu.memref_squeeze %dma_wait3A_201 : memref<1x128xi32, #tpu.memory_space<vmem>> -> memref<128xi32, #tpu.memory_space<vmem>>
          %dma_wait3A_203 = arith.constant 0 : i32
          %dma_wait3A_204 = arith.constant 0 : i32
          %dma_wait3A_205 = tpu.memref_slice %arg13[%dma_wait3A_203, %dma_wait3A_204] : memref<10240x128xf32, #tpu.memory_space<vmem_shared>> -> memref<10240x128xf32, #tpu.memory_space<vmem_shared>>
          tpu.wait_indirect_dma semaphore(%run_scoped3A_193 : memref<!tpu.dma_semaphore, #tpu.memory_space<semaphore_mem>>) src(%arg12 : memref<128x128xf32, #tpu.memory_space<vmem>>) dst(%dma_wait3A_205 : memref<10240x128xf32, #tpu.memory_space<vmem_shared>>)
          tpu.yield
        }) : () -> ()
      }
      %scan3A_135 = arith.constant 19 : i32
      %dma_start3A_136 = arith.constant 39 : i32
      %dma_start3A_137 = arith.constant 0 : i32
      %dma_start3A_138 = tpu.memref_slice %arg9[%dma_start3A_136, %dma_start3A_137] : memref<40x128xi32, #tpu.memory_space<vmem>> -> memref<1x128xi32, #tpu.memory_space<vmem>>
      %dma_start3A_139 = tpu.memref_squeeze %dma_start3A_138 : memref<1x128xi32, #tpu.memory_space<vmem>> -> memref<128xi32, #tpu.memory_space<vmem>>
      %dma_start3A_140 = arith.constant 0 : i32
      %dma_start3A_141 = arith.constant 0 : i32
      %dma_start3A_142 = tpu.memref_slice %arg2[%dma_start3A_140, %dma_start3A_141] : memref<10240x128xf32, #tpu.memory_space<hbm>> -> memref<10240x128xf32, #tpu.memory_space<hbm>>
      tpu.enqueue_indirect_dma source(%dma_start3A_142 : memref<10240x128xf32, #tpu.memory_space<hbm>>) target(%arg12 : memref<128x128xf32, #tpu.memory_space<vmem>>) offsets(%dma_start3A_139 : memref<128xi32, #tpu.memory_space<vmem>>) semaphore(%arg15 : memref<!tpu.dma_semaphore, #tpu.memory_space<semaphore_mem>>)
      %dma_wait3A_143 = arith.constant 38 : i32
      %dma_wait3A_144 = arith.constant 0 : i32
      %dma_wait3A_145 = tpu.memref_slice %arg9[%dma_wait3A_143, %dma_wait3A_144] : memref<40x128xi32, #tpu.memory_space<vmem>> -> memref<1x128xi32, #tpu.memory_space<vmem>>
      %dma_wait3A_146 = tpu.memref_squeeze %dma_wait3A_145 : memref<1x128xi32, #tpu.memory_space<vmem>> -> memref<128xi32, #tpu.memory_space<vmem>>
      %dma_wait3A_147 = arith.constant 0 : i32
      %dma_wait3A_148 = arith.constant 0 : i32
      %dma_wait3A_149 = tpu.memref_slice %arg2[%dma_wait3A_147, %dma_wait3A_148] : memref<10240x128xf32, #tpu.memory_space<hbm>> -> memref<10240x128xf32, #tpu.memory_space<hbm>>
      tpu.wait_indirect_dma semaphore(%arg14 : memref<!tpu.dma_semaphore, #tpu.memory_space<semaphore_mem>>) src(%dma_wait3A_149 : memref<10240x128xf32, #tpu.memory_space<hbm>>) dst(%arg11 : memref<128x128xf32, #tpu.memory_space<vmem>>)
      %run_scoped3A_150 = arith.constant 38 : i32
      "tpu.region"() ({
        %run_scoped3A_159 = tpu.sem_alloc : memref<!tpu.dma_semaphore, #tpu.memory_space<semaphore_mem>>
        %dma_start3A_160 = arith.constant 0 : i32
        %dma_start3A_161 = tpu.memref_slice %arg10[%run_scoped3A_150, %dma_start3A_160] : memref<40x128xi32, #tpu.memory_space<vmem>> -> memref<1x128xi32, #tpu.memory_space<vmem>>
        %dma_start3A_162 = tpu.memref_squeeze %dma_start3A_161 : memref<1x128xi32, #tpu.memory_space<vmem>> -> memref<128xi32, #tpu.memory_space<vmem>>
        %dma_start3A_163 = arith.constant 0 : i32
        %dma_start3A_164 = arith.constant 0 : i32
        %dma_start3A_165 = tpu.memref_slice %arg13[%dma_start3A_163, %dma_start3A_164] : memref<10240x128xf32, #tpu.memory_space<vmem_shared>> -> memref<10240x128xf32, #tpu.memory_space<vmem_shared>>
        tpu.enqueue_indirect_dma source(%arg11 : memref<128x128xf32, #tpu.memory_space<vmem>>) target(%dma_start3A_165 : memref<10240x128xf32, #tpu.memory_space<vmem_shared>>) offsets(%dma_start3A_162 : memref<128xi32, #tpu.memory_space<vmem>>) semaphore(%run_scoped3A_159 : memref<!tpu.dma_semaphore, #tpu.memory_space<semaphore_mem>>) {add = true}
        %dma_wait3A_166 = arith.constant 0 : i32
        %dma_wait3A_167 = tpu.memref_slice %arg10[%run_scoped3A_150, %dma_wait3A_166] : memref<40x128xi32, #tpu.memory_space<vmem>> -> memref<1x128xi32, #tpu.memory_space<vmem>>
        %dma_wait3A_168 = tpu.memref_squeeze %dma_wait3A_167 : memref<1x128xi32, #tpu.memory_space<vmem>> -> memref<128xi32, #tpu.memory_space<vmem>>
        %dma_wait3A_169 = arith.constant 0 : i32
        %dma_wait3A_170 = arith.constant 0 : i32
        %dma_wait3A_171 = tpu.memref_slice %arg13[%dma_wait3A_169, %dma_wait3A_170] : memref<10240x128xf32, #tpu.memory_space<vmem_shared>> -> memref<10240x128xf32, #tpu.memory_space<vmem_shared>>
        tpu.wait_indirect_dma semaphore(%run_scoped3A_159 : memref<!tpu.dma_semaphore, #tpu.memory_space<semaphore_mem>>) src(%arg11 : memref<128x128xf32, #tpu.memory_space<vmem>>) dst(%dma_wait3A_171 : memref<10240x128xf32, #tpu.memory_space<vmem_shared>>)
        tpu.yield
      }) : () -> ()
      %dma_wait3A_151 = arith.constant 39 : i32
      %dma_wait3A_152 = arith.constant 0 : i32
      %dma_wait3A_153 = tpu.memref_slice %arg9[%dma_wait3A_151, %dma_wait3A_152] : memref<40x128xi32, #tpu.memory_space<vmem>> -> memref<1x128xi32, #tpu.memory_space<vmem>>
      %dma_wait3A_154 = tpu.memref_squeeze %dma_wait3A_153 : memref<1x128xi32, #tpu.memory_space<vmem>> -> memref<128xi32, #tpu.memory_space<vmem>>
      %dma_wait3A_155 = arith.constant 0 : i32
      %dma_wait3A_156 = arith.constant 0 : i32
      %dma_wait3A_157 = tpu.memref_slice %arg2[%dma_wait3A_155, %dma_wait3A_156] : memref<10240x128xf32, #tpu.memory_space<hbm>> -> memref<10240x128xf32, #tpu.memory_space<hbm>>
      tpu.wait_indirect_dma semaphore(%arg15 : memref<!tpu.dma_semaphore, #tpu.memory_space<semaphore_mem>>) src(%dma_wait3A_157 : memref<10240x128xf32, #tpu.memory_space<hbm>>) dst(%arg12 : memref<128x128xf32, #tpu.memory_space<vmem>>)
      %run_scoped3A_158 = arith.constant 39 : i32
      "tpu.region"() ({
        %run_scoped3A_159 = tpu.sem_alloc : memref<!tpu.dma_semaphore, #tpu.memory_space<semaphore_mem>>
        %dma_start3A_160 = arith.constant 0 : i32
        %dma_start3A_161 = tpu.memref_slice %arg10[%run_scoped3A_158, %dma_start3A_160] : memref<40x128xi32, #tpu.memory_space<vmem>> -> memref<1x128xi32, #tpu.memory_space<vmem>>
        %dma_start3A_162 = tpu.memref_squeeze %dma_start3A_161 : memref<1x128xi32, #tpu.memory_space<vmem>> -> memref<128xi32, #tpu.memory_space<vmem>>
        %dma_start3A_163 = arith.constant 0 : i32
        %dma_start3A_164 = arith.constant 0 : i32
        %dma_start3A_165 = tpu.memref_slice %arg13[%dma_start3A_163, %dma_start3A_164] : memref<10240x128xf32, #tpu.memory_space<vmem_shared>> -> memref<10240x128xf32, #tpu.memory_space<vmem_shared>>
        tpu.enqueue_indirect_dma source(%arg12 : memref<128x128xf32, #tpu.memory_space<vmem>>) target(%dma_start3A_165 : memref<10240x128xf32, #tpu.memory_space<vmem_shared>>) offsets(%dma_start3A_162 : memref<128xi32, #tpu.memory_space<vmem>>) semaphore(%run_scoped3A_159 : memref<!tpu.dma_semaphore, #tpu.memory_space<semaphore_mem>>) {add = true}
        %dma_wait3A_166 = arith.constant 0 : i32
        %dma_wait3A_167 = tpu.memref_slice %arg10[%run_scoped3A_158, %dma_wait3A_166] : memref<40x128xi32, #tpu.memory_space<vmem>> -> memref<1x128xi32, #tpu.memory_space<vmem>>
        %dma_wait3A_168 = tpu.memref_squeeze %dma_wait3A_167 : memref<1x128xi32, #tpu.memory_space<vmem>> -> memref<128xi32, #tpu.memory_space<vmem>>
        %dma_wait3A_169 = arith.constant 0 : i32
        %dma_wait3A_170 = arith.constant 0 : i32
        %dma_wait3A_171 = tpu.memref_slice %arg13[%dma_wait3A_169, %dma_wait3A_170] : memref<10240x128xf32, #tpu.memory_space<vmem_shared>> -> memref<10240x128xf32, #tpu.memory_space<vmem_shared>>
        tpu.wait_indirect_dma semaphore(%run_scoped3A_159 : memref<!tpu.dma_semaphore, #tpu.memory_space<semaphore_mem>>) src(%arg12 : memref<128x128xf32, #tpu.memory_space<vmem>>) dst(%dma_wait3A_171 : memref<10240x128xf32, #tpu.memory_space<vmem_shared>>)
        tpu.yield
      }) : () -> ()
    } else {
    }
    %eq3A_3 = arith.constant 1 : i32
    %eq3A_4 = arith.cmpi eq, %arg0, %eq3A_3 : i32
    %convert_element_type3A_5 = arith.extui %eq3A_4 : i1 to i32
    %cond3A_6 = arith.constant 0 : i32
    %cond3A_7 = arith.cmpi ne, %convert_element_type3A_5, %cond3A_6 : i32
    scf.if %cond3A_7 {
      "tpu.region"() ({
        %run_scoped3A_159 = tpu.sem_alloc : memref<!tpu.dma_semaphore, #tpu.memory_space<semaphore_mem>>
        %dma_start3A_160 = arith.constant 0 : i32
        %dma_start3A_161 = arith.constant 0 : i32
        %dma_start3A_162 = tpu.memref_slice %arg4[%arg1, %dma_start3A_160, %dma_start3A_161] : memref<16x160x128xi32, #tpu.memory_space<hbm>> -> memref<1x160x128xi32, #tpu.memory_space<hbm>>
        %dma_start3A_163 = tpu.memref_squeeze %dma_start3A_162 : memref<1x160x128xi32, #tpu.memory_space<hbm>> -> memref<160x128xi32, #tpu.memory_space<hbm>>
        %dma_start3A_164 = arith.constant 0 : i32
        %dma_start3A_165 = arith.constant 0 : i32
        %dma_start3A_166 = tpu.memref_slice %dma_start3A_163[%dma_start3A_164, %dma_start3A_165] : memref<160x128xi32, #tpu.memory_space<hbm>> -> memref<40x128xi32, #tpu.memory_space<hbm>>
        %dma_start3A_167 = arith.constant 0 : i32
        %dma_start3A_168 = arith.constant 0 : i32
        %dma_start3A_169 = tpu.memref_slice %arg4[%arg1, %dma_start3A_167, %dma_start3A_168] : memref<16x160x128xi32, #tpu.memory_space<hbm>> -> memref<1x160x128xi32, #tpu.memory_space<hbm>>
        %dma_start3A_170 = tpu.memref_squeeze %dma_start3A_169 : memref<1x160x128xi32, #tpu.memory_space<hbm>> -> memref<160x128xi32, #tpu.memory_space<hbm>>
        %dma_start3A_171 = arith.constant 0 : i32
        %dma_start3A_172 = arith.constant 0 : i32
        %dma_start3A_173 = tpu.memref_slice %dma_start3A_170[%dma_start3A_171, %dma_start3A_172] : memref<160x128xi32, #tpu.memory_space<hbm>> -> memref<40x128xi32, #tpu.memory_space<hbm>>
        tpu.enqueue_dma source(%dma_start3A_173 : memref<40x128xi32, #tpu.memory_space<hbm>>) target(%arg9 : memref<40x128xi32, #tpu.memory_space<vmem>>) target_semaphore(%run_scoped3A_159 : memref<!tpu.dma_semaphore, #tpu.memory_space<semaphore_mem>>)
        %dma_wait3A_174 = arith.constant 0 : i32
        %dma_wait3A_175 = arith.constant 0 : i32
        %dma_wait3A_176 = tpu.memref_slice %arg4[%arg1, %dma_wait3A_174, %dma_wait3A_175] : memref<16x160x128xi32, #tpu.memory_space<hbm>> -> memref<1x160x128xi32, #tpu.memory_space<hbm>>
        %dma_wait3A_177 = tpu.memref_squeeze %dma_wait3A_176 : memref<1x160x128xi32, #tpu.memory_space<hbm>> -> memref<160x128xi32, #tpu.memory_space<hbm>>
        %dma_wait3A_178 = arith.constant 0 : i32
        %dma_wait3A_179 = arith.constant 0 : i32
        %dma_wait3A_180 = tpu.memref_slice %dma_wait3A_177[%dma_wait3A_178, %dma_wait3A_179] : memref<160x128xi32, #tpu.memory_space<hbm>> -> memref<40x128xi32, #tpu.memory_space<hbm>>
        %dma_wait3A_181 = arith.constant 0 : i32
        %dma_wait3A_182 = arith.constant 0 : i32
        %dma_wait3A_183 = tpu.memref_slice %arg4[%arg1, %dma_wait3A_181, %dma_wait3A_182] : memref<16x160x128xi32, #tpu.memory_space<hbm>> -> memref<1x160x128xi32, #tpu.memory_space<hbm>>
        %dma_wait3A_184 = tpu.memref_squeeze %dma_wait3A_183 : memref<1x160x128xi32, #tpu.memory_space<hbm>> -> memref<160x128xi32, #tpu.memory_space<hbm>>
        %dma_wait3A_185 = arith.constant 0 : i32
        %dma_wait3A_186 = arith.constant 0 : i32
        %dma_wait3A_187 = tpu.memref_slice %dma_wait3A_184[%dma_wait3A_185, %dma_wait3A_186] : memref<160x128xi32, #tpu.memory_space<hbm>> -> memref<40x128xi32, #tpu.memory_space<hbm>>
        tpu.wait_dma2 semaphore(%run_scoped3A_159 : memref<!tpu.dma_semaphore, #tpu.memory_space<semaphore_mem>>) src(%dma_wait3A_187 : memref<40x128xi32, #tpu.memory_space<hbm>>) dst(%arg9 : memref<40x128xi32, #tpu.memory_space<vmem>>)
        tpu.yield
      }) : () -> ()
      "tpu.region"() ({
        %run_scoped3A_159 = tpu.sem_alloc : memref<!tpu.dma_semaphore, #tpu.memory_space<semaphore_mem>>
        %dma_start3A_160 = arith.constant 0 : i32
        %dma_start3A_161 = arith.constant 0 : i32
        %dma_start3A_162 = tpu.memref_slice %arg5[%arg1, %dma_start3A_160, %dma_start3A_161] : memref<16x160x128xi32, #tpu.memory_space<hbm>> -> memref<1x160x128xi32, #tpu.memory_space<hbm>>
        %dma_start3A_163 = tpu.memref_squeeze %dma_start3A_162 : memref<1x160x128xi32, #tpu.memory_space<hbm>> -> memref<160x128xi32, #tpu.memory_space<hbm>>
        %dma_start3A_164 = arith.constant 0 : i32
        %dma_start3A_165 = arith.constant 0 : i32
        %dma_start3A_166 = tpu.memref_slice %dma_start3A_163[%dma_start3A_164, %dma_start3A_165] : memref<160x128xi32, #tpu.memory_space<hbm>> -> memref<40x128xi32, #tpu.memory_space<hbm>>
        %dma_start3A_167 = arith.constant 0 : i32
        %dma_start3A_168 = arith.constant 0 : i32
        %dma_start3A_169 = tpu.memref_slice %arg5[%arg1, %dma_start3A_167, %dma_start3A_168] : memref<16x160x128xi32, #tpu.memory_space<hbm>> -> memref<1x160x128xi32, #tpu.memory_space<hbm>>
        %dma_start3A_170 = tpu.memref_squeeze %dma_start3A_169 : memref<1x160x128xi32, #tpu.memory_space<hbm>> -> memref<160x128xi32, #tpu.memory_space<hbm>>
        %dma_start3A_171 = arith.constant 0 : i32
        %dma_start3A_172 = arith.constant 0 : i32
        %dma_start3A_173 = tpu.memref_slice %dma_start3A_170[%dma_start3A_171, %dma_start3A_172] : memref<160x128xi32, #tpu.memory_space<hbm>> -> memref<40x128xi32, #tpu.memory_space<hbm>>
        tpu.enqueue_dma source(%dma_start3A_173 : memref<40x128xi32, #tpu.memory_space<hbm>>) target(%arg10 : memref<40x128xi32, #tpu.memory_space<vmem>>) target_semaphore(%run_scoped3A_159 : memref<!tpu.dma_semaphore, #tpu.memory_space<semaphore_mem>>)
        %dma_wait3A_174 = arith.constant 0 : i32
        %dma_wait3A_175 = arith.constant 0 : i32
        %dma_wait3A_176 = tpu.memref_slice %arg5[%arg1, %dma_wait3A_174, %dma_wait3A_175] : memref<16x160x128xi32, #tpu.memory_space<hbm>> -> memref<1x160x128xi32, #tpu.memory_space<hbm>>
        %dma_wait3A_177 = tpu.memref_squeeze %dma_wait3A_176 : memref<1x160x128xi32, #tpu.memory_space<hbm>> -> memref<160x128xi32, #tpu.memory_space<hbm>>
        %dma_wait3A_178 = arith.constant 0 : i32
        %dma_wait3A_179 = arith.constant 0 : i32
        %dma_wait3A_180 = tpu.memref_slice %dma_wait3A_177[%dma_wait3A_178, %dma_wait3A_179] : memref<160x128xi32, #tpu.memory_space<hbm>> -> memref<40x128xi32, #tpu.memory_space<hbm>>
        %dma_wait3A_181 = arith.constant 0 : i32
        %dma_wait3A_182 = arith.constant 0 : i32
        %dma_wait3A_183 = tpu.memref_slice %arg5[%arg1, %dma_wait3A_181, %dma_wait3A_182] : memref<16x160x128xi32, #tpu.memory_space<hbm>> -> memref<1x160x128xi32, #tpu.memory_space<hbm>>
        %dma_wait3A_184 = tpu.memref_squeeze %dma_wait3A_183 : memref<1x160x128xi32, #tpu.memory_space<hbm>> -> memref<160x128xi32, #tpu.memory_space<hbm>>
        %dma_wait3A_185 = arith.constant 0 : i32
        %dma_wait3A_186 = arith.constant 0 : i32
        %dma_wait3A_187 = tpu.memref_slice %dma_wait3A_184[%dma_wait3A_185, %dma_wait3A_186] : memref<160x128xi32, #tpu.memory_space<hbm>> -> memref<40x128xi32, #tpu.memory_space<hbm>>
        tpu.wait_dma2 semaphore(%run_scoped3A_159 : memref<!tpu.dma_semaphore, #tpu.memory_space<semaphore_mem>>) src(%dma_wait3A_187 : memref<40x128xi32, #tpu.memory_space<hbm>>) dst(%arg10 : memref<40x128xi32, #tpu.memory_space<vmem>>)
        tpu.yield
      }) : () -> ()
      %dma_start3A = arith.constant 0 : i32
      %dma_start3A_19 = arith.constant 0 : i32
      %dma_start3A_20 = tpu.memref_slice %arg9[%dma_start3A, %dma_start3A_19] : memref<40x128xi32, #tpu.memory_space<vmem>> -> memref<1x128xi32, #tpu.memory_space<vmem>>
      %dma_start3A_21 = tpu.memref_squeeze %dma_start3A_20 : memref<1x128xi32, #tpu.memory_space<vmem>> -> memref<128xi32, #tpu.memory_space<vmem>>
      %dma_start3A_22 = arith.constant 0 : i32
      %dma_start3A_23 = arith.constant 0 : i32
      %dma_start3A_24 = tpu.memref_slice %arg3[%dma_start3A_22, %dma_start3A_23] : memref<10240x128xf32, #tpu.memory_space<hbm>> -> memref<10240x128xf32, #tpu.memory_space<hbm>>
      tpu.enqueue_indirect_dma source(%dma_start3A_24 : memref<10240x128xf32, #tpu.memory_space<hbm>>) target(%arg11 : memref<128x128xf32, #tpu.memory_space<vmem>>) offsets(%dma_start3A_21 : memref<128xi32, #tpu.memory_space<vmem>>) semaphore(%arg14 : memref<!tpu.dma_semaphore, #tpu.memory_space<semaphore_mem>>)
      %scan3A = arith.constant 0 : i32
      %scan3A_25 = arith.constant 0 : i32
      %scan3A_26 = arith.constant 19 : i32
      %scan3A_27 = arith.addi %scan3A_25, %scan3A_26 : i32
      %scan3A_28 = arith.constant 1 : i32
      scf.for %scan3A_159 = %scan3A_25 to %scan3A_27 step %scan3A_28  : i32 {
        %mul3A_160 = arith.constant 2 : i32
        %mul3A_161 = arith.muli %mul3A_160, %scan3A_159 : i32
        %add3A = arith.constant 1 : i32
        %add3A_162 = arith.addi %mul3A_161, %add3A : i32
        %dma_start3A_163 = arith.constant 0 : i32
        %dma_start3A_164 = tpu.memref_slice %arg9[%add3A_162, %dma_start3A_163] : memref<40x128xi32, #tpu.memory_space<vmem>> -> memref<1x128xi32, #tpu.memory_space<vmem>>
        %dma_start3A_165 = tpu.memref_squeeze %dma_start3A_164 : memref<1x128xi32, #tpu.memory_space<vmem>> -> memref<128xi32, #tpu.memory_space<vmem>>
        %dma_start3A_166 = arith.constant 0 : i32
        %dma_start3A_167 = arith.constant 0 : i32
        %dma_start3A_168 = tpu.memref_slice %arg3[%dma_start3A_166, %dma_start3A_167] : memref<10240x128xf32, #tpu.memory_space<hbm>> -> memref<10240x128xf32, #tpu.memory_space<hbm>>
        tpu.enqueue_indirect_dma source(%dma_start3A_168 : memref<10240x128xf32, #tpu.memory_space<hbm>>) target(%arg12 : memref<128x128xf32, #tpu.memory_space<vmem>>) offsets(%dma_start3A_165 : memref<128xi32, #tpu.memory_space<vmem>>) semaphore(%arg15 : memref<!tpu.dma_semaphore, #tpu.memory_space<semaphore_mem>>)
        %dma_wait3A_169 = arith.constant 0 : i32
        %dma_wait3A_170 = tpu.memref_slice %arg9[%mul3A_161, %dma_wait3A_169] : memref<40x128xi32, #tpu.memory_space<vmem>> -> memref<1x128xi32, #tpu.memory_space<vmem>>
        %dma_wait3A_171 = tpu.memref_squeeze %dma_wait3A_170 : memref<1x128xi32, #tpu.memory_space<vmem>> -> memref<128xi32, #tpu.memory_space<vmem>>
        %dma_wait3A_172 = arith.constant 0 : i32
        %dma_wait3A_173 = arith.constant 0 : i32
        %dma_wait3A_174 = tpu.memref_slice %arg3[%dma_wait3A_172, %dma_wait3A_173] : memref<10240x128xf32, #tpu.memory_space<hbm>> -> memref<10240x128xf32, #tpu.memory_space<hbm>>
        tpu.wait_indirect_dma semaphore(%arg14 : memref<!tpu.dma_semaphore, #tpu.memory_space<semaphore_mem>>) src(%dma_wait3A_174 : memref<10240x128xf32, #tpu.memory_space<hbm>>) dst(%arg11 : memref<128x128xf32, #tpu.memory_space<vmem>>)
        "tpu.region"() ({
          %run_scoped3A_193 = tpu.sem_alloc : memref<!tpu.dma_semaphore, #tpu.memory_space<semaphore_mem>>
          %dma_start3A_194 = arith.constant 0 : i32
          %dma_start3A_195 = tpu.memref_slice %arg10[%mul3A_161, %dma_start3A_194] : memref<40x128xi32, #tpu.memory_space<vmem>> -> memref<1x128xi32, #tpu.memory_space<vmem>>
          %dma_start3A_196 = tpu.memref_squeeze %dma_start3A_195 : memref<1x128xi32, #tpu.memory_space<vmem>> -> memref<128xi32, #tpu.memory_space<vmem>>
          %dma_start3A_197 = arith.constant 0 : i32
          %dma_start3A_198 = arith.constant 0 : i32
          %dma_start3A_199 = tpu.memref_slice %arg13[%dma_start3A_197, %dma_start3A_198] : memref<10240x128xf32, #tpu.memory_space<vmem_shared>> -> memref<10240x128xf32, #tpu.memory_space<vmem_shared>>
          tpu.enqueue_indirect_dma source(%arg11 : memref<128x128xf32, #tpu.memory_space<vmem>>) target(%dma_start3A_199 : memref<10240x128xf32, #tpu.memory_space<vmem_shared>>) offsets(%dma_start3A_196 : memref<128xi32, #tpu.memory_space<vmem>>) semaphore(%run_scoped3A_193 : memref<!tpu.dma_semaphore, #tpu.memory_space<semaphore_mem>>) {add = true}
          %dma_wait3A_200 = arith.constant 0 : i32
          %dma_wait3A_201 = tpu.memref_slice %arg10[%mul3A_161, %dma_wait3A_200] : memref<40x128xi32, #tpu.memory_space<vmem>> -> memref<1x128xi32, #tpu.memory_space<vmem>>
          %dma_wait3A_202 = tpu.memref_squeeze %dma_wait3A_201 : memref<1x128xi32, #tpu.memory_space<vmem>> -> memref<128xi32, #tpu.memory_space<vmem>>
          %dma_wait3A_203 = arith.constant 0 : i32
          %dma_wait3A_204 = arith.constant 0 : i32
          %dma_wait3A_205 = tpu.memref_slice %arg13[%dma_wait3A_203, %dma_wait3A_204] : memref<10240x128xf32, #tpu.memory_space<vmem_shared>> -> memref<10240x128xf32, #tpu.memory_space<vmem_shared>>
          tpu.wait_indirect_dma semaphore(%run_scoped3A_193 : memref<!tpu.dma_semaphore, #tpu.memory_space<semaphore_mem>>) src(%arg11 : memref<128x128xf32, #tpu.memory_space<vmem>>) dst(%dma_wait3A_205 : memref<10240x128xf32, #tpu.memory_space<vmem_shared>>)
          tpu.yield
        }) : () -> ()
        %add3A_175 = arith.constant 2 : i32
        %add3A_176 = arith.addi %mul3A_161, %add3A_175 : i32
        %dma_start3A_177 = arith.constant 0 : i32
        %dma_start3A_178 = tpu.memref_slice %arg9[%add3A_176, %dma_start3A_177] : memref<40x128xi32, #tpu.memory_space<vmem>> -> memref<1x128xi32, #tpu.memory_space<vmem>>
        %dma_start3A_179 = tpu.memref_squeeze %dma_start3A_178 : memref<1x128xi32, #tpu.memory_space<vmem>> -> memref<128xi32, #tpu.memory_space<vmem>>
        %dma_start3A_180 = arith.constant 0 : i32
        %dma_start3A_181 = arith.constant 0 : i32
        %dma_start3A_182 = tpu.memref_slice %arg3[%dma_start3A_180, %dma_start3A_181] : memref<10240x128xf32, #tpu.memory_space<hbm>> -> memref<10240x128xf32, #tpu.memory_space<hbm>>
        tpu.enqueue_indirect_dma source(%dma_start3A_182 : memref<10240x128xf32, #tpu.memory_space<hbm>>) target(%arg11 : memref<128x128xf32, #tpu.memory_space<vmem>>) offsets(%dma_start3A_179 : memref<128xi32, #tpu.memory_space<vmem>>) semaphore(%arg14 : memref<!tpu.dma_semaphore, #tpu.memory_space<semaphore_mem>>)
        %add3A_183 = arith.constant 1 : i32
        %add3A_184 = arith.addi %mul3A_161, %add3A_183 : i32
        %dma_wait3A_185 = arith.constant 0 : i32
        %dma_wait3A_186 = tpu.memref_slice %arg9[%add3A_184, %dma_wait3A_185] : memref<40x128xi32, #tpu.memory_space<vmem>> -> memref<1x128xi32, #tpu.memory_space<vmem>>
        %dma_wait3A_187 = tpu.memref_squeeze %dma_wait3A_186 : memref<1x128xi32, #tpu.memory_space<vmem>> -> memref<128xi32, #tpu.memory_space<vmem>>
        %dma_wait3A_188 = arith.constant 0 : i32
        %dma_wait3A_189 = arith.constant 0 : i32
        %dma_wait3A_190 = tpu.memref_slice %arg3[%dma_wait3A_188, %dma_wait3A_189] : memref<10240x128xf32, #tpu.memory_space<hbm>> -> memref<10240x128xf32, #tpu.memory_space<hbm>>
        tpu.wait_indirect_dma semaphore(%arg15 : memref<!tpu.dma_semaphore, #tpu.memory_space<semaphore_mem>>) src(%dma_wait3A_190 : memref<10240x128xf32, #tpu.memory_space<hbm>>) dst(%arg12 : memref<128x128xf32, #tpu.memory_space<vmem>>)
        %add3A_191 = arith.constant 1 : i32
        %add3A_192 = arith.addi %mul3A_161, %add3A_191 : i32
        "tpu.region"() ({
          %run_scoped3A_193 = tpu.sem_alloc : memref<!tpu.dma_semaphore, #tpu.memory_space<semaphore_mem>>
          %dma_start3A_194 = arith.constant 0 : i32
          %dma_start3A_195 = tpu.memref_slice %arg10[%add3A_192, %dma_start3A_194] : memref<40x128xi32, #tpu.memory_space<vmem>> -> memref<1x128xi32, #tpu.memory_space<vmem>>
          %dma_start3A_196 = tpu.memref_squeeze %dma_start3A_195 : memref<1x128xi32, #tpu.memory_space<vmem>> -> memref<128xi32, #tpu.memory_space<vmem>>
          %dma_start3A_197 = arith.constant 0 : i32
          %dma_start3A_198 = arith.constant 0 : i32
          %dma_start3A_199 = tpu.memref_slice %arg13[%dma_start3A_197, %dma_start3A_198] : memref<10240x128xf32, #tpu.memory_space<vmem_shared>> -> memref<10240x128xf32, #tpu.memory_space<vmem_shared>>
          tpu.enqueue_indirect_dma source(%arg12 : memref<128x128xf32, #tpu.memory_space<vmem>>) target(%dma_start3A_199 : memref<10240x128xf32, #tpu.memory_space<vmem_shared>>) offsets(%dma_start3A_196 : memref<128xi32, #tpu.memory_space<vmem>>) semaphore(%run_scoped3A_193 : memref<!tpu.dma_semaphore, #tpu.memory_space<semaphore_mem>>) {add = true}
          %dma_wait3A_200 = arith.constant 0 : i32
          %dma_wait3A_201 = tpu.memref_slice %arg10[%add3A_192, %dma_wait3A_200] : memref<40x128xi32, #tpu.memory_space<vmem>> -> memref<1x128xi32, #tpu.memory_space<vmem>>
          %dma_wait3A_202 = tpu.memref_squeeze %dma_wait3A_201 : memref<1x128xi32, #tpu.memory_space<vmem>> -> memref<128xi32, #tpu.memory_space<vmem>>
          %dma_wait3A_203 = arith.constant 0 : i32
          %dma_wait3A_204 = arith.constant 0 : i32
          %dma_wait3A_205 = tpu.memref_slice %arg13[%dma_wait3A_203, %dma_wait3A_204] : memref<10240x128xf32, #tpu.memory_space<vmem_shared>> -> memref<10240x128xf32, #tpu.memory_space<vmem_shared>>
          tpu.wait_indirect_dma semaphore(%run_scoped3A_193 : memref<!tpu.dma_semaphore, #tpu.memory_space<semaphore_mem>>) src(%arg12 : memref<128x128xf32, #tpu.memory_space<vmem>>) dst(%dma_wait3A_205 : memref<10240x128xf32, #tpu.memory_space<vmem_shared>>)
          tpu.yield
        }) : () -> ()
      }
      %scan3A_29 = arith.constant 19 : i32
      %dma_start3A_30 = arith.constant 39 : i32
      %dma_start3A_31 = arith.constant 0 : i32
      %dma_start3A_32 = tpu.memref_slice %arg9[%dma_start3A_30, %dma_start3A_31] : memref<40x128xi32, #tpu.memory_space<vmem>> -> memref<1x128xi32, #tpu.memory_space<vmem>>
      %dma_start3A_33 = tpu.memref_squeeze %dma_start3A_32 : memref<1x128xi32, #tpu.memory_space<vmem>> -> memref<128xi32, #tpu.memory_space<vmem>>
      %dma_start3A_34 = arith.constant 0 : i32
      %dma_start3A_35 = arith.constant 0 : i32
      %dma_start3A_36 = tpu.memref_slice %arg3[%dma_start3A_34, %dma_start3A_35] : memref<10240x128xf32, #tpu.memory_space<hbm>> -> memref<10240x128xf32, #tpu.memory_space<hbm>>
      tpu.enqueue_indirect_dma source(%dma_start3A_36 : memref<10240x128xf32, #tpu.memory_space<hbm>>) target(%arg12 : memref<128x128xf32, #tpu.memory_space<vmem>>) offsets(%dma_start3A_33 : memref<128xi32, #tpu.memory_space<vmem>>) semaphore(%arg15 : memref<!tpu.dma_semaphore, #tpu.memory_space<semaphore_mem>>)
      %dma_wait3A = arith.constant 38 : i32
      %dma_wait3A_37 = arith.constant 0 : i32
      %dma_wait3A_38 = tpu.memref_slice %arg9[%dma_wait3A, %dma_wait3A_37] : memref<40x128xi32, #tpu.memory_space<vmem>> -> memref<1x128xi32, #tpu.memory_space<vmem>>
      %dma_wait3A_39 = tpu.memref_squeeze %dma_wait3A_38 : memref<1x128xi32, #tpu.memory_space<vmem>> -> memref<128xi32, #tpu.memory_space<vmem>>
      %dma_wait3A_40 = arith.constant 0 : i32
      %dma_wait3A_41 = arith.constant 0 : i32
      %dma_wait3A_42 = tpu.memref_slice %arg3[%dma_wait3A_40, %dma_wait3A_41] : memref<10240x128xf32, #tpu.memory_space<hbm>> -> memref<10240x128xf32, #tpu.memory_space<hbm>>
      tpu.wait_indirect_dma semaphore(%arg14 : memref<!tpu.dma_semaphore, #tpu.memory_space<semaphore_mem>>) src(%dma_wait3A_42 : memref<10240x128xf32, #tpu.memory_space<hbm>>) dst(%arg11 : memref<128x128xf32, #tpu.memory_space<vmem>>)
      %run_scoped3A = arith.constant 38 : i32
      "tpu.region"() ({
        %run_scoped3A_159 = tpu.sem_alloc : memref<!tpu.dma_semaphore, #tpu.memory_space<semaphore_mem>>
        %dma_start3A_160 = arith.constant 0 : i32
        %dma_start3A_161 = tpu.memref_slice %arg10[%run_scoped3A, %dma_start3A_160] : memref<40x128xi32, #tpu.memory_space<vmem>> -> memref<1x128xi32, #tpu.memory_space<vmem>>
        %dma_start3A_162 = tpu.memref_squeeze %dma_start3A_161 : memref<1x128xi32, #tpu.memory_space<vmem>> -> memref<128xi32, #tpu.memory_space<vmem>>
        %dma_start3A_163 = arith.constant 0 : i32
        %dma_start3A_164 = arith.constant 0 : i32
        %dma_start3A_165 = tpu.memref_slice %arg13[%dma_start3A_163, %dma_start3A_164] : memref<10240x128xf32, #tpu.memory_space<vmem_shared>> -> memref<10240x128xf32, #tpu.memory_space<vmem_shared>>
        tpu.enqueue_indirect_dma source(%arg11 : memref<128x128xf32, #tpu.memory_space<vmem>>) target(%dma_start3A_165 : memref<10240x128xf32, #tpu.memory_space<vmem_shared>>) offsets(%dma_start3A_162 : memref<128xi32, #tpu.memory_space<vmem>>) semaphore(%run_scoped3A_159 : memref<!tpu.dma_semaphore, #tpu.memory_space<semaphore_mem>>) {add = true}
        %dma_wait3A_166 = arith.constant 0 : i32
        %dma_wait3A_167 = tpu.memref_slice %arg10[%run_scoped3A, %dma_wait3A_166] : memref<40x128xi32, #tpu.memory_space<vmem>> -> memref<1x128xi32, #tpu.memory_space<vmem>>
        %dma_wait3A_168 = tpu.memref_squeeze %dma_wait3A_167 : memref<1x128xi32, #tpu.memory_space<vmem>> -> memref<128xi32, #tpu.memory_space<vmem>>
        %dma_wait3A_169 = arith.constant 0 : i32
        %dma_wait3A_170 = arith.constant 0 : i32
        %dma_wait3A_171 = tpu.memref_slice %arg13[%dma_wait3A_169, %dma_wait3A_170] : memref<10240x128xf32, #tpu.memory_space<vmem_shared>> -> memref<10240x128xf32, #tpu.memory_space<vmem_shared>>
        tpu.wait_indirect_dma semaphore(%run_scoped3A_159 : memref<!tpu.dma_semaphore, #tpu.memory_space<semaphore_mem>>) src(%arg11 : memref<128x128xf32, #tpu.memory_space<vmem>>) dst(%dma_wait3A_171 : memref<10240x128xf32, #tpu.memory_space<vmem_shared>>)
        tpu.yield
      }) : () -> ()
      %dma_wait3A_43 = arith.constant 39 : i32
      %dma_wait3A_44 = arith.constant 0 : i32
      %dma_wait3A_45 = tpu.memref_slice %arg9[%dma_wait3A_43, %dma_wait3A_44] : memref<40x128xi32, #tpu.memory_space<vmem>> -> memref<1x128xi32, #tpu.memory_space<vmem>>
      %dma_wait3A_46 = tpu.memref_squeeze %dma_wait3A_45 : memref<1x128xi32, #tpu.memory_space<vmem>> -> memref<128xi32, #tpu.memory_space<vmem>>
      %dma_wait3A_47 = arith.constant 0 : i32
      %dma_wait3A_48 = arith.constant 0 : i32
      %dma_wait3A_49 = tpu.memref_slice %arg3[%dma_wait3A_47, %dma_wait3A_48] : memref<10240x128xf32, #tpu.memory_space<hbm>> -> memref<10240x128xf32, #tpu.memory_space<hbm>>
      tpu.wait_indirect_dma semaphore(%arg15 : memref<!tpu.dma_semaphore, #tpu.memory_space<semaphore_mem>>) src(%dma_wait3A_49 : memref<10240x128xf32, #tpu.memory_space<hbm>>) dst(%arg12 : memref<128x128xf32, #tpu.memory_space<vmem>>)
      %run_scoped3A_50 = arith.constant 39 : i32
      "tpu.region"() ({
        %run_scoped3A_159 = tpu.sem_alloc : memref<!tpu.dma_semaphore, #tpu.memory_space<semaphore_mem>>
        %dma_start3A_160 = arith.constant 0 : i32
        %dma_start3A_161 = tpu.memref_slice %arg10[%run_scoped3A_50, %dma_start3A_160] : memref<40x128xi32, #tpu.memory_space<vmem>> -> memref<1x128xi32, #tpu.memory_space<vmem>>
        %dma_start3A_162 = tpu.memref_squeeze %dma_start3A_161 : memref<1x128xi32, #tpu.memory_space<vmem>> -> memref<128xi32, #tpu.memory_space<vmem>>
        %dma_start3A_163 = arith.constant 0 : i32
        %dma_start3A_164 = arith.constant 0 : i32
        %dma_start3A_165 = tpu.memref_slice %arg13[%dma_start3A_163, %dma_start3A_164] : memref<10240x128xf32, #tpu.memory_space<vmem_shared>> -> memref<10240x128xf32, #tpu.memory_space<vmem_shared>>
        tpu.enqueue_indirect_dma source(%arg12 : memref<128x128xf32, #tpu.memory_space<vmem>>) target(%dma_start3A_165 : memref<10240x128xf32, #tpu.memory_space<vmem_shared>>) offsets(%dma_start3A_162 : memref<128xi32, #tpu.memory_space<vmem>>) semaphore(%run_scoped3A_159 : memref<!tpu.dma_semaphore, #tpu.memory_space<semaphore_mem>>) {add = true}
        %dma_wait3A_166 = arith.constant 0 : i32
        %dma_wait3A_167 = tpu.memref_slice %arg10[%run_scoped3A_50, %dma_wait3A_166] : memref<40x128xi32, #tpu.memory_space<vmem>> -> memref<1x128xi32, #tpu.memory_space<vmem>>
        %dma_wait3A_168 = tpu.memref_squeeze %dma_wait3A_167 : memref<1x128xi32, #tpu.memory_space<vmem>> -> memref<128xi32, #tpu.memory_space<vmem>>
        %dma_wait3A_169 = arith.constant 0 : i32
        %dma_wait3A_170 = arith.constant 0 : i32
        %dma_wait3A_171 = tpu.memref_slice %arg13[%dma_wait3A_169, %dma_wait3A_170] : memref<10240x128xf32, #tpu.memory_space<vmem_shared>> -> memref<10240x128xf32, #tpu.memory_space<vmem_shared>>
        tpu.wait_indirect_dma semaphore(%run_scoped3A_159 : memref<!tpu.dma_semaphore, #tpu.memory_space<semaphore_mem>>) src(%arg12 : memref<128x128xf32, #tpu.memory_space<vmem>>) dst(%dma_wait3A_171 : memref<10240x128xf32, #tpu.memory_space<vmem_shared>>)
        tpu.yield
      }) : () -> ()
      "tpu.region"() ({
        %run_scoped3A_159 = tpu.sem_alloc : memref<!tpu.dma_semaphore, #tpu.memory_space<semaphore_mem>>
        %dma_start3A_160 = arith.constant 0 : i32
        %dma_start3A_161 = arith.constant 0 : i32
        %dma_start3A_162 = tpu.memref_slice %arg4[%arg1, %dma_start3A_160, %dma_start3A_161] : memref<16x160x128xi32, #tpu.memory_space<hbm>> -> memref<1x160x128xi32, #tpu.memory_space<hbm>>
        %dma_start3A_163 = tpu.memref_squeeze %dma_start3A_162 : memref<1x160x128xi32, #tpu.memory_space<hbm>> -> memref<160x128xi32, #tpu.memory_space<hbm>>
        %dma_start3A_164 = arith.constant 40 : i32
        %dma_start3A_165 = arith.constant 0 : i32
        %dma_start3A_166 = tpu.memref_slice %dma_start3A_163[%dma_start3A_164, %dma_start3A_165] : memref<160x128xi32, #tpu.memory_space<hbm>> -> memref<40x128xi32, #tpu.memory_space<hbm>>
        %dma_start3A_167 = arith.constant 0 : i32
        %dma_start3A_168 = arith.constant 0 : i32
        %dma_start3A_169 = tpu.memref_slice %arg4[%arg1, %dma_start3A_167, %dma_start3A_168] : memref<16x160x128xi32, #tpu.memory_space<hbm>> -> memref<1x160x128xi32, #tpu.memory_space<hbm>>
        %dma_start3A_170 = tpu.memref_squeeze %dma_start3A_169 : memref<1x160x128xi32, #tpu.memory_space<hbm>> -> memref<160x128xi32, #tpu.memory_space<hbm>>
        %dma_start3A_171 = arith.constant 40 : i32
        %dma_start3A_172 = arith.constant 0 : i32
        %dma_start3A_173 = tpu.memref_slice %dma_start3A_170[%dma_start3A_171, %dma_start3A_172] : memref<160x128xi32, #tpu.memory_space<hbm>> -> memref<40x128xi32, #tpu.memory_space<hbm>>
        tpu.enqueue_dma source(%dma_start3A_173 : memref<40x128xi32, #tpu.memory_space<hbm>>) target(%arg9 : memref<40x128xi32, #tpu.memory_space<vmem>>) target_semaphore(%run_scoped3A_159 : memref<!tpu.dma_semaphore, #tpu.memory_space<semaphore_mem>>)
        %dma_wait3A_174 = arith.constant 0 : i32
        %dma_wait3A_175 = arith.constant 0 : i32
        %dma_wait3A_176 = tpu.memref_slice %arg4[%arg1, %dma_wait3A_174, %dma_wait3A_175] : memref<16x160x128xi32, #tpu.memory_space<hbm>> -> memref<1x160x128xi32, #tpu.memory_space<hbm>>
        %dma_wait3A_177 = tpu.memref_squeeze %dma_wait3A_176 : memref<1x160x128xi32, #tpu.memory_space<hbm>> -> memref<160x128xi32, #tpu.memory_space<hbm>>
        %dma_wait3A_178 = arith.constant 40 : i32
        %dma_wait3A_179 = arith.constant 0 : i32
        %dma_wait3A_180 = tpu.memref_slice %dma_wait3A_177[%dma_wait3A_178, %dma_wait3A_179] : memref<160x128xi32, #tpu.memory_space<hbm>> -> memref<40x128xi32, #tpu.memory_space<hbm>>
        %dma_wait3A_181 = arith.constant 0 : i32
        %dma_wait3A_182 = arith.constant 0 : i32
        %dma_wait3A_183 = tpu.memref_slice %arg4[%arg1, %dma_wait3A_181, %dma_wait3A_182] : memref<16x160x128xi32, #tpu.memory_space<hbm>> -> memref<1x160x128xi32, #tpu.memory_space<hbm>>
        %dma_wait3A_184 = tpu.memref_squeeze %dma_wait3A_183 : memref<1x160x128xi32, #tpu.memory_space<hbm>> -> memref<160x128xi32, #tpu.memory_space<hbm>>
        %dma_wait3A_185 = arith.constant 40 : i32
        %dma_wait3A_186 = arith.constant 0 : i32
        %dma_wait3A_187 = tpu.memref_slice %dma_wait3A_184[%dma_wait3A_185, %dma_wait3A_186] : memref<160x128xi32, #tpu.memory_space<hbm>> -> memref<40x128xi32, #tpu.memory_space<hbm>>
        tpu.wait_dma2 semaphore(%run_scoped3A_159 : memref<!tpu.dma_semaphore, #tpu.memory_space<semaphore_mem>>) src(%dma_wait3A_187 : memref<40x128xi32, #tpu.memory_space<hbm>>) dst(%arg9 : memref<40x128xi32, #tpu.memory_space<vmem>>)
        tpu.yield
      }) : () -> ()
      "tpu.region"() ({
        %run_scoped3A_159 = tpu.sem_alloc : memref<!tpu.dma_semaphore, #tpu.memory_space<semaphore_mem>>
        %dma_start3A_160 = arith.constant 0 : i32
        %dma_start3A_161 = arith.constant 0 : i32
        %dma_start3A_162 = tpu.memref_slice %arg5[%arg1, %dma_start3A_160, %dma_start3A_161] : memref<16x160x128xi32, #tpu.memory_space<hbm>> -> memref<1x160x128xi32, #tpu.memory_space<hbm>>
        %dma_start3A_163 = tpu.memref_squeeze %dma_start3A_162 : memref<1x160x128xi32, #tpu.memory_space<hbm>> -> memref<160x128xi32, #tpu.memory_space<hbm>>
        %dma_start3A_164 = arith.constant 40 : i32
        %dma_start3A_165 = arith.constant 0 : i32
        %dma_start3A_166 = tpu.memref_slice %dma_start3A_163[%dma_start3A_164, %dma_start3A_165] : memref<160x128xi32, #tpu.memory_space<hbm>> -> memref<40x128xi32, #tpu.memory_space<hbm>>
        %dma_start3A_167 = arith.constant 0 : i32
        %dma_start3A_168 = arith.constant 0 : i32
        %dma_start3A_169 = tpu.memref_slice %arg5[%arg1, %dma_start3A_167, %dma_start3A_168] : memref<16x160x128xi32, #tpu.memory_space<hbm>> -> memref<1x160x128xi32, #tpu.memory_space<hbm>>
        %dma_start3A_170 = tpu.memref_squeeze %dma_start3A_169 : memref<1x160x128xi32, #tpu.memory_space<hbm>> -> memref<160x128xi32, #tpu.memory_space<hbm>>
        %dma_start3A_171 = arith.constant 40 : i32
        %dma_start3A_172 = arith.constant 0 : i32
        %dma_start3A_173 = tpu.memref_slice %dma_start3A_170[%dma_start3A_171, %dma_start3A_172] : memref<160x128xi32, #tpu.memory_space<hbm>> -> memref<40x128xi32, #tpu.memory_space<hbm>>
        tpu.enqueue_dma source(%dma_start3A_173 : memref<40x128xi32, #tpu.memory_space<hbm>>) target(%arg10 : memref<40x128xi32, #tpu.memory_space<vmem>>) target_semaphore(%run_scoped3A_159 : memref<!tpu.dma_semaphore, #tpu.memory_space<semaphore_mem>>)
        %dma_wait3A_174 = arith.constant 0 : i32
        %dma_wait3A_175 = arith.constant 0 : i32
        %dma_wait3A_176 = tpu.memref_slice %arg5[%arg1, %dma_wait3A_174, %dma_wait3A_175] : memref<16x160x128xi32, #tpu.memory_space<hbm>> -> memref<1x160x128xi32, #tpu.memory_space<hbm>>
        %dma_wait3A_177 = tpu.memref_squeeze %dma_wait3A_176 : memref<1x160x128xi32, #tpu.memory_space<hbm>> -> memref<160x128xi32, #tpu.memory_space<hbm>>
        %dma_wait3A_178 = arith.constant 40 : i32
        %dma_wait3A_179 = arith.constant 0 : i32
        %dma_wait3A_180 = tpu.memref_slice %dma_wait3A_177[%dma_wait3A_178, %dma_wait3A_179] : memref<160x128xi32, #tpu.memory_space<hbm>> -> memref<40x128xi32, #tpu.memory_space<hbm>>
        %dma_wait3A_181 = arith.constant 0 : i32
        %dma_wait3A_182 = arith.constant 0 : i32
        %dma_wait3A_183 = tpu.memref_slice %arg5[%arg1, %dma_wait3A_181, %dma_wait3A_182] : memref<16x160x128xi32, #tpu.memory_space<hbm>> -> memref<1x160x128xi32, #tpu.memory_space<hbm>>
        %dma_wait3A_184 = tpu.memref_squeeze %dma_wait3A_183 : memref<1x160x128xi32, #tpu.memory_space<hbm>> -> memref<160x128xi32, #tpu.memory_space<hbm>>
        %dma_wait3A_185 = arith.constant 40 : i32
        %dma_wait3A_186 = arith.constant 0 : i32
        %dma_wait3A_187 = tpu.memref_slice %dma_wait3A_184[%dma_wait3A_185, %dma_wait3A_186] : memref<160x128xi32, #tpu.memory_space<hbm>> -> memref<40x128xi32, #tpu.memory_space<hbm>>
        tpu.wait_dma2 semaphore(%run_scoped3A_159 : memref<!tpu.dma_semaphore, #tpu.memory_space<semaphore_mem>>) src(%dma_wait3A_187 : memref<40x128xi32, #tpu.memory_space<hbm>>) dst(%arg10 : memref<40x128xi32, #tpu.memory_space<vmem>>)
        tpu.yield
      }) : () -> ()
      %dma_start3A_51 = arith.constant 0 : i32
      %dma_start3A_52 = arith.constant 0 : i32
      %dma_start3A_53 = tpu.memref_slice %arg9[%dma_start3A_51, %dma_start3A_52] : memref<40x128xi32, #tpu.memory_space<vmem>> -> memref<1x128xi32, #tpu.memory_space<vmem>>
      %dma_start3A_54 = tpu.memref_squeeze %dma_start3A_53 : memref<1x128xi32, #tpu.memory_space<vmem>> -> memref<128xi32, #tpu.memory_space<vmem>>
      %dma_start3A_55 = arith.constant 0 : i32
      %dma_start3A_56 = arith.constant 0 : i32
      %dma_start3A_57 = tpu.memref_slice %arg3[%dma_start3A_55, %dma_start3A_56] : memref<10240x128xf32, #tpu.memory_space<hbm>> -> memref<10240x128xf32, #tpu.memory_space<hbm>>
      tpu.enqueue_indirect_dma source(%dma_start3A_57 : memref<10240x128xf32, #tpu.memory_space<hbm>>) target(%arg11 : memref<128x128xf32, #tpu.memory_space<vmem>>) offsets(%dma_start3A_54 : memref<128xi32, #tpu.memory_space<vmem>>) semaphore(%arg14 : memref<!tpu.dma_semaphore, #tpu.memory_space<semaphore_mem>>)
      %scan3A_58 = arith.constant 0 : i32
      %scan3A_59 = arith.constant 0 : i32
      %scan3A_60 = arith.constant 19 : i32
      %scan3A_61 = arith.addi %scan3A_59, %scan3A_60 : i32
      %scan3A_62 = arith.constant 1 : i32
      scf.for %scan3A_159 = %scan3A_59 to %scan3A_61 step %scan3A_62  : i32 {
        %mul3A_160 = arith.constant 2 : i32
        %mul3A_161 = arith.muli %mul3A_160, %scan3A_159 : i32
        %add3A = arith.constant 1 : i32
        %add3A_162 = arith.addi %mul3A_161, %add3A : i32
        %dma_start3A_163 = arith.constant 0 : i32
        %dma_start3A_164 = tpu.memref_slice %arg9[%add3A_162, %dma_start3A_163] : memref<40x128xi32, #tpu.memory_space<vmem>> -> memref<1x128xi32, #tpu.memory_space<vmem>>
        %dma_start3A_165 = tpu.memref_squeeze %dma_start3A_164 : memref<1x128xi32, #tpu.memory_space<vmem>> -> memref<128xi32, #tpu.memory_space<vmem>>
        %dma_start3A_166 = arith.constant 0 : i32
        %dma_start3A_167 = arith.constant 0 : i32
        %dma_start3A_168 = tpu.memref_slice %arg3[%dma_start3A_166, %dma_start3A_167] : memref<10240x128xf32, #tpu.memory_space<hbm>> -> memref<10240x128xf32, #tpu.memory_space<hbm>>
        tpu.enqueue_indirect_dma source(%dma_start3A_168 : memref<10240x128xf32, #tpu.memory_space<hbm>>) target(%arg12 : memref<128x128xf32, #tpu.memory_space<vmem>>) offsets(%dma_start3A_165 : memref<128xi32, #tpu.memory_space<vmem>>) semaphore(%arg15 : memref<!tpu.dma_semaphore, #tpu.memory_space<semaphore_mem>>)
        %dma_wait3A_169 = arith.constant 0 : i32
        %dma_wait3A_170 = tpu.memref_slice %arg9[%mul3A_161, %dma_wait3A_169] : memref<40x128xi32, #tpu.memory_space<vmem>> -> memref<1x128xi32, #tpu.memory_space<vmem>>
        %dma_wait3A_171 = tpu.memref_squeeze %dma_wait3A_170 : memref<1x128xi32, #tpu.memory_space<vmem>> -> memref<128xi32, #tpu.memory_space<vmem>>
        %dma_wait3A_172 = arith.constant 0 : i32
        %dma_wait3A_173 = arith.constant 0 : i32
        %dma_wait3A_174 = tpu.memref_slice %arg3[%dma_wait3A_172, %dma_wait3A_173] : memref<10240x128xf32, #tpu.memory_space<hbm>> -> memref<10240x128xf32, #tpu.memory_space<hbm>>
        tpu.wait_indirect_dma semaphore(%arg14 : memref<!tpu.dma_semaphore, #tpu.memory_space<semaphore_mem>>) src(%dma_wait3A_174 : memref<10240x128xf32, #tpu.memory_space<hbm>>) dst(%arg11 : memref<128x128xf32, #tpu.memory_space<vmem>>)
        "tpu.region"() ({
          %run_scoped3A_193 = tpu.sem_alloc : memref<!tpu.dma_semaphore, #tpu.memory_space<semaphore_mem>>
          %dma_start3A_194 = arith.constant 0 : i32
          %dma_start3A_195 = tpu.memref_slice %arg10[%mul3A_161, %dma_start3A_194] : memref<40x128xi32, #tpu.memory_space<vmem>> -> memref<1x128xi32, #tpu.memory_space<vmem>>
          %dma_start3A_196 = tpu.memref_squeeze %dma_start3A_195 : memref<1x128xi32, #tpu.memory_space<vmem>> -> memref<128xi32, #tpu.memory_space<vmem>>
          %dma_start3A_197 = arith.constant 0 : i32
          %dma_start3A_198 = arith.constant 0 : i32
          %dma_start3A_199 = tpu.memref_slice %arg13[%dma_start3A_197, %dma_start3A_198] : memref<10240x128xf32, #tpu.memory_space<vmem_shared>> -> memref<10240x128xf32, #tpu.memory_space<vmem_shared>>
          tpu.enqueue_indirect_dma source(%arg11 : memref<128x128xf32, #tpu.memory_space<vmem>>) target(%dma_start3A_199 : memref<10240x128xf32, #tpu.memory_space<vmem_shared>>) offsets(%dma_start3A_196 : memref<128xi32, #tpu.memory_space<vmem>>) semaphore(%run_scoped3A_193 : memref<!tpu.dma_semaphore, #tpu.memory_space<semaphore_mem>>) {add = true}
          %dma_wait3A_200 = arith.constant 0 : i32
          %dma_wait3A_201 = tpu.memref_slice %arg10[%mul3A_161, %dma_wait3A_200] : memref<40x128xi32, #tpu.memory_space<vmem>> -> memref<1x128xi32, #tpu.memory_space<vmem>>
          %dma_wait3A_202 = tpu.memref_squeeze %dma_wait3A_201 : memref<1x128xi32, #tpu.memory_space<vmem>> -> memref<128xi32, #tpu.memory_space<vmem>>
          %dma_wait3A_203 = arith.constant 0 : i32
          %dma_wait3A_204 = arith.constant 0 : i32
          %dma_wait3A_205 = tpu.memref_slice %arg13[%dma_wait3A_203, %dma_wait3A_204] : memref<10240x128xf32, #tpu.memory_space<vmem_shared>> -> memref<10240x128xf32, #tpu.memory_space<vmem_shared>>
          tpu.wait_indirect_dma semaphore(%run_scoped3A_193 : memref<!tpu.dma_semaphore, #tpu.memory_space<semaphore_mem>>) src(%arg11 : memref<128x128xf32, #tpu.memory_space<vmem>>) dst(%dma_wait3A_205 : memref<10240x128xf32, #tpu.memory_space<vmem_shared>>)
          tpu.yield
        }) : () -> ()
        %add3A_175 = arith.constant 2 : i32
        %add3A_176 = arith.addi %mul3A_161, %add3A_175 : i32
        %dma_start3A_177 = arith.constant 0 : i32
        %dma_start3A_178 = tpu.memref_slice %arg9[%add3A_176, %dma_start3A_177] : memref<40x128xi32, #tpu.memory_space<vmem>> -> memref<1x128xi32, #tpu.memory_space<vmem>>
        %dma_start3A_179 = tpu.memref_squeeze %dma_start3A_178 : memref<1x128xi32, #tpu.memory_space<vmem>> -> memref<128xi32, #tpu.memory_space<vmem>>
        %dma_start3A_180 = arith.constant 0 : i32
        %dma_start3A_181 = arith.constant 0 : i32
        %dma_start3A_182 = tpu.memref_slice %arg3[%dma_start3A_180, %dma_start3A_181] : memref<10240x128xf32, #tpu.memory_space<hbm>> -> memref<10240x128xf32, #tpu.memory_space<hbm>>
        tpu.enqueue_indirect_dma source(%dma_start3A_182 : memref<10240x128xf32, #tpu.memory_space<hbm>>) target(%arg11 : memref<128x128xf32, #tpu.memory_space<vmem>>) offsets(%dma_start3A_179 : memref<128xi32, #tpu.memory_space<vmem>>) semaphore(%arg14 : memref<!tpu.dma_semaphore, #tpu.memory_space<semaphore_mem>>)
        %add3A_183 = arith.constant 1 : i32
        %add3A_184 = arith.addi %mul3A_161, %add3A_183 : i32
        %dma_wait3A_185 = arith.constant 0 : i32
        %dma_wait3A_186 = tpu.memref_slice %arg9[%add3A_184, %dma_wait3A_185] : memref<40x128xi32, #tpu.memory_space<vmem>> -> memref<1x128xi32, #tpu.memory_space<vmem>>
        %dma_wait3A_187 = tpu.memref_squeeze %dma_wait3A_186 : memref<1x128xi32, #tpu.memory_space<vmem>> -> memref<128xi32, #tpu.memory_space<vmem>>
        %dma_wait3A_188 = arith.constant 0 : i32
        %dma_wait3A_189 = arith.constant 0 : i32
        %dma_wait3A_190 = tpu.memref_slice %arg3[%dma_wait3A_188, %dma_wait3A_189] : memref<10240x128xf32, #tpu.memory_space<hbm>> -> memref<10240x128xf32, #tpu.memory_space<hbm>>
        tpu.wait_indirect_dma semaphore(%arg15 : memref<!tpu.dma_semaphore, #tpu.memory_space<semaphore_mem>>) src(%dma_wait3A_190 : memref<10240x128xf32, #tpu.memory_space<hbm>>) dst(%arg12 : memref<128x128xf32, #tpu.memory_space<vmem>>)
        %add3A_191 = arith.constant 1 : i32
        %add3A_192 = arith.addi %mul3A_161, %add3A_191 : i32
        "tpu.region"() ({
          %run_scoped3A_193 = tpu.sem_alloc : memref<!tpu.dma_semaphore, #tpu.memory_space<semaphore_mem>>
          %dma_start3A_194 = arith.constant 0 : i32
          %dma_start3A_195 = tpu.memref_slice %arg10[%add3A_192, %dma_start3A_194] : memref<40x128xi32, #tpu.memory_space<vmem>> -> memref<1x128xi32, #tpu.memory_space<vmem>>
          %dma_start3A_196 = tpu.memref_squeeze %dma_start3A_195 : memref<1x128xi32, #tpu.memory_space<vmem>> -> memref<128xi32, #tpu.memory_space<vmem>>
          %dma_start3A_197 = arith.constant 0 : i32
          %dma_start3A_198 = arith.constant 0 : i32
          %dma_start3A_199 = tpu.memref_slice %arg13[%dma_start3A_197, %dma_start3A_198] : memref<10240x128xf32, #tpu.memory_space<vmem_shared>> -> memref<10240x128xf32, #tpu.memory_space<vmem_shared>>
          tpu.enqueue_indirect_dma source(%arg12 : memref<128x128xf32, #tpu.memory_space<vmem>>) target(%dma_start3A_199 : memref<10240x128xf32, #tpu.memory_space<vmem_shared>>) offsets(%dma_start3A_196 : memref<128xi32, #tpu.memory_space<vmem>>) semaphore(%run_scoped3A_193 : memref<!tpu.dma_semaphore, #tpu.memory_space<semaphore_mem>>) {add = true}
          %dma_wait3A_200 = arith.constant 0 : i32
          %dma_wait3A_201 = tpu.memref_slice %arg10[%add3A_192, %dma_wait3A_200] : memref<40x128xi32, #tpu.memory_space<vmem>> -> memref<1x128xi32, #tpu.memory_space<vmem>>
          %dma_wait3A_202 = tpu.memref_squeeze %dma_wait3A_201 : memref<1x128xi32, #tpu.memory_space<vmem>> -> memref<128xi32, #tpu.memory_space<vmem>>
          %dma_wait3A_203 = arith.constant 0 : i32
          %dma_wait3A_204 = arith.constant 0 : i32
          %dma_wait3A_205 = tpu.memref_slice %arg13[%dma_wait3A_203, %dma_wait3A_204] : memref<10240x128xf32, #tpu.memory_space<vmem_shared>> -> memref<10240x128xf32, #tpu.memory_space<vmem_shared>>
          tpu.wait_indirect_dma semaphore(%run_scoped3A_193 : memref<!tpu.dma_semaphore, #tpu.memory_space<semaphore_mem>>) src(%arg12 : memref<128x128xf32, #tpu.memory_space<vmem>>) dst(%dma_wait3A_205 : memref<10240x128xf32, #tpu.memory_space<vmem_shared>>)
          tpu.yield
        }) : () -> ()
      }
      %scan3A_63 = arith.constant 19 : i32
      %dma_start3A_64 = arith.constant 39 : i32
      %dma_start3A_65 = arith.constant 0 : i32
      %dma_start3A_66 = tpu.memref_slice %arg9[%dma_start3A_64, %dma_start3A_65] : memref<40x128xi32, #tpu.memory_space<vmem>> -> memref<1x128xi32, #tpu.memory_space<vmem>>
      %dma_start3A_67 = tpu.memref_squeeze %dma_start3A_66 : memref<1x128xi32, #tpu.memory_space<vmem>> -> memref<128xi32, #tpu.memory_space<vmem>>
      %dma_start3A_68 = arith.constant 0 : i32
      %dma_start3A_69 = arith.constant 0 : i32
      %dma_start3A_70 = tpu.memref_slice %arg3[%dma_start3A_68, %dma_start3A_69] : memref<10240x128xf32, #tpu.memory_space<hbm>> -> memref<10240x128xf32, #tpu.memory_space<hbm>>
      tpu.enqueue_indirect_dma source(%dma_start3A_70 : memref<10240x128xf32, #tpu.memory_space<hbm>>) target(%arg12 : memref<128x128xf32, #tpu.memory_space<vmem>>) offsets(%dma_start3A_67 : memref<128xi32, #tpu.memory_space<vmem>>) semaphore(%arg15 : memref<!tpu.dma_semaphore, #tpu.memory_space<semaphore_mem>>)
      %dma_wait3A_71 = arith.constant 38 : i32
      %dma_wait3A_72 = arith.constant 0 : i32
      %dma_wait3A_73 = tpu.memref_slice %arg9[%dma_wait3A_71, %dma_wait3A_72] : memref<40x128xi32, #tpu.memory_space<vmem>> -> memref<1x128xi32, #tpu.memory_space<vmem>>
      %dma_wait3A_74 = tpu.memref_squeeze %dma_wait3A_73 : memref<1x128xi32, #tpu.memory_space<vmem>> -> memref<128xi32, #tpu.memory_space<vmem>>
      %dma_wait3A_75 = arith.constant 0 : i32
      %dma_wait3A_76 = arith.constant 0 : i32
      %dma_wait3A_77 = tpu.memref_slice %arg3[%dma_wait3A_75, %dma_wait3A_76] : memref<10240x128xf32, #tpu.memory_space<hbm>> -> memref<10240x128xf32, #tpu.memory_space<hbm>>
      tpu.wait_indirect_dma semaphore(%arg14 : memref<!tpu.dma_semaphore, #tpu.memory_space<semaphore_mem>>) src(%dma_wait3A_77 : memref<10240x128xf32, #tpu.memory_space<hbm>>) dst(%arg11 : memref<128x128xf32, #tpu.memory_space<vmem>>)
      %run_scoped3A_78 = arith.constant 38 : i32
      "tpu.region"() ({
        %run_scoped3A_159 = tpu.sem_alloc : memref<!tpu.dma_semaphore, #tpu.memory_space<semaphore_mem>>
        %dma_start3A_160 = arith.constant 0 : i32
        %dma_start3A_161 = tpu.memref_slice %arg10[%run_scoped3A_78, %dma_start3A_160] : memref<40x128xi32, #tpu.memory_space<vmem>> -> memref<1x128xi32, #tpu.memory_space<vmem>>
        %dma_start3A_162 = tpu.memref_squeeze %dma_start3A_161 : memref<1x128xi32, #tpu.memory_space<vmem>> -> memref<128xi32, #tpu.memory_space<vmem>>
        %dma_start3A_163 = arith.constant 0 : i32
        %dma_start3A_164 = arith.constant 0 : i32
        %dma_start3A_165 = tpu.memref_slice %arg13[%dma_start3A_163, %dma_start3A_164] : memref<10240x128xf32, #tpu.memory_space<vmem_shared>> -> memref<10240x128xf32, #tpu.memory_space<vmem_shared>>
        tpu.enqueue_indirect_dma source(%arg11 : memref<128x128xf32, #tpu.memory_space<vmem>>) target(%dma_start3A_165 : memref<10240x128xf32, #tpu.memory_space<vmem_shared>>) offsets(%dma_start3A_162 : memref<128xi32, #tpu.memory_space<vmem>>) semaphore(%run_scoped3A_159 : memref<!tpu.dma_semaphore, #tpu.memory_space<semaphore_mem>>) {add = true}
        %dma_wait3A_166 = arith.constant 0 : i32
        %dma_wait3A_167 = tpu.memref_slice %arg10[%run_scoped3A_78, %dma_wait3A_166] : memref<40x128xi32, #tpu.memory_space<vmem>> -> memref<1x128xi32, #tpu.memory_space<vmem>>
        %dma_wait3A_168 = tpu.memref_squeeze %dma_wait3A_167 : memref<1x128xi32, #tpu.memory_space<vmem>> -> memref<128xi32, #tpu.memory_space<vmem>>
        %dma_wait3A_169 = arith.constant 0 : i32
        %dma_wait3A_170 = arith.constant 0 : i32
        %dma_wait3A_171 = tpu.memref_slice %arg13[%dma_wait3A_169, %dma_wait3A_170] : memref<10240x128xf32, #tpu.memory_space<vmem_shared>> -> memref<10240x128xf32, #tpu.memory_space<vmem_shared>>
        tpu.wait_indirect_dma semaphore(%run_scoped3A_159 : memref<!tpu.dma_semaphore, #tpu.memory_space<semaphore_mem>>) src(%arg11 : memref<128x128xf32, #tpu.memory_space<vmem>>) dst(%dma_wait3A_171 : memref<10240x128xf32, #tpu.memory_space<vmem_shared>>)
        tpu.yield
      }) : () -> ()
      %dma_wait3A_79 = arith.constant 39 : i32
      %dma_wait3A_80 = arith.constant 0 : i32
      %dma_wait3A_81 = tpu.memref_slice %arg9[%dma_wait3A_79, %dma_wait3A_80] : memref<40x128xi32, #tpu.memory_space<vmem>> -> memref<1x128xi32, #tpu.memory_space<vmem>>
      %dma_wait3A_82 = tpu.memref_squeeze %dma_wait3A_81 : memref<1x128xi32, #tpu.memory_space<vmem>> -> memref<128xi32, #tpu.memory_space<vmem>>
      %dma_wait3A_83 = arith.constant 0 : i32
      %dma_wait3A_84 = arith.constant 0 : i32
      %dma_wait3A_85 = tpu.memref_slice %arg3[%dma_wait3A_83, %dma_wait3A_84] : memref<10240x128xf32, #tpu.memory_space<hbm>> -> memref<10240x128xf32, #tpu.memory_space<hbm>>
      tpu.wait_indirect_dma semaphore(%arg15 : memref<!tpu.dma_semaphore, #tpu.memory_space<semaphore_mem>>) src(%dma_wait3A_85 : memref<10240x128xf32, #tpu.memory_space<hbm>>) dst(%arg12 : memref<128x128xf32, #tpu.memory_space<vmem>>)
      %run_scoped3A_86 = arith.constant 39 : i32
      "tpu.region"() ({
        %run_scoped3A_159 = tpu.sem_alloc : memref<!tpu.dma_semaphore, #tpu.memory_space<semaphore_mem>>
        %dma_start3A_160 = arith.constant 0 : i32
        %dma_start3A_161 = tpu.memref_slice %arg10[%run_scoped3A_86, %dma_start3A_160] : memref<40x128xi32, #tpu.memory_space<vmem>> -> memref<1x128xi32, #tpu.memory_space<vmem>>
        %dma_start3A_162 = tpu.memref_squeeze %dma_start3A_161 : memref<1x128xi32, #tpu.memory_space<vmem>> -> memref<128xi32, #tpu.memory_space<vmem>>
        %dma_start3A_163 = arith.constant 0 : i32
        %dma_start3A_164 = arith.constant 0 : i32
        %dma_start3A_165 = tpu.memref_slice %arg13[%dma_start3A_163, %dma_start3A_164] : memref<10240x128xf32, #tpu.memory_space<vmem_shared>> -> memref<10240x128xf32, #tpu.memory_space<vmem_shared>>
        tpu.enqueue_indirect_dma source(%arg12 : memref<128x128xf32, #tpu.memory_space<vmem>>) target(%dma_start3A_165 : memref<10240x128xf32, #tpu.memory_space<vmem_shared>>) offsets(%dma_start3A_162 : memref<128xi32, #tpu.memory_space<vmem>>) semaphore(%run_scoped3A_159 : memref<!tpu.dma_semaphore, #tpu.memory_space<semaphore_mem>>) {add = true}
        %dma_wait3A_166 = arith.constant 0 : i32
        %dma_wait3A_167 = tpu.memref_slice %arg10[%run_scoped3A_86, %dma_wait3A_166] : memref<40x128xi32, #tpu.memory_space<vmem>> -> memref<1x128xi32, #tpu.memory_space<vmem>>
        %dma_wait3A_168 = tpu.memref_squeeze %dma_wait3A_167 : memref<1x128xi32, #tpu.memory_space<vmem>> -> memref<128xi32, #tpu.memory_space<vmem>>
        %dma_wait3A_169 = arith.constant 0 : i32
        %dma_wait3A_170 = arith.constant 0 : i32
        %dma_wait3A_171 = tpu.memref_slice %arg13[%dma_wait3A_169, %dma_wait3A_170] : memref<10240x128xf32, #tpu.memory_space<vmem_shared>> -> memref<10240x128xf32, #tpu.memory_space<vmem_shared>>
        tpu.wait_indirect_dma semaphore(%run_scoped3A_159 : memref<!tpu.dma_semaphore, #tpu.memory_space<semaphore_mem>>) src(%arg12 : memref<128x128xf32, #tpu.memory_space<vmem>>) dst(%dma_wait3A_171 : memref<10240x128xf32, #tpu.memory_space<vmem_shared>>)
        tpu.yield
      }) : () -> ()
      "tpu.region"() ({
        %run_scoped3A_159 = tpu.sem_alloc : memref<!tpu.dma_semaphore, #tpu.memory_space<semaphore_mem>>
        %dma_start3A_160 = arith.constant 0 : i32
        %dma_start3A_161 = arith.constant 0 : i32
        %dma_start3A_162 = tpu.memref_slice %arg4[%arg1, %dma_start3A_160, %dma_start3A_161] : memref<16x160x128xi32, #tpu.memory_space<hbm>> -> memref<1x160x128xi32, #tpu.memory_space<hbm>>
        %dma_start3A_163 = tpu.memref_squeeze %dma_start3A_162 : memref<1x160x128xi32, #tpu.memory_space<hbm>> -> memref<160x128xi32, #tpu.memory_space<hbm>>
        %dma_start3A_164 = arith.constant 80 : i32
        %dma_start3A_165 = arith.constant 0 : i32
        %dma_start3A_166 = tpu.memref_slice %dma_start3A_163[%dma_start3A_164, %dma_start3A_165] : memref<160x128xi32, #tpu.memory_space<hbm>> -> memref<40x128xi32, #tpu.memory_space<hbm>>
        %dma_start3A_167 = arith.constant 0 : i32
        %dma_start3A_168 = arith.constant 0 : i32
        %dma_start3A_169 = tpu.memref_slice %arg4[%arg1, %dma_start3A_167, %dma_start3A_168] : memref<16x160x128xi32, #tpu.memory_space<hbm>> -> memref<1x160x128xi32, #tpu.memory_space<hbm>>
        %dma_start3A_170 = tpu.memref_squeeze %dma_start3A_169 : memref<1x160x128xi32, #tpu.memory_space<hbm>> -> memref<160x128xi32, #tpu.memory_space<hbm>>
        %dma_start3A_171 = arith.constant 80 : i32
        %dma_start3A_172 = arith.constant 0 : i32
        %dma_start3A_173 = tpu.memref_slice %dma_start3A_170[%dma_start3A_171, %dma_start3A_172] : memref<160x128xi32, #tpu.memory_space<hbm>> -> memref<40x128xi32, #tpu.memory_space<hbm>>
        tpu.enqueue_dma source(%dma_start3A_173 : memref<40x128xi32, #tpu.memory_space<hbm>>) target(%arg9 : memref<40x128xi32, #tpu.memory_space<vmem>>) target_semaphore(%run_scoped3A_159 : memref<!tpu.dma_semaphore, #tpu.memory_space<semaphore_mem>>)
        %dma_wait3A_174 = arith.constant 0 : i32
        %dma_wait3A_175 = arith.constant 0 : i32
        %dma_wait3A_176 = tpu.memref_slice %arg4[%arg1, %dma_wait3A_174, %dma_wait3A_175] : memref<16x160x128xi32, #tpu.memory_space<hbm>> -> memref<1x160x128xi32, #tpu.memory_space<hbm>>
        %dma_wait3A_177 = tpu.memref_squeeze %dma_wait3A_176 : memref<1x160x128xi32, #tpu.memory_space<hbm>> -> memref<160x128xi32, #tpu.memory_space<hbm>>
        %dma_wait3A_178 = arith.constant 80 : i32
        %dma_wait3A_179 = arith.constant 0 : i32
        %dma_wait3A_180 = tpu.memref_slice %dma_wait3A_177[%dma_wait3A_178, %dma_wait3A_179] : memref<160x128xi32, #tpu.memory_space<hbm>> -> memref<40x128xi32, #tpu.memory_space<hbm>>
        %dma_wait3A_181 = arith.constant 0 : i32
        %dma_wait3A_182 = arith.constant 0 : i32
        %dma_wait3A_183 = tpu.memref_slice %arg4[%arg1, %dma_wait3A_181, %dma_wait3A_182] : memref<16x160x128xi32, #tpu.memory_space<hbm>> -> memref<1x160x128xi32, #tpu.memory_space<hbm>>
        %dma_wait3A_184 = tpu.memref_squeeze %dma_wait3A_183 : memref<1x160x128xi32, #tpu.memory_space<hbm>> -> memref<160x128xi32, #tpu.memory_space<hbm>>
        %dma_wait3A_185 = arith.constant 80 : i32
        %dma_wait3A_186 = arith.constant 0 : i32
        %dma_wait3A_187 = tpu.memref_slice %dma_wait3A_184[%dma_wait3A_185, %dma_wait3A_186] : memref<160x128xi32, #tpu.memory_space<hbm>> -> memref<40x128xi32, #tpu.memory_space<hbm>>
        tpu.wait_dma2 semaphore(%run_scoped3A_159 : memref<!tpu.dma_semaphore, #tpu.memory_space<semaphore_mem>>) src(%dma_wait3A_187 : memref<40x128xi32, #tpu.memory_space<hbm>>) dst(%arg9 : memref<40x128xi32, #tpu.memory_space<vmem>>)
        tpu.yield
      }) : () -> ()
      "tpu.region"() ({
        %run_scoped3A_159 = tpu.sem_alloc : memref<!tpu.dma_semaphore, #tpu.memory_space<semaphore_mem>>
        %dma_start3A_160 = arith.constant 0 : i32
        %dma_start3A_161 = arith.constant 0 : i32
        %dma_start3A_162 = tpu.memref_slice %arg5[%arg1, %dma_start3A_160, %dma_start3A_161] : memref<16x160x128xi32, #tpu.memory_space<hbm>> -> memref<1x160x128xi32, #tpu.memory_space<hbm>>
        %dma_start3A_163 = tpu.memref_squeeze %dma_start3A_162 : memref<1x160x128xi32, #tpu.memory_space<hbm>> -> memref<160x128xi32, #tpu.memory_space<hbm>>
        %dma_start3A_164 = arith.constant 80 : i32
        %dma_start3A_165 = arith.constant 0 : i32
        %dma_start3A_166 = tpu.memref_slice %dma_start3A_163[%dma_start3A_164, %dma_start3A_165] : memref<160x128xi32, #tpu.memory_space<hbm>> -> memref<40x128xi32, #tpu.memory_space<hbm>>
        %dma_start3A_167 = arith.constant 0 : i32
        %dma_start3A_168 = arith.constant 0 : i32
        %dma_start3A_169 = tpu.memref_slice %arg5[%arg1, %dma_start3A_167, %dma_start3A_168] : memref<16x160x128xi32, #tpu.memory_space<hbm>> -> memref<1x160x128xi32, #tpu.memory_space<hbm>>
        %dma_start3A_170 = tpu.memref_squeeze %dma_start3A_169 : memref<1x160x128xi32, #tpu.memory_space<hbm>> -> memref<160x128xi32, #tpu.memory_space<hbm>>
        %dma_start3A_171 = arith.constant 80 : i32
        %dma_start3A_172 = arith.constant 0 : i32
        %dma_start3A_173 = tpu.memref_slice %dma_start3A_170[%dma_start3A_171, %dma_start3A_172] : memref<160x128xi32, #tpu.memory_space<hbm>> -> memref<40x128xi32, #tpu.memory_space<hbm>>
        tpu.enqueue_dma source(%dma_start3A_173 : memref<40x128xi32, #tpu.memory_space<hbm>>) target(%arg10 : memref<40x128xi32, #tpu.memory_space<vmem>>) target_semaphore(%run_scoped3A_159 : memref<!tpu.dma_semaphore, #tpu.memory_space<semaphore_mem>>)
        %dma_wait3A_174 = arith.constant 0 : i32
        %dma_wait3A_175 = arith.constant 0 : i32
        %dma_wait3A_176 = tpu.memref_slice %arg5[%arg1, %dma_wait3A_174, %dma_wait3A_175] : memref<16x160x128xi32, #tpu.memory_space<hbm>> -> memref<1x160x128xi32, #tpu.memory_space<hbm>>
        %dma_wait3A_177 = tpu.memref_squeeze %dma_wait3A_176 : memref<1x160x128xi32, #tpu.memory_space<hbm>> -> memref<160x128xi32, #tpu.memory_space<hbm>>
        %dma_wait3A_178 = arith.constant 80 : i32
        %dma_wait3A_179 = arith.constant 0 : i32
        %dma_wait3A_180 = tpu.memref_slice %dma_wait3A_177[%dma_wait3A_178, %dma_wait3A_179] : memref<160x128xi32, #tpu.memory_space<hbm>> -> memref<40x128xi32, #tpu.memory_space<hbm>>
        %dma_wait3A_181 = arith.constant 0 : i32
        %dma_wait3A_182 = arith.constant 0 : i32
        %dma_wait3A_183 = tpu.memref_slice %arg5[%arg1, %dma_wait3A_181, %dma_wait3A_182] : memref<16x160x128xi32, #tpu.memory_space<hbm>> -> memref<1x160x128xi32, #tpu.memory_space<hbm>>
        %dma_wait3A_184 = tpu.memref_squeeze %dma_wait3A_183 : memref<1x160x128xi32, #tpu.memory_space<hbm>> -> memref<160x128xi32, #tpu.memory_space<hbm>>
        %dma_wait3A_185 = arith.constant 80 : i32
        %dma_wait3A_186 = arith.constant 0 : i32
        %dma_wait3A_187 = tpu.memref_slice %dma_wait3A_184[%dma_wait3A_185, %dma_wait3A_186] : memref<160x128xi32, #tpu.memory_space<hbm>> -> memref<40x128xi32, #tpu.memory_space<hbm>>
        tpu.wait_dma2 semaphore(%run_scoped3A_159 : memref<!tpu.dma_semaphore, #tpu.memory_space<semaphore_mem>>) src(%dma_wait3A_187 : memref<40x128xi32, #tpu.memory_space<hbm>>) dst(%arg10 : memref<40x128xi32, #tpu.memory_space<vmem>>)
        tpu.yield
      }) : () -> ()
      %dma_start3A_87 = arith.constant 0 : i32
      %dma_start3A_88 = arith.constant 0 : i32
      %dma_start3A_89 = tpu.memref_slice %arg9[%dma_start3A_87, %dma_start3A_88] : memref<40x128xi32, #tpu.memory_space<vmem>> -> memref<1x128xi32, #tpu.memory_space<vmem>>
      %dma_start3A_90 = tpu.memref_squeeze %dma_start3A_89 : memref<1x128xi32, #tpu.memory_space<vmem>> -> memref<128xi32, #tpu.memory_space<vmem>>
      %dma_start3A_91 = arith.constant 0 : i32
      %dma_start3A_92 = arith.constant 0 : i32
      %dma_start3A_93 = tpu.memref_slice %arg3[%dma_start3A_91, %dma_start3A_92] : memref<10240x128xf32, #tpu.memory_space<hbm>> -> memref<10240x128xf32, #tpu.memory_space<hbm>>
      tpu.enqueue_indirect_dma source(%dma_start3A_93 : memref<10240x128xf32, #tpu.memory_space<hbm>>) target(%arg11 : memref<128x128xf32, #tpu.memory_space<vmem>>) offsets(%dma_start3A_90 : memref<128xi32, #tpu.memory_space<vmem>>) semaphore(%arg14 : memref<!tpu.dma_semaphore, #tpu.memory_space<semaphore_mem>>)
      %scan3A_94 = arith.constant 0 : i32
      %scan3A_95 = arith.constant 0 : i32
      %scan3A_96 = arith.constant 19 : i32
      %scan3A_97 = arith.addi %scan3A_95, %scan3A_96 : i32
      %scan3A_98 = arith.constant 1 : i32
      scf.for %scan3A_159 = %scan3A_95 to %scan3A_97 step %scan3A_98  : i32 {
        %mul3A_160 = arith.constant 2 : i32
        %mul3A_161 = arith.muli %mul3A_160, %scan3A_159 : i32
        %add3A = arith.constant 1 : i32
        %add3A_162 = arith.addi %mul3A_161, %add3A : i32
        %dma_start3A_163 = arith.constant 0 : i32
        %dma_start3A_164 = tpu.memref_slice %arg9[%add3A_162, %dma_start3A_163] : memref<40x128xi32, #tpu.memory_space<vmem>> -> memref<1x128xi32, #tpu.memory_space<vmem>>
        %dma_start3A_165 = tpu.memref_squeeze %dma_start3A_164 : memref<1x128xi32, #tpu.memory_space<vmem>> -> memref<128xi32, #tpu.memory_space<vmem>>
        %dma_start3A_166 = arith.constant 0 : i32
        %dma_start3A_167 = arith.constant 0 : i32
        %dma_start3A_168 = tpu.memref_slice %arg3[%dma_start3A_166, %dma_start3A_167] : memref<10240x128xf32, #tpu.memory_space<hbm>> -> memref<10240x128xf32, #tpu.memory_space<hbm>>
        tpu.enqueue_indirect_dma source(%dma_start3A_168 : memref<10240x128xf32, #tpu.memory_space<hbm>>) target(%arg12 : memref<128x128xf32, #tpu.memory_space<vmem>>) offsets(%dma_start3A_165 : memref<128xi32, #tpu.memory_space<vmem>>) semaphore(%arg15 : memref<!tpu.dma_semaphore, #tpu.memory_space<semaphore_mem>>)
        %dma_wait3A_169 = arith.constant 0 : i32
        %dma_wait3A_170 = tpu.memref_slice %arg9[%mul3A_161, %dma_wait3A_169] : memref<40x128xi32, #tpu.memory_space<vmem>> -> memref<1x128xi32, #tpu.memory_space<vmem>>
        %dma_wait3A_171 = tpu.memref_squeeze %dma_wait3A_170 : memref<1x128xi32, #tpu.memory_space<vmem>> -> memref<128xi32, #tpu.memory_space<vmem>>
        %dma_wait3A_172 = arith.constant 0 : i32
        %dma_wait3A_173 = arith.constant 0 : i32
        %dma_wait3A_174 = tpu.memref_slice %arg3[%dma_wait3A_172, %dma_wait3A_173] : memref<10240x128xf32, #tpu.memory_space<hbm>> -> memref<10240x128xf32, #tpu.memory_space<hbm>>
        tpu.wait_indirect_dma semaphore(%arg14 : memref<!tpu.dma_semaphore, #tpu.memory_space<semaphore_mem>>) src(%dma_wait3A_174 : memref<10240x128xf32, #tpu.memory_space<hbm>>) dst(%arg11 : memref<128x128xf32, #tpu.memory_space<vmem>>)
        "tpu.region"() ({
          %run_scoped3A_193 = tpu.sem_alloc : memref<!tpu.dma_semaphore, #tpu.memory_space<semaphore_mem>>
          %dma_start3A_194 = arith.constant 0 : i32
          %dma_start3A_195 = tpu.memref_slice %arg10[%mul3A_161, %dma_start3A_194] : memref<40x128xi32, #tpu.memory_space<vmem>> -> memref<1x128xi32, #tpu.memory_space<vmem>>
          %dma_start3A_196 = tpu.memref_squeeze %dma_start3A_195 : memref<1x128xi32, #tpu.memory_space<vmem>> -> memref<128xi32, #tpu.memory_space<vmem>>
          %dma_start3A_197 = arith.constant 0 : i32
          %dma_start3A_198 = arith.constant 0 : i32
          %dma_start3A_199 = tpu.memref_slice %arg13[%dma_start3A_197, %dma_start3A_198] : memref<10240x128xf32, #tpu.memory_space<vmem_shared>> -> memref<10240x128xf32, #tpu.memory_space<vmem_shared>>
          tpu.enqueue_indirect_dma source(%arg11 : memref<128x128xf32, #tpu.memory_space<vmem>>) target(%dma_start3A_199 : memref<10240x128xf32, #tpu.memory_space<vmem_shared>>) offsets(%dma_start3A_196 : memref<128xi32, #tpu.memory_space<vmem>>) semaphore(%run_scoped3A_193 : memref<!tpu.dma_semaphore, #tpu.memory_space<semaphore_mem>>) {add = true}
          %dma_wait3A_200 = arith.constant 0 : i32
          %dma_wait3A_201 = tpu.memref_slice %arg10[%mul3A_161, %dma_wait3A_200] : memref<40x128xi32, #tpu.memory_space<vmem>> -> memref<1x128xi32, #tpu.memory_space<vmem>>
          %dma_wait3A_202 = tpu.memref_squeeze %dma_wait3A_201 : memref<1x128xi32, #tpu.memory_space<vmem>> -> memref<128xi32, #tpu.memory_space<vmem>>
          %dma_wait3A_203 = arith.constant 0 : i32
          %dma_wait3A_204 = arith.constant 0 : i32
          %dma_wait3A_205 = tpu.memref_slice %arg13[%dma_wait3A_203, %dma_wait3A_204] : memref<10240x128xf32, #tpu.memory_space<vmem_shared>> -> memref<10240x128xf32, #tpu.memory_space<vmem_shared>>
          tpu.wait_indirect_dma semaphore(%run_scoped3A_193 : memref<!tpu.dma_semaphore, #tpu.memory_space<semaphore_mem>>) src(%arg11 : memref<128x128xf32, #tpu.memory_space<vmem>>) dst(%dma_wait3A_205 : memref<10240x128xf32, #tpu.memory_space<vmem_shared>>)
          tpu.yield
        }) : () -> ()
        %add3A_175 = arith.constant 2 : i32
        %add3A_176 = arith.addi %mul3A_161, %add3A_175 : i32
        %dma_start3A_177 = arith.constant 0 : i32
        %dma_start3A_178 = tpu.memref_slice %arg9[%add3A_176, %dma_start3A_177] : memref<40x128xi32, #tpu.memory_space<vmem>> -> memref<1x128xi32, #tpu.memory_space<vmem>>
        %dma_start3A_179 = tpu.memref_squeeze %dma_start3A_178 : memref<1x128xi32, #tpu.memory_space<vmem>> -> memref<128xi32, #tpu.memory_space<vmem>>
        %dma_start3A_180 = arith.constant 0 : i32
        %dma_start3A_181 = arith.constant 0 : i32
        %dma_start3A_182 = tpu.memref_slice %arg3[%dma_start3A_180, %dma_start3A_181] : memref<10240x128xf32, #tpu.memory_space<hbm>> -> memref<10240x128xf32, #tpu.memory_space<hbm>>
        tpu.enqueue_indirect_dma source(%dma_start3A_182 : memref<10240x128xf32, #tpu.memory_space<hbm>>) target(%arg11 : memref<128x128xf32, #tpu.memory_space<vmem>>) offsets(%dma_start3A_179 : memref<128xi32, #tpu.memory_space<vmem>>) semaphore(%arg14 : memref<!tpu.dma_semaphore, #tpu.memory_space<semaphore_mem>>)
        %add3A_183 = arith.constant 1 : i32
        %add3A_184 = arith.addi %mul3A_161, %add3A_183 : i32
        %dma_wait3A_185 = arith.constant 0 : i32
        %dma_wait3A_186 = tpu.memref_slice %arg9[%add3A_184, %dma_wait3A_185] : memref<40x128xi32, #tpu.memory_space<vmem>> -> memref<1x128xi32, #tpu.memory_space<vmem>>
        %dma_wait3A_187 = tpu.memref_squeeze %dma_wait3A_186 : memref<1x128xi32, #tpu.memory_space<vmem>> -> memref<128xi32, #tpu.memory_space<vmem>>
        %dma_wait3A_188 = arith.constant 0 : i32
        %dma_wait3A_189 = arith.constant 0 : i32
        %dma_wait3A_190 = tpu.memref_slice %arg3[%dma_wait3A_188, %dma_wait3A_189] : memref<10240x128xf32, #tpu.memory_space<hbm>> -> memref<10240x128xf32, #tpu.memory_space<hbm>>
        tpu.wait_indirect_dma semaphore(%arg15 : memref<!tpu.dma_semaphore, #tpu.memory_space<semaphore_mem>>) src(%dma_wait3A_190 : memref<10240x128xf32, #tpu.memory_space<hbm>>) dst(%arg12 : memref<128x128xf32, #tpu.memory_space<vmem>>)
        %add3A_191 = arith.constant 1 : i32
        %add3A_192 = arith.addi %mul3A_161, %add3A_191 : i32
        "tpu.region"() ({
          %run_scoped3A_193 = tpu.sem_alloc : memref<!tpu.dma_semaphore, #tpu.memory_space<semaphore_mem>>
          %dma_start3A_194 = arith.constant 0 : i32
          %dma_start3A_195 = tpu.memref_slice %arg10[%add3A_192, %dma_start3A_194] : memref<40x128xi32, #tpu.memory_space<vmem>> -> memref<1x128xi32, #tpu.memory_space<vmem>>
          %dma_start3A_196 = tpu.memref_squeeze %dma_start3A_195 : memref<1x128xi32, #tpu.memory_space<vmem>> -> memref<128xi32, #tpu.memory_space<vmem>>
          %dma_start3A_197 = arith.constant 0 : i32
          %dma_start3A_198 = arith.constant 0 : i32
          %dma_start3A_199 = tpu.memref_slice %arg13[%dma_start3A_197, %dma_start3A_198] : memref<10240x128xf32, #tpu.memory_space<vmem_shared>> -> memref<10240x128xf32, #tpu.memory_space<vmem_shared>>
          tpu.enqueue_indirect_dma source(%arg12 : memref<128x128xf32, #tpu.memory_space<vmem>>) target(%dma_start3A_199 : memref<10240x128xf32, #tpu.memory_space<vmem_shared>>) offsets(%dma_start3A_196 : memref<128xi32, #tpu.memory_space<vmem>>) semaphore(%run_scoped3A_193 : memref<!tpu.dma_semaphore, #tpu.memory_space<semaphore_mem>>) {add = true}
          %dma_wait3A_200 = arith.constant 0 : i32
          %dma_wait3A_201 = tpu.memref_slice %arg10[%add3A_192, %dma_wait3A_200] : memref<40x128xi32, #tpu.memory_space<vmem>> -> memref<1x128xi32, #tpu.memory_space<vmem>>
          %dma_wait3A_202 = tpu.memref_squeeze %dma_wait3A_201 : memref<1x128xi32, #tpu.memory_space<vmem>> -> memref<128xi32, #tpu.memory_space<vmem>>
          %dma_wait3A_203 = arith.constant 0 : i32
          %dma_wait3A_204 = arith.constant 0 : i32
          %dma_wait3A_205 = tpu.memref_slice %arg13[%dma_wait3A_203, %dma_wait3A_204] : memref<10240x128xf32, #tpu.memory_space<vmem_shared>> -> memref<10240x128xf32, #tpu.memory_space<vmem_shared>>
          tpu.wait_indirect_dma semaphore(%run_scoped3A_193 : memref<!tpu.dma_semaphore, #tpu.memory_space<semaphore_mem>>) src(%arg12 : memref<128x128xf32, #tpu.memory_space<vmem>>) dst(%dma_wait3A_205 : memref<10240x128xf32, #tpu.memory_space<vmem_shared>>)
          tpu.yield
        }) : () -> ()
      }
      %scan3A_99 = arith.constant 19 : i32
      %dma_start3A_100 = arith.constant 39 : i32
      %dma_start3A_101 = arith.constant 0 : i32
      %dma_start3A_102 = tpu.memref_slice %arg9[%dma_start3A_100, %dma_start3A_101] : memref<40x128xi32, #tpu.memory_space<vmem>> -> memref<1x128xi32, #tpu.memory_space<vmem>>
      %dma_start3A_103 = tpu.memref_squeeze %dma_start3A_102 : memref<1x128xi32, #tpu.memory_space<vmem>> -> memref<128xi32, #tpu.memory_space<vmem>>
      %dma_start3A_104 = arith.constant 0 : i32
      %dma_start3A_105 = arith.constant 0 : i32
      %dma_start3A_106 = tpu.memref_slice %arg3[%dma_start3A_104, %dma_start3A_105] : memref<10240x128xf32, #tpu.memory_space<hbm>> -> memref<10240x128xf32, #tpu.memory_space<hbm>>
      tpu.enqueue_indirect_dma source(%dma_start3A_106 : memref<10240x128xf32, #tpu.memory_space<hbm>>) target(%arg12 : memref<128x128xf32, #tpu.memory_space<vmem>>) offsets(%dma_start3A_103 : memref<128xi32, #tpu.memory_space<vmem>>) semaphore(%arg15 : memref<!tpu.dma_semaphore, #tpu.memory_space<semaphore_mem>>)
      %dma_wait3A_107 = arith.constant 38 : i32
      %dma_wait3A_108 = arith.constant 0 : i32
      %dma_wait3A_109 = tpu.memref_slice %arg9[%dma_wait3A_107, %dma_wait3A_108] : memref<40x128xi32, #tpu.memory_space<vmem>> -> memref<1x128xi32, #tpu.memory_space<vmem>>
      %dma_wait3A_110 = tpu.memref_squeeze %dma_wait3A_109 : memref<1x128xi32, #tpu.memory_space<vmem>> -> memref<128xi32, #tpu.memory_space<vmem>>
      %dma_wait3A_111 = arith.constant 0 : i32
      %dma_wait3A_112 = arith.constant 0 : i32
      %dma_wait3A_113 = tpu.memref_slice %arg3[%dma_wait3A_111, %dma_wait3A_112] : memref<10240x128xf32, #tpu.memory_space<hbm>> -> memref<10240x128xf32, #tpu.memory_space<hbm>>
      tpu.wait_indirect_dma semaphore(%arg14 : memref<!tpu.dma_semaphore, #tpu.memory_space<semaphore_mem>>) src(%dma_wait3A_113 : memref<10240x128xf32, #tpu.memory_space<hbm>>) dst(%arg11 : memref<128x128xf32, #tpu.memory_space<vmem>>)
      %run_scoped3A_114 = arith.constant 38 : i32
      "tpu.region"() ({
        %run_scoped3A_159 = tpu.sem_alloc : memref<!tpu.dma_semaphore, #tpu.memory_space<semaphore_mem>>
        %dma_start3A_160 = arith.constant 0 : i32
        %dma_start3A_161 = tpu.memref_slice %arg10[%run_scoped3A_114, %dma_start3A_160] : memref<40x128xi32, #tpu.memory_space<vmem>> -> memref<1x128xi32, #tpu.memory_space<vmem>>
        %dma_start3A_162 = tpu.memref_squeeze %dma_start3A_161 : memref<1x128xi32, #tpu.memory_space<vmem>> -> memref<128xi32, #tpu.memory_space<vmem>>
        %dma_start3A_163 = arith.constant 0 : i32
        %dma_start3A_164 = arith.constant 0 : i32
        %dma_start3A_165 = tpu.memref_slice %arg13[%dma_start3A_163, %dma_start3A_164] : memref<10240x128xf32, #tpu.memory_space<vmem_shared>> -> memref<10240x128xf32, #tpu.memory_space<vmem_shared>>
        tpu.enqueue_indirect_dma source(%arg11 : memref<128x128xf32, #tpu.memory_space<vmem>>) target(%dma_start3A_165 : memref<10240x128xf32, #tpu.memory_space<vmem_shared>>) offsets(%dma_start3A_162 : memref<128xi32, #tpu.memory_space<vmem>>) semaphore(%run_scoped3A_159 : memref<!tpu.dma_semaphore, #tpu.memory_space<semaphore_mem>>) {add = true}
        %dma_wait3A_166 = arith.constant 0 : i32
        %dma_wait3A_167 = tpu.memref_slice %arg10[%run_scoped3A_114, %dma_wait3A_166] : memref<40x128xi32, #tpu.memory_space<vmem>> -> memref<1x128xi32, #tpu.memory_space<vmem>>
        %dma_wait3A_168 = tpu.memref_squeeze %dma_wait3A_167 : memref<1x128xi32, #tpu.memory_space<vmem>> -> memref<128xi32, #tpu.memory_space<vmem>>
        %dma_wait3A_169 = arith.constant 0 : i32
        %dma_wait3A_170 = arith.constant 0 : i32
        %dma_wait3A_171 = tpu.memref_slice %arg13[%dma_wait3A_169, %dma_wait3A_170] : memref<10240x128xf32, #tpu.memory_space<vmem_shared>> -> memref<10240x128xf32, #tpu.memory_space<vmem_shared>>
        tpu.wait_indirect_dma semaphore(%run_scoped3A_159 : memref<!tpu.dma_semaphore, #tpu.memory_space<semaphore_mem>>) src(%arg11 : memref<128x128xf32, #tpu.memory_space<vmem>>) dst(%dma_wait3A_171 : memref<10240x128xf32, #tpu.memory_space<vmem_shared>>)
        tpu.yield
      }) : () -> ()
      %dma_wait3A_115 = arith.constant 39 : i32
      %dma_wait3A_116 = arith.constant 0 : i32
      %dma_wait3A_117 = tpu.memref_slice %arg9[%dma_wait3A_115, %dma_wait3A_116] : memref<40x128xi32, #tpu.memory_space<vmem>> -> memref<1x128xi32, #tpu.memory_space<vmem>>
      %dma_wait3A_118 = tpu.memref_squeeze %dma_wait3A_117 : memref<1x128xi32, #tpu.memory_space<vmem>> -> memref<128xi32, #tpu.memory_space<vmem>>
      %dma_wait3A_119 = arith.constant 0 : i32
      %dma_wait3A_120 = arith.constant 0 : i32
      %dma_wait3A_121 = tpu.memref_slice %arg3[%dma_wait3A_119, %dma_wait3A_120] : memref<10240x128xf32, #tpu.memory_space<hbm>> -> memref<10240x128xf32, #tpu.memory_space<hbm>>
      tpu.wait_indirect_dma semaphore(%arg15 : memref<!tpu.dma_semaphore, #tpu.memory_space<semaphore_mem>>) src(%dma_wait3A_121 : memref<10240x128xf32, #tpu.memory_space<hbm>>) dst(%arg12 : memref<128x128xf32, #tpu.memory_space<vmem>>)
      %run_scoped3A_122 = arith.constant 39 : i32
      "tpu.region"() ({
        %run_scoped3A_159 = tpu.sem_alloc : memref<!tpu.dma_semaphore, #tpu.memory_space<semaphore_mem>>
        %dma_start3A_160 = arith.constant 0 : i32
        %dma_start3A_161 = tpu.memref_slice %arg10[%run_scoped3A_122, %dma_start3A_160] : memref<40x128xi32, #tpu.memory_space<vmem>> -> memref<1x128xi32, #tpu.memory_space<vmem>>
        %dma_start3A_162 = tpu.memref_squeeze %dma_start3A_161 : memref<1x128xi32, #tpu.memory_space<vmem>> -> memref<128xi32, #tpu.memory_space<vmem>>
        %dma_start3A_163 = arith.constant 0 : i32
        %dma_start3A_164 = arith.constant 0 : i32
        %dma_start3A_165 = tpu.memref_slice %arg13[%dma_start3A_163, %dma_start3A_164] : memref<10240x128xf32, #tpu.memory_space<vmem_shared>> -> memref<10240x128xf32, #tpu.memory_space<vmem_shared>>
        tpu.enqueue_indirect_dma source(%arg12 : memref<128x128xf32, #tpu.memory_space<vmem>>) target(%dma_start3A_165 : memref<10240x128xf32, #tpu.memory_space<vmem_shared>>) offsets(%dma_start3A_162 : memref<128xi32, #tpu.memory_space<vmem>>) semaphore(%run_scoped3A_159 : memref<!tpu.dma_semaphore, #tpu.memory_space<semaphore_mem>>) {add = true}
        %dma_wait3A_166 = arith.constant 0 : i32
        %dma_wait3A_167 = tpu.memref_slice %arg10[%run_scoped3A_122, %dma_wait3A_166] : memref<40x128xi32, #tpu.memory_space<vmem>> -> memref<1x128xi32, #tpu.memory_space<vmem>>
        %dma_wait3A_168 = tpu.memref_squeeze %dma_wait3A_167 : memref<1x128xi32, #tpu.memory_space<vmem>> -> memref<128xi32, #tpu.memory_space<vmem>>
        %dma_wait3A_169 = arith.constant 0 : i32
        %dma_wait3A_170 = arith.constant 0 : i32
        %dma_wait3A_171 = tpu.memref_slice %arg13[%dma_wait3A_169, %dma_wait3A_170] : memref<10240x128xf32, #tpu.memory_space<vmem_shared>> -> memref<10240x128xf32, #tpu.memory_space<vmem_shared>>
        tpu.wait_indirect_dma semaphore(%run_scoped3A_159 : memref<!tpu.dma_semaphore, #tpu.memory_space<semaphore_mem>>) src(%arg12 : memref<128x128xf32, #tpu.memory_space<vmem>>) dst(%dma_wait3A_171 : memref<10240x128xf32, #tpu.memory_space<vmem_shared>>)
        tpu.yield
      }) : () -> ()
      "tpu.region"() ({
        %run_scoped3A_159 = tpu.sem_alloc : memref<!tpu.dma_semaphore, #tpu.memory_space<semaphore_mem>>
        %dma_start3A_160 = arith.constant 0 : i32
        %dma_start3A_161 = arith.constant 0 : i32
        %dma_start3A_162 = tpu.memref_slice %arg4[%arg1, %dma_start3A_160, %dma_start3A_161] : memref<16x160x128xi32, #tpu.memory_space<hbm>> -> memref<1x160x128xi32, #tpu.memory_space<hbm>>
        %dma_start3A_163 = tpu.memref_squeeze %dma_start3A_162 : memref<1x160x128xi32, #tpu.memory_space<hbm>> -> memref<160x128xi32, #tpu.memory_space<hbm>>
        %dma_start3A_164 = arith.constant 120 : i32
        %dma_start3A_165 = arith.constant 0 : i32
        %dma_start3A_166 = tpu.memref_slice %dma_start3A_163[%dma_start3A_164, %dma_start3A_165] : memref<160x128xi32, #tpu.memory_space<hbm>> -> memref<40x128xi32, #tpu.memory_space<hbm>>
        %dma_start3A_167 = arith.constant 0 : i32
        %dma_start3A_168 = arith.constant 0 : i32
        %dma_start3A_169 = tpu.memref_slice %arg4[%arg1, %dma_start3A_167, %dma_start3A_168] : memref<16x160x128xi32, #tpu.memory_space<hbm>> -> memref<1x160x128xi32, #tpu.memory_space<hbm>>
        %dma_start3A_170 = tpu.memref_squeeze %dma_start3A_169 : memref<1x160x128xi32, #tpu.memory_space<hbm>> -> memref<160x128xi32, #tpu.memory_space<hbm>>
        %dma_start3A_171 = arith.constant 120 : i32
        %dma_start3A_172 = arith.constant 0 : i32
        %dma_start3A_173 = tpu.memref_slice %dma_start3A_170[%dma_start3A_171, %dma_start3A_172] : memref<160x128xi32, #tpu.memory_space<hbm>> -> memref<40x128xi32, #tpu.memory_space<hbm>>
        tpu.enqueue_dma source(%dma_start3A_173 : memref<40x128xi32, #tpu.memory_space<hbm>>) target(%arg9 : memref<40x128xi32, #tpu.memory_space<vmem>>) target_semaphore(%run_scoped3A_159 : memref<!tpu.dma_semaphore, #tpu.memory_space<semaphore_mem>>)
        %dma_wait3A_174 = arith.constant 0 : i32
        %dma_wait3A_175 = arith.constant 0 : i32
        %dma_wait3A_176 = tpu.memref_slice %arg4[%arg1, %dma_wait3A_174, %dma_wait3A_175] : memref<16x160x128xi32, #tpu.memory_space<hbm>> -> memref<1x160x128xi32, #tpu.memory_space<hbm>>
        %dma_wait3A_177 = tpu.memref_squeeze %dma_wait3A_176 : memref<1x160x128xi32, #tpu.memory_space<hbm>> -> memref<160x128xi32, #tpu.memory_space<hbm>>
        %dma_wait3A_178 = arith.constant 120 : i32
        %dma_wait3A_179 = arith.constant 0 : i32
        %dma_wait3A_180 = tpu.memref_slice %dma_wait3A_177[%dma_wait3A_178, %dma_wait3A_179] : memref<160x128xi32, #tpu.memory_space<hbm>> -> memref<40x128xi32, #tpu.memory_space<hbm>>
        %dma_wait3A_181 = arith.constant 0 : i32
        %dma_wait3A_182 = arith.constant 0 : i32
        %dma_wait3A_183 = tpu.memref_slice %arg4[%arg1, %dma_wait3A_181, %dma_wait3A_182] : memref<16x160x128xi32, #tpu.memory_space<hbm>> -> memref<1x160x128xi32, #tpu.memory_space<hbm>>
        %dma_wait3A_184 = tpu.memref_squeeze %dma_wait3A_183 : memref<1x160x128xi32, #tpu.memory_space<hbm>> -> memref<160x128xi32, #tpu.memory_space<hbm>>
        %dma_wait3A_185 = arith.constant 120 : i32
        %dma_wait3A_186 = arith.constant 0 : i32
        %dma_wait3A_187 = tpu.memref_slice %dma_wait3A_184[%dma_wait3A_185, %dma_wait3A_186] : memref<160x128xi32, #tpu.memory_space<hbm>> -> memref<40x128xi32, #tpu.memory_space<hbm>>
        tpu.wait_dma2 semaphore(%run_scoped3A_159 : memref<!tpu.dma_semaphore, #tpu.memory_space<semaphore_mem>>) src(%dma_wait3A_187 : memref<40x128xi32, #tpu.memory_space<hbm>>) dst(%arg9 : memref<40x128xi32, #tpu.memory_space<vmem>>)
        tpu.yield
      }) : () -> ()
      "tpu.region"() ({
        %run_scoped3A_159 = tpu.sem_alloc : memref<!tpu.dma_semaphore, #tpu.memory_space<semaphore_mem>>
        %dma_start3A_160 = arith.constant 0 : i32
        %dma_start3A_161 = arith.constant 0 : i32
        %dma_start3A_162 = tpu.memref_slice %arg5[%arg1, %dma_start3A_160, %dma_start3A_161] : memref<16x160x128xi32, #tpu.memory_space<hbm>> -> memref<1x160x128xi32, #tpu.memory_space<hbm>>
        %dma_start3A_163 = tpu.memref_squeeze %dma_start3A_162 : memref<1x160x128xi32, #tpu.memory_space<hbm>> -> memref<160x128xi32, #tpu.memory_space<hbm>>
        %dma_start3A_164 = arith.constant 120 : i32
        %dma_start3A_165 = arith.constant 0 : i32
        %dma_start3A_166 = tpu.memref_slice %dma_start3A_163[%dma_start3A_164, %dma_start3A_165] : memref<160x128xi32, #tpu.memory_space<hbm>> -> memref<40x128xi32, #tpu.memory_space<hbm>>
        %dma_start3A_167 = arith.constant 0 : i32
        %dma_start3A_168 = arith.constant 0 : i32
        %dma_start3A_169 = tpu.memref_slice %arg5[%arg1, %dma_start3A_167, %dma_start3A_168] : memref<16x160x128xi32, #tpu.memory_space<hbm>> -> memref<1x160x128xi32, #tpu.memory_space<hbm>>
        %dma_start3A_170 = tpu.memref_squeeze %dma_start3A_169 : memref<1x160x128xi32, #tpu.memory_space<hbm>> -> memref<160x128xi32, #tpu.memory_space<hbm>>
        %dma_start3A_171 = arith.constant 120 : i32
        %dma_start3A_172 = arith.constant 0 : i32
        %dma_start3A_173 = tpu.memref_slice %dma_start3A_170[%dma_start3A_171, %dma_start3A_172] : memref<160x128xi32, #tpu.memory_space<hbm>> -> memref<40x128xi32, #tpu.memory_space<hbm>>
        tpu.enqueue_dma source(%dma_start3A_173 : memref<40x128xi32, #tpu.memory_space<hbm>>) target(%arg10 : memref<40x128xi32, #tpu.memory_space<vmem>>) target_semaphore(%run_scoped3A_159 : memref<!tpu.dma_semaphore, #tpu.memory_space<semaphore_mem>>)
        %dma_wait3A_174 = arith.constant 0 : i32
        %dma_wait3A_175 = arith.constant 0 : i32
        %dma_wait3A_176 = tpu.memref_slice %arg5[%arg1, %dma_wait3A_174, %dma_wait3A_175] : memref<16x160x128xi32, #tpu.memory_space<hbm>> -> memref<1x160x128xi32, #tpu.memory_space<hbm>>
        %dma_wait3A_177 = tpu.memref_squeeze %dma_wait3A_176 : memref<1x160x128xi32, #tpu.memory_space<hbm>> -> memref<160x128xi32, #tpu.memory_space<hbm>>
        %dma_wait3A_178 = arith.constant 120 : i32
        %dma_wait3A_179 = arith.constant 0 : i32
        %dma_wait3A_180 = tpu.memref_slice %dma_wait3A_177[%dma_wait3A_178, %dma_wait3A_179] : memref<160x128xi32, #tpu.memory_space<hbm>> -> memref<40x128xi32, #tpu.memory_space<hbm>>
        %dma_wait3A_181 = arith.constant 0 : i32
        %dma_wait3A_182 = arith.constant 0 : i32
        %dma_wait3A_183 = tpu.memref_slice %arg5[%arg1, %dma_wait3A_181, %dma_wait3A_182] : memref<16x160x128xi32, #tpu.memory_space<hbm>> -> memref<1x160x128xi32, #tpu.memory_space<hbm>>
        %dma_wait3A_184 = tpu.memref_squeeze %dma_wait3A_183 : memref<1x160x128xi32, #tpu.memory_space<hbm>> -> memref<160x128xi32, #tpu.memory_space<hbm>>
        %dma_wait3A_185 = arith.constant 120 : i32
        %dma_wait3A_186 = arith.constant 0 : i32
        %dma_wait3A_187 = tpu.memref_slice %dma_wait3A_184[%dma_wait3A_185, %dma_wait3A_186] : memref<160x128xi32, #tpu.memory_space<hbm>> -> memref<40x128xi32, #tpu.memory_space<hbm>>
        tpu.wait_dma2 semaphore(%run_scoped3A_159 : memref<!tpu.dma_semaphore, #tpu.memory_space<semaphore_mem>>) src(%dma_wait3A_187 : memref<40x128xi32, #tpu.memory_space<hbm>>) dst(%arg10 : memref<40x128xi32, #tpu.memory_space<vmem>>)
        tpu.yield
      }) : () -> ()
      %dma_start3A_123 = arith.constant 0 : i32
      %dma_start3A_124 = arith.constant 0 : i32
      %dma_start3A_125 = tpu.memref_slice %arg9[%dma_start3A_123, %dma_start3A_124] : memref<40x128xi32, #tpu.memory_space<vmem>> -> memref<1x128xi32, #tpu.memory_space<vmem>>
      %dma_start3A_126 = tpu.memref_squeeze %dma_start3A_125 : memref<1x128xi32, #tpu.memory_space<vmem>> -> memref<128xi32, #tpu.memory_space<vmem>>
      %dma_start3A_127 = arith.constant 0 : i32
      %dma_start3A_128 = arith.constant 0 : i32
      %dma_start3A_129 = tpu.memref_slice %arg3[%dma_start3A_127, %dma_start3A_128] : memref<10240x128xf32, #tpu.memory_space<hbm>> -> memref<10240x128xf32, #tpu.memory_space<hbm>>
      tpu.enqueue_indirect_dma source(%dma_start3A_129 : memref<10240x128xf32, #tpu.memory_space<hbm>>) target(%arg11 : memref<128x128xf32, #tpu.memory_space<vmem>>) offsets(%dma_start3A_126 : memref<128xi32, #tpu.memory_space<vmem>>) semaphore(%arg14 : memref<!tpu.dma_semaphore, #tpu.memory_space<semaphore_mem>>)
      %scan3A_130 = arith.constant 0 : i32
      %scan3A_131 = arith.constant 0 : i32
      %scan3A_132 = arith.constant 19 : i32
      %scan3A_133 = arith.addi %scan3A_131, %scan3A_132 : i32
      %scan3A_134 = arith.constant 1 : i32
      scf.for %scan3A_159 = %scan3A_131 to %scan3A_133 step %scan3A_134  : i32 {
        %mul3A_160 = arith.constant 2 : i32
        %mul3A_161 = arith.muli %mul3A_160, %scan3A_159 : i32
        %add3A = arith.constant 1 : i32
        %add3A_162 = arith.addi %mul3A_161, %add3A : i32
        %dma_start3A_163 = arith.constant 0 : i32
        %dma_start3A_164 = tpu.memref_slice %arg9[%add3A_162, %dma_start3A_163] : memref<40x128xi32, #tpu.memory_space<vmem>> -> memref<1x128xi32, #tpu.memory_space<vmem>>
        %dma_start3A_165 = tpu.memref_squeeze %dma_start3A_164 : memref<1x128xi32, #tpu.memory_space<vmem>> -> memref<128xi32, #tpu.memory_space<vmem>>
        %dma_start3A_166 = arith.constant 0 : i32
        %dma_start3A_167 = arith.constant 0 : i32
        %dma_start3A_168 = tpu.memref_slice %arg3[%dma_start3A_166, %dma_start3A_167] : memref<10240x128xf32, #tpu.memory_space<hbm>> -> memref<10240x128xf32, #tpu.memory_space<hbm>>
        tpu.enqueue_indirect_dma source(%dma_start3A_168 : memref<10240x128xf32, #tpu.memory_space<hbm>>) target(%arg12 : memref<128x128xf32, #tpu.memory_space<vmem>>) offsets(%dma_start3A_165 : memref<128xi32, #tpu.memory_space<vmem>>) semaphore(%arg15 : memref<!tpu.dma_semaphore, #tpu.memory_space<semaphore_mem>>)
        %dma_wait3A_169 = arith.constant 0 : i32
        %dma_wait3A_170 = tpu.memref_slice %arg9[%mul3A_161, %dma_wait3A_169] : memref<40x128xi32, #tpu.memory_space<vmem>> -> memref<1x128xi32, #tpu.memory_space<vmem>>
        %dma_wait3A_171 = tpu.memref_squeeze %dma_wait3A_170 : memref<1x128xi32, #tpu.memory_space<vmem>> -> memref<128xi32, #tpu.memory_space<vmem>>
        %dma_wait3A_172 = arith.constant 0 : i32
        %dma_wait3A_173 = arith.constant 0 : i32
        %dma_wait3A_174 = tpu.memref_slice %arg3[%dma_wait3A_172, %dma_wait3A_173] : memref<10240x128xf32, #tpu.memory_space<hbm>> -> memref<10240x128xf32, #tpu.memory_space<hbm>>
        tpu.wait_indirect_dma semaphore(%arg14 : memref<!tpu.dma_semaphore, #tpu.memory_space<semaphore_mem>>) src(%dma_wait3A_174 : memref<10240x128xf32, #tpu.memory_space<hbm>>) dst(%arg11 : memref<128x128xf32, #tpu.memory_space<vmem>>)
        "tpu.region"() ({
          %run_scoped3A_193 = tpu.sem_alloc : memref<!tpu.dma_semaphore, #tpu.memory_space<semaphore_mem>>
          %dma_start3A_194 = arith.constant 0 : i32
          %dma_start3A_195 = tpu.memref_slice %arg10[%mul3A_161, %dma_start3A_194] : memref<40x128xi32, #tpu.memory_space<vmem>> -> memref<1x128xi32, #tpu.memory_space<vmem>>
          %dma_start3A_196 = tpu.memref_squeeze %dma_start3A_195 : memref<1x128xi32, #tpu.memory_space<vmem>> -> memref<128xi32, #tpu.memory_space<vmem>>
          %dma_start3A_197 = arith.constant 0 : i32
          %dma_start3A_198 = arith.constant 0 : i32
          %dma_start3A_199 = tpu.memref_slice %arg13[%dma_start3A_197, %dma_start3A_198] : memref<10240x128xf32, #tpu.memory_space<vmem_shared>> -> memref<10240x128xf32, #tpu.memory_space<vmem_shared>>
          tpu.enqueue_indirect_dma source(%arg11 : memref<128x128xf32, #tpu.memory_space<vmem>>) target(%dma_start3A_199 : memref<10240x128xf32, #tpu.memory_space<vmem_shared>>) offsets(%dma_start3A_196 : memref<128xi32, #tpu.memory_space<vmem>>) semaphore(%run_scoped3A_193 : memref<!tpu.dma_semaphore, #tpu.memory_space<semaphore_mem>>) {add = true}
          %dma_wait3A_200 = arith.constant 0 : i32
          %dma_wait3A_201 = tpu.memref_slice %arg10[%mul3A_161, %dma_wait3A_200] : memref<40x128xi32, #tpu.memory_space<vmem>> -> memref<1x128xi32, #tpu.memory_space<vmem>>
          %dma_wait3A_202 = tpu.memref_squeeze %dma_wait3A_201 : memref<1x128xi32, #tpu.memory_space<vmem>> -> memref<128xi32, #tpu.memory_space<vmem>>
          %dma_wait3A_203 = arith.constant 0 : i32
          %dma_wait3A_204 = arith.constant 0 : i32
          %dma_wait3A_205 = tpu.memref_slice %arg13[%dma_wait3A_203, %dma_wait3A_204] : memref<10240x128xf32, #tpu.memory_space<vmem_shared>> -> memref<10240x128xf32, #tpu.memory_space<vmem_shared>>
          tpu.wait_indirect_dma semaphore(%run_scoped3A_193 : memref<!tpu.dma_semaphore, #tpu.memory_space<semaphore_mem>>) src(%arg11 : memref<128x128xf32, #tpu.memory_space<vmem>>) dst(%dma_wait3A_205 : memref<10240x128xf32, #tpu.memory_space<vmem_shared>>)
          tpu.yield
        }) : () -> ()
        %add3A_175 = arith.constant 2 : i32
        %add3A_176 = arith.addi %mul3A_161, %add3A_175 : i32
        %dma_start3A_177 = arith.constant 0 : i32
        %dma_start3A_178 = tpu.memref_slice %arg9[%add3A_176, %dma_start3A_177] : memref<40x128xi32, #tpu.memory_space<vmem>> -> memref<1x128xi32, #tpu.memory_space<vmem>>
        %dma_start3A_179 = tpu.memref_squeeze %dma_start3A_178 : memref<1x128xi32, #tpu.memory_space<vmem>> -> memref<128xi32, #tpu.memory_space<vmem>>
        %dma_start3A_180 = arith.constant 0 : i32
        %dma_start3A_181 = arith.constant 0 : i32
        %dma_start3A_182 = tpu.memref_slice %arg3[%dma_start3A_180, %dma_start3A_181] : memref<10240x128xf32, #tpu.memory_space<hbm>> -> memref<10240x128xf32, #tpu.memory_space<hbm>>
        tpu.enqueue_indirect_dma source(%dma_start3A_182 : memref<10240x128xf32, #tpu.memory_space<hbm>>) target(%arg11 : memref<128x128xf32, #tpu.memory_space<vmem>>) offsets(%dma_start3A_179 : memref<128xi32, #tpu.memory_space<vmem>>) semaphore(%arg14 : memref<!tpu.dma_semaphore, #tpu.memory_space<semaphore_mem>>)
        %add3A_183 = arith.constant 1 : i32
        %add3A_184 = arith.addi %mul3A_161, %add3A_183 : i32
        %dma_wait3A_185 = arith.constant 0 : i32
        %dma_wait3A_186 = tpu.memref_slice %arg9[%add3A_184, %dma_wait3A_185] : memref<40x128xi32, #tpu.memory_space<vmem>> -> memref<1x128xi32, #tpu.memory_space<vmem>>
        %dma_wait3A_187 = tpu.memref_squeeze %dma_wait3A_186 : memref<1x128xi32, #tpu.memory_space<vmem>> -> memref<128xi32, #tpu.memory_space<vmem>>
        %dma_wait3A_188 = arith.constant 0 : i32
        %dma_wait3A_189 = arith.constant 0 : i32
        %dma_wait3A_190 = tpu.memref_slice %arg3[%dma_wait3A_188, %dma_wait3A_189] : memref<10240x128xf32, #tpu.memory_space<hbm>> -> memref<10240x128xf32, #tpu.memory_space<hbm>>
        tpu.wait_indirect_dma semaphore(%arg15 : memref<!tpu.dma_semaphore, #tpu.memory_space<semaphore_mem>>) src(%dma_wait3A_190 : memref<10240x128xf32, #tpu.memory_space<hbm>>) dst(%arg12 : memref<128x128xf32, #tpu.memory_space<vmem>>)
        %add3A_191 = arith.constant 1 : i32
        %add3A_192 = arith.addi %mul3A_161, %add3A_191 : i32
        "tpu.region"() ({
          %run_scoped3A_193 = tpu.sem_alloc : memref<!tpu.dma_semaphore, #tpu.memory_space<semaphore_mem>>
          %dma_start3A_194 = arith.constant 0 : i32
          %dma_start3A_195 = tpu.memref_slice %arg10[%add3A_192, %dma_start3A_194] : memref<40x128xi32, #tpu.memory_space<vmem>> -> memref<1x128xi32, #tpu.memory_space<vmem>>
          %dma_start3A_196 = tpu.memref_squeeze %dma_start3A_195 : memref<1x128xi32, #tpu.memory_space<vmem>> -> memref<128xi32, #tpu.memory_space<vmem>>
          %dma_start3A_197 = arith.constant 0 : i32
          %dma_start3A_198 = arith.constant 0 : i32
          %dma_start3A_199 = tpu.memref_slice %arg13[%dma_start3A_197, %dma_start3A_198] : memref<10240x128xf32, #tpu.memory_space<vmem_shared>> -> memref<10240x128xf32, #tpu.memory_space<vmem_shared>>
          tpu.enqueue_indirect_dma source(%arg12 : memref<128x128xf32, #tpu.memory_space<vmem>>) target(%dma_start3A_199 : memref<10240x128xf32, #tpu.memory_space<vmem_shared>>) offsets(%dma_start3A_196 : memref<128xi32, #tpu.memory_space<vmem>>) semaphore(%run_scoped3A_193 : memref<!tpu.dma_semaphore, #tpu.memory_space<semaphore_mem>>) {add = true}
          %dma_wait3A_200 = arith.constant 0 : i32
          %dma_wait3A_201 = tpu.memref_slice %arg10[%add3A_192, %dma_wait3A_200] : memref<40x128xi32, #tpu.memory_space<vmem>> -> memref<1x128xi32, #tpu.memory_space<vmem>>
          %dma_wait3A_202 = tpu.memref_squeeze %dma_wait3A_201 : memref<1x128xi32, #tpu.memory_space<vmem>> -> memref<128xi32, #tpu.memory_space<vmem>>
          %dma_wait3A_203 = arith.constant 0 : i32
          %dma_wait3A_204 = arith.constant 0 : i32
          %dma_wait3A_205 = tpu.memref_slice %arg13[%dma_wait3A_203, %dma_wait3A_204] : memref<10240x128xf32, #tpu.memory_space<vmem_shared>> -> memref<10240x128xf32, #tpu.memory_space<vmem_shared>>
          tpu.wait_indirect_dma semaphore(%run_scoped3A_193 : memref<!tpu.dma_semaphore, #tpu.memory_space<semaphore_mem>>) src(%arg12 : memref<128x128xf32, #tpu.memory_space<vmem>>) dst(%dma_wait3A_205 : memref<10240x128xf32, #tpu.memory_space<vmem_shared>>)
          tpu.yield
        }) : () -> ()
      }
      %scan3A_135 = arith.constant 19 : i32
      %dma_start3A_136 = arith.constant 39 : i32
      %dma_start3A_137 = arith.constant 0 : i32
      %dma_start3A_138 = tpu.memref_slice %arg9[%dma_start3A_136, %dma_start3A_137] : memref<40x128xi32, #tpu.memory_space<vmem>> -> memref<1x128xi32, #tpu.memory_space<vmem>>
      %dma_start3A_139 = tpu.memref_squeeze %dma_start3A_138 : memref<1x128xi32, #tpu.memory_space<vmem>> -> memref<128xi32, #tpu.memory_space<vmem>>
      %dma_start3A_140 = arith.constant 0 : i32
      %dma_start3A_141 = arith.constant 0 : i32
      %dma_start3A_142 = tpu.memref_slice %arg3[%dma_start3A_140, %dma_start3A_141] : memref<10240x128xf32, #tpu.memory_space<hbm>> -> memref<10240x128xf32, #tpu.memory_space<hbm>>
      tpu.enqueue_indirect_dma source(%dma_start3A_142 : memref<10240x128xf32, #tpu.memory_space<hbm>>) target(%arg12 : memref<128x128xf32, #tpu.memory_space<vmem>>) offsets(%dma_start3A_139 : memref<128xi32, #tpu.memory_space<vmem>>) semaphore(%arg15 : memref<!tpu.dma_semaphore, #tpu.memory_space<semaphore_mem>>)
      %dma_wait3A_143 = arith.constant 38 : i32
      %dma_wait3A_144 = arith.constant 0 : i32
      %dma_wait3A_145 = tpu.memref_slice %arg9[%dma_wait3A_143, %dma_wait3A_144] : memref<40x128xi32, #tpu.memory_space<vmem>> -> memref<1x128xi32, #tpu.memory_space<vmem>>
      %dma_wait3A_146 = tpu.memref_squeeze %dma_wait3A_145 : memref<1x128xi32, #tpu.memory_space<vmem>> -> memref<128xi32, #tpu.memory_space<vmem>>
      %dma_wait3A_147 = arith.constant 0 : i32
      %dma_wait3A_148 = arith.constant 0 : i32
      %dma_wait3A_149 = tpu.memref_slice %arg3[%dma_wait3A_147, %dma_wait3A_148] : memref<10240x128xf32, #tpu.memory_space<hbm>> -> memref<10240x128xf32, #tpu.memory_space<hbm>>
      tpu.wait_indirect_dma semaphore(%arg14 : memref<!tpu.dma_semaphore, #tpu.memory_space<semaphore_mem>>) src(%dma_wait3A_149 : memref<10240x128xf32, #tpu.memory_space<hbm>>) dst(%arg11 : memref<128x128xf32, #tpu.memory_space<vmem>>)
      %run_scoped3A_150 = arith.constant 38 : i32
      "tpu.region"() ({
        %run_scoped3A_159 = tpu.sem_alloc : memref<!tpu.dma_semaphore, #tpu.memory_space<semaphore_mem>>
        %dma_start3A_160 = arith.constant 0 : i32
        %dma_start3A_161 = tpu.memref_slice %arg10[%run_scoped3A_150, %dma_start3A_160] : memref<40x128xi32, #tpu.memory_space<vmem>> -> memref<1x128xi32, #tpu.memory_space<vmem>>
        %dma_start3A_162 = tpu.memref_squeeze %dma_start3A_161 : memref<1x128xi32, #tpu.memory_space<vmem>> -> memref<128xi32, #tpu.memory_space<vmem>>
        %dma_start3A_163 = arith.constant 0 : i32
        %dma_start3A_164 = arith.constant 0 : i32
        %dma_start3A_165 = tpu.memref_slice %arg13[%dma_start3A_163, %dma_start3A_164] : memref<10240x128xf32, #tpu.memory_space<vmem_shared>> -> memref<10240x128xf32, #tpu.memory_space<vmem_shared>>
        tpu.enqueue_indirect_dma source(%arg11 : memref<128x128xf32, #tpu.memory_space<vmem>>) target(%dma_start3A_165 : memref<10240x128xf32, #tpu.memory_space<vmem_shared>>) offsets(%dma_start3A_162 : memref<128xi32, #tpu.memory_space<vmem>>) semaphore(%run_scoped3A_159 : memref<!tpu.dma_semaphore, #tpu.memory_space<semaphore_mem>>) {add = true}
        %dma_wait3A_166 = arith.constant 0 : i32
        %dma_wait3A_167 = tpu.memref_slice %arg10[%run_scoped3A_150, %dma_wait3A_166] : memref<40x128xi32, #tpu.memory_space<vmem>> -> memref<1x128xi32, #tpu.memory_space<vmem>>
        %dma_wait3A_168 = tpu.memref_squeeze %dma_wait3A_167 : memref<1x128xi32, #tpu.memory_space<vmem>> -> memref<128xi32, #tpu.memory_space<vmem>>
        %dma_wait3A_169 = arith.constant 0 : i32
        %dma_wait3A_170 = arith.constant 0 : i32
        %dma_wait3A_171 = tpu.memref_slice %arg13[%dma_wait3A_169, %dma_wait3A_170] : memref<10240x128xf32, #tpu.memory_space<vmem_shared>> -> memref<10240x128xf32, #tpu.memory_space<vmem_shared>>
        tpu.wait_indirect_dma semaphore(%run_scoped3A_159 : memref<!tpu.dma_semaphore, #tpu.memory_space<semaphore_mem>>) src(%arg11 : memref<128x128xf32, #tpu.memory_space<vmem>>) dst(%dma_wait3A_171 : memref<10240x128xf32, #tpu.memory_space<vmem_shared>>)
        tpu.yield
      }) : () -> ()
      %dma_wait3A_151 = arith.constant 39 : i32
      %dma_wait3A_152 = arith.constant 0 : i32
      %dma_wait3A_153 = tpu.memref_slice %arg9[%dma_wait3A_151, %dma_wait3A_152] : memref<40x128xi32, #tpu.memory_space<vmem>> -> memref<1x128xi32, #tpu.memory_space<vmem>>
      %dma_wait3A_154 = tpu.memref_squeeze %dma_wait3A_153 : memref<1x128xi32, #tpu.memory_space<vmem>> -> memref<128xi32, #tpu.memory_space<vmem>>
      %dma_wait3A_155 = arith.constant 0 : i32
      %dma_wait3A_156 = arith.constant 0 : i32
      %dma_wait3A_157 = tpu.memref_slice %arg3[%dma_wait3A_155, %dma_wait3A_156] : memref<10240x128xf32, #tpu.memory_space<hbm>> -> memref<10240x128xf32, #tpu.memory_space<hbm>>
      tpu.wait_indirect_dma semaphore(%arg15 : memref<!tpu.dma_semaphore, #tpu.memory_space<semaphore_mem>>) src(%dma_wait3A_157 : memref<10240x128xf32, #tpu.memory_space<hbm>>) dst(%arg12 : memref<128x128xf32, #tpu.memory_space<vmem>>)
      %run_scoped3A_158 = arith.constant 39 : i32
      "tpu.region"() ({
        %run_scoped3A_159 = tpu.sem_alloc : memref<!tpu.dma_semaphore, #tpu.memory_space<semaphore_mem>>
        %dma_start3A_160 = arith.constant 0 : i32
        %dma_start3A_161 = tpu.memref_slice %arg10[%run_scoped3A_158, %dma_start3A_160] : memref<40x128xi32, #tpu.memory_space<vmem>> -> memref<1x128xi32, #tpu.memory_space<vmem>>
        %dma_start3A_162 = tpu.memref_squeeze %dma_start3A_161 : memref<1x128xi32, #tpu.memory_space<vmem>> -> memref<128xi32, #tpu.memory_space<vmem>>
        %dma_start3A_163 = arith.constant 0 : i32
        %dma_start3A_164 = arith.constant 0 : i32
        %dma_start3A_165 = tpu.memref_slice %arg13[%dma_start3A_163, %dma_start3A_164] : memref<10240x128xf32, #tpu.memory_space<vmem_shared>> -> memref<10240x128xf32, #tpu.memory_space<vmem_shared>>
        tpu.enqueue_indirect_dma source(%arg12 : memref<128x128xf32, #tpu.memory_space<vmem>>) target(%dma_start3A_165 : memref<10240x128xf32, #tpu.memory_space<vmem_shared>>) offsets(%dma_start3A_162 : memref<128xi32, #tpu.memory_space<vmem>>) semaphore(%run_scoped3A_159 : memref<!tpu.dma_semaphore, #tpu.memory_space<semaphore_mem>>) {add = true}
        %dma_wait3A_166 = arith.constant 0 : i32
        %dma_wait3A_167 = tpu.memref_slice %arg10[%run_scoped3A_158, %dma_wait3A_166] : memref<40x128xi32, #tpu.memory_space<vmem>> -> memref<1x128xi32, #tpu.memory_space<vmem>>
        %dma_wait3A_168 = tpu.memref_squeeze %dma_wait3A_167 : memref<1x128xi32, #tpu.memory_space<vmem>> -> memref<128xi32, #tpu.memory_space<vmem>>
        %dma_wait3A_169 = arith.constant 0 : i32
        %dma_wait3A_170 = arith.constant 0 : i32
        %dma_wait3A_171 = tpu.memref_slice %arg13[%dma_wait3A_169, %dma_wait3A_170] : memref<10240x128xf32, #tpu.memory_space<vmem_shared>> -> memref<10240x128xf32, #tpu.memory_space<vmem_shared>>
        tpu.wait_indirect_dma semaphore(%run_scoped3A_159 : memref<!tpu.dma_semaphore, #tpu.memory_space<semaphore_mem>>) src(%arg12 : memref<128x128xf32, #tpu.memory_space<vmem>>) dst(%dma_wait3A_171 : memref<10240x128xf32, #tpu.memory_space<vmem_shared>>)
        tpu.yield
      }) : () -> ()
    } else {
    }
    %barrier3A_8 = arith.constant 0 : index
    tpu.barrier barrier_id(%barrier3A_8)
    %eq3A_9 = arith.constant 0 : i32
    %eq3A_10 = arith.cmpi eq, %arg0, %eq3A_9 : i32
    %convert_element_type3A_11 = arith.extui %eq3A_10 : i1 to i32
    %cond3A_12 = arith.constant 0 : i32
    %cond3A_13 = arith.cmpi ne, %convert_element_type3A_11, %cond3A_12 : i32
    scf.if %cond3A_13 {
      "tpu.region"() ({
        %run_scoped3A = tpu.sem_alloc : memref<!tpu.dma_semaphore, #tpu.memory_space<semaphore_mem>>
        %dma_start3A = arith.constant 0 : i32
        %dma_start3A_19 = tpu.memref_slice %arg7[%mul3A_0, %dma_start3A] : memref<10240x128xf32, #tpu.memory_space<hbm>> -> memref<640x128xf32, #tpu.memory_space<hbm>>
        %dma_start3A_20 = arith.constant 0 : i32
        %dma_start3A_21 = tpu.memref_slice %arg13[%mul3A_0, %dma_start3A_20] : memref<10240x128xf32, #tpu.memory_space<vmem_shared>> -> memref<640x128xf32, #tpu.memory_space<vmem_shared>>
        tpu.enqueue_dma source(%dma_start3A_21 : memref<640x128xf32, #tpu.memory_space<vmem_shared>>) target(%dma_start3A_19 : memref<640x128xf32, #tpu.memory_space<hbm>>) target_semaphore(%run_scoped3A : memref<!tpu.dma_semaphore, #tpu.memory_space<semaphore_mem>>)
        %dma_wait3A = arith.constant 0 : i32
        %dma_wait3A_22 = tpu.memref_slice %arg7[%mul3A_0, %dma_wait3A] : memref<10240x128xf32, #tpu.memory_space<hbm>> -> memref<640x128xf32, #tpu.memory_space<hbm>>
        %dma_wait3A_23 = arith.constant 0 : i32
        %dma_wait3A_24 = tpu.memref_slice %arg13[%mul3A_0, %dma_wait3A_23] : memref<10240x128xf32, #tpu.memory_space<vmem_shared>> -> memref<640x128xf32, #tpu.memory_space<vmem_shared>>
        tpu.wait_dma2 semaphore(%run_scoped3A : memref<!tpu.dma_semaphore, #tpu.memory_space<semaphore_mem>>) src(%dma_wait3A_24 : memref<640x128xf32, #tpu.memory_space<vmem_shared>>) dst(%dma_wait3A_22 : memref<640x128xf32, #tpu.memory_space<hbm>>)
        tpu.yield
      }) : () -> ()
    } else {
    }
    %eq3A_14 = arith.constant 1 : i32
    %eq3A_15 = arith.cmpi eq, %arg0, %eq3A_14 : i32
    %convert_element_type3A_16 = arith.extui %eq3A_15 : i1 to i32
    %cond3A_17 = arith.constant 0 : i32
    %cond3A_18 = arith.cmpi ne, %convert_element_type3A_16, %cond3A_17 : i32
    scf.if %cond3A_18 {
      "tpu.region"() ({
        %run_scoped3A = tpu.sem_alloc : memref<!tpu.dma_semaphore, #tpu.memory_space<semaphore_mem>>
        %dma_start3A = arith.constant 0 : i32
        %dma_start3A_19 = tpu.memref_slice %arg8[%mul3A_0, %dma_start3A] : memref<10240x128xf32, #tpu.memory_space<hbm>> -> memref<640x128xf32, #tpu.memory_space<hbm>>
        %dma_start3A_20 = arith.constant 0 : i32
        %dma_start3A_21 = tpu.memref_slice %arg13[%mul3A_0, %dma_start3A_20] : memref<10240x128xf32, #tpu.memory_space<vmem_shared>> -> memref<640x128xf32, #tpu.memory_space<vmem_shared>>
        tpu.enqueue_dma source(%dma_start3A_21 : memref<640x128xf32, #tpu.memory_space<vmem_shared>>) target(%dma_start3A_19 : memref<640x128xf32, #tpu.memory_space<hbm>>) target_semaphore(%run_scoped3A : memref<!tpu.dma_semaphore, #tpu.memory_space<semaphore_mem>>)
        %dma_wait3A = arith.constant 0 : i32
        %dma_wait3A_22 = tpu.memref_slice %arg8[%mul3A_0, %dma_wait3A] : memref<10240x128xf32, #tpu.memory_space<hbm>> -> memref<640x128xf32, #tpu.memory_space<hbm>>
        %dma_wait3A_23 = arith.constant 0 : i32
        %dma_wait3A_24 = tpu.memref_slice %arg13[%mul3A_0, %dma_wait3A_23] : memref<10240x128xf32, #tpu.memory_space<vmem_shared>> -> memref<640x128xf32, #tpu.memory_space<vmem_shared>>
        tpu.wait_dma2 semaphore(%run_scoped3A : memref<!tpu.dma_semaphore, #tpu.memory_space<semaphore_mem>>) src(%dma_wait3A_24 : memref<640x128xf32, #tpu.memory_space<vmem_shared>>) dst(%dma_wait3A_22 : memref<640x128xf32, #tpu.memory_space<hbm>>)
        tpu.yield
      }) : () -> ()
    } else {
    }
    return
  }
}

#map = affine_map<(d0, d1) -> (0, 0)>
#map1 = affine_map<(d0, d1) -> (0, 0, 0, 0)>
#map2 = affine_map<(d0, d1) -> (0, 0, 0)>
module attributes {stable_mosaic.version = 14 : i64} {
  func.func @_spmm_pass2(%arg0: i32, %arg1: i32, %arg2: memref<10240x128xf32, #tpu.memory_space<hbm>>, %arg3: memref<2x16x80x128xi32, #tpu.memory_space<hbm>>, %arg4: memref<2x16x80x128xi32, #tpu.memory_space<hbm>>, %arg5: memref<10240x128xf32, #tpu.memory_space<hbm>>, %arg6: memref<2x10240x128xf32, #tpu.memory_space<hbm>>, %arg7: memref<40x128xi32, #tpu.memory_space<vmem>>, %arg8: memref<40x128xi32, #tpu.memory_space<vmem>>, %arg9: memref<128x128xf32, #tpu.memory_space<vmem>>, %arg10: memref<128x128xf32, #tpu.memory_space<vmem>>, %arg11: memref<10240x128xf32, #tpu.memory_space<vmem_shared>>, %arg12: memref<!tpu.dma_semaphore, #tpu.memory_space<semaphore_mem>>, %arg13: memref<!tpu.dma_semaphore, #tpu.memory_space<semaphore_mem>>) attributes {dimension_semantics = [#tpu.dimension_semantics<core_parallel>, #tpu.dimension_semantics<subcore_parallel>], iteration_bounds = array<i64: 2, 16>, scalar_prefetch = 0 : i64, scratch_operands = 7 : i64, tpu.core_type = #tpu.core_type<sc_vector_subcore>, window_params = [{transform_indices = #map}, {transform_indices = #map1}, {transform_indices = #map1}, {transform_indices = #map}, {transform_indices = #map2}]} {
    %mul3A = arith.constant 640 : i32
    %mul3A_0 = arith.muli %arg1, %mul3A : i32
    "tpu.region"() ({
      %run_scoped3A_70 = tpu.sem_alloc : memref<!tpu.dma_semaphore, #tpu.memory_space<semaphore_mem>>
      %dma_start3A_71 = arith.constant 0 : i32
      %dma_start3A_72 = tpu.memref_slice %arg11[%mul3A_0, %dma_start3A_71] : memref<10240x128xf32, #tpu.memory_space<vmem_shared>> -> memref<640x128xf32, #tpu.memory_space<vmem_shared>>
      %dma_start3A_73 = arith.constant 0 : i32
      %dma_start3A_74 = tpu.memref_slice %arg5[%mul3A_0, %dma_start3A_73] : memref<10240x128xf32, #tpu.memory_space<hbm>> -> memref<640x128xf32, #tpu.memory_space<hbm>>
      tpu.enqueue_dma source(%dma_start3A_74 : memref<640x128xf32, #tpu.memory_space<hbm>>) target(%dma_start3A_72 : memref<640x128xf32, #tpu.memory_space<vmem_shared>>) target_semaphore(%run_scoped3A_70 : memref<!tpu.dma_semaphore, #tpu.memory_space<semaphore_mem>>)
      %dma_wait3A_75 = arith.constant 0 : i32
      %dma_wait3A_76 = tpu.memref_slice %arg11[%mul3A_0, %dma_wait3A_75] : memref<10240x128xf32, #tpu.memory_space<vmem_shared>> -> memref<640x128xf32, #tpu.memory_space<vmem_shared>>
      %dma_wait3A_77 = arith.constant 0 : i32
      %dma_wait3A_78 = tpu.memref_slice %arg5[%mul3A_0, %dma_wait3A_77] : memref<10240x128xf32, #tpu.memory_space<hbm>> -> memref<640x128xf32, #tpu.memory_space<hbm>>
      tpu.wait_dma2 semaphore(%run_scoped3A_70 : memref<!tpu.dma_semaphore, #tpu.memory_space<semaphore_mem>>) src(%dma_wait3A_78 : memref<640x128xf32, #tpu.memory_space<hbm>>) dst(%dma_wait3A_76 : memref<640x128xf32, #tpu.memory_space<vmem_shared>>)
      tpu.yield
    }) : () -> ()
    %barrier3A = arith.constant 0 : index
    tpu.barrier barrier_id(%barrier3A)
    "tpu.region"() ({
      %run_scoped3A_70 = tpu.sem_alloc : memref<!tpu.dma_semaphore, #tpu.memory_space<semaphore_mem>>
      %dma_start3A_71 = arith.constant 0 : i32
      %dma_start3A_72 = arith.constant 0 : i32
      %dma_start3A_73 = tpu.memref_slice %arg3[%arg0, %arg1, %dma_start3A_71, %dma_start3A_72] : memref<2x16x80x128xi32, #tpu.memory_space<hbm>> -> memref<1x1x80x128xi32, #tpu.memory_space<hbm>>
      %dma_start3A_74 = tpu.memref_squeeze %dma_start3A_73 : memref<1x1x80x128xi32, #tpu.memory_space<hbm>> -> memref<80x128xi32, #tpu.memory_space<hbm>>
      %dma_start3A_75 = arith.constant 0 : i32
      %dma_start3A_76 = arith.constant 0 : i32
      %dma_start3A_77 = tpu.memref_slice %dma_start3A_74[%dma_start3A_75, %dma_start3A_76] : memref<80x128xi32, #tpu.memory_space<hbm>> -> memref<40x128xi32, #tpu.memory_space<hbm>>
      %dma_start3A_78 = arith.constant 0 : i32
      %dma_start3A_79 = arith.constant 0 : i32
      %dma_start3A_80 = tpu.memref_slice %arg3[%arg0, %arg1, %dma_start3A_78, %dma_start3A_79] : memref<2x16x80x128xi32, #tpu.memory_space<hbm>> -> memref<1x1x80x128xi32, #tpu.memory_space<hbm>>
      %dma_start3A_81 = tpu.memref_squeeze %dma_start3A_80 : memref<1x1x80x128xi32, #tpu.memory_space<hbm>> -> memref<80x128xi32, #tpu.memory_space<hbm>>
      %dma_start3A_82 = arith.constant 0 : i32
      %dma_start3A_83 = arith.constant 0 : i32
      %dma_start3A_84 = tpu.memref_slice %dma_start3A_81[%dma_start3A_82, %dma_start3A_83] : memref<80x128xi32, #tpu.memory_space<hbm>> -> memref<40x128xi32, #tpu.memory_space<hbm>>
      tpu.enqueue_dma source(%dma_start3A_84 : memref<40x128xi32, #tpu.memory_space<hbm>>) target(%arg7 : memref<40x128xi32, #tpu.memory_space<vmem>>) target_semaphore(%run_scoped3A_70 : memref<!tpu.dma_semaphore, #tpu.memory_space<semaphore_mem>>)
      %dma_wait3A_85 = arith.constant 0 : i32
      %dma_wait3A_86 = arith.constant 0 : i32
      %dma_wait3A_87 = tpu.memref_slice %arg3[%arg0, %arg1, %dma_wait3A_85, %dma_wait3A_86] : memref<2x16x80x128xi32, #tpu.memory_space<hbm>> -> memref<1x1x80x128xi32, #tpu.memory_space<hbm>>
      %dma_wait3A_88 = tpu.memref_squeeze %dma_wait3A_87 : memref<1x1x80x128xi32, #tpu.memory_space<hbm>> -> memref<80x128xi32, #tpu.memory_space<hbm>>
      %dma_wait3A_89 = arith.constant 0 : i32
      %dma_wait3A_90 = arith.constant 0 : i32
      %dma_wait3A_91 = tpu.memref_slice %dma_wait3A_88[%dma_wait3A_89, %dma_wait3A_90] : memref<80x128xi32, #tpu.memory_space<hbm>> -> memref<40x128xi32, #tpu.memory_space<hbm>>
      %dma_wait3A_92 = arith.constant 0 : i32
      %dma_wait3A_93 = arith.constant 0 : i32
      %dma_wait3A_94 = tpu.memref_slice %arg3[%arg0, %arg1, %dma_wait3A_92, %dma_wait3A_93] : memref<2x16x80x128xi32, #tpu.memory_space<hbm>> -> memref<1x1x80x128xi32, #tpu.memory_space<hbm>>
      %dma_wait3A_95 = tpu.memref_squeeze %dma_wait3A_94 : memref<1x1x80x128xi32, #tpu.memory_space<hbm>> -> memref<80x128xi32, #tpu.memory_space<hbm>>
      %dma_wait3A_96 = arith.constant 0 : i32
      %dma_wait3A_97 = arith.constant 0 : i32
      %dma_wait3A_98 = tpu.memref_slice %dma_wait3A_95[%dma_wait3A_96, %dma_wait3A_97] : memref<80x128xi32, #tpu.memory_space<hbm>> -> memref<40x128xi32, #tpu.memory_space<hbm>>
      tpu.wait_dma2 semaphore(%run_scoped3A_70 : memref<!tpu.dma_semaphore, #tpu.memory_space<semaphore_mem>>) src(%dma_wait3A_98 : memref<40x128xi32, #tpu.memory_space<hbm>>) dst(%arg7 : memref<40x128xi32, #tpu.memory_space<vmem>>)
      tpu.yield
    }) : () -> ()
    "tpu.region"() ({
      %run_scoped3A_70 = tpu.sem_alloc : memref<!tpu.dma_semaphore, #tpu.memory_space<semaphore_mem>>
      %dma_start3A_71 = arith.constant 0 : i32
      %dma_start3A_72 = arith.constant 0 : i32
      %dma_start3A_73 = tpu.memref_slice %arg4[%arg0, %arg1, %dma_start3A_71, %dma_start3A_72] : memref<2x16x80x128xi32, #tpu.memory_space<hbm>> -> memref<1x1x80x128xi32, #tpu.memory_space<hbm>>
      %dma_start3A_74 = tpu.memref_squeeze %dma_start3A_73 : memref<1x1x80x128xi32, #tpu.memory_space<hbm>> -> memref<80x128xi32, #tpu.memory_space<hbm>>
      %dma_start3A_75 = arith.constant 0 : i32
      %dma_start3A_76 = arith.constant 0 : i32
      %dma_start3A_77 = tpu.memref_slice %dma_start3A_74[%dma_start3A_75, %dma_start3A_76] : memref<80x128xi32, #tpu.memory_space<hbm>> -> memref<40x128xi32, #tpu.memory_space<hbm>>
      %dma_start3A_78 = arith.constant 0 : i32
      %dma_start3A_79 = arith.constant 0 : i32
      %dma_start3A_80 = tpu.memref_slice %arg4[%arg0, %arg1, %dma_start3A_78, %dma_start3A_79] : memref<2x16x80x128xi32, #tpu.memory_space<hbm>> -> memref<1x1x80x128xi32, #tpu.memory_space<hbm>>
      %dma_start3A_81 = tpu.memref_squeeze %dma_start3A_80 : memref<1x1x80x128xi32, #tpu.memory_space<hbm>> -> memref<80x128xi32, #tpu.memory_space<hbm>>
      %dma_start3A_82 = arith.constant 0 : i32
      %dma_start3A_83 = arith.constant 0 : i32
      %dma_start3A_84 = tpu.memref_slice %dma_start3A_81[%dma_start3A_82, %dma_start3A_83] : memref<80x128xi32, #tpu.memory_space<hbm>> -> memref<40x128xi32, #tpu.memory_space<hbm>>
      tpu.enqueue_dma source(%dma_start3A_84 : memref<40x128xi32, #tpu.memory_space<hbm>>) target(%arg8 : memref<40x128xi32, #tpu.memory_space<vmem>>) target_semaphore(%run_scoped3A_70 : memref<!tpu.dma_semaphore, #tpu.memory_space<semaphore_mem>>)
      %dma_wait3A_85 = arith.constant 0 : i32
      %dma_wait3A_86 = arith.constant 0 : i32
      %dma_wait3A_87 = tpu.memref_slice %arg4[%arg0, %arg1, %dma_wait3A_85, %dma_wait3A_86] : memref<2x16x80x128xi32, #tpu.memory_space<hbm>> -> memref<1x1x80x128xi32, #tpu.memory_space<hbm>>
      %dma_wait3A_88 = tpu.memref_squeeze %dma_wait3A_87 : memref<1x1x80x128xi32, #tpu.memory_space<hbm>> -> memref<80x128xi32, #tpu.memory_space<hbm>>
      %dma_wait3A_89 = arith.constant 0 : i32
      %dma_wait3A_90 = arith.constant 0 : i32
      %dma_wait3A_91 = tpu.memref_slice %dma_wait3A_88[%dma_wait3A_89, %dma_wait3A_90] : memref<80x128xi32, #tpu.memory_space<hbm>> -> memref<40x128xi32, #tpu.memory_space<hbm>>
      %dma_wait3A_92 = arith.constant 0 : i32
      %dma_wait3A_93 = arith.constant 0 : i32
      %dma_wait3A_94 = tpu.memref_slice %arg4[%arg0, %arg1, %dma_wait3A_92, %dma_wait3A_93] : memref<2x16x80x128xi32, #tpu.memory_space<hbm>> -> memref<1x1x80x128xi32, #tpu.memory_space<hbm>>
      %dma_wait3A_95 = tpu.memref_squeeze %dma_wait3A_94 : memref<1x1x80x128xi32, #tpu.memory_space<hbm>> -> memref<80x128xi32, #tpu.memory_space<hbm>>
      %dma_wait3A_96 = arith.constant 0 : i32
      %dma_wait3A_97 = arith.constant 0 : i32
      %dma_wait3A_98 = tpu.memref_slice %dma_wait3A_95[%dma_wait3A_96, %dma_wait3A_97] : memref<80x128xi32, #tpu.memory_space<hbm>> -> memref<40x128xi32, #tpu.memory_space<hbm>>
      tpu.wait_dma2 semaphore(%run_scoped3A_70 : memref<!tpu.dma_semaphore, #tpu.memory_space<semaphore_mem>>) src(%dma_wait3A_98 : memref<40x128xi32, #tpu.memory_space<hbm>>) dst(%arg8 : memref<40x128xi32, #tpu.memory_space<vmem>>)
      tpu.yield
    }) : () -> ()
    %dma_start3A = arith.constant 0 : i32
    %dma_start3A_1 = arith.constant 0 : i32
    %dma_start3A_2 = tpu.memref_slice %arg7[%dma_start3A, %dma_start3A_1] : memref<40x128xi32, #tpu.memory_space<vmem>> -> memref<1x128xi32, #tpu.memory_space<vmem>>
    %dma_start3A_3 = tpu.memref_squeeze %dma_start3A_2 : memref<1x128xi32, #tpu.memory_space<vmem>> -> memref<128xi32, #tpu.memory_space<vmem>>
    %dma_start3A_4 = arith.constant 0 : i32
    %dma_start3A_5 = arith.constant 0 : i32
    %dma_start3A_6 = tpu.memref_slice %arg2[%dma_start3A_4, %dma_start3A_5] : memref<10240x128xf32, #tpu.memory_space<hbm>> -> memref<10240x128xf32, #tpu.memory_space<hbm>>
    tpu.enqueue_indirect_dma source(%dma_start3A_6 : memref<10240x128xf32, #tpu.memory_space<hbm>>) target(%arg9 : memref<128x128xf32, #tpu.memory_space<vmem>>) offsets(%dma_start3A_3 : memref<128xi32, #tpu.memory_space<vmem>>) semaphore(%arg12 : memref<!tpu.dma_semaphore, #tpu.memory_space<semaphore_mem>>)
    %scan3A = arith.constant 0 : i32
    %scan3A_7 = arith.constant 0 : i32
    %scan3A_8 = arith.constant 19 : i32
    %scan3A_9 = arith.addi %scan3A_7, %scan3A_8 : i32
    %scan3A_10 = arith.constant 1 : i32
    scf.for %scan3A_70 = %scan3A_7 to %scan3A_9 step %scan3A_10  : i32 {
      %mul3A_71 = arith.constant 2 : i32
      %mul3A_72 = arith.muli %mul3A_71, %scan3A_70 : i32
      %add3A = arith.constant 1 : i32
      %add3A_73 = arith.addi %mul3A_72, %add3A : i32
      %dma_start3A_74 = arith.constant 0 : i32
      %dma_start3A_75 = tpu.memref_slice %arg7[%add3A_73, %dma_start3A_74] : memref<40x128xi32, #tpu.memory_space<vmem>> -> memref<1x128xi32, #tpu.memory_space<vmem>>
      %dma_start3A_76 = tpu.memref_squeeze %dma_start3A_75 : memref<1x128xi32, #tpu.memory_space<vmem>> -> memref<128xi32, #tpu.memory_space<vmem>>
      %dma_start3A_77 = arith.constant 0 : i32
      %dma_start3A_78 = arith.constant 0 : i32
      %dma_start3A_79 = tpu.memref_slice %arg2[%dma_start3A_77, %dma_start3A_78] : memref<10240x128xf32, #tpu.memory_space<hbm>> -> memref<10240x128xf32, #tpu.memory_space<hbm>>
      tpu.enqueue_indirect_dma source(%dma_start3A_79 : memref<10240x128xf32, #tpu.memory_space<hbm>>) target(%arg10 : memref<128x128xf32, #tpu.memory_space<vmem>>) offsets(%dma_start3A_76 : memref<128xi32, #tpu.memory_space<vmem>>) semaphore(%arg13 : memref<!tpu.dma_semaphore, #tpu.memory_space<semaphore_mem>>)
      %dma_wait3A_80 = arith.constant 0 : i32
      %dma_wait3A_81 = tpu.memref_slice %arg7[%mul3A_72, %dma_wait3A_80] : memref<40x128xi32, #tpu.memory_space<vmem>> -> memref<1x128xi32, #tpu.memory_space<vmem>>
      %dma_wait3A_82 = tpu.memref_squeeze %dma_wait3A_81 : memref<1x128xi32, #tpu.memory_space<vmem>> -> memref<128xi32, #tpu.memory_space<vmem>>
      %dma_wait3A_83 = arith.constant 0 : i32
      %dma_wait3A_84 = arith.constant 0 : i32
      %dma_wait3A_85 = tpu.memref_slice %arg2[%dma_wait3A_83, %dma_wait3A_84] : memref<10240x128xf32, #tpu.memory_space<hbm>> -> memref<10240x128xf32, #tpu.memory_space<hbm>>
      tpu.wait_indirect_dma semaphore(%arg12 : memref<!tpu.dma_semaphore, #tpu.memory_space<semaphore_mem>>) src(%dma_wait3A_85 : memref<10240x128xf32, #tpu.memory_space<hbm>>) dst(%arg9 : memref<128x128xf32, #tpu.memory_space<vmem>>)
      "tpu.region"() ({
        %run_scoped3A_104 = tpu.sem_alloc : memref<!tpu.dma_semaphore, #tpu.memory_space<semaphore_mem>>
        %dma_start3A_105 = arith.constant 0 : i32
        %dma_start3A_106 = tpu.memref_slice %arg8[%mul3A_72, %dma_start3A_105] : memref<40x128xi32, #tpu.memory_space<vmem>> -> memref<1x128xi32, #tpu.memory_space<vmem>>
        %dma_start3A_107 = tpu.memref_squeeze %dma_start3A_106 : memref<1x128xi32, #tpu.memory_space<vmem>> -> memref<128xi32, #tpu.memory_space<vmem>>
        %dma_start3A_108 = arith.constant 0 : i32
        %dma_start3A_109 = arith.constant 0 : i32
        %dma_start3A_110 = tpu.memref_slice %arg11[%dma_start3A_108, %dma_start3A_109] : memref<10240x128xf32, #tpu.memory_space<vmem_shared>> -> memref<10240x128xf32, #tpu.memory_space<vmem_shared>>
        tpu.enqueue_indirect_dma source(%arg9 : memref<128x128xf32, #tpu.memory_space<vmem>>) target(%dma_start3A_110 : memref<10240x128xf32, #tpu.memory_space<vmem_shared>>) offsets(%dma_start3A_107 : memref<128xi32, #tpu.memory_space<vmem>>) semaphore(%run_scoped3A_104 : memref<!tpu.dma_semaphore, #tpu.memory_space<semaphore_mem>>) {add = true}
        %dma_wait3A_111 = arith.constant 0 : i32
        %dma_wait3A_112 = tpu.memref_slice %arg8[%mul3A_72, %dma_wait3A_111] : memref<40x128xi32, #tpu.memory_space<vmem>> -> memref<1x128xi32, #tpu.memory_space<vmem>>
        %dma_wait3A_113 = tpu.memref_squeeze %dma_wait3A_112 : memref<1x128xi32, #tpu.memory_space<vmem>> -> memref<128xi32, #tpu.memory_space<vmem>>
        %dma_wait3A_114 = arith.constant 0 : i32
        %dma_wait3A_115 = arith.constant 0 : i32
        %dma_wait3A_116 = tpu.memref_slice %arg11[%dma_wait3A_114, %dma_wait3A_115] : memref<10240x128xf32, #tpu.memory_space<vmem_shared>> -> memref<10240x128xf32, #tpu.memory_space<vmem_shared>>
        tpu.wait_indirect_dma semaphore(%run_scoped3A_104 : memref<!tpu.dma_semaphore, #tpu.memory_space<semaphore_mem>>) src(%arg9 : memref<128x128xf32, #tpu.memory_space<vmem>>) dst(%dma_wait3A_116 : memref<10240x128xf32, #tpu.memory_space<vmem_shared>>)
        tpu.yield
      }) : () -> ()
      %add3A_86 = arith.constant 2 : i32
      %add3A_87 = arith.addi %mul3A_72, %add3A_86 : i32
      %dma_start3A_88 = arith.constant 0 : i32
      %dma_start3A_89 = tpu.memref_slice %arg7[%add3A_87, %dma_start3A_88] : memref<40x128xi32, #tpu.memory_space<vmem>> -> memref<1x128xi32, #tpu.memory_space<vmem>>
      %dma_start3A_90 = tpu.memref_squeeze %dma_start3A_89 : memref<1x128xi32, #tpu.memory_space<vmem>> -> memref<128xi32, #tpu.memory_space<vmem>>
      %dma_start3A_91 = arith.constant 0 : i32
      %dma_start3A_92 = arith.constant 0 : i32
      %dma_start3A_93 = tpu.memref_slice %arg2[%dma_start3A_91, %dma_start3A_92] : memref<10240x128xf32, #tpu.memory_space<hbm>> -> memref<10240x128xf32, #tpu.memory_space<hbm>>
      tpu.enqueue_indirect_dma source(%dma_start3A_93 : memref<10240x128xf32, #tpu.memory_space<hbm>>) target(%arg9 : memref<128x128xf32, #tpu.memory_space<vmem>>) offsets(%dma_start3A_90 : memref<128xi32, #tpu.memory_space<vmem>>) semaphore(%arg12 : memref<!tpu.dma_semaphore, #tpu.memory_space<semaphore_mem>>)
      %add3A_94 = arith.constant 1 : i32
      %add3A_95 = arith.addi %mul3A_72, %add3A_94 : i32
      %dma_wait3A_96 = arith.constant 0 : i32
      %dma_wait3A_97 = tpu.memref_slice %arg7[%add3A_95, %dma_wait3A_96] : memref<40x128xi32, #tpu.memory_space<vmem>> -> memref<1x128xi32, #tpu.memory_space<vmem>>
      %dma_wait3A_98 = tpu.memref_squeeze %dma_wait3A_97 : memref<1x128xi32, #tpu.memory_space<vmem>> -> memref<128xi32, #tpu.memory_space<vmem>>
      %dma_wait3A_99 = arith.constant 0 : i32
      %dma_wait3A_100 = arith.constant 0 : i32
      %dma_wait3A_101 = tpu.memref_slice %arg2[%dma_wait3A_99, %dma_wait3A_100] : memref<10240x128xf32, #tpu.memory_space<hbm>> -> memref<10240x128xf32, #tpu.memory_space<hbm>>
      tpu.wait_indirect_dma semaphore(%arg13 : memref<!tpu.dma_semaphore, #tpu.memory_space<semaphore_mem>>) src(%dma_wait3A_101 : memref<10240x128xf32, #tpu.memory_space<hbm>>) dst(%arg10 : memref<128x128xf32, #tpu.memory_space<vmem>>)
      %add3A_102 = arith.constant 1 : i32
      %add3A_103 = arith.addi %mul3A_72, %add3A_102 : i32
      "tpu.region"() ({
        %run_scoped3A_104 = tpu.sem_alloc : memref<!tpu.dma_semaphore, #tpu.memory_space<semaphore_mem>>
        %dma_start3A_105 = arith.constant 0 : i32
        %dma_start3A_106 = tpu.memref_slice %arg8[%add3A_103, %dma_start3A_105] : memref<40x128xi32, #tpu.memory_space<vmem>> -> memref<1x128xi32, #tpu.memory_space<vmem>>
        %dma_start3A_107 = tpu.memref_squeeze %dma_start3A_106 : memref<1x128xi32, #tpu.memory_space<vmem>> -> memref<128xi32, #tpu.memory_space<vmem>>
        %dma_start3A_108 = arith.constant 0 : i32
        %dma_start3A_109 = arith.constant 0 : i32
        %dma_start3A_110 = tpu.memref_slice %arg11[%dma_start3A_108, %dma_start3A_109] : memref<10240x128xf32, #tpu.memory_space<vmem_shared>> -> memref<10240x128xf32, #tpu.memory_space<vmem_shared>>
        tpu.enqueue_indirect_dma source(%arg10 : memref<128x128xf32, #tpu.memory_space<vmem>>) target(%dma_start3A_110 : memref<10240x128xf32, #tpu.memory_space<vmem_shared>>) offsets(%dma_start3A_107 : memref<128xi32, #tpu.memory_space<vmem>>) semaphore(%run_scoped3A_104 : memref<!tpu.dma_semaphore, #tpu.memory_space<semaphore_mem>>) {add = true}
        %dma_wait3A_111 = arith.constant 0 : i32
        %dma_wait3A_112 = tpu.memref_slice %arg8[%add3A_103, %dma_wait3A_111] : memref<40x128xi32, #tpu.memory_space<vmem>> -> memref<1x128xi32, #tpu.memory_space<vmem>>
        %dma_wait3A_113 = tpu.memref_squeeze %dma_wait3A_112 : memref<1x128xi32, #tpu.memory_space<vmem>> -> memref<128xi32, #tpu.memory_space<vmem>>
        %dma_wait3A_114 = arith.constant 0 : i32
        %dma_wait3A_115 = arith.constant 0 : i32
        %dma_wait3A_116 = tpu.memref_slice %arg11[%dma_wait3A_114, %dma_wait3A_115] : memref<10240x128xf32, #tpu.memory_space<vmem_shared>> -> memref<10240x128xf32, #tpu.memory_space<vmem_shared>>
        tpu.wait_indirect_dma semaphore(%run_scoped3A_104 : memref<!tpu.dma_semaphore, #tpu.memory_space<semaphore_mem>>) src(%arg10 : memref<128x128xf32, #tpu.memory_space<vmem>>) dst(%dma_wait3A_116 : memref<10240x128xf32, #tpu.memory_space<vmem_shared>>)
        tpu.yield
      }) : () -> ()
    }
    %scan3A_11 = arith.constant 19 : i32
    %dma_start3A_12 = arith.constant 39 : i32
    %dma_start3A_13 = arith.constant 0 : i32
    %dma_start3A_14 = tpu.memref_slice %arg7[%dma_start3A_12, %dma_start3A_13] : memref<40x128xi32, #tpu.memory_space<vmem>> -> memref<1x128xi32, #tpu.memory_space<vmem>>
    %dma_start3A_15 = tpu.memref_squeeze %dma_start3A_14 : memref<1x128xi32, #tpu.memory_space<vmem>> -> memref<128xi32, #tpu.memory_space<vmem>>
    %dma_start3A_16 = arith.constant 0 : i32
    %dma_start3A_17 = arith.constant 0 : i32
    %dma_start3A_18 = tpu.memref_slice %arg2[%dma_start3A_16, %dma_start3A_17] : memref<10240x128xf32, #tpu.memory_space<hbm>> -> memref<10240x128xf32, #tpu.memory_space<hbm>>
    tpu.enqueue_indirect_dma source(%dma_start3A_18 : memref<10240x128xf32, #tpu.memory_space<hbm>>) target(%arg10 : memref<128x128xf32, #tpu.memory_space<vmem>>) offsets(%dma_start3A_15 : memref<128xi32, #tpu.memory_space<vmem>>) semaphore(%arg13 : memref<!tpu.dma_semaphore, #tpu.memory_space<semaphore_mem>>)
    %dma_wait3A = arith.constant 38 : i32
    %dma_wait3A_19 = arith.constant 0 : i32
    %dma_wait3A_20 = tpu.memref_slice %arg7[%dma_wait3A, %dma_wait3A_19] : memref<40x128xi32, #tpu.memory_space<vmem>> -> memref<1x128xi32, #tpu.memory_space<vmem>>
    %dma_wait3A_21 = tpu.memref_squeeze %dma_wait3A_20 : memref<1x128xi32, #tpu.memory_space<vmem>> -> memref<128xi32, #tpu.memory_space<vmem>>
    %dma_wait3A_22 = arith.constant 0 : i32
    %dma_wait3A_23 = arith.constant 0 : i32
    %dma_wait3A_24 = tpu.memref_slice %arg2[%dma_wait3A_22, %dma_wait3A_23] : memref<10240x128xf32, #tpu.memory_space<hbm>> -> memref<10240x128xf32, #tpu.memory_space<hbm>>
    tpu.wait_indirect_dma semaphore(%arg12 : memref<!tpu.dma_semaphore, #tpu.memory_space<semaphore_mem>>) src(%dma_wait3A_24 : memref<10240x128xf32, #tpu.memory_space<hbm>>) dst(%arg9 : memref<128x128xf32, #tpu.memory_space<vmem>>)
    %run_scoped3A = arith.constant 38 : i32
    "tpu.region"() ({
      %run_scoped3A_70 = tpu.sem_alloc : memref<!tpu.dma_semaphore, #tpu.memory_space<semaphore_mem>>
      %dma_start3A_71 = arith.constant 0 : i32
      %dma_start3A_72 = tpu.memref_slice %arg8[%run_scoped3A, %dma_start3A_71] : memref<40x128xi32, #tpu.memory_space<vmem>> -> memref<1x128xi32, #tpu.memory_space<vmem>>
      %dma_start3A_73 = tpu.memref_squeeze %dma_start3A_72 : memref<1x128xi32, #tpu.memory_space<vmem>> -> memref<128xi32, #tpu.memory_space<vmem>>
      %dma_start3A_74 = arith.constant 0 : i32
      %dma_start3A_75 = arith.constant 0 : i32
      %dma_start3A_76 = tpu.memref_slice %arg11[%dma_start3A_74, %dma_start3A_75] : memref<10240x128xf32, #tpu.memory_space<vmem_shared>> -> memref<10240x128xf32, #tpu.memory_space<vmem_shared>>
      tpu.enqueue_indirect_dma source(%arg9 : memref<128x128xf32, #tpu.memory_space<vmem>>) target(%dma_start3A_76 : memref<10240x128xf32, #tpu.memory_space<vmem_shared>>) offsets(%dma_start3A_73 : memref<128xi32, #tpu.memory_space<vmem>>) semaphore(%run_scoped3A_70 : memref<!tpu.dma_semaphore, #tpu.memory_space<semaphore_mem>>) {add = true}
      %dma_wait3A_77 = arith.constant 0 : i32
      %dma_wait3A_78 = tpu.memref_slice %arg8[%run_scoped3A, %dma_wait3A_77] : memref<40x128xi32, #tpu.memory_space<vmem>> -> memref<1x128xi32, #tpu.memory_space<vmem>>
      %dma_wait3A_79 = tpu.memref_squeeze %dma_wait3A_78 : memref<1x128xi32, #tpu.memory_space<vmem>> -> memref<128xi32, #tpu.memory_space<vmem>>
      %dma_wait3A_80 = arith.constant 0 : i32
      %dma_wait3A_81 = arith.constant 0 : i32
      %dma_wait3A_82 = tpu.memref_slice %arg11[%dma_wait3A_80, %dma_wait3A_81] : memref<10240x128xf32, #tpu.memory_space<vmem_shared>> -> memref<10240x128xf32, #tpu.memory_space<vmem_shared>>
      tpu.wait_indirect_dma semaphore(%run_scoped3A_70 : memref<!tpu.dma_semaphore, #tpu.memory_space<semaphore_mem>>) src(%arg9 : memref<128x128xf32, #tpu.memory_space<vmem>>) dst(%dma_wait3A_82 : memref<10240x128xf32, #tpu.memory_space<vmem_shared>>)
      tpu.yield
    }) : () -> ()
    %dma_wait3A_25 = arith.constant 39 : i32
    %dma_wait3A_26 = arith.constant 0 : i32
    %dma_wait3A_27 = tpu.memref_slice %arg7[%dma_wait3A_25, %dma_wait3A_26] : memref<40x128xi32, #tpu.memory_space<vmem>> -> memref<1x128xi32, #tpu.memory_space<vmem>>
    %dma_wait3A_28 = tpu.memref_squeeze %dma_wait3A_27 : memref<1x128xi32, #tpu.memory_space<vmem>> -> memref<128xi32, #tpu.memory_space<vmem>>
    %dma_wait3A_29 = arith.constant 0 : i32
    %dma_wait3A_30 = arith.constant 0 : i32
    %dma_wait3A_31 = tpu.memref_slice %arg2[%dma_wait3A_29, %dma_wait3A_30] : memref<10240x128xf32, #tpu.memory_space<hbm>> -> memref<10240x128xf32, #tpu.memory_space<hbm>>
    tpu.wait_indirect_dma semaphore(%arg13 : memref<!tpu.dma_semaphore, #tpu.memory_space<semaphore_mem>>) src(%dma_wait3A_31 : memref<10240x128xf32, #tpu.memory_space<hbm>>) dst(%arg10 : memref<128x128xf32, #tpu.memory_space<vmem>>)
    %run_scoped3A_32 = arith.constant 39 : i32
    "tpu.region"() ({
      %run_scoped3A_70 = tpu.sem_alloc : memref<!tpu.dma_semaphore, #tpu.memory_space<semaphore_mem>>
      %dma_start3A_71 = arith.constant 0 : i32
      %dma_start3A_72 = tpu.memref_slice %arg8[%run_scoped3A_32, %dma_start3A_71] : memref<40x128xi32, #tpu.memory_space<vmem>> -> memref<1x128xi32, #tpu.memory_space<vmem>>
      %dma_start3A_73 = tpu.memref_squeeze %dma_start3A_72 : memref<1x128xi32, #tpu.memory_space<vmem>> -> memref<128xi32, #tpu.memory_space<vmem>>
      %dma_start3A_74 = arith.constant 0 : i32
      %dma_start3A_75 = arith.constant 0 : i32
      %dma_start3A_76 = tpu.memref_slice %arg11[%dma_start3A_74, %dma_start3A_75] : memref<10240x128xf32, #tpu.memory_space<vmem_shared>> -> memref<10240x128xf32, #tpu.memory_space<vmem_shared>>
      tpu.enqueue_indirect_dma source(%arg10 : memref<128x128xf32, #tpu.memory_space<vmem>>) target(%dma_start3A_76 : memref<10240x128xf32, #tpu.memory_space<vmem_shared>>) offsets(%dma_start3A_73 : memref<128xi32, #tpu.memory_space<vmem>>) semaphore(%run_scoped3A_70 : memref<!tpu.dma_semaphore, #tpu.memory_space<semaphore_mem>>) {add = true}
      %dma_wait3A_77 = arith.constant 0 : i32
      %dma_wait3A_78 = tpu.memref_slice %arg8[%run_scoped3A_32, %dma_wait3A_77] : memref<40x128xi32, #tpu.memory_space<vmem>> -> memref<1x128xi32, #tpu.memory_space<vmem>>
      %dma_wait3A_79 = tpu.memref_squeeze %dma_wait3A_78 : memref<1x128xi32, #tpu.memory_space<vmem>> -> memref<128xi32, #tpu.memory_space<vmem>>
      %dma_wait3A_80 = arith.constant 0 : i32
      %dma_wait3A_81 = arith.constant 0 : i32
      %dma_wait3A_82 = tpu.memref_slice %arg11[%dma_wait3A_80, %dma_wait3A_81] : memref<10240x128xf32, #tpu.memory_space<vmem_shared>> -> memref<10240x128xf32, #tpu.memory_space<vmem_shared>>
      tpu.wait_indirect_dma semaphore(%run_scoped3A_70 : memref<!tpu.dma_semaphore, #tpu.memory_space<semaphore_mem>>) src(%arg10 : memref<128x128xf32, #tpu.memory_space<vmem>>) dst(%dma_wait3A_82 : memref<10240x128xf32, #tpu.memory_space<vmem_shared>>)
      tpu.yield
    }) : () -> ()
    "tpu.region"() ({
      %run_scoped3A_70 = tpu.sem_alloc : memref<!tpu.dma_semaphore, #tpu.memory_space<semaphore_mem>>
      %dma_start3A_71 = arith.constant 0 : i32
      %dma_start3A_72 = arith.constant 0 : i32
      %dma_start3A_73 = tpu.memref_slice %arg3[%arg0, %arg1, %dma_start3A_71, %dma_start3A_72] : memref<2x16x80x128xi32, #tpu.memory_space<hbm>> -> memref<1x1x80x128xi32, #tpu.memory_space<hbm>>
      %dma_start3A_74 = tpu.memref_squeeze %dma_start3A_73 : memref<1x1x80x128xi32, #tpu.memory_space<hbm>> -> memref<80x128xi32, #tpu.memory_space<hbm>>
      %dma_start3A_75 = arith.constant 40 : i32
      %dma_start3A_76 = arith.constant 0 : i32
      %dma_start3A_77 = tpu.memref_slice %dma_start3A_74[%dma_start3A_75, %dma_start3A_76] : memref<80x128xi32, #tpu.memory_space<hbm>> -> memref<40x128xi32, #tpu.memory_space<hbm>>
      %dma_start3A_78 = arith.constant 0 : i32
      %dma_start3A_79 = arith.constant 0 : i32
      %dma_start3A_80 = tpu.memref_slice %arg3[%arg0, %arg1, %dma_start3A_78, %dma_start3A_79] : memref<2x16x80x128xi32, #tpu.memory_space<hbm>> -> memref<1x1x80x128xi32, #tpu.memory_space<hbm>>
      %dma_start3A_81 = tpu.memref_squeeze %dma_start3A_80 : memref<1x1x80x128xi32, #tpu.memory_space<hbm>> -> memref<80x128xi32, #tpu.memory_space<hbm>>
      %dma_start3A_82 = arith.constant 40 : i32
      %dma_start3A_83 = arith.constant 0 : i32
      %dma_start3A_84 = tpu.memref_slice %dma_start3A_81[%dma_start3A_82, %dma_start3A_83] : memref<80x128xi32, #tpu.memory_space<hbm>> -> memref<40x128xi32, #tpu.memory_space<hbm>>
      tpu.enqueue_dma source(%dma_start3A_84 : memref<40x128xi32, #tpu.memory_space<hbm>>) target(%arg7 : memref<40x128xi32, #tpu.memory_space<vmem>>) target_semaphore(%run_scoped3A_70 : memref<!tpu.dma_semaphore, #tpu.memory_space<semaphore_mem>>)
      %dma_wait3A_85 = arith.constant 0 : i32
      %dma_wait3A_86 = arith.constant 0 : i32
      %dma_wait3A_87 = tpu.memref_slice %arg3[%arg0, %arg1, %dma_wait3A_85, %dma_wait3A_86] : memref<2x16x80x128xi32, #tpu.memory_space<hbm>> -> memref<1x1x80x128xi32, #tpu.memory_space<hbm>>
      %dma_wait3A_88 = tpu.memref_squeeze %dma_wait3A_87 : memref<1x1x80x128xi32, #tpu.memory_space<hbm>> -> memref<80x128xi32, #tpu.memory_space<hbm>>
      %dma_wait3A_89 = arith.constant 40 : i32
      %dma_wait3A_90 = arith.constant 0 : i32
      %dma_wait3A_91 = tpu.memref_slice %dma_wait3A_88[%dma_wait3A_89, %dma_wait3A_90] : memref<80x128xi32, #tpu.memory_space<hbm>> -> memref<40x128xi32, #tpu.memory_space<hbm>>
      %dma_wait3A_92 = arith.constant 0 : i32
      %dma_wait3A_93 = arith.constant 0 : i32
      %dma_wait3A_94 = tpu.memref_slice %arg3[%arg0, %arg1, %dma_wait3A_92, %dma_wait3A_93] : memref<2x16x80x128xi32, #tpu.memory_space<hbm>> -> memref<1x1x80x128xi32, #tpu.memory_space<hbm>>
      %dma_wait3A_95 = tpu.memref_squeeze %dma_wait3A_94 : memref<1x1x80x128xi32, #tpu.memory_space<hbm>> -> memref<80x128xi32, #tpu.memory_space<hbm>>
      %dma_wait3A_96 = arith.constant 40 : i32
      %dma_wait3A_97 = arith.constant 0 : i32
      %dma_wait3A_98 = tpu.memref_slice %dma_wait3A_95[%dma_wait3A_96, %dma_wait3A_97] : memref<80x128xi32, #tpu.memory_space<hbm>> -> memref<40x128xi32, #tpu.memory_space<hbm>>
      tpu.wait_dma2 semaphore(%run_scoped3A_70 : memref<!tpu.dma_semaphore, #tpu.memory_space<semaphore_mem>>) src(%dma_wait3A_98 : memref<40x128xi32, #tpu.memory_space<hbm>>) dst(%arg7 : memref<40x128xi32, #tpu.memory_space<vmem>>)
      tpu.yield
    }) : () -> ()
    "tpu.region"() ({
      %run_scoped3A_70 = tpu.sem_alloc : memref<!tpu.dma_semaphore, #tpu.memory_space<semaphore_mem>>
      %dma_start3A_71 = arith.constant 0 : i32
      %dma_start3A_72 = arith.constant 0 : i32
      %dma_start3A_73 = tpu.memref_slice %arg4[%arg0, %arg1, %dma_start3A_71, %dma_start3A_72] : memref<2x16x80x128xi32, #tpu.memory_space<hbm>> -> memref<1x1x80x128xi32, #tpu.memory_space<hbm>>
      %dma_start3A_74 = tpu.memref_squeeze %dma_start3A_73 : memref<1x1x80x128xi32, #tpu.memory_space<hbm>> -> memref<80x128xi32, #tpu.memory_space<hbm>>
      %dma_start3A_75 = arith.constant 40 : i32
      %dma_start3A_76 = arith.constant 0 : i32
      %dma_start3A_77 = tpu.memref_slice %dma_start3A_74[%dma_start3A_75, %dma_start3A_76] : memref<80x128xi32, #tpu.memory_space<hbm>> -> memref<40x128xi32, #tpu.memory_space<hbm>>
      %dma_start3A_78 = arith.constant 0 : i32
      %dma_start3A_79 = arith.constant 0 : i32
      %dma_start3A_80 = tpu.memref_slice %arg4[%arg0, %arg1, %dma_start3A_78, %dma_start3A_79] : memref<2x16x80x128xi32, #tpu.memory_space<hbm>> -> memref<1x1x80x128xi32, #tpu.memory_space<hbm>>
      %dma_start3A_81 = tpu.memref_squeeze %dma_start3A_80 : memref<1x1x80x128xi32, #tpu.memory_space<hbm>> -> memref<80x128xi32, #tpu.memory_space<hbm>>
      %dma_start3A_82 = arith.constant 40 : i32
      %dma_start3A_83 = arith.constant 0 : i32
      %dma_start3A_84 = tpu.memref_slice %dma_start3A_81[%dma_start3A_82, %dma_start3A_83] : memref<80x128xi32, #tpu.memory_space<hbm>> -> memref<40x128xi32, #tpu.memory_space<hbm>>
      tpu.enqueue_dma source(%dma_start3A_84 : memref<40x128xi32, #tpu.memory_space<hbm>>) target(%arg8 : memref<40x128xi32, #tpu.memory_space<vmem>>) target_semaphore(%run_scoped3A_70 : memref<!tpu.dma_semaphore, #tpu.memory_space<semaphore_mem>>)
      %dma_wait3A_85 = arith.constant 0 : i32
      %dma_wait3A_86 = arith.constant 0 : i32
      %dma_wait3A_87 = tpu.memref_slice %arg4[%arg0, %arg1, %dma_wait3A_85, %dma_wait3A_86] : memref<2x16x80x128xi32, #tpu.memory_space<hbm>> -> memref<1x1x80x128xi32, #tpu.memory_space<hbm>>
      %dma_wait3A_88 = tpu.memref_squeeze %dma_wait3A_87 : memref<1x1x80x128xi32, #tpu.memory_space<hbm>> -> memref<80x128xi32, #tpu.memory_space<hbm>>
      %dma_wait3A_89 = arith.constant 40 : i32
      %dma_wait3A_90 = arith.constant 0 : i32
      %dma_wait3A_91 = tpu.memref_slice %dma_wait3A_88[%dma_wait3A_89, %dma_wait3A_90] : memref<80x128xi32, #tpu.memory_space<hbm>> -> memref<40x128xi32, #tpu.memory_space<hbm>>
      %dma_wait3A_92 = arith.constant 0 : i32
      %dma_wait3A_93 = arith.constant 0 : i32
      %dma_wait3A_94 = tpu.memref_slice %arg4[%arg0, %arg1, %dma_wait3A_92, %dma_wait3A_93] : memref<2x16x80x128xi32, #tpu.memory_space<hbm>> -> memref<1x1x80x128xi32, #tpu.memory_space<hbm>>
      %dma_wait3A_95 = tpu.memref_squeeze %dma_wait3A_94 : memref<1x1x80x128xi32, #tpu.memory_space<hbm>> -> memref<80x128xi32, #tpu.memory_space<hbm>>
      %dma_wait3A_96 = arith.constant 40 : i32
      %dma_wait3A_97 = arith.constant 0 : i32
      %dma_wait3A_98 = tpu.memref_slice %dma_wait3A_95[%dma_wait3A_96, %dma_wait3A_97] : memref<80x128xi32, #tpu.memory_space<hbm>> -> memref<40x128xi32, #tpu.memory_space<hbm>>
      tpu.wait_dma2 semaphore(%run_scoped3A_70 : memref<!tpu.dma_semaphore, #tpu.memory_space<semaphore_mem>>) src(%dma_wait3A_98 : memref<40x128xi32, #tpu.memory_space<hbm>>) dst(%arg8 : memref<40x128xi32, #tpu.memory_space<vmem>>)
      tpu.yield
    }) : () -> ()
    %dma_start3A_33 = arith.constant 0 : i32
    %dma_start3A_34 = arith.constant 0 : i32
    %dma_start3A_35 = tpu.memref_slice %arg7[%dma_start3A_33, %dma_start3A_34] : memref<40x128xi32, #tpu.memory_space<vmem>> -> memref<1x128xi32, #tpu.memory_space<vmem>>
    %dma_start3A_36 = tpu.memref_squeeze %dma_start3A_35 : memref<1x128xi32, #tpu.memory_space<vmem>> -> memref<128xi32, #tpu.memory_space<vmem>>
    %dma_start3A_37 = arith.constant 0 : i32
    %dma_start3A_38 = arith.constant 0 : i32
    %dma_start3A_39 = tpu.memref_slice %arg2[%dma_start3A_37, %dma_start3A_38] : memref<10240x128xf32, #tpu.memory_space<hbm>> -> memref<10240x128xf32, #tpu.memory_space<hbm>>
    tpu.enqueue_indirect_dma source(%dma_start3A_39 : memref<10240x128xf32, #tpu.memory_space<hbm>>) target(%arg9 : memref<128x128xf32, #tpu.memory_space<vmem>>) offsets(%dma_start3A_36 : memref<128xi32, #tpu.memory_space<vmem>>) semaphore(%arg12 : memref<!tpu.dma_semaphore, #tpu.memory_space<semaphore_mem>>)
    %scan3A_40 = arith.constant 0 : i32
    %scan3A_41 = arith.constant 0 : i32
    %scan3A_42 = arith.constant 19 : i32
    %scan3A_43 = arith.addi %scan3A_41, %scan3A_42 : i32
    %scan3A_44 = arith.constant 1 : i32
    scf.for %scan3A_70 = %scan3A_41 to %scan3A_43 step %scan3A_44  : i32 {
      %mul3A_71 = arith.constant 2 : i32
      %mul3A_72 = arith.muli %mul3A_71, %scan3A_70 : i32
      %add3A = arith.constant 1 : i32
      %add3A_73 = arith.addi %mul3A_72, %add3A : i32
      %dma_start3A_74 = arith.constant 0 : i32
      %dma_start3A_75 = tpu.memref_slice %arg7[%add3A_73, %dma_start3A_74] : memref<40x128xi32, #tpu.memory_space<vmem>> -> memref<1x128xi32, #tpu.memory_space<vmem>>
      %dma_start3A_76 = tpu.memref_squeeze %dma_start3A_75 : memref<1x128xi32, #tpu.memory_space<vmem>> -> memref<128xi32, #tpu.memory_space<vmem>>
      %dma_start3A_77 = arith.constant 0 : i32
      %dma_start3A_78 = arith.constant 0 : i32
      %dma_start3A_79 = tpu.memref_slice %arg2[%dma_start3A_77, %dma_start3A_78] : memref<10240x128xf32, #tpu.memory_space<hbm>> -> memref<10240x128xf32, #tpu.memory_space<hbm>>
      tpu.enqueue_indirect_dma source(%dma_start3A_79 : memref<10240x128xf32, #tpu.memory_space<hbm>>) target(%arg10 : memref<128x128xf32, #tpu.memory_space<vmem>>) offsets(%dma_start3A_76 : memref<128xi32, #tpu.memory_space<vmem>>) semaphore(%arg13 : memref<!tpu.dma_semaphore, #tpu.memory_space<semaphore_mem>>)
      %dma_wait3A_80 = arith.constant 0 : i32
      %dma_wait3A_81 = tpu.memref_slice %arg7[%mul3A_72, %dma_wait3A_80] : memref<40x128xi32, #tpu.memory_space<vmem>> -> memref<1x128xi32, #tpu.memory_space<vmem>>
      %dma_wait3A_82 = tpu.memref_squeeze %dma_wait3A_81 : memref<1x128xi32, #tpu.memory_space<vmem>> -> memref<128xi32, #tpu.memory_space<vmem>>
      %dma_wait3A_83 = arith.constant 0 : i32
      %dma_wait3A_84 = arith.constant 0 : i32
      %dma_wait3A_85 = tpu.memref_slice %arg2[%dma_wait3A_83, %dma_wait3A_84] : memref<10240x128xf32, #tpu.memory_space<hbm>> -> memref<10240x128xf32, #tpu.memory_space<hbm>>
      tpu.wait_indirect_dma semaphore(%arg12 : memref<!tpu.dma_semaphore, #tpu.memory_space<semaphore_mem>>) src(%dma_wait3A_85 : memref<10240x128xf32, #tpu.memory_space<hbm>>) dst(%arg9 : memref<128x128xf32, #tpu.memory_space<vmem>>)
      "tpu.region"() ({
        %run_scoped3A_104 = tpu.sem_alloc : memref<!tpu.dma_semaphore, #tpu.memory_space<semaphore_mem>>
        %dma_start3A_105 = arith.constant 0 : i32
        %dma_start3A_106 = tpu.memref_slice %arg8[%mul3A_72, %dma_start3A_105] : memref<40x128xi32, #tpu.memory_space<vmem>> -> memref<1x128xi32, #tpu.memory_space<vmem>>
        %dma_start3A_107 = tpu.memref_squeeze %dma_start3A_106 : memref<1x128xi32, #tpu.memory_space<vmem>> -> memref<128xi32, #tpu.memory_space<vmem>>
        %dma_start3A_108 = arith.constant 0 : i32
        %dma_start3A_109 = arith.constant 0 : i32
        %dma_start3A_110 = tpu.memref_slice %arg11[%dma_start3A_108, %dma_start3A_109] : memref<10240x128xf32, #tpu.memory_space<vmem_shared>> -> memref<10240x128xf32, #tpu.memory_space<vmem_shared>>
        tpu.enqueue_indirect_dma source(%arg9 : memref<128x128xf32, #tpu.memory_space<vmem>>) target(%dma_start3A_110 : memref<10240x128xf32, #tpu.memory_space<vmem_shared>>) offsets(%dma_start3A_107 : memref<128xi32, #tpu.memory_space<vmem>>) semaphore(%run_scoped3A_104 : memref<!tpu.dma_semaphore, #tpu.memory_space<semaphore_mem>>) {add = true}
        %dma_wait3A_111 = arith.constant 0 : i32
        %dma_wait3A_112 = tpu.memref_slice %arg8[%mul3A_72, %dma_wait3A_111] : memref<40x128xi32, #tpu.memory_space<vmem>> -> memref<1x128xi32, #tpu.memory_space<vmem>>
        %dma_wait3A_113 = tpu.memref_squeeze %dma_wait3A_112 : memref<1x128xi32, #tpu.memory_space<vmem>> -> memref<128xi32, #tpu.memory_space<vmem>>
        %dma_wait3A_114 = arith.constant 0 : i32
        %dma_wait3A_115 = arith.constant 0 : i32
        %dma_wait3A_116 = tpu.memref_slice %arg11[%dma_wait3A_114, %dma_wait3A_115] : memref<10240x128xf32, #tpu.memory_space<vmem_shared>> -> memref<10240x128xf32, #tpu.memory_space<vmem_shared>>
        tpu.wait_indirect_dma semaphore(%run_scoped3A_104 : memref<!tpu.dma_semaphore, #tpu.memory_space<semaphore_mem>>) src(%arg9 : memref<128x128xf32, #tpu.memory_space<vmem>>) dst(%dma_wait3A_116 : memref<10240x128xf32, #tpu.memory_space<vmem_shared>>)
        tpu.yield
      }) : () -> ()
      %add3A_86 = arith.constant 2 : i32
      %add3A_87 = arith.addi %mul3A_72, %add3A_86 : i32
      %dma_start3A_88 = arith.constant 0 : i32
      %dma_start3A_89 = tpu.memref_slice %arg7[%add3A_87, %dma_start3A_88] : memref<40x128xi32, #tpu.memory_space<vmem>> -> memref<1x128xi32, #tpu.memory_space<vmem>>
      %dma_start3A_90 = tpu.memref_squeeze %dma_start3A_89 : memref<1x128xi32, #tpu.memory_space<vmem>> -> memref<128xi32, #tpu.memory_space<vmem>>
      %dma_start3A_91 = arith.constant 0 : i32
      %dma_start3A_92 = arith.constant 0 : i32
      %dma_start3A_93 = tpu.memref_slice %arg2[%dma_start3A_91, %dma_start3A_92] : memref<10240x128xf32, #tpu.memory_space<hbm>> -> memref<10240x128xf32, #tpu.memory_space<hbm>>
      tpu.enqueue_indirect_dma source(%dma_start3A_93 : memref<10240x128xf32, #tpu.memory_space<hbm>>) target(%arg9 : memref<128x128xf32, #tpu.memory_space<vmem>>) offsets(%dma_start3A_90 : memref<128xi32, #tpu.memory_space<vmem>>) semaphore(%arg12 : memref<!tpu.dma_semaphore, #tpu.memory_space<semaphore_mem>>)
      %add3A_94 = arith.constant 1 : i32
      %add3A_95 = arith.addi %mul3A_72, %add3A_94 : i32
      %dma_wait3A_96 = arith.constant 0 : i32
      %dma_wait3A_97 = tpu.memref_slice %arg7[%add3A_95, %dma_wait3A_96] : memref<40x128xi32, #tpu.memory_space<vmem>> -> memref<1x128xi32, #tpu.memory_space<vmem>>
      %dma_wait3A_98 = tpu.memref_squeeze %dma_wait3A_97 : memref<1x128xi32, #tpu.memory_space<vmem>> -> memref<128xi32, #tpu.memory_space<vmem>>
      %dma_wait3A_99 = arith.constant 0 : i32
      %dma_wait3A_100 = arith.constant 0 : i32
      %dma_wait3A_101 = tpu.memref_slice %arg2[%dma_wait3A_99, %dma_wait3A_100] : memref<10240x128xf32, #tpu.memory_space<hbm>> -> memref<10240x128xf32, #tpu.memory_space<hbm>>
      tpu.wait_indirect_dma semaphore(%arg13 : memref<!tpu.dma_semaphore, #tpu.memory_space<semaphore_mem>>) src(%dma_wait3A_101 : memref<10240x128xf32, #tpu.memory_space<hbm>>) dst(%arg10 : memref<128x128xf32, #tpu.memory_space<vmem>>)
      %add3A_102 = arith.constant 1 : i32
      %add3A_103 = arith.addi %mul3A_72, %add3A_102 : i32
      "tpu.region"() ({
        %run_scoped3A_104 = tpu.sem_alloc : memref<!tpu.dma_semaphore, #tpu.memory_space<semaphore_mem>>
        %dma_start3A_105 = arith.constant 0 : i32
        %dma_start3A_106 = tpu.memref_slice %arg8[%add3A_103, %dma_start3A_105] : memref<40x128xi32, #tpu.memory_space<vmem>> -> memref<1x128xi32, #tpu.memory_space<vmem>>
        %dma_start3A_107 = tpu.memref_squeeze %dma_start3A_106 : memref<1x128xi32, #tpu.memory_space<vmem>> -> memref<128xi32, #tpu.memory_space<vmem>>
        %dma_start3A_108 = arith.constant 0 : i32
        %dma_start3A_109 = arith.constant 0 : i32
        %dma_start3A_110 = tpu.memref_slice %arg11[%dma_start3A_108, %dma_start3A_109] : memref<10240x128xf32, #tpu.memory_space<vmem_shared>> -> memref<10240x128xf32, #tpu.memory_space<vmem_shared>>
        tpu.enqueue_indirect_dma source(%arg10 : memref<128x128xf32, #tpu.memory_space<vmem>>) target(%dma_start3A_110 : memref<10240x128xf32, #tpu.memory_space<vmem_shared>>) offsets(%dma_start3A_107 : memref<128xi32, #tpu.memory_space<vmem>>) semaphore(%run_scoped3A_104 : memref<!tpu.dma_semaphore, #tpu.memory_space<semaphore_mem>>) {add = true}
        %dma_wait3A_111 = arith.constant 0 : i32
        %dma_wait3A_112 = tpu.memref_slice %arg8[%add3A_103, %dma_wait3A_111] : memref<40x128xi32, #tpu.memory_space<vmem>> -> memref<1x128xi32, #tpu.memory_space<vmem>>
        %dma_wait3A_113 = tpu.memref_squeeze %dma_wait3A_112 : memref<1x128xi32, #tpu.memory_space<vmem>> -> memref<128xi32, #tpu.memory_space<vmem>>
        %dma_wait3A_114 = arith.constant 0 : i32
        %dma_wait3A_115 = arith.constant 0 : i32
        %dma_wait3A_116 = tpu.memref_slice %arg11[%dma_wait3A_114, %dma_wait3A_115] : memref<10240x128xf32, #tpu.memory_space<vmem_shared>> -> memref<10240x128xf32, #tpu.memory_space<vmem_shared>>
        tpu.wait_indirect_dma semaphore(%run_scoped3A_104 : memref<!tpu.dma_semaphore, #tpu.memory_space<semaphore_mem>>) src(%arg10 : memref<128x128xf32, #tpu.memory_space<vmem>>) dst(%dma_wait3A_116 : memref<10240x128xf32, #tpu.memory_space<vmem_shared>>)
        tpu.yield
      }) : () -> ()
    }
    %scan3A_45 = arith.constant 19 : i32
    %dma_start3A_46 = arith.constant 39 : i32
    %dma_start3A_47 = arith.constant 0 : i32
    %dma_start3A_48 = tpu.memref_slice %arg7[%dma_start3A_46, %dma_start3A_47] : memref<40x128xi32, #tpu.memory_space<vmem>> -> memref<1x128xi32, #tpu.memory_space<vmem>>
    %dma_start3A_49 = tpu.memref_squeeze %dma_start3A_48 : memref<1x128xi32, #tpu.memory_space<vmem>> -> memref<128xi32, #tpu.memory_space<vmem>>
    %dma_start3A_50 = arith.constant 0 : i32
    %dma_start3A_51 = arith.constant 0 : i32
    %dma_start3A_52 = tpu.memref_slice %arg2[%dma_start3A_50, %dma_start3A_51] : memref<10240x128xf32, #tpu.memory_space<hbm>> -> memref<10240x128xf32, #tpu.memory_space<hbm>>
    tpu.enqueue_indirect_dma source(%dma_start3A_52 : memref<10240x128xf32, #tpu.memory_space<hbm>>) target(%arg10 : memref<128x128xf32, #tpu.memory_space<vmem>>) offsets(%dma_start3A_49 : memref<128xi32, #tpu.memory_space<vmem>>) semaphore(%arg13 : memref<!tpu.dma_semaphore, #tpu.memory_space<semaphore_mem>>)
    %dma_wait3A_53 = arith.constant 38 : i32
    %dma_wait3A_54 = arith.constant 0 : i32
    %dma_wait3A_55 = tpu.memref_slice %arg7[%dma_wait3A_53, %dma_wait3A_54] : memref<40x128xi32, #tpu.memory_space<vmem>> -> memref<1x128xi32, #tpu.memory_space<vmem>>
    %dma_wait3A_56 = tpu.memref_squeeze %dma_wait3A_55 : memref<1x128xi32, #tpu.memory_space<vmem>> -> memref<128xi32, #tpu.memory_space<vmem>>
    %dma_wait3A_57 = arith.constant 0 : i32
    %dma_wait3A_58 = arith.constant 0 : i32
    %dma_wait3A_59 = tpu.memref_slice %arg2[%dma_wait3A_57, %dma_wait3A_58] : memref<10240x128xf32, #tpu.memory_space<hbm>> -> memref<10240x128xf32, #tpu.memory_space<hbm>>
    tpu.wait_indirect_dma semaphore(%arg12 : memref<!tpu.dma_semaphore, #tpu.memory_space<semaphore_mem>>) src(%dma_wait3A_59 : memref<10240x128xf32, #tpu.memory_space<hbm>>) dst(%arg9 : memref<128x128xf32, #tpu.memory_space<vmem>>)
    %run_scoped3A_60 = arith.constant 38 : i32
    "tpu.region"() ({
      %run_scoped3A_70 = tpu.sem_alloc : memref<!tpu.dma_semaphore, #tpu.memory_space<semaphore_mem>>
      %dma_start3A_71 = arith.constant 0 : i32
      %dma_start3A_72 = tpu.memref_slice %arg8[%run_scoped3A_60, %dma_start3A_71] : memref<40x128xi32, #tpu.memory_space<vmem>> -> memref<1x128xi32, #tpu.memory_space<vmem>>
      %dma_start3A_73 = tpu.memref_squeeze %dma_start3A_72 : memref<1x128xi32, #tpu.memory_space<vmem>> -> memref<128xi32, #tpu.memory_space<vmem>>
      %dma_start3A_74 = arith.constant 0 : i32
      %dma_start3A_75 = arith.constant 0 : i32
      %dma_start3A_76 = tpu.memref_slice %arg11[%dma_start3A_74, %dma_start3A_75] : memref<10240x128xf32, #tpu.memory_space<vmem_shared>> -> memref<10240x128xf32, #tpu.memory_space<vmem_shared>>
      tpu.enqueue_indirect_dma source(%arg9 : memref<128x128xf32, #tpu.memory_space<vmem>>) target(%dma_start3A_76 : memref<10240x128xf32, #tpu.memory_space<vmem_shared>>) offsets(%dma_start3A_73 : memref<128xi32, #tpu.memory_space<vmem>>) semaphore(%run_scoped3A_70 : memref<!tpu.dma_semaphore, #tpu.memory_space<semaphore_mem>>) {add = true}
      %dma_wait3A_77 = arith.constant 0 : i32
      %dma_wait3A_78 = tpu.memref_slice %arg8[%run_scoped3A_60, %dma_wait3A_77] : memref<40x128xi32, #tpu.memory_space<vmem>> -> memref<1x128xi32, #tpu.memory_space<vmem>>
      %dma_wait3A_79 = tpu.memref_squeeze %dma_wait3A_78 : memref<1x128xi32, #tpu.memory_space<vmem>> -> memref<128xi32, #tpu.memory_space<vmem>>
      %dma_wait3A_80 = arith.constant 0 : i32
      %dma_wait3A_81 = arith.constant 0 : i32
      %dma_wait3A_82 = tpu.memref_slice %arg11[%dma_wait3A_80, %dma_wait3A_81] : memref<10240x128xf32, #tpu.memory_space<vmem_shared>> -> memref<10240x128xf32, #tpu.memory_space<vmem_shared>>
      tpu.wait_indirect_dma semaphore(%run_scoped3A_70 : memref<!tpu.dma_semaphore, #tpu.memory_space<semaphore_mem>>) src(%arg9 : memref<128x128xf32, #tpu.memory_space<vmem>>) dst(%dma_wait3A_82 : memref<10240x128xf32, #tpu.memory_space<vmem_shared>>)
      tpu.yield
    }) : () -> ()
    %dma_wait3A_61 = arith.constant 39 : i32
    %dma_wait3A_62 = arith.constant 0 : i32
    %dma_wait3A_63 = tpu.memref_slice %arg7[%dma_wait3A_61, %dma_wait3A_62] : memref<40x128xi32, #tpu.memory_space<vmem>> -> memref<1x128xi32, #tpu.memory_space<vmem>>
    %dma_wait3A_64 = tpu.memref_squeeze %dma_wait3A_63 : memref<1x128xi32, #tpu.memory_space<vmem>> -> memref<128xi32, #tpu.memory_space<vmem>>
    %dma_wait3A_65 = arith.constant 0 : i32
    %dma_wait3A_66 = arith.constant 0 : i32
    %dma_wait3A_67 = tpu.memref_slice %arg2[%dma_wait3A_65, %dma_wait3A_66] : memref<10240x128xf32, #tpu.memory_space<hbm>> -> memref<10240x128xf32, #tpu.memory_space<hbm>>
    tpu.wait_indirect_dma semaphore(%arg13 : memref<!tpu.dma_semaphore, #tpu.memory_space<semaphore_mem>>) src(%dma_wait3A_67 : memref<10240x128xf32, #tpu.memory_space<hbm>>) dst(%arg10 : memref<128x128xf32, #tpu.memory_space<vmem>>)
    %run_scoped3A_68 = arith.constant 39 : i32
    "tpu.region"() ({
      %run_scoped3A_70 = tpu.sem_alloc : memref<!tpu.dma_semaphore, #tpu.memory_space<semaphore_mem>>
      %dma_start3A_71 = arith.constant 0 : i32
      %dma_start3A_72 = tpu.memref_slice %arg8[%run_scoped3A_68, %dma_start3A_71] : memref<40x128xi32, #tpu.memory_space<vmem>> -> memref<1x128xi32, #tpu.memory_space<vmem>>
      %dma_start3A_73 = tpu.memref_squeeze %dma_start3A_72 : memref<1x128xi32, #tpu.memory_space<vmem>> -> memref<128xi32, #tpu.memory_space<vmem>>
      %dma_start3A_74 = arith.constant 0 : i32
      %dma_start3A_75 = arith.constant 0 : i32
      %dma_start3A_76 = tpu.memref_slice %arg11[%dma_start3A_74, %dma_start3A_75] : memref<10240x128xf32, #tpu.memory_space<vmem_shared>> -> memref<10240x128xf32, #tpu.memory_space<vmem_shared>>
      tpu.enqueue_indirect_dma source(%arg10 : memref<128x128xf32, #tpu.memory_space<vmem>>) target(%dma_start3A_76 : memref<10240x128xf32, #tpu.memory_space<vmem_shared>>) offsets(%dma_start3A_73 : memref<128xi32, #tpu.memory_space<vmem>>) semaphore(%run_scoped3A_70 : memref<!tpu.dma_semaphore, #tpu.memory_space<semaphore_mem>>) {add = true}
      %dma_wait3A_77 = arith.constant 0 : i32
      %dma_wait3A_78 = tpu.memref_slice %arg8[%run_scoped3A_68, %dma_wait3A_77] : memref<40x128xi32, #tpu.memory_space<vmem>> -> memref<1x128xi32, #tpu.memory_space<vmem>>
      %dma_wait3A_79 = tpu.memref_squeeze %dma_wait3A_78 : memref<1x128xi32, #tpu.memory_space<vmem>> -> memref<128xi32, #tpu.memory_space<vmem>>
      %dma_wait3A_80 = arith.constant 0 : i32
      %dma_wait3A_81 = arith.constant 0 : i32
      %dma_wait3A_82 = tpu.memref_slice %arg11[%dma_wait3A_80, %dma_wait3A_81] : memref<10240x128xf32, #tpu.memory_space<vmem_shared>> -> memref<10240x128xf32, #tpu.memory_space<vmem_shared>>
      tpu.wait_indirect_dma semaphore(%run_scoped3A_70 : memref<!tpu.dma_semaphore, #tpu.memory_space<semaphore_mem>>) src(%arg10 : memref<128x128xf32, #tpu.memory_space<vmem>>) dst(%dma_wait3A_82 : memref<10240x128xf32, #tpu.memory_space<vmem_shared>>)
      tpu.yield
    }) : () -> ()
    %barrier3A_69 = arith.constant 0 : index
    tpu.barrier barrier_id(%barrier3A_69)
    "tpu.region"() ({
      %run_scoped3A_70 = tpu.sem_alloc : memref<!tpu.dma_semaphore, #tpu.memory_space<semaphore_mem>>
      %dma_start3A_71 = arith.constant 0 : i32
      %dma_start3A_72 = tpu.memref_slice %arg6[%arg0, %mul3A_0, %dma_start3A_71] : memref<2x10240x128xf32, #tpu.memory_space<hbm>> -> memref<1x640x128xf32, #tpu.memory_space<hbm>>
      %dma_start3A_73 = tpu.memref_squeeze %dma_start3A_72 : memref<1x640x128xf32, #tpu.memory_space<hbm>> -> memref<640x128xf32, #tpu.memory_space<hbm>>
      %dma_start3A_74 = arith.constant 0 : i32
      %dma_start3A_75 = tpu.memref_slice %arg11[%mul3A_0, %dma_start3A_74] : memref<10240x128xf32, #tpu.memory_space<vmem_shared>> -> memref<640x128xf32, #tpu.memory_space<vmem_shared>>
      tpu.enqueue_dma source(%dma_start3A_75 : memref<640x128xf32, #tpu.memory_space<vmem_shared>>) target(%dma_start3A_73 : memref<640x128xf32, #tpu.memory_space<hbm>>) target_semaphore(%run_scoped3A_70 : memref<!tpu.dma_semaphore, #tpu.memory_space<semaphore_mem>>)
      %dma_wait3A_76 = arith.constant 0 : i32
      %dma_wait3A_77 = tpu.memref_slice %arg6[%arg0, %mul3A_0, %dma_wait3A_76] : memref<2x10240x128xf32, #tpu.memory_space<hbm>> -> memref<1x640x128xf32, #tpu.memory_space<hbm>>
      %dma_wait3A_78 = tpu.memref_squeeze %dma_wait3A_77 : memref<1x640x128xf32, #tpu.memory_space<hbm>> -> memref<640x128xf32, #tpu.memory_space<hbm>>
      %dma_wait3A_79 = arith.constant 0 : i32
      %dma_wait3A_80 = tpu.memref_slice %arg11[%mul3A_0, %dma_wait3A_79] : memref<10240x128xf32, #tpu.memory_space<vmem_shared>> -> memref<640x128xf32, #tpu.memory_space<vmem_shared>>
      tpu.wait_dma2 semaphore(%run_scoped3A_70 : memref<!tpu.dma_semaphore, #tpu.memory_space<semaphore_mem>>) src(%dma_wait3A_80 : memref<640x128xf32, #tpu.memory_space<vmem_shared>>) dst(%dma_wait3A_78 : memref<640x128xf32, #tpu.memory_space<hbm>>)
      tpu.yield
    }) : () -> ()
    return
  }
}

module attributes {stable_mosaic.version = 14 : i64} {
  func.func @_cat_body(%arg0: i32, %arg1: memref<1000x128xf32, #tpu.memory_space<vmem>>, %arg2: memref<1000x128xf32, #tpu.memory_space<vmem>>, %arg3: memref<1x1000x128xf32, #tpu.memory_space<vmem>>, %arg4: memref<1x1000x128xf32, #tpu.memory_space<vmem>>, %arg5: memref<1000x384xf32, #tpu.memory_space<vmem>>) attributes {dimension_semantics = [#tpu.dimension_semantics<arbitrary>], iteration_bounds = array<i64: 10>, scalar_prefetch = 0 : i64, scratch_operands = 0 : i64, tpu.core_type = #tpu.core_type<tc>, window_params = [{transform_indices = @transform_0, window_bounds = array<i64: 1000, 128>}, {transform_indices = @transform_1, window_bounds = array<i64: 1000, 128>}, {transform_indices = @transform_2, window_bounds = array<i64: 1, 1000, 128>}, {transform_indices = @transform_3, window_bounds = array<i64: 1, 1000, 128>}, {transform_indices = @transform_4, window_bounds = array<i64: 1000, 384>}]} {
    %get3A = arith.constant 0 : index
    %get3A_0 = arith.constant 0 : index
    %get3A_1 = vector.load %arg1[%get3A, %get3A_0] : memref<1000x128xf32, #tpu.memory_space<vmem>>, vector<1000x128xf32>
    %swap3A = arith.constant 0 : index
    %swap3A_2 = arith.constant 0 : index
    %swap3A_3 = vector.load %arg5[%swap3A, %swap3A_2] : memref<1000x384xf32, #tpu.memory_space<vmem>>, vector<1000x128xf32>
    tpu.vector_store %arg5[%swap3A, %swap3A_2], %get3A_1 {strides = array<i32>} : memref<1000x384xf32, #tpu.memory_space<vmem>>, vector<1000x128xf32>,
    %get3A_4 = arith.constant 0 : index
    %get3A_5 = arith.constant 0 : index
    %get3A_6 = vector.load %arg2[%get3A_4, %get3A_5] : memref<1000x128xf32, #tpu.memory_space<vmem>>, vector<1000x128xf32>
    %swap3A_7 = arith.constant 0 : index
    %swap3A_8 = arith.constant 128 : index
    %swap3A_9 = vector.load %arg5[%swap3A_7, %swap3A_8] : memref<1000x384xf32, #tpu.memory_space<vmem>>, vector<1000x128xf32>
    tpu.vector_store %arg5[%swap3A_7, %swap3A_8], %get3A_6 {strides = array<i32>} : memref<1000x384xf32, #tpu.memory_space<vmem>>, vector<1000x128xf32>,
    %get3A_10 = arith.constant 0 : index
    %get3A_11 = arith.constant 0 : index
    %get3A_12 = arith.constant 0 : index
    %get3A_13 = vector.load %arg3[%get3A_10, %get3A_11, %get3A_12] : memref<1x1000x128xf32, #tpu.memory_space<vmem>>, vector<1x1000x128xf32>
    %get3A_14 = vector.shape_cast %get3A_13 : vector<1x1000x128xf32> to vector<1000x128xf32>
    %get3A_15 = arith.constant 0 : index
    %get3A_16 = arith.constant 0 : index
    %get3A_17 = arith.constant 0 : index
    %get3A_18 = vector.load %arg4[%get3A_15, %get3A_16, %get3A_17] : memref<1x1000x128xf32, #tpu.memory_space<vmem>>, vector<1x1000x128xf32>
    %get3A_19 = vector.shape_cast %get3A_18 : vector<1x1000x128xf32> to vector<1000x128xf32>
    %add3A = arith.addf %get3A_14, %get3A_19 : vector<1000x128xf32>
    %swap3A_20 = arith.constant 0 : index
    %swap3A_21 = arith.constant 256 : index
    %swap3A_22 = vector.load %arg5[%swap3A_20, %swap3A_21] : memref<1000x384xf32, #tpu.memory_space<vmem>>, vector<1000x128xf32>
    tpu.vector_store %arg5[%swap3A_20, %swap3A_21], %add3A {strides = array<i32>} : memref<1000x384xf32, #tpu.memory_space<vmem>>, vector<1000x128xf32>,
    return
  }
  func.func @transform_0(%arg0: i32) -> (i32, i32) {
    %c0_i32 = arith.constant 0 : i32
    %c0_i32_0 = arith.constant 0 : i32
    return %arg0, %c0_i32 : i32, i32
  }
  func.func @transform_1(%arg0: i32) -> (i32, i32) {
    %c0_i32 = arith.constant 0 : i32
    %c0_i32_0 = arith.constant 0 : i32
    return %arg0, %c0_i32 : i32, i32
  }
  func.func @transform_2(%arg0: i32) -> (i32, i32, i32) {
    %c0_i32 = arith.constant 0 : i32
    %c0_i32_0 = arith.constant 0 : i32
    %c0_i32_1 = arith.constant 0 : i32
    return %c0_i32, %arg0, %c0_i32_0 : i32, i32, i32
  }
  func.func @transform_3(%arg0: i32) -> (i32, i32, i32) {
    %c1_i32 = arith.constant 1 : i32
    %c0_i32 = arith.constant 0 : i32
    %c0_i32_0 = arith.constant 0 : i32
    return %c1_i32, %arg0, %c0_i32 : i32, i32, i32
  }
  func.func @transform_4(%arg0: i32) -> (i32, i32) {
    %c0_i32 = arith.constant 0 : i32
    %c0_i32_0 = arith.constant 0 : i32
    return %arg0, %c0_i32 : i32, i32
  }
}

module attributes {stable_mosaic.version = 14 : i64} {
  func.func @_mm_body(%arg0: i32, %arg1: memref<1024x128xf32, #tpu.memory_space<vmem>>, %arg2: memref<128x384xf32, #tpu.memory_space<vmem>>, %arg3: memref<8x384xf32, #tpu.memory_space<vmem>>, %arg4: memref<1024x128xf32, #tpu.memory_space<vmem>>, %arg5: memref<1024x128xf32, #tpu.memory_space<vmem>>, %arg6: memref<1024x128xf32, #tpu.memory_space<vmem>>) attributes {dimension_semantics = [#tpu.dimension_semantics<arbitrary>], iteration_bounds = array<i64: 10>, scalar_prefetch = 0 : i64, scratch_operands = 0 : i64, tpu.core_type = #tpu.core_type<tc>, window_params = [{transform_indices = @transform_0, window_bounds = array<i64: 1024, 128>}, {pipeline_mode = #tpu.pipeline_mode<synchronous>, transform_indices = @transform_1, window_bounds = array<i64: 128, 384>}, {pipeline_mode = #tpu.pipeline_mode<synchronous>, transform_indices = @transform_2, window_bounds = array<i64: 8, 384>}, {transform_indices = @transform_3, window_bounds = array<i64: 1024, 128>}, {transform_indices = @transform_4, window_bounds = array<i64: 1024, 128>}, {transform_indices = @transform_5, window_bounds = array<i64: 1024, 128>}]} {
    %get3A = arith.constant 0 : index
    %get3A_0 = arith.constant 0 : index
    %get3A_1 = vector.load %arg1[%get3A, %get3A_0] : memref<1024x128xf32, #tpu.memory_space<vmem>>, vector<1024x128xf32>
    %get3A_2 = arith.constant 0 : index
    %get3A_3 = arith.constant 0 : index
    %get3A_4 = vector.load %arg2[%get3A_2, %get3A_3] : memref<128x384xf32, #tpu.memory_space<vmem>>, vector<128x384xf32>
    %dot_general3A = arith.constant dense<0.000000e+00> : vector<1024x384xf32>
    %dot_general3A_5 = tpu.matmul %get3A_1, %get3A_4, %dot_general3A {dimension_numbers = #tpu.dot_dimension_numbers<[1], [0], [0], [1], [0, 0, 1, 1], [], []>, transpose_lhs_hint = false} : vector<1024x128xf32>, vector<128x384xf32>, vector<1024x384xf32> -> vector<1024x384xf32>
    %get3A_6 = arith.constant 0 : index
    %get3A_7 = arith.constant 0 : index
    %get3A_8 = vector.load %arg3[%get3A_6, %get3A_7] : memref<8x384xf32, #tpu.memory_space<vmem>>, vector<1x384xf32>
    %get3A_9 = vector.shape_cast %get3A_8 : vector<1x384xf32> to vector<384xf32>
    %broadcast_in_dim3A = vector.shape_cast %get3A_9 : vector<384xf32> to vector<1x384xf32>
    %add3A = vector.broadcast %broadcast_in_dim3A : vector<1x384xf32> to vector<1024x384xf32>
    %add3A_10 = arith.addf %dot_general3A_5, %add3A : vector<1024x384xf32>
    %slice3A = vector.extract_strided_slice %add3A_10 {offsets = [0, 0], sizes = [1024, 128], strides = [1, 1]} : vector<1024x384xf32> to vector<1024x128xf32>
    %swap3A = arith.constant 0 : index
    %swap3A_11 = arith.constant 0 : index
    %swap3A_12 = vector.load %arg4[%swap3A, %swap3A_11] : memref<1024x128xf32, #tpu.memory_space<vmem>>, vector<1024x128xf32>
    tpu.vector_store %arg4[%swap3A, %swap3A_11], %slice3A {strides = array<i32>} : memref<1024x128xf32, #tpu.memory_space<vmem>>, vector<1024x128xf32>,
    %slice3A_13 = vector.extract_strided_slice %add3A_10 {offsets = [0, 128], sizes = [1024, 128], strides = [1, 1]} : vector<1024x384xf32> to vector<1024x128xf32>
    %swap3A_14 = arith.constant 0 : index
    %swap3A_15 = arith.constant 0 : index
    %swap3A_16 = vector.load %arg5[%swap3A_14, %swap3A_15] : memref<1024x128xf32, #tpu.memory_space<vmem>>, vector<1024x128xf32>
    tpu.vector_store %arg5[%swap3A_14, %swap3A_15], %slice3A_13 {strides = array<i32>} : memref<1024x128xf32, #tpu.memory_space<vmem>>, vector<1024x128xf32>,
    %slice3A_17 = vector.extract_strided_slice %add3A_10 {offsets = [0, 256], sizes = [1024, 128], strides = [1, 1]} : vector<1024x384xf32> to vector<1024x128xf32>
    %swap3A_18 = arith.constant 0 : index
    %swap3A_19 = arith.constant 0 : index
    %swap3A_20 = vector.load %arg6[%swap3A_18, %swap3A_19] : memref<1024x128xf32, #tpu.memory_space<vmem>>, vector<1024x128xf32>
    tpu.vector_store %arg6[%swap3A_18, %swap3A_19], %slice3A_17 {strides = array<i32>} : memref<1024x128xf32, #tpu.memory_space<vmem>>, vector<1024x128xf32>,
    return
  }
  func.func @transform_0(%arg0: i32) -> (i32, i32) {
    %c0_i32 = arith.constant 0 : i32
    %c0_i32_0 = arith.constant 0 : i32
    return %arg0, %c0_i32 : i32, i32
  }
  func.func @transform_1(%arg0: i32) -> (i32, i32) {
    %c0_i32 = arith.constant 0 : i32
    %c0_i32_0 = arith.constant 0 : i32
    %c0_i32_1 = arith.constant 0 : i32
    return %c0_i32, %c0_i32_0 : i32, i32
  }
  func.func @transform_2(%arg0: i32) -> (i32, i32) {
    %c0_i32 = arith.constant 0 : i32
    %c0_i32_0 = arith.constant 0 : i32
    %c0_i32_1 = arith.constant 0 : i32
    return %c0_i32, %c0_i32_0 : i32, i32
  }
  func.func @transform_3(%arg0: i32) -> (i32, i32) {
    %c0_i32 = arith.constant 0 : i32
    %c0_i32_0 = arith.constant 0 : i32
    return %arg0, %c0_i32 : i32, i32
  }
  func.func @transform_4(%arg0: i32) -> (i32, i32) {
    %c0_i32 = arith.constant 0 : i32
    %c0_i32_0 = arith.constant 0 : i32
    return %arg0, %c0_i32 : i32, i32
  }
  func.func @transform_5(%arg0: i32) -> (i32, i32) {
    %c0_i32 = arith.constant 0 : i32
    %c0_i32_0 = arith.constant 0 : i32
    return %arg0, %c0_i32 : i32, i32
  }
}

</mosaic_0001>

<sc_bundles>
// kernel: kernel.6.cloned.1.call-start
scs
__scs_entry_jumppad:
0x0: {  	(pc) =	sbr.rel $0x88, $3  }
0x1: {  	(tag) =	ssettag $0x0;
	lr =	simm.s32 $0x1  }
0x2: {  	[smem:$0x3F99] =	sst lr;
	_ =	strace $0xD0000000  }
0x3: {  	_ = 	snop  }
0x4: {  	_ = 	snop  }
0x5: {  	_ = 	snop  }
0x6: {  	_ = 	snop  }
0x7: {  	_ = 	snop  }
__scs_overlays_trampoline_lowered:
0x8: {  	[smem:$0x3FA8] =	sst s0  }
0x9: {  	[smem:$0x3FA9] =	sst s1  }
0xa: {  	[smem:$0x3FAA] =	sst s2  }
0xb: {  	[smem:$0x3FAB] =	sst s3  }
0xc: {  	[smem:$0x3FAC] =	sst s4  }
0xd: {  	[smem:$0x3FAD] =	sst s5  }
0xe: {  	[smem:$0x3FAE] =	sst s6  }
0xf: {  	[smem:$0x3FAF] =	sst s7  }
0x10: {  	[smem:$0x3FB0] =	sst s8  }
0x11: {  	[smem:$0x3FB1] =	sst s9;
	s0 =	simm.s32 @!p0 $0x0  }
0x12: {  	s1 =	sld [smem:$0x3F97];
	s0 =	simm.s32 @p0 $0x1  }
0x13: {  	[smem:$0x3FB2] =	sst s0;
	s0 =	simm.s32 @!p1 $0x0  }
0x14: {  	s2 =	sld [smem:$0x3F96];
	s0 =	simm.s32 @p1 $0x1  }
0x15: {  	[smem:$0x3FB3] =	sst s0;
	s0 =	simm.s32 @!p2 $0x0  }
0x16: {  	s3 =	sld [smem:$0x3FDB];
	s0 =	simm.s32 @p2 $0x1  }
0x17: {  	s4 =	simm.s32 $0x1BF5;
	[smem:$0x3FB5] =	sst s0  }
0x18: {  	s0 =	sld [smem:$0x3F98];
	_ =	swait.ge [sflag:s4], $0x0  }
0x19: {  	s7 =	sld [smem:$0x3F99]  }
0x1a: {  	s8 =	sadd.s32 $0xFFFFE003, lr  }
0x1b: {  	s9 =	sadd.s32 $0xFFFFFEF7, lr;
	s5 =	simm.s32 $0xFFFFFFFF;
	p2 =	slt.u32 s8, $0xFFFFF086  }
0x1c: {  	p1 =	slt.u32 s9, $0xF7A;
	s5 =	simm.s32 @!p2 $0x0  }
0x1d: {  	s5 =	simm.s32 @p1 $0x1;
	p0 =	seq.s32 s7, s2  }
0x1e: {  	s7 =	smul.u32 @!p0 $0xF7A, s2;
	p2 =	seq.s32 @!p0 s5, $0x0  }
0x1f: {  	s9 =	smul.u32 $0xF7A, s1;
	s8 =	simm.s32 @!p0 $0x1BF5;
	p2 =	por !p2, p0  }
0x20: {  	[sflag:s8] =	ssyncset.s32 @!p0 $0xFFFFF086;
	s6 =	sadd.s32 @!p0 s3, s7;
	s7 =	simm.s32 @!p0 $0x108  }
0x21: {  	s3 =	sadd.s32 s3, s9;
	s6 =	sadd.s32 @!p0 $0x88, s6;
	s7 =	simm.s32 @p2 $0x1082  }
0x22: {  	[simem:s7], [sflag:s8] =	dma.local @!p0 [hbm:s6], $0xF7A  }
0x23: {  	s9 =	sor.u32 $0xD0000000, s2;
	s6 =	simm.s32 $0x108;
	_ =	swait.ge @!p0 [sflag:s8], $0x0  }
0x24: {  	s3 =	sadd.s32 $0x88, s3;
	s6 =	simm.s32 @!p1 $0x1082;
	[sflag:s4] =	ssyncset.s32 $0xFFFFF086  }
0x25: {  	[simem:s6], [sflag:s4] =	dma.local [hbm:s3], $0xF7A  }
0x26: {  	[smem:$0x3F99] =	sst s1;
	(tag) =	ssettag s2;
	_ =	strace s9  }
0x27: {  	s1 =	sld [smem:$0x3FA9]  }
0x28: {  	s2 =	sld [smem:$0x3FAA]  }
0x29: {  	s4 =	sld [smem:$0x3FAC]  }
0x2a: {  	p0 =	seq.s32 s5, $0x0;
	s5 =	sld [smem:$0x3FAD]  }
0x2b: {  	s6 =	sld [smem:$0x3FAE]  }
0x2c: {  	s7 =	sld [smem:$0x3FAF]  }
0x2d: {  	s3 =	simm.s32 $0x108;
	s8 =	sld [smem:$0x3FB0]  }
0x2e: {  	s3 =	simm.s32 @!p0 $0x1082;
	s9 =	sld [smem:$0x3FB1]  }
0x2f: {  	lr =	sadd.s32 s0, s3;
	s0 =	sld [smem:$0x3FA8]  }
0x30: {  	s3 =	sld [smem:$0x3FAB]  }
0x31: {  	[smem:$0x3FB4] =	sst s10  }
0x32: {  	s10 =	sld [smem:$0x3FB2];
	_ =	sdelay $0x3  }
0x33: {  	p0 =	seq.s32 s10, $0x1;
	s10 =	sld [smem:$0x3FB4];
	_ =	sdelay $0x3  }
0x34: {  	[smem:$0x3FB4] =	sst s10  }
0x35: {  	s10 =	sld [smem:$0x3FB3];
	_ =	sdelay $0x3  }
0x36: {  	p1 =	seq.s32 s10, $0x1;
	s10 =	sld [smem:$0x3FB4];
	_ =	sdelay $0x3  }
0x37: {  	[smem:$0x3FB4] =	sst s10  }
0x38: {  	s10 =	sld [smem:$0x3FB5]  }
0x39: {  	_ = 	snop;
	(pc) =	sbr.ind lr, $3  }
0x3a: {  	_ = 	snop  }
0x3b: {  	_ = 	snop  }
0x3c: {  	p2 =	seq.s32 s10, $0x1;
	s10 =	sld [smem:$0x3FB4]  }
0x3d: {  	_ =	shalt  }
0x3e: {  	_ =	shalt  }
0x3f: {  	_ =	shalt  }
0x40: {  	_ =	shalt  }
0x41: {  	_ =	shalt  }
0x42: {  	_ =	shalt  }
0x43: {  	_ =	shalt  }
0x44: {  	_ =	shalt  }
0x45: {  	_ =	shalt  }
0x46: {  	_ =	shalt  }
0x47: {  	_ =	shalt  }
0x48: {  	_ =	shalt  }
0x49: {  	_ =	shalt  }
0x4a: {  	_ =	shalt  }
0x4b: {  	_ =	shalt  }
0x4c: {  	_ =	shalt  }
0x4d: {  	_ =	shalt  }
0x4e: {  	_ =	shalt  }
0x4f: {  	_ =	shalt  }
0x50: {  	_ =	shalt  }
0x51: {  	_ =	shalt  }
0x52: {  	_ =	shalt  }
0x53: {  	_ =	shalt  }
0x54: {  	_ =	shalt  }
0x55: {  	_ =	shalt  }
0x56: {  	_ =	shalt  }
0x57: {  	_ =	shalt  }
0x58: {  	_ =	shalt  }
0x59: {  	_ =	shalt  }
0x5a: {  	_ =	shalt  }
0x5b: {  	_ =	shalt  }
0x5c: {  	_ =	shalt  }
0x5d: {  	_ =	shalt  }
0x5e: {  	_ =	shalt  }
0x5f: {  	_ =	shalt  }
0x60: {  	_ =	shalt  }
0x61: {  	_ =	shalt  }
0x62: {  	_ =	shalt  }
0x63: {  	_ =	shalt  }
0x64: {  	_ =	shalt  }
0x65: {  	_ =	shalt  }
0x66: {  	_ =	shalt  }
0x67: {  	_ =	shalt  }
0x68: {  	_ =	shalt  }
0x69: {  	_ =	shalt  }
0x6a: {  	_ =	shalt  }
0x6b: {  	_ =	shalt  }
0x6c: {  	_ =	shalt  }
0x6d: {  	_ =	shalt  }
0x6e: {  	_ =	shalt  }
0x6f: {  	_ =	shalt  }
0x70: {  	_ =	shalt  }
0x71: {  	_ =	shalt  }
0x72: {  	_ =	shalt  }
0x73: {  	_ =	shalt  }
0x74: {  	_ =	shalt  }
0x75: {  	_ =	shalt  }
0x76: {  	_ =	shalt  }
0x77: {  	_ =	shalt  }
0x78: {  	_ =	shalt  }
0x79: {  	_ =	shalt  }
0x7a: {  	_ =	shalt  }
0x7b: {  	_ =	shalt  }
0x7c: {  	_ =	shalt  }
0x7d: {  	_ =	shalt  }
0x7e: {  	_ =	shalt  }
0x7f: {  	_ =	shalt  }
0x80: {  	_ =	shalt  }
0x81: {  	_ =	shalt  }
0x82: {  	_ =	shalt  }
0x83: {  	_ =	shalt  }
0x84: {  	_ =	shalt  }
0x85: {  	_ =	shalt  }
0x86: {  	_ =	shalt  }
0x87: {  	_ =	shalt  }
.Lfunc_end0:
.L_simem_size_0:
called_computation_lowered:
.L_overlay_start_0:
0x88: {  	s2 =	sld [smem:$0x3FD9]  }
0x89: {  	s3 =	sld [smem:$0x3FFE];
	_ =	sdelay $0x1  }
0x8a: {  	s1 =	srdreg.scid  }
0x8b: {  	s0 =	sand.u32 $0x1, s1  }
0x8c: {  	s17 =	sshll.u32 s0, $0xA;
	s2 =	sadd.s32 s3, s2  }
0x8d: {  	s2 =	sadd.s32 s2, s17  }
0x8e: {  	[smem:$0x3FC0] =	sst s2  }
0x8f: {  	_ = 	snop  }
0x90: {  	s2 =	sld [smem:$0x3FD0];
	(tm) =	ssettm $0x1  }
0x91: {  	s18 =	sld [smem:$0x3FFB];
	_ =	sdelay $0x3  }
0x92: {  	_ =	strace s18  }
0x93: {  	s3 =	sld [smem:$0x3FFC];
	_ =	sdelay $0x3  }
0x94: {  	_ =	strace s3  }
0x95: {  	s3 =	sld [smem:$0x3FFD];
	_ =	sdelay $0x3  }
0x96: {  	_ =	strace s3  }
0x97: {  	_ =	strace $0x8FFFFFFF  }
0x98: {  	s19 =	sld [smem:$0x3FDB];
	_ =	sdelay $0x1  }
0x99: {  	s4 =	simm.s32 $_scs_section_size  }
0x9a: {  	s5 =	simm.s32 $_size__tile_overlayer_lowered;
	s6 =	simm.s32 $_tile_overlayer_lowered  }
0x9b: {  	s22 =	simm.s32 $0x1BFF;
	s21 =	sshll.u32 s6, $0x1;
	s3 =	sadd.s32 s4, s19  }
0x9c: {  	s7 =	simm.s32 $0x0;
	s20 =	sshll.u32 s5, $0x1;
	s5 =	sadd.s32 s21, s3  }
0x9d: {  	[timem:s7], [sflag:s22] =	dma.local [hbm:s5], s20  }
0x9e: {  	_ =	swait.ge [sflag:s22], s20  }
0x9f: {  	s4 =	ssub.s32 $0x0, s20;
	[sflag:s22] =	ssyncset.done $0x0  }
0xa0: {  	[sflag:s22] =	ssyncadd.s32 s4;
	_ =	sdelay $0x1  }
0xa1: {  	s23 =	simm.s32 $0x1B8B  }
0xa2: {  	_ =	swait.ge [sflag:s23], $0x1  }
0xa3: {  	[sflag:s23] =	ssyncset.done $0x0  }
0xa4: {  	s25 =	simm.s32 $0x1B8E;
	s24 =	sld [smem:$0x3FFE];
	[sflag:s23] =	ssyncadd.s32 $0xFFFFFFFF  }
0xa5: {  	s26 =	simm.s32 $execute0_lowered;
	[smem:$0x3FD2] =	sst s25  }
0xa6: {  	s5 =	sshll.u32 s26, $0x1;
	_ =	strace $0x80000046;
	[dreg:$0x1] =	wrdreg $0xFFFFFFFF  }
0xa7: {  	s28 =	simm.s32 $_size_execute0_lowered;
	s3 =	sadd.s32 s3, s5;
	[dreg:$0x0] =	wrdreg $0x0  }
0xa8: {  	s5 =	sshll.u32 s28, $0x1;
	[dreg:$0x2] =	wrdreg s3  }
0xa9: {  	[dreg:$0x3] =	wrdreg s5  }
0xaa: {  	[dreg:$0x4] =	wrdreg $0xC0  }
0xab: {  	_ =	task [dreg:s7], $0x5FFFF  }
0xac: {  	[dreg:$0x1] =	wrdreg $0xFFFFFFFF  }
0xad: {  	[dreg:$0x0] =	wrdreg $0x60  }
0xae: {  	[dreg:$0x2] =	wrdreg s2  }
0xaf: {  	[dreg:$0x3] =	wrdreg s24  }
0xb0: {  	[dreg:$0x4] =	wrdreg $0xA8000  }
0xb1: {  	[dreg:$0x5] =	wrdreg $0x9  }
0xb2: {  	_ =	task.clear_ibuf [dreg:s7], $0x6FFFF;
	_ =	strace $0x90000046  }
0xb3: {  	s29 =	simm.s32 $0x9;
	_ =	strace $0x80000048  }
0xb4: {  	_ =	swait.ge [sflag:s29], $0x1  }
0xb5: {  	[sflag:s29] =	ssyncadd.s32 $0xFFFFFFFF  }
0xb6: {  	_ =	strace $0x90000048  }
0xb7: {  	_ =	sfence  }
0xb8: {  	s30 =	sld [smem:$0x0];
	_ =	sdelay $0x2  }
0xb9: {  	s31 =	sshll.u32 s1, $0xD;
	s1 =	sshrl.u32 s1, $0x2  }
0xba: {  	s3 =	sand.u32 $0x4000, s31;
	s1 =	sadd.s32 s1, s30  }
0xbb: {  	s0 =	sor.u32 s3, s0;
	s1 =	sshll.u32 s1, $0x11  }
0xbc: {  	s0 =	sor.u32 s1, s0  }
0xbd: {  	s0 =	sadd.s32 $0x8F2B, s0  }
0xbe: {  	[sflag:s0] =	ssyncadd.remote.s32 $0x1  }
0xbf: {  	_ =	sfence.sel $0xFFFF  }
0xc0: {  	[dreg:$0x0] =	wrdreg $0xFFFFFFFF;
	(pc) =	sbr.abs _section_cstart, $3  }
0xc1: {  	[dreg:$0x1] =	wrdreg $0xFFFFFFFF  }
0xc2: {  	_ =	task.clear_ibuf [dreg:s7], $0x2FFFF;
	_ =	strace $0x9FFFFFFF  }
0xc3: {  	(tm) =	ssettm $0x7FFFFFFF  }
tec
execute0_lowered:
.L_overlay_start_1:
0x0: {  	(tag) =	ssettag $0x1  }
0x1: {  	s1 =	rddreg [dreg:$0x0]  }
0x2: {  	s8 =	rddreg [dreg:$0x1]  }
0x3: {  	s3 =	rddreg [dreg:$0x2];
	s4 =	simm.s32 $0x0  }
0x4: {  	s2 =	stileid.u32;
	s9 =	srdreg.scid;
	s16 =	simm.s32 $0x1400  }
0x5: {  	s17 =	simm.s32 $0x80;
	s18 =	simm.s32 $0x2800;
	s19 =	simm.s32 $0x6800  }
0x6: {  	s20 =	simm.s32 $0x1;
	s21 =	simm.s32 $0x2;
	s22 =	simm.s32 $0x1380  }
0x7: {  	s23 =	simm.s32 $0x2700;
	s24 =	simm.s32 $0x2780;
	s7 =	smul.u32 $0xA00, s2  }
0x8: {  	s26 =	simm.s32 $0x0;
	[smem:$0x7FF] =	sst s4;
	s6 =	smul.u32 $0x2800, s2  }
0x9: {  	s5 =	sadd.s32 $0x16400, s8;
	s14 =	sand.u32 $0x1, s9;
	s10 =	smul.u32 $0x50000, s2  }
0xa: {  	s31 =	sshll.u32 s2, $0x6;
	_ =	strace $0x80000047;
	s9 =	ssub.s32 $0x2, s14  }
0xb: {  	p0 =	sne.s32 s14, $0x0;
	s12 =	sadd.s32 s7, s8;
	s11 =	sadd.s32 s6, s8  }
.Ltmp0:
0xc: {  	s7 =	sadd.s32 $0x8E400, s8;
	s13 =	sshrl.u32 s9, $0x1;
	(pc) =	sbr.rel .LBB2_1-.Ltmp0, $4  }
0xd: {  	s8 =	sadd.s32 $0x66400, s8;
	s30 =	sshrl.u32 s10, $0x2;
	s10 =	sor.u32 $0x1C03, s31  }
0xe: {  	s13 =	ssub.s32 s9, s13;
	s15 =	sadd.s32 s30, s3;
	s9 =	sadd.s32 $0x3E400, s11  }
0xf: {  	s11 =	sadd.s32 $0xC400, s12;
	s12 =	sadd.s32 $0x2400, s12;
	s13 =	smax.u32 s13, $0x1  }
0x10: {  	s14 =	sshrl.u32 s15, $0x3;
	s15 =	simm.s32 $0x3;
	s25 =	sadd.s32 $0x280, s11  }
.LBB2_19:
0x11: {  	s0 =	sadd.s32 $0x80, s28;
	[sflag:s15] =	ssyncadd.s32 $0xFFFFC000  }
0x12: {  	[tilespmem:s19], [sflag:$0x2] =	stream.indirect.gather [hbm4b:s5+s17], $0x80, s0, s17, $0xb8;
	[tilespmem:$0x1E800] =	vst v63  }
0x13: {  	_ =	swait.ge [sflag:s20], $0x4000  }
0x14: {  	[sflag:s20] =	ssyncset.done $0x0  }
0x15: {  	s31 =	sadd.s32 $0x1400, s28;
	[sflag:s20] =	ssyncadd.s32 $0xFFFFC000  }
0x16: {  	[spmem:s3] =	stream.indirect.scatter.add.f32 [tilespmem:s18], [sflag:$0x3], $0x80, s31, s17, $0xb8;
	[tilespmem:$0x1E800] =	vst v63  }
0x17: {  	_ =	swait.ge [sflag:s15], $0x4000  }
0x18: {  	[sflag:s15] =	ssyncset.done $0x0  }
0x19: {  	s30 =	sadd.s32 $0x100, s28;
	[sflag:s15] =	ssyncadd.s32 $0xFFFFC000  }
0x1a: {  	[tilespmem:s18], [sflag:$0x1] =	stream.indirect.gather [hbm4b:s5+s17], $0x80, s30, s17, $0xb8;
	[tilespmem:$0x1E800] =	vst v63  }
0x1b: {  	_ =	swait.ge [sflag:s21], $0x4000  }
0x1c: {  	[sflag:s21] =	ssyncset.done $0x0  }
0x1d: {  	s31 =	sadd.s32 $0x1480, s28;
	[sflag:s21] =	ssyncadd.s32 $0xFFFFC000  }
0x1e: {  	[spmem:s3] =	stream.indirect.scatter.add.f32 [tilespmem:s19], [sflag:$0x3], $0x80, s31, s17, $0xb8;
	[tilespmem:$0x1E800] =	vst v63  }
0x1f: {  	_ =	swait.ge [sflag:s15], $0x4000  }
0x20: {  	[sflag:s15] =	ssyncset.done $0x0  }
0x21: {  	s29 =	smov.u32 s5;
	s28 =	smov.u32 s8;
	[sflag:s15] =	ssyncadd.s32 $0xFFFFC000  }
.LBB2_20:
0x22: {  	[tilespmem:s19], [sflag:$0x2] =	stream.indirect.gather [hbm4b:s29+s17], $0x80, s22, s17, $0xb8;
	[tilespmem:$0x1E800] =	vst v63  }
0x23: {  	_ =	swait.ge [sflag:s20], $0x4000  }
0x24: {  	[sflag:s20] =	ssyncset.done $0x0  }
0x25: {  	[sflag:s20] =	ssyncadd.s32 $0xFFFFC000  }
0x26: {  	[spmem:s3] =	stream.indirect.scatter.add.f32 [tilespmem:s18], [sflag:$0x3], $0x80, s23, s17, $0xb8;
	[tilespmem:$0x1E800] =	vst v63  }
0x27: {  	_ =	swait.ge [sflag:s15], $0x4000  }
0x28: {  	[sflag:s15] =	ssyncset.done $0x0  }
0x29: {  	[sflag:s15] =	ssyncadd.s32 $0xFFFFC000  }
0x2a: {  	_ =	swait.ge [sflag:s21], $0x4000  }
0x2b: {  	[sflag:s21] =	ssyncset.done $0x0  }
0x2c: {  	[sflag:s21] =	ssyncadd.s32 $0xFFFFC000  }
0x2d: {  	[spmem:s3] =	stream.indirect.scatter.add.f32 [tilespmem:s19], [sflag:$0x3], $0x80, s24, s17, $0xb8;
	[tilespmem:$0x1E800] =	vst v63  }
0x2e: {  	_ =	swait.ge [sflag:s15], $0x4000  }
0x2f: {  	s26 =	sadd.s32 $0x1, s26;
	[sflag:s15] =	ssyncset.done $0x0  }
0x30: {  	p1 =	sne.s32 s26, s13;
	[sflag:s15] =	ssyncadd.s32 $0xFFFFC000  }
.Ltmp1:
0x31: {  	s0 =	sadd.s32 s28, s6;
	[bflag:$0x0] =	sbarrier.arrive $0xFFFF;
	(pc) =	sbr.rel @!p1 .LBB2_21-.Ltmp1, $4  }
0x32: {  	[hbm:s0], [sflag:s10] =	dma.local [spmem:s14], $0x2800  }
0x33: {  	_ =	swait.ge [sflag:s15], $0x2800  }
0x34: {  	[sflag:s15] =	ssyncset.done $0x0  }
0x35: {  	[sflag:s15] =	ssyncadd.s32 $0xFFFFD800  }
.LBB2_1:
0x36: {  	[spmem:s14], [sflag:s10] =	dma.local [hbm:s9], $0x2800  }
0x37: {  	_ =	swait.ge [sflag:s15], $0x2800  }
0x38: {  	[sflag:s15] =	ssyncset.done $0x0  }
0x39: {  	[sflag:s15] =	ssyncadd.s32 $0xFFFFD800  }
0x3a: {  	[bflag:$0x0] =	sbarrier.arrive $0xFFFF  }
0x3b: {  	[tilespmem:s4], [sflag:$0x3] =	stream.linear.gather [hbm4b:s11+s4], $0x1400, $0x38;
	[tilespmem:$0x1E800] =	vst v63  }
0x3c: {  	_ =	swait.ge [sflag:s15], $0x1400  }
0x3d: {  	[sflag:s15] =	ssyncset.done $0x0  }
.Ltmp2:
0x3e: {  	[sflag:s15] =	ssyncadd.s32 $0xFFFFEC00;
	(pc) =	sbr.rel @p0 .LBB2_11-.Ltmp2, $4  }
0x3f: {  	[tilespmem:s16], [sflag:$0x3] =	stream.linear.gather [hbm4b:s12+s4], $0x1400, $0x38;
	[tilespmem:$0x1E800] =	vst v63  }
0x40: {  	_ =	swait.ge [sflag:s15], $0x1400  }
0x41: {  	[sflag:s15] =	ssyncset.done $0x0  }
0x42: {  	[sflag:s15] =	ssyncadd.s32 $0xFFFFEC00  }
0x43: {  	s28 =	simm.s32 $0x0  }
0x44: {  	[tilespmem:s18], [sflag:$0x1] =	stream.indirect.gather [hbm4b:s1+s17], $0x80, s28, s17, $0xb8;
	[tilespmem:$0x1E800] =	vst v63  }
0x45: {  	s28 =	simm.s32 $0x80  }
0x46: {  	[tilespmem:s19], [sflag:$0x2] =	stream.indirect.gather [hbm4b:s1+s17], $0x80, s28, s17, $0xb8;
	[tilespmem:$0x1E800] =	vst v63  }
0x47: {  	_ =	swait.ge [sflag:s20], $0x4000  }
0x48: {  	[sflag:s20] =	ssyncset.done $0x0  }
0x49: {  	s28 =	simm.s32 $0x1400;
	[sflag:s20] =	ssyncadd.s32 $0xFFFFC000  }
0x4a: {  	[spmem:s3] =	stream.indirect.scatter.add.f32 [tilespmem:s18], [sflag:$0x3], $0x80, s28, s17, $0xb8;
	[tilespmem:$0x1E800] =	vst v63  }
0x4b: {  	_ =	swait.ge [sflag:s15], $0x4000  }
0x4c: {  	[sflag:s15] =	ssyncset.done $0x0  }
0x4d: {  	s28 =	simm.s32 $0x100;
	[sflag:s15] =	ssyncadd.s32 $0xFFFFC000  }
0x4e: {  	[tilespmem:s18], [sflag:$0x1] =	stream.indirect.gather [hbm4b:s1+s17], $0x80, s28, s17, $0xb8;
	[tilespmem:$0x1E800] =	vst v63  }
0x4f: {  	_ =	swait.ge [sflag:s21], $0x4000  }
0x50: {  	[sflag:s21] =	ssyncset.done $0x0  }
0x51: {  	s28 =	simm.s32 $0x1480;
	[sflag:s21] =	ssyncadd.s32 $0xFFFFC000  }
0x52: {  	[spmem:s3] =	stream.indirect.scatter.add.f32 [tilespmem:s19], [sflag:$0x3], $0x80, s28, s17, $0xb8;
	[tilespmem:$0x1E800] =	vst v63  }
0x53: {  	_ =	swait.ge [sflag:s15], $0x4000  }
0x54: {  	s29 =	simm.s32 $0x800;
	s28 =	simm.s32 $0x100;
	[sflag:s15] =	ssyncset.done $0x0  }
.LBB2_3:
0x55: {  	s30 =	sadd.s32 $0x80, s28  }
0x56: {  	[sflag:s15] =	ssyncadd.s32 $0xFFFFC000;
	s31 =	smov.u32 s29;
	s0 =	sadd.s32 $0x400, s29  }
0x57: {  	[tilespmem:s19], [sflag:$0x2] =	stream.indirect.gather [hbm4b:s1+s17], $0x80, s30, s17, $0xb8;
	[tilespmem:$0x1E800] =	vst v63  }
0x58: {  	p1 =	sne.s32 s29, $0x4800;
	_ =	swait.ge [sflag:s20], $0x4000  }
0x59: {  	[sflag:s20] =	ssyncset.done $0x0  }
0x5a: {  	s29 =	sadd.s32 $0x1400, s28;
	[sflag:s20] =	ssyncadd.s32 $0xFFFFC000  }
0x5b: {  	[spmem:s3] =	stream.indirect.scatter.add.f32 [tilespmem:s18], [sflag:$0x3], $0x80, s29, s17, $0xb8;
	[tilespmem:$0x1E800] =	vst v63  }
0x5c: {  	_ =	swait.ge [sflag:s15], $0x4000  }
0x5d: {  	[sflag:s15] =	ssyncset.done $0x0  }
0x5e: {  	s29 =	sadd.s32 $0x100, s28;
	[sflag:s15] =	ssyncadd.s32 $0xFFFFC000  }
0x5f: {  	[tilespmem:s18], [sflag:$0x1] =	stream.indirect.gather [hbm4b:s1+s17], $0x80, s29, s17, $0xb8;
	[tilespmem:$0x1E800] =	vst v63  }
0x60: {  	_ =	swait.ge [sflag:s21], $0x4000  }
.Ltmp3:
0x61: {  	[sflag:s21] =	ssyncset.done $0x0;
	(pc) =	sbr.rel @p1 .LBB2_3-.Ltmp3, $4  }
0x62: {  	s28 =	sadd.s32 $0x1480, s28;
	[sflag:s21] =	ssyncadd.s32 $0xFFFFC000  }
0x63: {  	[spmem:s3] =	stream.indirect.scatter.add.f32 [tilespmem:s19], [sflag:$0x3], $0x80, s28, s17, $0xb8;
	[tilespmem:$0x1E800] =	vst v63  }
0x64: {  	_ =	swait.ge [sflag:s15], $0x4000  }
0x65: {  	s29 =	smov.u32 s0;
	s28 =	sshra.s32 s31, $0x2;
	[sflag:s15] =	ssyncset.done $0x0  }
0x66: {  	s0 =	sadd.s32 $0x80, s28;
	[sflag:s15] =	ssyncadd.s32 $0xFFFFC000  }
0x67: {  	[tilespmem:s19], [sflag:$0x2] =	stream.indirect.gather [hbm4b:s1+s17], $0x80, s0, s17, $0xb8;
	[tilespmem:$0x1E800] =	vst v63  }
0x68: {  	_ =	swait.ge [sflag:s20], $0x4000  }
0x69: {  	[sflag:s20] =	ssyncset.done $0x0  }
0x6a: {  	s30 =	sadd.s32 $0x1400, s28;
	[sflag:s20] =	ssyncadd.s32 $0xFFFFC000  }
0x6b: {  	[spmem:s3] =	stream.indirect.scatter.add.f32 [tilespmem:s18], [sflag:$0x3], $0x80, s30, s17, $0xb8;
	[tilespmem:$0x1E800] =	vst v63  }
0x6c: {  	_ =	swait.ge [sflag:s15], $0x4000  }
0x6d: {  	[sflag:s15] =	ssyncset.done $0x0  }
0x6e: {  	s31 =	sadd.s32 $0x100, s28;
	[sflag:s15] =	ssyncadd.s32 $0xFFFFC000  }
0x6f: {  	[tilespmem:s18], [sflag:$0x1] =	stream.indirect.gather [hbm4b:s1+s17], $0x80, s31, s17, $0xb8;
	[tilespmem:$0x1E800] =	vst v63  }
0x70: {  	_ =	swait.ge [sflag:s21], $0x4000  }
0x71: {  	[sflag:s21] =	ssyncset.done $0x0  }
0x72: {  	s30 =	sadd.s32 $0x1480, s28;
	[sflag:s21] =	ssyncadd.s32 $0xFFFFC000  }
0x73: {  	[spmem:s3] =	stream.indirect.scatter.add.f32 [tilespmem:s19], [sflag:$0x3], $0x80, s30, s17, $0xb8;
	[tilespmem:$0x1E800] =	vst v63  }
0x74: {  	_ =	swait.ge [sflag:s15], $0x4000  }
0x75: {  	[sflag:s15] =	ssyncset.done $0x0  }
0x76: {  	[sflag:s15] =	ssyncadd.s32 $0xFFFFC000  }
0x77: {  	[tilespmem:s19], [sflag:$0x2] =	stream.indirect.gather [hbm4b:s1+s17], $0x80, s22, s17, $0xb8;
	[tilespmem:$0x1E800] =	vst v63  }
0x78: {  	_ =	swait.ge [sflag:s20], $0x4000  }
0x79: {  	[sflag:s20] =	ssyncset.done $0x0  }
0x7a: {  	[sflag:s20] =	ssyncadd.s32 $0xFFFFC000  }
0x7b: {  	[spmem:s3] =	stream.indirect.scatter.add.f32 [tilespmem:s18], [sflag:$0x3], $0x80, s23, s17, $0xb8;
	[tilespmem:$0x1E800] =	vst v63  }
0x7c: {  	_ =	swait.ge [sflag:s15], $0x4000  }
0x7d: {  	[sflag:s15] =	ssyncset.done $0x0  }
0x7e: {  	[sflag:s15] =	ssyncadd.s32 $0xFFFFC000  }
0x7f: {  	_ =	swait.ge [sflag:s21], $0x4000  }
0x80: {  	[sflag:s21] =	ssyncset.done $0x0  }
0x81: {  	[sflag:s21] =	ssyncadd.s32 $0xFFFFC000  }
0x82: {  	[spmem:s3] =	stream.indirect.scatter.add.f32 [tilespmem:s19], [sflag:$0x3], $0x80, s24, s17, $0xb8;
	[tilespmem:$0x1E800] =	vst v63  }
0x83: {  	_ =	swait.ge [sflag:s15], $0x4000  }
0x84: {  	[sflag:s15] =	ssyncset.done $0x0  }
0x85: {  	s31 =	simm.s32 $0x0;
	[sflag:s15] =	ssyncadd.s32 $0xFFFFC000  }
0x86: {  	[tilespmem:s31], [sflag:$0x3] =	stream.linear.gather [hbm4b:s25+s31], $0x1400, $0x38;
	[tilespmem:$0x1E800] =	vst v63  }
0x87: {  	_ =	swait.ge [sflag:s15], $0x1400  }
0x88: {  	[sflag:s15] =	ssyncset.done $0x0  }
0x89: {  	s28 =	sadd.s32 $0x280, s12;
	[sflag:s15] =	ssyncadd.s32 $0xFFFFEC00  }
0x8a: {  	[tilespmem:s16], [sflag:$0x3] =	stream.linear.gather [hbm4b:s28+s31], $0x1400, $0x38;
	[tilespmem:$0x1E800] =	vst v63  }
0x8b: {  	_ =	swait.ge [sflag:s15], $0x1400  }
0x8c: {  	[sflag:s15] =	ssyncset.done $0x0  }
0x8d: {  	[sflag:s15] =	ssyncadd.s32 $0xFFFFEC00  }
0x8e: {  	[tilespmem:s18], [sflag:$0x1] =	stream.indirect.gather [hbm4b:s1+s17], $0x80, s31, s17, $0xb8;
	[tilespmem:$0x1E800] =	vst v63  }
0x8f: {  	s30 =	simm.s32 $0x80  }
0x90: {  	[tilespmem:s19], [sflag:$0x2] =	stream.indirect.gather [hbm4b:s1+s17], $0x80, s30, s17, $0xb8;
	[tilespmem:$0x1E800] =	vst v63  }
0x91: {  	_ =	swait.ge [sflag:s20], $0x4000  }
0x92: {  	[sflag:s20] =	ssyncset.done $0x0  }
0x93: {  	s31 =	simm.s32 $0x1400;
	[sflag:s20] =	ssyncadd.s32 $0xFFFFC000  }
0x94: {  	[spmem:s3] =	stream.indirect.scatter.add.f32 [tilespmem:s18], [sflag:$0x3], $0x80, s31, s17, $0xb8;
	[tilespmem:$0x1E800] =	vst v63  }
0x95: {  	_ =	swait.ge [sflag:s15], $0x4000  }
0x96: {  	[sflag:s15] =	ssyncset.done $0x0  }
0x97: {  	s30 =	simm.s32 $0x100;
	[sflag:s15] =	ssyncadd.s32 $0xFFFFC000  }
0x98: {  	[tilespmem:s18], [sflag:$0x1] =	stream.indirect.gather [hbm4b:s1+s17], $0x80, s30, s17, $0xb8;
	[tilespmem:$0x1E800] =	vst v63  }
0x99: {  	_ =	swait.ge [sflag:s21], $0x4000  }
0x9a: {  	[sflag:s21] =	ssyncset.done $0x0  }
0x9b: {  	s31 =	simm.s32 $0x1480;
	[sflag:s21] =	ssyncadd.s32 $0xFFFFC000  }
0x9c: {  	[spmem:s3] =	stream.indirect.scatter.add.f32 [tilespmem:s19], [sflag:$0x3], $0x80, s31, s17, $0xb8;
	[tilespmem:$0x1E800] =	vst v63  }
0x9d: {  	_ =	swait.ge [sflag:s15], $0x4000  }
0x9e: {  	s29 =	simm.s32 $0x800;
	s28 =	simm.s32 $0x100;
	[sflag:s15] =	ssyncset.done $0x0  }
.LBB2_5:
0x9f: {  	s0 =	sadd.s32 $0x80, s28  }
0xa0: {  	[sflag:s15] =	ssyncadd.s32 $0xFFFFC000;
	s30 =	smov.u32 s29;
	s31 =	sadd.s32 $0x400, s29  }
0xa1: {  	[tilespmem:s19], [sflag:$0x2] =	stream.indirect.gather [hbm4b:s1+s17], $0x80, s0, s17, $0xb8;
	[tilespmem:$0x1E800] =	vst v63  }
0xa2: {  	p1 =	sne.s32 s29, $0x4800;
	_ =	swait.ge [sflag:s20], $0x4000  }
0xa3: {  	[sflag:s20] =	ssyncset.done $0x0  }
0xa4: {  	s0 =	sadd.s32 $0x1400, s28;
	[sflag:s20] =	ssyncadd.s32 $0xFFFFC000  }
0xa5: {  	[spmem:s3] =	stream.indirect.scatter.add.f32 [tilespmem:s18], [sflag:$0x3], $0x80, s0, s17, $0xb8;
	[tilespmem:$0x1E800] =	vst v63  }
0xa6: {  	_ =	swait.ge [sflag:s15], $0x4000  }
0xa7: {  	[sflag:s15] =	ssyncset.done $0x0  }
0xa8: {  	s0 =	sadd.s32 $0x100, s28;
	[sflag:s15] =	ssyncadd.s32 $0xFFFFC000  }
0xa9: {  	[tilespmem:s18], [sflag:$0x1] =	stream.indirect.gather [hbm4b:s1+s17], $0x80, s0, s17, $0xb8;
	[tilespmem:$0x1E800] =	vst v63  }
0xaa: {  	_ =	swait.ge [sflag:s21], $0x4000  }
.Ltmp4:
0xab: {  	[sflag:s21] =	ssyncset.done $0x0;
	(pc) =	sbr.rel @p1 .LBB2_5-.Ltmp4, $4  }
0xac: {  	s0 =	sadd.s32 $0x1480, s28;
	[sflag:s21] =	ssyncadd.s32 $0xFFFFC000  }
0xad: {  	[spmem:s3] =	stream.indirect.scatter.add.f32 [tilespmem:s19], [sflag:$0x3], $0x80, s0, s17, $0xb8;
	[tilespmem:$0x1E800] =	vst v63  }
0xae: {  	_ =	swait.ge [sflag:s15], $0x4000  }
0xaf: {  	s29 =	smov.u32 s31;
	s28 =	sshra.s32 s30, $0x2;
	[sflag:s15] =	ssyncset.done $0x0  }
0xb0: {  	s0 =	sadd.s32 $0x80, s28;
	[sflag:s15] =	ssyncadd.s32 $0xFFFFC000  }
0xb1: {  	[tilespmem:s19], [sflag:$0x2] =	stream.indirect.gather [hbm4b:s1+s17], $0x80, s0, s17, $0xb8;
	[tilespmem:$0x1E800] =	vst v63  }
0xb2: {  	_ =	swait.ge [sflag:s20], $0x4000  }
0xb3: {  	[sflag:s20] =	ssyncset.done $0x0  }
0xb4: {  	s31 =	sadd.s32 $0x1400, s28;
	[sflag:s20] =	ssyncadd.s32 $0xFFFFC000  }
0xb5: {  	[spmem:s3] =	stream.indirect.scatter.add.f32 [tilespmem:s18], [sflag:$0x3], $0x80, s31, s17, $0xb8;
	[tilespmem:$0x1E800] =	vst v63  }
0xb6: {  	_ =	swait.ge [sflag:s15], $0x4000  }
0xb7: {  	[sflag:s15] =	ssyncset.done $0x0  }
0xb8: {  	s30 =	sadd.s32 $0x100, s28;
	[sflag:s15] =	ssyncadd.s32 $0xFFFFC000  }
0xb9: {  	[tilespmem:s18], [sflag:$0x1] =	stream.indirect.gather [hbm4b:s1+s17], $0x80, s30, s17, $0xb8;
	[tilespmem:$0x1E800] =	vst v63  }
0xba: {  	_ =	swait.ge [sflag:s21], $0x4000  }
0xbb: {  	[sflag:s21] =	ssyncset.done $0x0  }
0xbc: {  	s31 =	sadd.s32 $0x1480, s28;
	[sflag:s21] =	ssyncadd.s32 $0xFFFFC000  }
0xbd: {  	[spmem:s3] =	stream.indirect.scatter.add.f32 [tilespmem:s19], [sflag:$0x3], $0x80, s31, s17, $0xb8;
	[tilespmem:$0x1E800] =	vst v63  }
0xbe: {  	_ =	swait.ge [sflag:s15], $0x4000  }
0xbf: {  	[sflag:s15] =	ssyncset.done $0x0  }
0xc0: {  	[sflag:s15] =	ssyncadd.s32 $0xFFFFC000  }
0xc1: {  	[tilespmem:s19], [sflag:$0x2] =	stream.indirect.gather [hbm4b:s1+s17], $0x80, s22, s17, $0xb8;
	[tilespmem:$0x1E800] =	vst v63  }
0xc2: {  	_ =	swait.ge [sflag:s20], $0x4000  }
0xc3: {  	[sflag:s20] =	ssyncset.done $0x0  }
0xc4: {  	[sflag:s20] =	ssyncadd.s32 $0xFFFFC000  }
0xc5: {  	[spmem:s3] =	stream.indirect.scatter.add.f32 [tilespmem:s18], [sflag:$0x3], $0x80, s23, s17, $0xb8;
	[tilespmem:$0x1E800] =	vst v63  }
0xc6: {  	_ =	swait.ge [sflag:s15], $0x4000  }
0xc7: {  	[sflag:s15] =	ssyncset.done $0x0  }
0xc8: {  	[sflag:s15] =	ssyncadd.s32 $0xFFFFC000  }
0xc9: {  	_ =	swait.ge [sflag:s21], $0x4000  }
0xca: {  	[sflag:s21] =	ssyncset.done $0x0  }
0xcb: {  	[sflag:s21] =	ssyncadd.s32 $0xFFFFC000  }
0xcc: {  	[spmem:s3] =	stream.indirect.scatter.add.f32 [tilespmem:s19], [sflag:$0x3], $0x80, s24, s17, $0xb8;
	[tilespmem:$0x1E800] =	vst v63  }
0xcd: {  	_ =	swait.ge [sflag:s15], $0x4000  }
0xce: {  	[sflag:s15] =	ssyncset.done $0x0  }
0xcf: {  	s28 =	simm.s32 $0x0;
	s30 =	sadd.s32 $0x500, s11;
	[sflag:s15] =	ssyncadd.s32 $0xFFFFC000  }
0xd0: {  	[tilespmem:s28], [sflag:$0x3] =	stream.linear.gather [hbm4b:s30+s28], $0x1400, $0x38;
	[tilespmem:$0x1E800] =	vst v63  }
0xd1: {  	_ =	swait.ge [sflag:s15], $0x1400  }
0xd2: {  	[sflag:s15] =	ssyncset.done $0x0  }
0xd3: {  	s31 =	sadd.s32 $0x500, s12;
	[sflag:s15] =	ssyncadd.s32 $0xFFFFEC00  }
0xd4: {  	[tilespmem:s16], [sflag:$0x3] =	stream.linear.gather [hbm4b:s31+s28], $0x1400, $0x38;
	[tilespmem:$0x1E800] =	vst v63  }
0xd5: {  	_ =	swait.ge [sflag:s15], $0x1400  }
0xd6: {  	[sflag:s15] =	ssyncset.done $0x0  }
0xd7: {  	[sflag:s15] =	ssyncadd.s32 $0xFFFFEC00  }
0xd8: {  	[tilespmem:s18], [sflag:$0x1] =	stream.indirect.gather [hbm4b:s1+s17], $0x80, s28, s17, $0xb8;
	[tilespmem:$0x1E800] =	vst v63  }
0xd9: {  	s30 =	simm.s32 $0x80  }
0xda: {  	[tilespmem:s19], [sflag:$0x2] =	stream.indirect.gather [hbm4b:s1+s17], $0x80, s30, s17, $0xb8;
	[tilespmem:$0x1E800] =	vst v63  }
0xdb: {  	_ =	swait.ge [sflag:s20], $0x4000  }
0xdc: {  	[sflag:s20] =	ssyncset.done $0x0  }
0xdd: {  	s31 =	simm.s32 $0x1400;
	[sflag:s20] =	ssyncadd.s32 $0xFFFFC000  }
0xde: {  	[spmem:s3] =	stream.indirect.scatter.add.f32 [tilespmem:s18], [sflag:$0x3], $0x80, s31, s17, $0xb8;
	[tilespmem:$0x1E800] =	vst v63  }
0xdf: {  	_ =	swait.ge [sflag:s15], $0x4000  }
0xe0: {  	[sflag:s15] =	ssyncset.done $0x0  }
0xe1: {  	s30 =	simm.s32 $0x100;
	[sflag:s15] =	ssyncadd.s32 $0xFFFFC000  }
0xe2: {  	[tilespmem:s18], [sflag:$0x1] =	stream.indirect.gather [hbm4b:s1+s17], $0x80, s30, s17, $0xb8;
	[tilespmem:$0x1E800] =	vst v63  }
0xe3: {  	_ =	swait.ge [sflag:s21], $0x4000  }
0xe4: {  	[sflag:s21] =	ssyncset.done $0x0  }
0xe5: {  	s31 =	simm.s32 $0x1480;
	[sflag:s21] =	ssyncadd.s32 $0xFFFFC000  }
0xe6: {  	[spmem:s3] =	stream.indirect.scatter.add.f32 [tilespmem:s19], [sflag:$0x3], $0x80, s31, s17, $0xb8;
	[tilespmem:$0x1E800] =	vst v63  }
0xe7: {  	_ =	swait.ge [sflag:s15], $0x4000  }
0xe8: {  	s29 =	simm.s32 $0x800;
	s28 =	simm.s32 $0x100;
	[sflag:s15] =	ssyncset.done $0x0  }
.LBB2_7:
0xe9: {  	s0 =	sadd.s32 $0x80, s28  }
0xea: {  	[sflag:s15] =	ssyncadd.s32 $0xFFFFC000;
	s30 =	smov.u32 s29;
	s31 =	sadd.s32 $0x400, s29  }
0xeb: {  	[tilespmem:s19], [sflag:$0x2] =	stream.indirect.gather [hbm4b:s1+s17], $0x80, s0, s17, $0xb8;
	[tilespmem:$0x1E800] =	vst v63  }
0xec: {  	p1 =	sne.s32 s29, $0x4800;
	_ =	swait.ge [sflag:s20], $0x4000  }
0xed: {  	[sflag:s20] =	ssyncset.done $0x0  }
0xee: {  	s0 =	sadd.s32 $0x1400, s28;
	[sflag:s20] =	ssyncadd.s32 $0xFFFFC000  }
0xef: {  	[spmem:s3] =	stream.indirect.scatter.add.f32 [tilespmem:s18], [sflag:$0x3], $0x80, s0, s17, $0xb8;
	[tilespmem:$0x1E800] =	vst v63  }
0xf0: {  	_ =	swait.ge [sflag:s15], $0x4000  }
0xf1: {  	[sflag:s15] =	ssyncset.done $0x0  }
0xf2: {  	s0 =	sadd.s32 $0x100, s28;
	[sflag:s15] =	ssyncadd.s32 $0xFFFFC000  }
0xf3: {  	[tilespmem:s18], [sflag:$0x1] =	stream.indirect.gather [hbm4b:s1+s17], $0x80, s0, s17, $0xb8;
	[tilespmem:$0x1E800] =	vst v63  }
0xf4: {  	_ =	swait.ge [sflag:s21], $0x4000  }
.Ltmp5:
0xf5: {  	[sflag:s21] =	ssyncset.done $0x0;
	(pc) =	sbr.rel @p1 .LBB2_7-.Ltmp5, $4  }
0xf6: {  	s0 =	sadd.s32 $0x1480, s28;
	[sflag:s21] =	ssyncadd.s32 $0xFFFFC000  }
0xf7: {  	[spmem:s3] =	stream.indirect.scatter.add.f32 [tilespmem:s19], [sflag:$0x3], $0x80, s0, s17, $0xb8;
	[tilespmem:$0x1E800] =	vst v63  }
0xf8: {  	_ =	swait.ge [sflag:s15], $0x4000  }
0xf9: {  	s29 =	smov.u32 s31;
	s28 =	sshra.s32 s30, $0x2;
	[sflag:s15] =	ssyncset.done $0x0  }
0xfa: {  	s0 =	sadd.s32 $0x80, s28;
	[sflag:s15] =	ssyncadd.s32 $0xFFFFC000  }
0xfb: {  	[tilespmem:s19], [sflag:$0x2] =	stream.indirect.gather [hbm4b:s1+s17], $0x80, s0, s17, $0xb8;
	[tilespmem:$0x1E800] =	vst v63  }
0xfc: {  	_ =	swait.ge [sflag:s20], $0x4000  }
0xfd: {  	[sflag:s20] =	ssyncset.done $0x0  }
0xfe: {  	s31 =	sadd.s32 $0x1400, s28;
	[sflag:s20] =	ssyncadd.s32 $0xFFFFC000  }
0xff: {  	[spmem:s3] =	stream.indirect.scatter.add.f32 [tilespmem:s18], [sflag:$0x3], $0x80, s31, s17, $0xb8;
	[tilespmem:$0x1E800] =	vst v63  }
0x100: {  	_ =	swait.ge [sflag:s15], $0x4000  }
0x101: {  	[sflag:s15] =	ssyncset.done $0x0  }
0x102: {  	s30 =	sadd.s32 $0x100, s28;
	[sflag:s15] =	ssyncadd.s32 $0xFFFFC000  }
0x103: {  	[tilespmem:s18], [sflag:$0x1] =	stream.indirect.gather [hbm4b:s1+s17], $0x80, s30, s17, $0xb8;
	[tilespmem:$0x1E800] =	vst v63  }
0x104: {  	_ =	swait.ge [sflag:s21], $0x4000  }
0x105: {  	[sflag:s21] =	ssyncset.done $0x0  }
0x106: {  	s31 =	sadd.s32 $0x1480, s28;
	[sflag:s21] =	ssyncadd.s32 $0xFFFFC000  }
0x107: {  	[spmem:s3] =	stream.indirect.scatter.add.f32 [tilespmem:s19], [sflag:$0x3], $0x80, s31, s17, $0xb8;
	[tilespmem:$0x1E800] =	vst v63  }
0x108: {  	_ =	swait.ge [sflag:s15], $0x4000  }
0x109: {  	[sflag:s15] =	ssyncset.done $0x0  }
0x10a: {  	[sflag:s15] =	ssyncadd.s32 $0xFFFFC000  }
0x10b: {  	[tilespmem:s19], [sflag:$0x2] =	stream.indirect.gather [hbm4b:s1+s17], $0x80, s22, s17, $0xb8;
	[tilespmem:$0x1E800] =	vst v63  }
0x10c: {  	_ =	swait.ge [sflag:s20], $0x4000  }
0x10d: {  	[sflag:s20] =	ssyncset.done $0x0  }
0x10e: {  	[sflag:s20] =	ssyncadd.s32 $0xFFFFC000  }
0x10f: {  	[spmem:s3] =	stream.indirect.scatter.add.f32 [tilespmem:s18], [sflag:$0x3], $0x80, s23, s17, $0xb8;
	[tilespmem:$0x1E800] =	vst v63  }
0x110: {  	_ =	swait.ge [sflag:s15], $0x4000  }
0x111: {  	[sflag:s15] =	ssyncset.done $0x0  }
0x112: {  	[sflag:s15] =	ssyncadd.s32 $0xFFFFC000  }
0x113: {  	_ =	swait.ge [sflag:s21], $0x4000  }
0x114: {  	[sflag:s21] =	ssyncset.done $0x0  }
0x115: {  	[sflag:s21] =	ssyncadd.s32 $0xFFFFC000  }
0x116: {  	[spmem:s3] =	stream.indirect.scatter.add.f32 [tilespmem:s19], [sflag:$0x3], $0x80, s24, s17, $0xb8;
	[tilespmem:$0x1E800] =	vst v63  }
0x117: {  	_ =	swait.ge [sflag:s15], $0x4000  }
0x118: {  	[sflag:s15] =	ssyncset.done $0x0  }
0x119: {  	s28 =	simm.s32 $0x0;
	s30 =	sadd.s32 $0x780, s11;
	[sflag:s15] =	ssyncadd.s32 $0xFFFFC000  }
0x11a: {  	[tilespmem:s28], [sflag:$0x3] =	stream.linear.gather [hbm4b:s30+s28], $0x1400, $0x38;
	[tilespmem:$0x1E800] =	vst v63  }
0x11b: {  	_ =	swait.ge [sflag:s15], $0x1400  }
0x11c: {  	[sflag:s15] =	ssyncset.done $0x0  }
0x11d: {  	s31 =	sadd.s32 $0x780, s12;
	[sflag:s15] =	ssyncadd.s32 $0xFFFFEC00  }
0x11e: {  	[tilespmem:s16], [sflag:$0x3] =	stream.linear.gather [hbm4b:s31+s28], $0x1400, $0x38;
	[tilespmem:$0x1E800] =	vst v63  }
0x11f: {  	_ =	swait.ge [sflag:s15], $0x1400  }
0x120: {  	[sflag:s15] =	ssyncset.done $0x0  }
0x121: {  	[sflag:s15] =	ssyncadd.s32 $0xFFFFEC00  }
0x122: {  	[tilespmem:s18], [sflag:$0x1] =	stream.indirect.gather [hbm4b:s1+s17], $0x80, s28, s17, $0xb8;
	[tilespmem:$0x1E800] =	vst v63  }
0x123: {  	s30 =	simm.s32 $0x80  }
0x124: {  	[tilespmem:s19], [sflag:$0x2] =	stream.indirect.gather [hbm4b:s1+s17], $0x80, s30, s17, $0xb8;
	[tilespmem:$0x1E800] =	vst v63  }
0x125: {  	_ =	swait.ge [sflag:s20], $0x4000  }
0x126: {  	[sflag:s20] =	ssyncset.done $0x0  }
0x127: {  	s31 =	simm.s32 $0x1400;
	[sflag:s20] =	ssyncadd.s32 $0xFFFFC000  }
0x128: {  	[spmem:s3] =	stream.indirect.scatter.add.f32 [tilespmem:s18], [sflag:$0x3], $0x80, s31, s17, $0xb8;
	[tilespmem:$0x1E800] =	vst v63  }
0x129: {  	_ =	swait.ge [sflag:s15], $0x4000  }
0x12a: {  	[sflag:s15] =	ssyncset.done $0x0  }
0x12b: {  	s30 =	simm.s32 $0x100;
	[sflag:s15] =	ssyncadd.s32 $0xFFFFC000  }
0x12c: {  	[tilespmem:s18], [sflag:$0x1] =	stream.indirect.gather [hbm4b:s1+s17], $0x80, s30, s17, $0xb8;
	[tilespmem:$0x1E800] =	vst v63  }
0x12d: {  	_ =	swait.ge [sflag:s21], $0x4000  }
0x12e: {  	[sflag:s21] =	ssyncset.done $0x0  }
0x12f: {  	s31 =	simm.s32 $0x1480;
	[sflag:s21] =	ssyncadd.s32 $0xFFFFC000  }
0x130: {  	[spmem:s3] =	stream.indirect.scatter.add.f32 [tilespmem:s19], [sflag:$0x3], $0x80, s31, s17, $0xb8;
	[tilespmem:$0x1E800] =	vst v63  }
0x131: {  	_ =	swait.ge [sflag:s15], $0x4000  }
0x132: {  	s29 =	simm.s32 $0x800;
	s28 =	simm.s32 $0x100;
	[sflag:s15] =	ssyncset.done $0x0  }
.LBB2_9:
0x133: {  	s0 =	sadd.s32 $0x80, s28  }
0x134: {  	[sflag:s15] =	ssyncadd.s32 $0xFFFFC000;
	s30 =	smov.u32 s29;
	s31 =	sadd.s32 $0x400, s29  }
0x135: {  	[tilespmem:s19], [sflag:$0x2] =	stream.indirect.gather [hbm4b:s1+s17], $0x80, s0, s17, $0xb8;
	[tilespmem:$0x1E800] =	vst v63  }
0x136: {  	p1 =	seq.s32 s29, $0x4800;
	_ =	swait.ge [sflag:s20], $0x4000  }
0x137: {  	[sflag:s20] =	ssyncset.done $0x0  }
0x138: {  	s0 =	sadd.s32 $0x1400, s28;
	[sflag:s20] =	ssyncadd.s32 $0xFFFFC000  }
0x139: {  	[spmem:s3] =	stream.indirect.scatter.add.f32 [tilespmem:s18], [sflag:$0x3], $0x80, s0, s17, $0xb8;
	[tilespmem:$0x1E800] =	vst v63  }
0x13a: {  	_ =	swait.ge [sflag:s15], $0x4000  }
0x13b: {  	[sflag:s15] =	ssyncset.done $0x0  }
0x13c: {  	s0 =	sadd.s32 $0x100, s28;
	[sflag:s15] =	ssyncadd.s32 $0xFFFFC000  }
0x13d: {  	[tilespmem:s18], [sflag:$0x1] =	stream.indirect.gather [hbm4b:s1+s17], $0x80, s0, s17, $0xb8;
	[tilespmem:$0x1E800] =	vst v63  }
0x13e: {  	_ =	swait.ge [sflag:s21], $0x4000  }
.Ltmp6:
0x13f: {  	[sflag:s21] =	ssyncset.done $0x0;
	(pc) =	sbr.rel @!p1 .LBB2_9-.Ltmp6, $4  }
0x140: {  	s0 =	sadd.s32 $0x1480, s28;
	[sflag:s21] =	ssyncadd.s32 $0xFFFFC000  }
0x141: {  	[spmem:s3] =	stream.indirect.scatter.add.f32 [tilespmem:s19], [sflag:$0x3], $0x80, s0, s17, $0xb8;
	[tilespmem:$0x1E800] =	vst v63  }
0x142: {  	_ =	swait.ge [sflag:s15], $0x4000  }
0x143: {  	s29 =	smov.u32 s31;
	s28 =	sshra.s32 s30, $0x2;
	[sflag:s15] =	ssyncset.done $0x0  }
0x144: {  	s0 =	sadd.s32 $0x80, s28;
	[sflag:s15] =	ssyncadd.s32 $0xFFFFC000  }
0x145: {  	[tilespmem:s19], [sflag:$0x2] =	stream.indirect.gather [hbm4b:s1+s17], $0x80, s0, s17, $0xb8;
	[tilespmem:$0x1E800] =	vst v63  }
0x146: {  	_ =	swait.ge [sflag:s20], $0x4000  }
0x147: {  	[sflag:s20] =	ssyncset.done $0x0  }
0x148: {  	s31 =	sadd.s32 $0x1400, s28;
	[sflag:s20] =	ssyncadd.s32 $0xFFFFC000  }
0x149: {  	[spmem:s3] =	stream.indirect.scatter.add.f32 [tilespmem:s18], [sflag:$0x3], $0x80, s31, s17, $0xb8;
	[tilespmem:$0x1E800] =	vst v63  }
0x14a: {  	_ =	swait.ge [sflag:s15], $0x4000  }
0x14b: {  	[sflag:s15] =	ssyncset.done $0x0  }
0x14c: {  	s30 =	sadd.s32 $0x100, s28;
	[sflag:s15] =	ssyncadd.s32 $0xFFFFC000  }
0x14d: {  	[tilespmem:s18], [sflag:$0x1] =	stream.indirect.gather [hbm4b:s1+s17], $0x80, s30, s17, $0xb8;
	[tilespmem:$0x1E800] =	vst v63  }
0x14e: {  	_ =	swait.ge [sflag:s21], $0x4000  }
0x14f: {  	[sflag:s21] =	ssyncset.done $0x0  }
.Ltmp7:
0x150: {  	s31 =	sadd.s32 $0x1480, s28;
	[sflag:s21] =	ssyncadd.s32 $0xFFFFC000;
	(pc) =	sbr.rel .LBB2_20-.Ltmp7, $4  }
0x151: {  	[spmem:s3] =	stream.indirect.scatter.add.f32 [tilespmem:s19], [sflag:$0x3], $0x80, s31, s17, $0xb8;
	[tilespmem:$0x1E800] =	vst v63  }
0x152: {  	_ =	swait.ge [sflag:s15], $0x4000  }
0x153: {  	[sflag:s15] =	ssyncset.done $0x0  }
0x154: {  	s29 =	smov.u32 s1;
	s28 =	smov.u32 s7;
	[sflag:s15] =	ssyncadd.s32 $0xFFFFC000  }
.LBB2_11:
0x155: {  	s0 =	simm.s32 $0x0  }
0x156: {  	[tilespmem:s18], [sflag:$0x1] =	stream.indirect.gather [hbm4b:s5+s17], $0x80, s0, s17, $0xb8;
	[tilespmem:$0x1E800] =	vst v63  }
0x157: {  	s30 =	simm.s32 $0x80  }
0x158: {  	[tilespmem:s19], [sflag:$0x2] =	stream.indirect.gather [hbm4b:s5+s17], $0x80, s30, s17, $0xb8;
	[tilespmem:$0x1E800] =	vst v63  }
0x159: {  	_ =	swait.ge [sflag:s20], $0x4000  }
0x15a: {  	[sflag:s20] =	ssyncset.done $0x0  }
0x15b: {  	s31 =	simm.s32 $0x1400;
	[sflag:s20] =	ssyncadd.s32 $0xFFFFC000  }
0x15c: {  	[spmem:s3] =	stream.indirect.scatter.add.f32 [tilespmem:s18], [sflag:$0x3], $0x80, s31, s17, $0xb8;
	[tilespmem:$0x1E800] =	vst v63  }
0x15d: {  	_ =	swait.ge [sflag:s15], $0x4000  }
0x15e: {  	[sflag:s15] =	ssyncset.done $0x0  }
0x15f: {  	s30 =	simm.s32 $0x100;
	[sflag:s15] =	ssyncadd.s32 $0xFFFFC000  }
0x160: {  	[tilespmem:s18], [sflag:$0x1] =	stream.indirect.gather [hbm4b:s5+s17], $0x80, s30, s17, $0xb8;
	[tilespmem:$0x1E800] =	vst v63  }
0x161: {  	_ =	swait.ge [sflag:s21], $0x4000  }
0x162: {  	[sflag:s21] =	ssyncset.done $0x0  }
0x163: {  	s31 =	simm.s32 $0x1480;
	[sflag:s21] =	ssyncadd.s32 $0xFFFFC000  }
0x164: {  	[spmem:s3] =	stream.indirect.scatter.add.f32 [tilespmem:s19], [sflag:$0x3], $0x80, s31, s17, $0xb8;
	[tilespmem:$0x1E800] =	vst v63  }
0x165: {  	_ =	swait.ge [sflag:s15], $0x4000  }
0x166: {  	s29 =	simm.s32 $0x800;
	s28 =	simm.s32 $0x100;
	[sflag:s15] =	ssyncset.done $0x0  }
.LBB2_12:
0x167: {  	s0 =	sadd.s32 $0x80, s28  }
0x168: {  	[sflag:s15] =	ssyncadd.s32 $0xFFFFC000;
	s30 =	smov.u32 s29;
	s31 =	sadd.s32 $0x400, s29  }
0x169: {  	[tilespmem:s19], [sflag:$0x2] =	stream.indirect.gather [hbm4b:s5+s17], $0x80, s0, s17, $0xb8;
	[tilespmem:$0x1E800] =	vst v63  }
0x16a: {  	p1 =	sne.s32 s29, $0x4800;
	_ =	swait.ge [sflag:s20], $0x4000  }
0x16b: {  	[sflag:s20] =	ssyncset.done $0x0  }
0x16c: {  	s0 =	sadd.s32 $0x1400, s28;
	[sflag:s20] =	ssyncadd.s32 $0xFFFFC000  }
0x16d: {  	[spmem:s3] =	stream.indirect.scatter.add.f32 [tilespmem:s18], [sflag:$0x3], $0x80, s0, s17, $0xb8;
	[tilespmem:$0x1E800] =	vst v63  }
0x16e: {  	_ =	swait.ge [sflag:s15], $0x4000  }
0x16f: {  	[sflag:s15] =	ssyncset.done $0x0  }
0x170: {  	s0 =	sadd.s32 $0x100, s28;
	[sflag:s15] =	ssyncadd.s32 $0xFFFFC000  }
0x171: {  	[tilespmem:s18], [sflag:$0x1] =	stream.indirect.gather [hbm4b:s5+s17], $0x80, s0, s17, $0xb8;
	[tilespmem:$0x1E800] =	vst v63  }
0x172: {  	_ =	swait.ge [sflag:s21], $0x4000  }
.Ltmp8:
0x173: {  	[sflag:s21] =	ssyncset.done $0x0;
	(pc) =	sbr.rel @p1 .LBB2_12-.Ltmp8, $4  }
0x174: {  	s0 =	sadd.s32 $0x1480, s28;
	[sflag:s21] =	ssyncadd.s32 $0xFFFFC000  }
0x175: {  	[spmem:s3] =	stream.indirect.scatter.add.f32 [tilespmem:s19], [sflag:$0x3], $0x80, s0, s17, $0xb8;
	[tilespmem:$0x1E800] =	vst v63  }
0x176: {  	_ =	swait.ge [sflag:s15], $0x4000  }
0x177: {  	s29 =	smov.u32 s31;
	s28 =	sshra.s32 s30, $0x2;
	[sflag:s15] =	ssyncset.done $0x0  }
0x178: {  	s0 =	sadd.s32 $0x80, s28;
	[sflag:s15] =	ssyncadd.s32 $0xFFFFC000  }
0x179: {  	[tilespmem:s19], [sflag:$0x2] =	stream.indirect.gather [hbm4b:s5+s17], $0x80, s0, s17, $0xb8;
	[tilespmem:$0x1E800] =	vst v63  }
0x17a: {  	_ =	swait.ge [sflag:s20], $0x4000  }
0x17b: {  	[sflag:s20] =	ssyncset.done $0x0  }
0x17c: {  	s30 =	sadd.s32 $0x1400, s28;
	[sflag:s20] =	ssyncadd.s32 $0xFFFFC000  }
0x17d: {  	[spmem:s3] =	stream.indirect.scatter.add.f32 [tilespmem:s18], [sflag:$0x3], $0x80, s30, s17, $0xb8;
	[tilespmem:$0x1E800] =	vst v63  }
0x17e: {  	_ =	swait.ge [sflag:s15], $0x4000  }
0x17f: {  	[sflag:s15] =	ssyncset.done $0x0  }
0x180: {  	s31 =	sadd.s32 $0x100, s28;
	[sflag:s15] =	ssyncadd.s32 $0xFFFFC000  }
0x181: {  	[tilespmem:s18], [sflag:$0x1] =	stream.indirect.gather [hbm4b:s5+s17], $0x80, s31, s17, $0xb8;
	[tilespmem:$0x1E800] =	vst v63  }
0x182: {  	_ =	swait.ge [sflag:s21], $0x4000  }
0x183: {  	[sflag:s21] =	ssyncset.done $0x0  }
0x184: {  	s30 =	sadd.s32 $0x1480, s28;
	[sflag:s21] =	ssyncadd.s32 $0xFFFFC000  }
0x185: {  	[spmem:s3] =	stream.indirect.scatter.add.f32 [tilespmem:s19], [sflag:$0x3], $0x80, s30, s17, $0xb8;
	[tilespmem:$0x1E800] =	vst v63  }
0x186: {  	_ =	swait.ge [sflag:s15], $0x4000  }
0x187: {  	[sflag:s15] =	ssyncset.done $0x0  }
0x188: {  	[sflag:s15] =	ssyncadd.s32 $0xFFFFC000  }
0x189: {  	[tilespmem:s19], [sflag:$0x2] =	stream.indirect.gather [hbm4b:s5+s17], $0x80, s22, s17, $0xb8;
	[tilespmem:$0x1E800] =	vst v63  }
0x18a: {  	_ =	swait.ge [sflag:s20], $0x4000  }
0x18b: {  	[sflag:s20] =	ssyncset.done $0x0  }
0x18c: {  	[sflag:s20] =	ssyncadd.s32 $0xFFFFC000  }
0x18d: {  	[spmem:s3] =	stream.indirect.scatter.add.f32 [tilespmem:s18], [sflag:$0x3], $0x80, s23, s17, $0xb8;
	[tilespmem:$0x1E800] =	vst v63  }
0x18e: {  	_ =	swait.ge [sflag:s15], $0x4000  }
0x18f: {  	[sflag:s15] =	ssyncset.done $0x0  }
0x190: {  	[sflag:s15] =	ssyncadd.s32 $0xFFFFC000  }
0x191: {  	_ =	swait.ge [sflag:s21], $0x4000  }
0x192: {  	[sflag:s21] =	ssyncset.done $0x0  }
0x193: {  	[sflag:s21] =	ssyncadd.s32 $0xFFFFC000  }
0x194: {  	[spmem:s3] =	stream.indirect.scatter.add.f32 [tilespmem:s19], [sflag:$0x3], $0x80, s24, s17, $0xb8;
	[tilespmem:$0x1E800] =	vst v63  }
0x195: {  	_ =	swait.ge [sflag:s15], $0x4000  }
0x196: {  	[sflag:s15] =	ssyncset.done $0x0  }
0x197: {  	s31 =	simm.s32 $0x0;
	[sflag:s15] =	ssyncadd.s32 $0xFFFFC000  }
0x198: {  	[tilespmem:s31], [sflag:$0x3] =	stream.linear.gather [hbm4b:s25+s31], $0x1400, $0x38;
	[tilespmem:$0x1E800] =	vst v63  }
0x199: {  	_ =	swait.ge [sflag:s15], $0x1400  }
0x19a: {  	[sflag:s15] =	ssyncset.done $0x0  }
0x19b: {  	s28 =	sadd.s32 $0x280, s12;
	[sflag:s15] =	ssyncadd.s32 $0xFFFFEC00  }
0x19c: {  	[tilespmem:s16], [sflag:$0x3] =	stream.linear.gather [hbm4b:s28+s31], $0x1400, $0x38;
	[tilespmem:$0x1E800] =	vst v63  }
0x19d: {  	_ =	swait.ge [sflag:s15], $0x1400  }
0x19e: {  	[sflag:s15] =	ssyncset.done $0x0  }
0x19f: {  	[sflag:s15] =	ssyncadd.s32 $0xFFFFEC00  }
0x1a0: {  	[tilespmem:s18], [sflag:$0x1] =	stream.indirect.gather [hbm4b:s5+s17], $0x80, s31, s17, $0xb8;
	[tilespmem:$0x1E800] =	vst v63  }
0x1a1: {  	s30 =	simm.s32 $0x80  }
0x1a2: {  	[tilespmem:s19], [sflag:$0x2] =	stream.indirect.gather [hbm4b:s5+s17], $0x80, s30, s17, $0xb8;
	[tilespmem:$0x1E800] =	vst v63  }
0x1a3: {  	_ =	swait.ge [sflag:s20], $0x4000  }
0x1a4: {  	[sflag:s20] =	ssyncset.done $0x0  }
0x1a5: {  	s31 =	simm.s32 $0x1400;
	[sflag:s20] =	ssyncadd.s32 $0xFFFFC000  }
0x1a6: {  	[spmem:s3] =	stream.indirect.scatter.add.f32 [tilespmem:s18], [sflag:$0x3], $0x80, s31, s17, $0xb8;
	[tilespmem:$0x1E800] =	vst v63  }
0x1a7: {  	_ =	swait.ge [sflag:s15], $0x4000  }
0x1a8: {  	[sflag:s15] =	ssyncset.done $0x0  }
0x1a9: {  	s30 =	simm.s32 $0x100;
	[sflag:s15] =	ssyncadd.s32 $0xFFFFC000  }
0x1aa: {  	[tilespmem:s18], [sflag:$0x1] =	stream.indirect.gather [hbm4b:s5+s17], $0x80, s30, s17, $0xb8;
	[tilespmem:$0x1E800] =	vst v63  }
0x1ab: {  	_ =	swait.ge [sflag:s21], $0x4000  }
0x1ac: {  	[sflag:s21] =	ssyncset.done $0x0  }
0x1ad: {  	s31 =	simm.s32 $0x1480;
	[sflag:s21] =	ssyncadd.s32 $0xFFFFC000  }
0x1ae: {  	[spmem:s3] =	stream.indirect.scatter.add.f32 [tilespmem:s19], [sflag:$0x3], $0x80, s31, s17, $0xb8;
	[tilespmem:$0x1E800] =	vst v63  }
0x1af: {  	_ =	swait.ge [sflag:s15], $0x4000  }
0x1b0: {  	s29 =	simm.s32 $0x800;
	s28 =	simm.s32 $0x100;
	[sflag:s15] =	ssyncset.done $0x0  }
.LBB2_14:
0x1b1: {  	s0 =	sadd.s32 $0x80, s28  }
0x1b2: {  	[sflag:s15] =	ssyncadd.s32 $0xFFFFC000;
	s30 =	smov.u32 s29;
	s31 =	sadd.s32 $0x400, s29  }
0x1b3: {  	[tilespmem:s19], [sflag:$0x2] =	stream.indirect.gather [hbm4b:s5+s17], $0x80, s0, s17, $0xb8;
	[tilespmem:$0x1E800] =	vst v63  }
0x1b4: {  	p1 =	sne.s32 s29, $0x4800;
	_ =	swait.ge [sflag:s20], $0x4000  }
0x1b5: {  	[sflag:s20] =	ssyncset.done $0x0  }
0x1b6: {  	s0 =	sadd.s32 $0x1400, s28;
	[sflag:s20] =	ssyncadd.s32 $0xFFFFC000  }
0x1b7: {  	[spmem:s3] =	stream.indirect.scatter.add.f32 [tilespmem:s18], [sflag:$0x3], $0x80, s0, s17, $0xb8;
	[tilespmem:$0x1E800] =	vst v63  }
0x1b8: {  	_ =	swait.ge [sflag:s15], $0x4000  }
0x1b9: {  	[sflag:s15] =	ssyncset.done $0x0  }
0x1ba: {  	s0 =	sadd.s32 $0x100, s28;
	[sflag:s15] =	ssyncadd.s32 $0xFFFFC000  }
0x1bb: {  	[tilespmem:s18], [sflag:$0x1] =	stream.indirect.gather [hbm4b:s5+s17], $0x80, s0, s17, $0xb8;
	[tilespmem:$0x1E800] =	vst v63  }
0x1bc: {  	_ =	swait.ge [sflag:s21], $0x4000  }
.Ltmp9:
0x1bd: {  	[sflag:s21] =	ssyncset.done $0x0;
	(pc) =	sbr.rel @p1 .LBB2_14-.Ltmp9, $4  }
0x1be: {  	s0 =	sadd.s32 $0x1480, s28;
	[sflag:s21] =	ssyncadd.s32 $0xFFFFC000  }
0x1bf: {  	[spmem:s3] =	stream.indirect.scatter.add.f32 [tilespmem:s19], [sflag:$0x3], $0x80, s0, s17, $0xb8;
	[tilespmem:$0x1E800] =	vst v63  }
0x1c0: {  	_ =	swait.ge [sflag:s15], $0x4000  }
0x1c1: {  	s29 =	smov.u32 s31;
	s28 =	sshra.s32 s30, $0x2;
	[sflag:s15] =	ssyncset.done $0x0  }
0x1c2: {  	s0 =	sadd.s32 $0x80, s28;
	[sflag:s15] =	ssyncadd.s32 $0xFFFFC000  }
0x1c3: {  	[tilespmem:s19], [sflag:$0x2] =	stream.indirect.gather [hbm4b:s5+s17], $0x80, s0, s17, $0xb8;
	[tilespmem:$0x1E800] =	vst v63  }
0x1c4: {  	_ =	swait.ge [sflag:s20], $0x4000  }
0x1c5: {  	[sflag:s20] =	ssyncset.done $0x0  }
0x1c6: {  	s31 =	sadd.s32 $0x1400, s28;
	[sflag:s20] =	ssyncadd.s32 $0xFFFFC000  }
0x1c7: {  	[spmem:s3] =	stream.indirect.scatter.add.f32 [tilespmem:s18], [sflag:$0x3], $0x80, s31, s17, $0xb8;
	[tilespmem:$0x1E800] =	vst v63  }
0x1c8: {  	_ =	swait.ge [sflag:s15], $0x4000  }
0x1c9: {  	[sflag:s15] =	ssyncset.done $0x0  }
0x1ca: {  	s30 =	sadd.s32 $0x100, s28;
	[sflag:s15] =	ssyncadd.s32 $0xFFFFC000  }
0x1cb: {  	[tilespmem:s18], [sflag:$0x1] =	stream.indirect.gather [hbm4b:s5+s17], $0x80, s30, s17, $0xb8;
	[tilespmem:$0x1E800] =	vst v63  }
0x1cc: {  	_ =	swait.ge [sflag:s21], $0x4000  }
0x1cd: {  	[sflag:s21] =	ssyncset.done $0x0  }
0x1ce: {  	s31 =	sadd.s32 $0x1480, s28;
	[sflag:s21] =	ssyncadd.s32 $0xFFFFC000  }
0x1cf: {  	[spmem:s3] =	stream.indirect.scatter.add.f32 [tilespmem:s19], [sflag:$0x3], $0x80, s31, s17, $0xb8;
	[tilespmem:$0x1E800] =	vst v63  }
0x1d0: {  	_ =	swait.ge [sflag:s15], $0x4000  }
0x1d1: {  	[sflag:s15] =	ssyncset.done $0x0  }
0x1d2: {  	[sflag:s15] =	ssyncadd.s32 $0xFFFFC000  }
0x1d3: {  	[tilespmem:s19], [sflag:$0x2] =	stream.indirect.gather [hbm4b:s5+s17], $0x80, s22, s17, $0xb8;
	[tilespmem:$0x1E800] =	vst v63  }
0x1d4: {  	_ =	swait.ge [sflag:s20], $0x4000  }
0x1d5: {  	[sflag:s20] =	ssyncset.done $0x0  }
0x1d6: {  	[sflag:s20] =	ssyncadd.s32 $0xFFFFC000  }
0x1d7: {  	[spmem:s3] =	stream.indirect.scatter.add.f32 [tilespmem:s18], [sflag:$0x3], $0x80, s23, s17, $0xb8;
	[tilespmem:$0x1E800] =	vst v63  }
0x1d8: {  	_ =	swait.ge [sflag:s15], $0x4000  }
0x1d9: {  	[sflag:s15] =	ssyncset.done $0x0  }
0x1da: {  	[sflag:s15] =	ssyncadd.s32 $0xFFFFC000  }
0x1db: {  	_ =	swait.ge [sflag:s21], $0x4000  }
0x1dc: {  	[sflag:s21] =	ssyncset.done $0x0  }
0x1dd: {  	[sflag:s21] =	ssyncadd.s32 $0xFFFFC000  }
0x1de: {  	[spmem:s3] =	stream.indirect.scatter.add.f32 [tilespmem:s19], [sflag:$0x3], $0x80, s24, s17, $0xb8;
	[tilespmem:$0x1E800] =	vst v63  }
0x1df: {  	_ =	swait.ge [sflag:s15], $0x4000  }
0x1e0: {  	[sflag:s15] =	ssyncset.done $0x0  }
0x1e1: {  	s28 =	simm.s32 $0x0;
	s30 =	sadd.s32 $0x500, s11;
	[sflag:s15] =	ssyncadd.s32 $0xFFFFC000  }
0x1e2: {  	[tilespmem:s28], [sflag:$0x3] =	stream.linear.gather [hbm4b:s30+s28], $0x1400, $0x38;
	[tilespmem:$0x1E800] =	vst v63  }
0x1e3: {  	_ =	swait.ge [sflag:s15], $0x1400  }
0x1e4: {  	[sflag:s15] =	ssyncset.done $0x0  }
0x1e5: {  	s31 =	sadd.s32 $0x500, s12;
	[sflag:s15] =	ssyncadd.s32 $0xFFFFEC00  }
0x1e6: {  	[tilespmem:s16], [sflag:$0x3] =	stream.linear.gather [hbm4b:s31+s28], $0x1400, $0x38;
	[tilespmem:$0x1E800] =	vst v63  }
0x1e7: {  	_ =	swait.ge [sflag:s15], $0x1400  }
0x1e8: {  	[sflag:s15] =	ssyncset.done $0x0  }
0x1e9: {  	[sflag:s15] =	ssyncadd.s32 $0xFFFFEC00  }
0x1ea: {  	[tilespmem:s18], [sflag:$0x1] =	stream.indirect.gather [hbm4b:s5+s17], $0x80, s28, s17, $0xb8;
	[tilespmem:$0x1E800] =	vst v63  }
0x1eb: {  	s30 =	simm.s32 $0x80  }
0x1ec: {  	[tilespmem:s19], [sflag:$0x2] =	stream.indirect.gather [hbm4b:s5+s17], $0x80, s30, s17, $0xb8;
	[tilespmem:$0x1E800] =	vst v63  }
0x1ed: {  	_ =	swait.ge [sflag:s20], $0x4000  }
0x1ee: {  	[sflag:s20] =	ssyncset.done $0x0  }
0x1ef: {  	s31 =	simm.s32 $0x1400;
	[sflag:s20] =	ssyncadd.s32 $0xFFFFC000  }
0x1f0: {  	[spmem:s3] =	stream.indirect.scatter.add.f32 [tilespmem:s18], [sflag:$0x3], $0x80, s31, s17, $0xb8;
	[tilespmem:$0x1E800] =	vst v63  }
0x1f1: {  	_ =	swait.ge [sflag:s15], $0x4000  }
0x1f2: {  	[sflag:s15] =	ssyncset.done $0x0  }
0x1f3: {  	s30 =	simm.s32 $0x100;
	[sflag:s15] =	ssyncadd.s32 $0xFFFFC000  }
0x1f4: {  	[tilespmem:s18], [sflag:$0x1] =	stream.indirect.gather [hbm4b:s5+s17], $0x80, s30, s17, $0xb8;
	[tilespmem:$0x1E800] =	vst v63  }
0x1f5: {  	_ =	swait.ge [sflag:s21], $0x4000  }
0x1f6: {  	[sflag:s21] =	ssyncset.done $0x0  }
0x1f7: {  	s31 =	simm.s32 $0x1480;
	[sflag:s21] =	ssyncadd.s32 $0xFFFFC000  }
0x1f8: {  	[spmem:s3] =	stream.indirect.scatter.add.f32 [tilespmem:s19], [sflag:$0x3], $0x80, s31, s17, $0xb8;
	[tilespmem:$0x1E800] =	vst v63  }
0x1f9: {  	_ =	swait.ge [sflag:s15], $0x4000  }
0x1fa: {  	s29 =	simm.s32 $0x800;
	s28 =	simm.s32 $0x100;
	[sflag:s15] =	ssyncset.done $0x0  }
.LBB2_16:
0x1fb: {  	s0 =	sadd.s32 $0x80, s28  }
0x1fc: {  	[sflag:s15] =	ssyncadd.s32 $0xFFFFC000;
	s30 =	smov.u32 s29;
	s31 =	sadd.s32 $0x400, s29  }
0x1fd: {  	[tilespmem:s19], [sflag:$0x2] =	stream.indirect.gather [hbm4b:s5+s17], $0x80, s0, s17, $0xb8;
	[tilespmem:$0x1E800] =	vst v63  }
0x1fe: {  	p1 =	sne.s32 s29, $0x4800;
	_ =	swait.ge [sflag:s20], $0x4000  }
0x1ff: {  	[sflag:s20] =	ssyncset.done $0x0  }
0x200: {  	s0 =	sadd.s32 $0x1400, s28;
	[sflag:s20] =	ssyncadd.s32 $0xFFFFC000  }
0x201: {  	[spmem:s3] =	stream.indirect.scatter.add.f32 [tilespmem:s18], [sflag:$0x3], $0x80, s0, s17, $0xb8;
	[tilespmem:$0x1E800] =	vst v63  }
0x202: {  	_ =	swait.ge [sflag:s15], $0x4000  }
0x203: {  	[sflag:s15] =	ssyncset.done $0x0  }
0x204: {  	s0 =	sadd.s32 $0x100, s28;
	[sflag:s15] =	ssyncadd.s32 $0xFFFFC000  }
0x205: {  	[tilespmem:s18], [sflag:$0x1] =	stream.indirect.gather [hbm4b:s5+s17], $0x80, s0, s17, $0xb8;
	[tilespmem:$0x1E800] =	vst v63  }
0x206: {  	_ =	swait.ge [sflag:s21], $0x4000  }
.Ltmp10:
0x207: {  	[sflag:s21] =	ssyncset.done $0x0;
	(pc) =	sbr.rel @p1 .LBB2_16-.Ltmp10, $4  }
0x208: {  	s0 =	sadd.s32 $0x1480, s28;
	[sflag:s21] =	ssyncadd.s32 $0xFFFFC000  }
0x209: {  	[spmem:s3] =	stream.indirect.scatter.add.f32 [tilespmem:s19], [sflag:$0x3], $0x80, s0, s17, $0xb8;
	[tilespmem:$0x1E800] =	vst v63  }
0x20a: {  	_ =	swait.ge [sflag:s15], $0x4000  }
0x20b: {  	s29 =	smov.u32 s31;
	s28 =	sshra.s32 s30, $0x2;
	[sflag:s15] =	ssyncset.done $0x0  }
0x20c: {  	s0 =	sadd.s32 $0x80, s28;
	[sflag:s15] =	ssyncadd.s32 $0xFFFFC000  }
0x20d: {  	[tilespmem:s19], [sflag:$0x2] =	stream.indirect.gather [hbm4b:s5+s17], $0x80, s0, s17, $0xb8;
	[tilespmem:$0x1E800] =	vst v63  }
0x20e: {  	_ =	swait.ge [sflag:s20], $0x4000  }
0x20f: {  	[sflag:s20] =	ssyncset.done $0x0  }
0x210: {  	s31 =	sadd.s32 $0x1400, s28;
	[sflag:s20] =	ssyncadd.s32 $0xFFFFC000  }
0x211: {  	[spmem:s3] =	stream.indirect.scatter.add.f32 [tilespmem:s18], [sflag:$0x3], $0x80, s31, s17, $0xb8;
	[tilespmem:$0x1E800] =	vst v63  }
0x212: {  	_ =	swait.ge [sflag:s15], $0x4000  }
0x213: {  	[sflag:s15] =	ssyncset.done $0x0  }
0x214: {  	s30 =	sadd.s32 $0x100, s28;
	[sflag:s15] =	ssyncadd.s32 $0xFFFFC000  }
0x215: {  	[tilespmem:s18], [sflag:$0x1] =	stream.indirect.gather [hbm4b:s5+s17], $0x80, s30, s17, $0xb8;
	[tilespmem:$0x1E800] =	vst v63  }
0x216: {  	_ =	swait.ge [sflag:s21], $0x4000  }
0x217: {  	[sflag:s21] =	ssyncset.done $0x0  }
0x218: {  	s31 =	sadd.s32 $0x1480, s28;
	[sflag:s21] =	ssyncadd.s32 $0xFFFFC000  }
0x219: {  	[spmem:s3] =	stream.indirect.scatter.add.f32 [tilespmem:s19], [sflag:$0x3], $0x80, s31, s17, $0xb8;
	[tilespmem:$0x1E800] =	vst v63  }
0x21a: {  	_ =	swait.ge [sflag:s15], $0x4000  }
0x21b: {  	[sflag:s15] =	ssyncset.done $0x0  }
0x21c: {  	[sflag:s15] =	ssyncadd.s32 $0xFFFFC000  }
0x21d: {  	[tilespmem:s19], [sflag:$0x2] =	stream.indirect.gather [hbm4b:s5+s17], $0x80, s22, s17, $0xb8;
	[tilespmem:$0x1E800] =	vst v63  }
0x21e: {  	_ =	swait.ge [sflag:s20], $0x4000  }
0x21f: {  	[sflag:s20] =	ssyncset.done $0x0  }
0x220: {  	[sflag:s20] =	ssyncadd.s32 $0xFFFFC000  }
0x221: {  	[spmem:s3] =	stream.indirect.scatter.add.f32 [tilespmem:s18], [sflag:$0x3], $0x80, s23, s17, $0xb8;
	[tilespmem:$0x1E800] =	vst v63  }
0x222: {  	_ =	swait.ge [sflag:s15], $0x4000  }
0x223: {  	[sflag:s15] =	ssyncset.done $0x0  }
0x224: {  	[sflag:s15] =	ssyncadd.s32 $0xFFFFC000  }
0x225: {  	_ =	swait.ge [sflag:s21], $0x4000  }
0x226: {  	[sflag:s21] =	ssyncset.done $0x0  }
0x227: {  	[sflag:s21] =	ssyncadd.s32 $0xFFFFC000  }
0x228: {  	[spmem:s3] =	stream.indirect.scatter.add.f32 [tilespmem:s19], [sflag:$0x3], $0x80, s24, s17, $0xb8;
	[tilespmem:$0x1E800] =	vst v63  }
0x229: {  	_ =	swait.ge [sflag:s15], $0x4000  }
0x22a: {  	[sflag:s15] =	ssyncset.done $0x0  }
0x22b: {  	s28 =	simm.s32 $0x0;
	s30 =	sadd.s32 $0x780, s11;
	[sflag:s15] =	ssyncadd.s32 $0xFFFFC000  }
0x22c: {  	[tilespmem:s28], [sflag:$0x3] =	stream.linear.gather [hbm4b:s30+s28], $0x1400, $0x38;
	[tilespmem:$0x1E800] =	vst v63  }
0x22d: {  	_ =	swait.ge [sflag:s15], $0x1400  }
0x22e: {  	[sflag:s15] =	ssyncset.done $0x0  }
0x22f: {  	s31 =	sadd.s32 $0x780, s12;
	[sflag:s15] =	ssyncadd.s32 $0xFFFFEC00  }
0x230: {  	[tilespmem:s16], [sflag:$0x3] =	stream.linear.gather [hbm4b:s31+s28], $0x1400, $0x38;
	[tilespmem:$0x1E800] =	vst v63  }
0x231: {  	_ =	swait.ge [sflag:s15], $0x1400  }
0x232: {  	[sflag:s15] =	ssyncset.done $0x0  }
0x233: {  	[sflag:s15] =	ssyncadd.s32 $0xFFFFEC00  }
0x234: {  	[tilespmem:s18], [sflag:$0x1] =	stream.indirect.gather [hbm4b:s5+s17], $0x80, s28, s17, $0xb8;
	[tilespmem:$0x1E800] =	vst v63  }
0x235: {  	s30 =	simm.s32 $0x80  }
0x236: {  	[tilespmem:s19], [sflag:$0x2] =	stream.indirect.gather [hbm4b:s5+s17], $0x80, s30, s17, $0xb8;
	[tilespmem:$0x1E800] =	vst v63  }
0x237: {  	_ =	swait.ge [sflag:s20], $0x4000  }
0x238: {  	[sflag:s20] =	ssyncset.done $0x0  }
0x239: {  	s31 =	simm.s32 $0x1400;
	[sflag:s20] =	ssyncadd.s32 $0xFFFFC000  }
0x23a: {  	[spmem:s3] =	stream.indirect.scatter.add.f32 [tilespmem:s18], [sflag:$0x3], $0x80, s31, s17, $0xb8;
	[tilespmem:$0x1E800] =	vst v63  }
0x23b: {  	_ =	swait.ge [sflag:s15], $0x4000  }
0x23c: {  	[sflag:s15] =	ssyncset.done $0x0  }
0x23d: {  	s30 =	simm.s32 $0x100;
	[sflag:s15] =	ssyncadd.s32 $0xFFFFC000  }
0x23e: {  	[tilespmem:s18], [sflag:$0x1] =	stream.indirect.gather [hbm4b:s5+s17], $0x80, s30, s17, $0xb8;
	[tilespmem:$0x1E800] =	vst v63  }
0x23f: {  	_ =	swait.ge [sflag:s21], $0x4000  }
0x240: {  	[sflag:s21] =	ssyncset.done $0x0  }
0x241: {  	s31 =	simm.s32 $0x1480;
	[sflag:s21] =	ssyncadd.s32 $0xFFFFC000  }
0x242: {  	[spmem:s3] =	stream.indirect.scatter.add.f32 [tilespmem:s19], [sflag:$0x3], $0x80, s31, s17, $0xb8;
	[tilespmem:$0x1E800] =	vst v63  }
0x243: {  	_ =	swait.ge [sflag:s15], $0x4000  }
0x244: {  	s29 =	simm.s32 $0x800;
	s28 =	simm.s32 $0x100;
	[sflag:s15] =	ssyncset.done $0x0  }
.LBB2_18:
0x245: {  	s0 =	sadd.s32 $0x80, s28  }
0x246: {  	[sflag:s15] =	ssyncadd.s32 $0xFFFFC000;
	s30 =	smov.u32 s29;
	s31 =	sadd.s32 $0x400, s29  }
0x247: {  	[tilespmem:s19], [sflag:$0x2] =	stream.indirect.gather [hbm4b:s5+s17], $0x80, s0, s17, $0xb8;
	[tilespmem:$0x1E800] =	vst v63  }
0x248: {  	p1 =	sne.s32 s29, $0x4800;
	_ =	swait.ge [sflag:s20], $0x4000  }
0x249: {  	[sflag:s20] =	ssyncset.done $0x0  }
0x24a: {  	s0 =	sadd.s32 $0x1400, s28;
	[sflag:s20] =	ssyncadd.s32 $0xFFFFC000  }
0x24b: {  	[spmem:s3] =	stream.indirect.scatter.add.f32 [tilespmem:s18], [sflag:$0x3], $0x80, s0, s17, $0xb8;
	[tilespmem:$0x1E800] =	vst v63  }
0x24c: {  	_ =	swait.ge [sflag:s15], $0x4000  }
0x24d: {  	[sflag:s15] =	ssyncset.done $0x0  }
0x24e: {  	s0 =	sadd.s32 $0x100, s28;
	[sflag:s15] =	ssyncadd.s32 $0xFFFFC000  }
0x24f: {  	[tilespmem:s18], [sflag:$0x1] =	stream.indirect.gather [hbm4b:s5+s17], $0x80, s0, s17, $0xb8;
	[tilespmem:$0x1E800] =	vst v63  }
0x250: {  	_ =	swait.ge [sflag:s21], $0x4000  }
.Ltmp11:
0x251: {  	[sflag:s21] =	ssyncset.done $0x0;
	(pc) =	sbr.rel @p1 .LBB2_18-.Ltmp11, $4  }
0x252: {  	s0 =	sadd.s32 $0x1480, s28;
	[sflag:s21] =	ssyncadd.s32 $0xFFFFC000  }
0x253: {  	[spmem:s3] =	stream.indirect.scatter.add.f32 [tilespmem:s19], [sflag:$0x3], $0x80, s0, s17, $0xb8;
	[tilespmem:$0x1E800] =	vst v63  }
0x254: {  	_ =	swait.ge [sflag:s15], $0x4000  }
0x255: {  	s29 =	smov.u32 s31;
	s28 =	sshra.s32 s30, $0x2;
	[sflag:s15] =	ssyncset.done $0x0  }
.Ltmp12:
0x256: {  	_ = 	snop;
	(pc) =	sbr.rel .LBB2_19-.Ltmp12, $1  }
0x257: {  	_ =	sdelay $0x3  }
.LBB2_21:
0x258: {  	_ =	sfence.sel $0x180000  }
0x259: {  	[bflag:$0x0] =	sbarrier.arrive $0xFFFF  }
0x25a: {  	_ =	strace $0x90000047  }
0x25b: {  	[bflag:$0x2] =	sbarrier.arrive $0xFFFF  }
0x25c: {  	p0 =	sne.s32 s2, $0x0;
	s0 =	rddreg [dreg:$0x3]  }
0x25d: {  	s0 =	sadd.s32 @!p0 $0x100000, s0  }
0x25e: {  	[sflag:s0] =	ssyncadd.tile.s32 @!p0 $0x1;
	_ =	shalt  }
.Lfunc_end2:
_tile_overlayer_lowered:
.L_overlay_start_2:
0x25f: {  	(tag) =	ssettag $0x2  }
0x260: {  	s0 =	rddreg [dreg:$0x0];
	s2 =	stileid.u32  }
0x261: {  	s1 =	rddreg [dreg:$0x1];
	p0 =	sne.s32 s2, $0x0  }
0x262: {  	s3 =	rddreg [dreg:$0x2];
	[bflag:$0x3] =	sbarrier.arrive $0xFFFF;
	s2 =	simm.s32 @!p0 $0x1C03  }
0x263: {  	[timem:s3], [sflag:s2] =	dma.local @!p0 [hbm:s0], s1  }
0x264: {  	s0 =	simm.s32 @!p0 $0x3  }
0x265: {  	_ =	swait.ge @!p0 [sflag:s0], s1  }
0x266: {  	s1 =	ssub.s32 @!p0 $0x0, s1;
	[sflag:s0] =	ssyncset.done @!p0 $0x0  }
0x267: {  	[sflag:s0] =	ssyncadd.s32 @!p0 s1  }
0x268: {  	[bflag:$0x3] =	sbarrier.arrive $0xFFFF  }
0x269: {  	_ =	shalt  }

// kernel: kernel.9.cloned.1.call-start
scs
__scs_entry_jumppad:
0x0: {  	(pc) =	sbr.rel $0x88, $3  }
0x1: {  	(tag) =	ssettag $0x0;
	lr =	simm.s32 $0x1  }
0x2: {  	[smem:$0x3F99] =	sst lr;
	_ =	strace $0xD0000000  }
0x3: {  	_ = 	snop  }
0x4: {  	_ = 	snop  }
0x5: {  	_ = 	snop  }
0x6: {  	_ = 	snop  }
0x7: {  	_ = 	snop  }
__scs_overlays_trampoline_lowered:
0x8: {  	[smem:$0x3FA8] =	sst s0  }
0x9: {  	[smem:$0x3FA9] =	sst s1  }
0xa: {  	[smem:$0x3FAA] =	sst s2  }
0xb: {  	[smem:$0x3FAB] =	sst s3  }
0xc: {  	[smem:$0x3FAC] =	sst s4  }
0xd: {  	[smem:$0x3FAD] =	sst s5  }
0xe: {  	[smem:$0x3FAE] =	sst s6  }
0xf: {  	[smem:$0x3FAF] =	sst s7  }
0x10: {  	[smem:$0x3FB0] =	sst s8  }
0x11: {  	[smem:$0x3FB1] =	sst s9;
	s0 =	simm.s32 @!p0 $0x0  }
0x12: {  	s1 =	sld [smem:$0x3F97];
	s0 =	simm.s32 @p0 $0x1  }
0x13: {  	[smem:$0x3FB2] =	sst s0;
	s0 =	simm.s32 @!p1 $0x0  }
0x14: {  	s2 =	sld [smem:$0x3F96];
	s0 =	simm.s32 @p1 $0x1  }
0x15: {  	[smem:$0x3FB3] =	sst s0;
	s0 =	simm.s32 @!p2 $0x0  }
0x16: {  	s3 =	sld [smem:$0x3FDB];
	s0 =	simm.s32 @p2 $0x1  }
0x17: {  	s4 =	simm.s32 $0x1BF5;
	[smem:$0x3FB5] =	sst s0  }
0x18: {  	s0 =	sld [smem:$0x3F98];
	_ =	swait.ge [sflag:s4], $0x0  }
0x19: {  	s7 =	sld [smem:$0x3F99]  }
0x1a: {  	s8 =	sadd.s32 $0xFFFFE003, lr  }
0x1b: {  	s9 =	sadd.s32 $0xFFFFFEF7, lr;
	s5 =	simm.s32 $0xFFFFFFFF;
	p2 =	slt.u32 s8, $0xFFFFF086  }
0x1c: {  	p1 =	slt.u32 s9, $0xF7A;
	s5 =	simm.s32 @!p2 $0x0  }
0x1d: {  	s5 =	simm.s32 @p1 $0x1;
	p0 =	seq.s32 s7, s2  }
0x1e: {  	s7 =	smul.u32 @!p0 $0xF7A, s2;
	p2 =	seq.s32 @!p0 s5, $0x0  }
0x1f: {  	s9 =	smul.u32 $0xF7A, s1;
	s8 =	simm.s32 @!p0 $0x1BF5;
	p2 =	por !p2, p0  }
0x20: {  	[sflag:s8] =	ssyncset.s32 @!p0 $0xFFFFF086;
	s6 =	sadd.s32 @!p0 s3, s7;
	s7 =	simm.s32 @!p0 $0x108  }
0x21: {  	s3 =	sadd.s32 s3, s9;
	s6 =	sadd.s32 @!p0 $0x88, s6;
	s7 =	simm.s32 @p2 $0x1082  }
0x22: {  	[simem:s7], [sflag:s8] =	dma.local @!p0 [hbm:s6], $0xF7A  }
0x23: {  	s9 =	sor.u32 $0xD0000000, s2;
	s6 =	simm.s32 $0x108;
	_ =	swait.ge @!p0 [sflag:s8], $0x0  }
0x24: {  	s3 =	sadd.s32 $0x88, s3;
	s6 =	simm.s32 @!p1 $0x1082;
	[sflag:s4] =	ssyncset.s32 $0xFFFFF086  }
0x25: {  	[simem:s6], [sflag:s4] =	dma.local [hbm:s3], $0xF7A  }
0x26: {  	[smem:$0x3F99] =	sst s1;
	(tag) =	ssettag s2;
	_ =	strace s9  }
0x27: {  	s1 =	sld [smem:$0x3FA9]  }
0x28: {  	s2 =	sld [smem:$0x3FAA]  }
0x29: {  	s4 =	sld [smem:$0x3FAC]  }
0x2a: {  	p0 =	seq.s32 s5, $0x0;
	s5 =	sld [smem:$0x3FAD]  }
0x2b: {  	s6 =	sld [smem:$0x3FAE]  }
0x2c: {  	s7 =	sld [smem:$0x3FAF]  }
0x2d: {  	s3 =	simm.s32 $0x108;
	s8 =	sld [smem:$0x3FB0]  }
0x2e: {  	s3 =	simm.s32 @!p0 $0x1082;
	s9 =	sld [smem:$0x3FB1]  }
0x2f: {  	lr =	sadd.s32 s0, s3;
	s0 =	sld [smem:$0x3FA8]  }
0x30: {  	s3 =	sld [smem:$0x3FAB]  }
0x31: {  	[smem:$0x3FB4] =	sst s10  }
0x32: {  	s10 =	sld [smem:$0x3FB2];
	_ =	sdelay $0x3  }
0x33: {  	p0 =	seq.s32 s10, $0x1;
	s10 =	sld [smem:$0x3FB4];
	_ =	sdelay $0x3  }
0x34: {  	[smem:$0x3FB4] =	sst s10  }
0x35: {  	s10 =	sld [smem:$0x3FB3];
	_ =	sdelay $0x3  }
0x36: {  	p1 =	seq.s32 s10, $0x1;
	s10 =	sld [smem:$0x3FB4];
	_ =	sdelay $0x3  }
0x37: {  	[smem:$0x3FB4] =	sst s10  }
0x38: {  	s10 =	sld [smem:$0x3FB5]  }
0x39: {  	_ = 	snop;
	(pc) =	sbr.ind lr, $3  }
0x3a: {  	_ = 	snop  }
0x3b: {  	_ = 	snop  }
0x3c: {  	p2 =	seq.s32 s10, $0x1;
	s10 =	sld [smem:$0x3FB4]  }
0x3d: {  	_ =	shalt  }
0x3e: {  	_ =	shalt  }
0x3f: {  	_ =	shalt  }
0x40: {  	_ =	shalt  }
0x41: {  	_ =	shalt  }
0x42: {  	_ =	shalt  }
0x43: {  	_ =	shalt  }
0x44: {  	_ =	shalt  }
0x45: {  	_ =	shalt  }
0x46: {  	_ =	shalt  }
0x47: {  	_ =	shalt  }
0x48: {  	_ =	shalt  }
0x49: {  	_ =	shalt  }
0x4a: {  	_ =	shalt  }
0x4b: {  	_ =	shalt  }
0x4c: {  	_ =	shalt  }
0x4d: {  	_ =	shalt  }
0x4e: {  	_ =	shalt  }
0x4f: {  	_ =	shalt  }
0x50: {  	_ =	shalt  }
0x51: {  	_ =	shalt  }
0x52: {  	_ =	shalt  }
0x53: {  	_ =	shalt  }
0x54: {  	_ =	shalt  }
0x55: {  	_ =	shalt  }
0x56: {  	_ =	shalt  }
0x57: {  	_ =	shalt  }
0x58: {  	_ =	shalt  }
0x59: {  	_ =	shalt  }
0x5a: {  	_ =	shalt  }
0x5b: {  	_ =	shalt  }
0x5c: {  	_ =	shalt  }
0x5d: {  	_ =	shalt  }
0x5e: {  	_ =	shalt  }
0x5f: {  	_ =	shalt  }
0x60: {  	_ =	shalt  }
0x61: {  	_ =	shalt  }
0x62: {  	_ =	shalt  }
0x63: {  	_ =	shalt  }
0x64: {  	_ =	shalt  }
0x65: {  	_ =	shalt  }
0x66: {  	_ =	shalt  }
0x67: {  	_ =	shalt  }
0x68: {  	_ =	shalt  }
0x69: {  	_ =	shalt  }
0x6a: {  	_ =	shalt  }
0x6b: {  	_ =	shalt  }
0x6c: {  	_ =	shalt  }
0x6d: {  	_ =	shalt  }
0x6e: {  	_ =	shalt  }
0x6f: {  	_ =	shalt  }
0x70: {  	_ =	shalt  }
0x71: {  	_ =	shalt  }
0x72: {  	_ =	shalt  }
0x73: {  	_ =	shalt  }
0x74: {  	_ =	shalt  }
0x75: {  	_ =	shalt  }
0x76: {  	_ =	shalt  }
0x77: {  	_ =	shalt  }
0x78: {  	_ =	shalt  }
0x79: {  	_ =	shalt  }
0x7a: {  	_ =	shalt  }
0x7b: {  	_ =	shalt  }
0x7c: {  	_ =	shalt  }
0x7d: {  	_ =	shalt  }
0x7e: {  	_ =	shalt  }
0x7f: {  	_ =	shalt  }
0x80: {  	_ =	shalt  }
0x81: {  	_ =	shalt  }
0x82: {  	_ =	shalt  }
0x83: {  	_ =	shalt  }
0x84: {  	_ =	shalt  }
0x85: {  	_ =	shalt  }
0x86: {  	_ =	shalt  }
0x87: {  	_ =	shalt  }
.Lfunc_end0:
.L_simem_size_0:
called_computation.1_lowered:
.L_overlay_start_0:
0x88: {  	s2 =	sld [smem:$0x3FD9]  }
0x89: {  	s3 =	sld [smem:$0x3FFE];
	_ =	sdelay $0x1  }
0x8a: {  	s1 =	srdreg.scid  }
0x8b: {  	s0 =	sand.u32 $0x1, s1  }
0x8c: {  	s17 =	sshll.u32 s0, $0xA;
	s2 =	sadd.s32 s3, s2  }
0x8d: {  	s2 =	sadd.s32 s2, s17  }
0x8e: {  	[smem:$0x3FC0] =	sst s2  }
0x8f: {  	_ = 	snop  }
0x90: {  	s2 =	sld [smem:$0x3FD0];
	(tm) =	ssettm $0x1  }
0x91: {  	s18 =	sld [smem:$0x3FFB];
	_ =	sdelay $0x3  }
0x92: {  	_ =	strace s18  }
0x93: {  	s3 =	sld [smem:$0x3FFC];
	_ =	sdelay $0x3  }
0x94: {  	_ =	strace s3  }
0x95: {  	s3 =	sld [smem:$0x3FFD];
	_ =	sdelay $0x3  }
0x96: {  	_ =	strace s3  }
0x97: {  	_ =	strace $0x8FFFFFFF  }
0x98: {  	s19 =	sld [smem:$0x3FDB];
	_ =	sdelay $0x1  }
0x99: {  	s4 =	simm.s32 $_scs_section_size  }
0x9a: {  	s5 =	simm.s32 $_size__tile_overlayer_lowered;
	s6 =	simm.s32 $_tile_overlayer_lowered  }
0x9b: {  	s22 =	simm.s32 $0x1BFF;
	s21 =	sshll.u32 s6, $0x1;
	s3 =	sadd.s32 s4, s19  }
0x9c: {  	s7 =	simm.s32 $0x0;
	s20 =	sshll.u32 s5, $0x1;
	s5 =	sadd.s32 s21, s3  }
0x9d: {  	[timem:s7], [sflag:s22] =	dma.local [hbm:s5], s20  }
0x9e: {  	_ =	swait.ge [sflag:s22], s20  }
0x9f: {  	s4 =	ssub.s32 $0x0, s20;
	[sflag:s22] =	ssyncset.done $0x0  }
0xa0: {  	[sflag:s22] =	ssyncadd.s32 s4;
	_ =	sdelay $0x1  }
0xa1: {  	s23 =	simm.s32 $0x1B8B  }
0xa2: {  	_ =	swait.ge [sflag:s23], $0x1  }
0xa3: {  	[sflag:s23] =	ssyncset.done $0x0  }
0xa4: {  	s25 =	simm.s32 $0x1B8E;
	s24 =	sld [smem:$0x3FFE];
	[sflag:s23] =	ssyncadd.s32 $0xFFFFFFFF  }
0xa5: {  	s26 =	simm.s32 $execute0_lowered;
	[smem:$0x3FD2] =	sst s25  }
0xa6: {  	s5 =	sshll.u32 s26, $0x1;
	_ =	strace $0x80000049;
	[dreg:$0x1] =	wrdreg $0xFFFFFFFF  }
0xa7: {  	s28 =	simm.s32 $_size_execute0_lowered;
	s3 =	sadd.s32 s3, s5;
	[dreg:$0x0] =	wrdreg $0x0  }
0xa8: {  	s5 =	sshll.u32 s28, $0x1;
	[dreg:$0x2] =	wrdreg s3  }
0xa9: {  	[dreg:$0x3] =	wrdreg s5  }
0xaa: {  	[dreg:$0x4] =	wrdreg $0xC0  }
0xab: {  	_ =	task [dreg:s7], $0x5FFFF  }
0xac: {  	[dreg:$0x1] =	wrdreg $0xFFFFFFFF  }
0xad: {  	[dreg:$0x0] =	wrdreg $0x60  }
0xae: {  	[dreg:$0x2] =	wrdreg s24  }
0xaf: {  	[dreg:$0x3] =	wrdreg s2  }
0xb0: {  	[dreg:$0x4] =	wrdreg $0xA8000  }
0xb1: {  	[dreg:$0x5] =	wrdreg $0x9  }
0xb2: {  	_ =	task.clear_ibuf [dreg:s7], $0x6FFFF;
	_ =	strace $0x90000049  }
0xb3: {  	s29 =	simm.s32 $0x9;
	_ =	strace $0x8000004B  }
0xb4: {  	_ =	swait.ge [sflag:s29], $0x1  }
0xb5: {  	[sflag:s29] =	ssyncadd.s32 $0xFFFFFFFF  }
0xb6: {  	_ =	strace $0x9000004B  }
0xb7: {  	_ =	sfence  }
0xb8: {  	s30 =	sld [smem:$0x0];
	_ =	sdelay $0x2  }
0xb9: {  	s31 =	sshll.u32 s1, $0xD;
	s1 =	sshrl.u32 s1, $0x2  }
0xba: {  	s3 =	sand.u32 $0x4000, s31;
	s1 =	sadd.s32 s1, s30  }
0xbb: {  	s0 =	sor.u32 s3, s0;
	s1 =	sshll.u32 s1, $0x11  }
0xbc: {  	s0 =	sor.u32 s1, s0  }
0xbd: {  	s0 =	sadd.s32 $0x8F2B, s0  }
0xbe: {  	[sflag:s0] =	ssyncadd.remote.s32 $0x1  }
0xbf: {  	_ =	sfence.sel $0xFFFF  }
0xc0: {  	[dreg:$0x0] =	wrdreg $0xFFFFFFFF;
	(pc) =	sbr.abs _section_cstart, $3  }
0xc1: {  	[dreg:$0x1] =	wrdreg $0xFFFFFFFF  }
0xc2: {  	_ =	task.clear_ibuf [dreg:s7], $0x2FFFF;
	_ =	strace $0x9FFFFFFF  }
0xc3: {  	(tm) =	ssettm $0x7FFFFFFF  }
tec
execute0_lowered:
.L_overlay_start_1:
0x0: {  	(tag) =	ssettag $0x1  }
0x1: {  	s5 =	rddreg [dreg:$0x0]  }
0x2: {  	s9 =	rddreg [dreg:$0x1]  }
0x3: {  	s0 =	srdreg.scid;
	s2 =	rddreg [dreg:$0x2]  }
0x4: {  	s1 =	stileid.u32;
	s3 =	simm.s32 $0x0;
	s14 =	simm.s32 $0x80  }
0x5: {  	s15 =	simm.s32 $0x2800;
	s16 =	simm.s32 $0x6800;
	s17 =	simm.s32 $0x1  }
0x6: {  	s18 =	simm.s32 $0x2;
	s19 =	simm.s32 $0x1380;
	s20 =	simm.s32 $0x2700  }
0x7: {  	s21 =	simm.s32 $0x2780;
	s24 =	simm.s32 $0x0;
	s7 =	smul.u32 $0x2800, s1  }
0x8: {  	s6 =	sand.u32 $0x1, s0;
	s0 =	rddreg [dreg:$0x3];
	s8 =	smul.u32 $0x14000, s1  }
0x9: {  	[smem:$0x7FF] =	sst s3;
	s11 =	smul.u32 $0x50000, s1;
	s30 =	sshll.u32 s1, $0x6  }
0xa: {  	s4 =	smul.u32 $0x28000, s6;
	_ =	strace $0x8000004A;
	s26 =	ssub.s32 $0x2, s6  }
0xb: {  	s6 =	smul.u32 $0x140000, s6;
	s12 =	sshrl.u32 s8, $0x3;
	s13 =	sshrl.u32 s26, $0x1  }
0xc: {  	s29 =	sshrl.u32 s11, $0x2;
	s7 =	sadd.s32 s7, s4;
	s4 =	sadd.s32 $0x66400, s5  }
0xd: {  	s28 =	ssub.s32 s26, s13;
	s11 =	sadd.s32 s29, s2;
	s8 =	sadd.s32 s8, s6  }
0xe: {  	s6 =	sor.u32 $0x1C03, s30;
	s13 =	simm.s32 $0x1400;
	s7 =	sshrl.u32 s7, $0x3  }
0xf: {  	s31 =	sshrl.u32 s8, $0x3;
	s11 =	sshrl.u32 s11, $0x3;
	s10 =	sadd.s32 s7, s5  }
0x10: {  	s5 =	sadd.s32 s12, s5;
	s9 =	sadd.s32 s9, s31;
	s12 =	simm.s32 $0x3  }
0x11: {  	s5 =	sadd.s32 $0x3E400, s5;
	s7 =	sadd.s32 $0xC400, s10;
	s8 =	sadd.s32 $0x2400, s10  }
0x12: {  	s10 =	smax.u32 s28, $0x1;
	s22 =	sadd.s32 $0x280, s7;
	s23 =	sadd.s32 $0x280, s8  }
.LBB2_1:
0x13: {  	[spmem:s11], [sflag:s6] =	dma.local [hbm:s5], $0x2800  }
0x14: {  	_ =	swait.ge [sflag:s12], $0x2800  }
0x15: {  	[sflag:s12] =	ssyncset.done $0x0  }
0x16: {  	[sflag:s12] =	ssyncadd.s32 $0xFFFFD800  }
0x17: {  	[bflag:$0x0] =	sbarrier.arrive $0xFFFF  }
0x18: {  	[tilespmem:s3], [sflag:$0x3] =	stream.linear.gather [hbm4b:s7+s3], $0x1400, $0x38;
	[tilespmem:$0x1E800] =	vst v63  }
0x19: {  	_ =	swait.ge [sflag:s12], $0x1400  }
0x1a: {  	[sflag:s12] =	ssyncset.done $0x0  }
0x1b: {  	[sflag:s12] =	ssyncadd.s32 $0xFFFFEC00  }
0x1c: {  	[tilespmem:s13], [sflag:$0x3] =	stream.linear.gather [hbm4b:s8+s3], $0x1400, $0x38;
	[tilespmem:$0x1E800] =	vst v63  }
0x1d: {  	_ =	swait.ge [sflag:s12], $0x1400  }
0x1e: {  	[sflag:s12] =	ssyncset.done $0x0  }
0x1f: {  	[sflag:s12] =	ssyncadd.s32 $0xFFFFEC00  }
0x20: {  	[tilespmem:s15], [sflag:$0x1] =	stream.indirect.gather [hbm4b:s4+s14], $0x80, s3, s14, $0xb8;
	[tilespmem:$0x1E800] =	vst v63  }
0x21: {  	s25 =	simm.s32 $0x80  }
0x22: {  	[tilespmem:s16], [sflag:$0x2] =	stream.indirect.gather [hbm4b:s4+s14], $0x80, s25, s14, $0xb8;
	[tilespmem:$0x1E800] =	vst v63  }
0x23: {  	_ =	swait.ge [sflag:s17], $0x4000  }
0x24: {  	[sflag:s17] =	ssyncset.done $0x0  }
0x25: {  	s29 =	simm.s32 $0x1400;
	[sflag:s17] =	ssyncadd.s32 $0xFFFFC000  }
0x26: {  	[spmem:s2] =	stream.indirect.scatter.add.f32 [tilespmem:s15], [sflag:$0x3], $0x80, s29, s14, $0xb8;
	[tilespmem:$0x1E800] =	vst v63  }
0x27: {  	_ =	swait.ge [sflag:s12], $0x4000  }
0x28: {  	[sflag:s12] =	ssyncset.done $0x0  }
0x29: {  	s30 =	simm.s32 $0x100;
	[sflag:s12] =	ssyncadd.s32 $0xFFFFC000  }
0x2a: {  	[tilespmem:s15], [sflag:$0x1] =	stream.indirect.gather [hbm4b:s4+s14], $0x80, s30, s14, $0xb8;
	[tilespmem:$0x1E800] =	vst v63  }
0x2b: {  	_ =	swait.ge [sflag:s18], $0x4000  }
0x2c: {  	[sflag:s18] =	ssyncset.done $0x0  }
0x2d: {  	s31 =	simm.s32 $0x1480;
	[sflag:s18] =	ssyncadd.s32 $0xFFFFC000  }
0x2e: {  	[spmem:s2] =	stream.indirect.scatter.add.f32 [tilespmem:s16], [sflag:$0x3], $0x80, s31, s14, $0xb8;
	[tilespmem:$0x1E800] =	vst v63  }
0x2f: {  	_ =	swait.ge [sflag:s12], $0x4000  }
0x30: {  	s26 =	simm.s32 $0x800;
	s25 =	simm.s32 $0x100;
	[sflag:s12] =	ssyncset.done $0x0  }
.LBB2_2:
0x31: {  	s28 =	sadd.s32 $0x80, s25  }
0x32: {  	[sflag:s12] =	ssyncadd.s32 $0xFFFFC000;
	s29 =	smov.u32 s26;
	s30 =	sadd.s32 $0x400, s26  }
0x33: {  	[tilespmem:s16], [sflag:$0x2] =	stream.indirect.gather [hbm4b:s4+s14], $0x80, s28, s14, $0xb8;
	[tilespmem:$0x1E800] =	vst v63  }
0x34: {  	p0 =	sne.s32 s26, $0x4800;
	_ =	swait.ge [sflag:s17], $0x4000  }
0x35: {  	[sflag:s17] =	ssyncset.done $0x0  }
0x36: {  	s26 =	sadd.s32 $0x1400, s25;
	[sflag:s17] =	ssyncadd.s32 $0xFFFFC000  }
0x37: {  	[spmem:s2] =	stream.indirect.scatter.add.f32 [tilespmem:s15], [sflag:$0x3], $0x80, s26, s14, $0xb8;
	[tilespmem:$0x1E800] =	vst v63  }
0x38: {  	_ =	swait.ge [sflag:s12], $0x4000  }
0x39: {  	[sflag:s12] =	ssyncset.done $0x0  }
0x3a: {  	s26 =	sadd.s32 $0x100, s25;
	[sflag:s12] =	ssyncadd.s32 $0xFFFFC000  }
0x3b: {  	[tilespmem:s15], [sflag:$0x1] =	stream.indirect.gather [hbm4b:s4+s14], $0x80, s26, s14, $0xb8;
	[tilespmem:$0x1E800] =	vst v63  }
0x3c: {  	_ =	swait.ge [sflag:s18], $0x4000  }
.Ltmp0:
0x3d: {  	[sflag:s18] =	ssyncset.done $0x0;
	(pc) =	sbr.rel @p0 .LBB2_2-.Ltmp0, $4  }
0x3e: {  	s25 =	sadd.s32 $0x1480, s25;
	[sflag:s18] =	ssyncadd.s32 $0xFFFFC000  }
0x3f: {  	[spmem:s2] =	stream.indirect.scatter.add.f32 [tilespmem:s16], [sflag:$0x3], $0x80, s25, s14, $0xb8;
	[tilespmem:$0x1E800] =	vst v63  }
0x40: {  	_ =	swait.ge [sflag:s12], $0x4000  }
0x41: {  	s26 =	smov.u32 s30;
	s25 =	sshra.s32 s29, $0x2;
	[sflag:s12] =	ssyncset.done $0x0  }
0x42: {  	s26 =	sadd.s32 $0x80, s25;
	[sflag:s12] =	ssyncadd.s32 $0xFFFFC000  }
0x43: {  	[tilespmem:s16], [sflag:$0x2] =	stream.indirect.gather [hbm4b:s4+s14], $0x80, s26, s14, $0xb8;
	[tilespmem:$0x1E800] =	vst v63  }
0x44: {  	_ =	swait.ge [sflag:s17], $0x4000  }
0x45: {  	[sflag:s17] =	ssyncset.done $0x0  }
0x46: {  	s29 =	sadd.s32 $0x1400, s25;
	[sflag:s17] =	ssyncadd.s32 $0xFFFFC000  }
0x47: {  	[spmem:s2] =	stream.indirect.scatter.add.f32 [tilespmem:s15], [sflag:$0x3], $0x80, s29, s14, $0xb8;
	[tilespmem:$0x1E800] =	vst v63  }
0x48: {  	_ =	swait.ge [sflag:s12], $0x4000  }
0x49: {  	[sflag:s12] =	ssyncset.done $0x0  }
0x4a: {  	s30 =	sadd.s32 $0x100, s25;
	[sflag:s12] =	ssyncadd.s32 $0xFFFFC000  }
0x4b: {  	[tilespmem:s15], [sflag:$0x1] =	stream.indirect.gather [hbm4b:s4+s14], $0x80, s30, s14, $0xb8;
	[tilespmem:$0x1E800] =	vst v63  }
0x4c: {  	_ =	swait.ge [sflag:s18], $0x4000  }
0x4d: {  	[sflag:s18] =	ssyncset.done $0x0  }
0x4e: {  	s31 =	sadd.s32 $0x1480, s25;
	[sflag:s18] =	ssyncadd.s32 $0xFFFFC000  }
0x4f: {  	[spmem:s2] =	stream.indirect.scatter.add.f32 [tilespmem:s16], [sflag:$0x3], $0x80, s31, s14, $0xb8;
	[tilespmem:$0x1E800] =	vst v63  }
0x50: {  	_ =	swait.ge [sflag:s12], $0x4000  }
0x51: {  	[sflag:s12] =	ssyncset.done $0x0  }
0x52: {  	[sflag:s12] =	ssyncadd.s32 $0xFFFFC000  }
0x53: {  	[tilespmem:s16], [sflag:$0x2] =	stream.indirect.gather [hbm4b:s4+s14], $0x80, s19, s14, $0xb8;
	[tilespmem:$0x1E800] =	vst v63  }
0x54: {  	_ =	swait.ge [sflag:s17], $0x4000  }
0x55: {  	[sflag:s17] =	ssyncset.done $0x0  }
0x56: {  	[sflag:s17] =	ssyncadd.s32 $0xFFFFC000  }
0x57: {  	[spmem:s2] =	stream.indirect.scatter.add.f32 [tilespmem:s15], [sflag:$0x3], $0x80, s20, s14, $0xb8;
	[tilespmem:$0x1E800] =	vst v63  }
0x58: {  	_ =	swait.ge [sflag:s12], $0x4000  }
0x59: {  	[sflag:s12] =	ssyncset.done $0x0  }
0x5a: {  	[sflag:s12] =	ssyncadd.s32 $0xFFFFC000  }
0x5b: {  	_ =	swait.ge [sflag:s18], $0x4000  }
0x5c: {  	[sflag:s18] =	ssyncset.done $0x0  }
0x5d: {  	[sflag:s18] =	ssyncadd.s32 $0xFFFFC000  }
0x5e: {  	[spmem:s2] =	stream.indirect.scatter.add.f32 [tilespmem:s16], [sflag:$0x3], $0x80, s21, s14, $0xb8;
	[tilespmem:$0x1E800] =	vst v63  }
0x5f: {  	_ =	swait.ge [sflag:s12], $0x4000  }
0x60: {  	[sflag:s12] =	ssyncset.done $0x0  }
0x61: {  	s26 =	simm.s32 $0x0;
	[sflag:s12] =	ssyncadd.s32 $0xFFFFC000  }
0x62: {  	[tilespmem:s26], [sflag:$0x3] =	stream.linear.gather [hbm4b:s22+s26], $0x1400, $0x38;
	[tilespmem:$0x1E800] =	vst v63  }
0x63: {  	_ =	swait.ge [sflag:s12], $0x1400  }
0x64: {  	[sflag:s12] =	ssyncset.done $0x0  }
0x65: {  	[sflag:s12] =	ssyncadd.s32 $0xFFFFEC00  }
0x66: {  	[tilespmem:s13], [sflag:$0x3] =	stream.linear.gather [hbm4b:s23+s26], $0x1400, $0x38;
	[tilespmem:$0x1E800] =	vst v63  }
0x67: {  	_ =	swait.ge [sflag:s12], $0x1400  }
0x68: {  	[sflag:s12] =	ssyncset.done $0x0  }
0x69: {  	[sflag:s12] =	ssyncadd.s32 $0xFFFFEC00  }
0x6a: {  	[tilespmem:s15], [sflag:$0x1] =	stream.indirect.gather [hbm4b:s4+s14], $0x80, s26, s14, $0xb8;
	[tilespmem:$0x1E800] =	vst v63  }
0x6b: {  	s28 =	simm.s32 $0x80  }
0x6c: {  	[tilespmem:s16], [sflag:$0x2] =	stream.indirect.gather [hbm4b:s4+s14], $0x80, s28, s14, $0xb8;
	[tilespmem:$0x1E800] =	vst v63  }
0x6d: {  	_ =	swait.ge [sflag:s17], $0x4000  }
0x6e: {  	[sflag:s17] =	ssyncset.done $0x0  }
0x6f: {  	s29 =	simm.s32 $0x1400;
	[sflag:s17] =	ssyncadd.s32 $0xFFFFC000  }
0x70: {  	[spmem:s2] =	stream.indirect.scatter.add.f32 [tilespmem:s15], [sflag:$0x3], $0x80, s29, s14, $0xb8;
	[tilespmem:$0x1E800] =	vst v63  }
0x71: {  	_ =	swait.ge [sflag:s12], $0x4000  }
0x72: {  	[sflag:s12] =	ssyncset.done $0x0  }
0x73: {  	s30 =	simm.s32 $0x100;
	[sflag:s12] =	ssyncadd.s32 $0xFFFFC000  }
0x74: {  	[tilespmem:s15], [sflag:$0x1] =	stream.indirect.gather [hbm4b:s4+s14], $0x80, s30, s14, $0xb8;
	[tilespmem:$0x1E800] =	vst v63  }
0x75: {  	_ =	swait.ge [sflag:s18], $0x4000  }
0x76: {  	[sflag:s18] =	ssyncset.done $0x0  }
0x77: {  	s31 =	simm.s32 $0x1480;
	[sflag:s18] =	ssyncadd.s32 $0xFFFFC000  }
0x78: {  	[spmem:s2] =	stream.indirect.scatter.add.f32 [tilespmem:s16], [sflag:$0x3], $0x80, s31, s14, $0xb8;
	[tilespmem:$0x1E800] =	vst v63  }
0x79: {  	_ =	swait.ge [sflag:s12], $0x4000  }
0x7a: {  	s25 =	simm.s32 $0x100;
	s26 =	simm.s32 $0x800;
	[sflag:s12] =	ssyncset.done $0x0  }
.LBB2_4:
0x7b: {  	s28 =	sadd.s32 $0x80, s25  }
0x7c: {  	[sflag:s12] =	ssyncadd.s32 $0xFFFFC000;
	s29 =	smov.u32 s26;
	s30 =	sadd.s32 $0x400, s26  }
0x7d: {  	[tilespmem:s16], [sflag:$0x2] =	stream.indirect.gather [hbm4b:s4+s14], $0x80, s28, s14, $0xb8;
	[tilespmem:$0x1E800] =	vst v63  }
0x7e: {  	p0 =	sne.s32 s26, $0x4800;
	_ =	swait.ge [sflag:s17], $0x4000  }
0x7f: {  	[sflag:s17] =	ssyncset.done $0x0  }
0x80: {  	s26 =	sadd.s32 $0x1400, s25;
	[sflag:s17] =	ssyncadd.s32 $0xFFFFC000  }
0x81: {  	[spmem:s2] =	stream.indirect.scatter.add.f32 [tilespmem:s15], [sflag:$0x3], $0x80, s26, s14, $0xb8;
	[tilespmem:$0x1E800] =	vst v63  }
0x82: {  	_ =	swait.ge [sflag:s12], $0x4000  }
0x83: {  	[sflag:s12] =	ssyncset.done $0x0  }
0x84: {  	s26 =	sadd.s32 $0x100, s25;
	[sflag:s12] =	ssyncadd.s32 $0xFFFFC000  }
0x85: {  	[tilespmem:s15], [sflag:$0x1] =	stream.indirect.gather [hbm4b:s4+s14], $0x80, s26, s14, $0xb8;
	[tilespmem:$0x1E800] =	vst v63  }
0x86: {  	_ =	swait.ge [sflag:s18], $0x4000  }
.Ltmp1:
0x87: {  	[sflag:s18] =	ssyncset.done $0x0;
	(pc) =	sbr.rel @p0 .LBB2_4-.Ltmp1, $4  }
0x88: {  	s25 =	sadd.s32 $0x1480, s25;
	[sflag:s18] =	ssyncadd.s32 $0xFFFFC000  }
0x89: {  	[spmem:s2] =	stream.indirect.scatter.add.f32 [tilespmem:s16], [sflag:$0x3], $0x80, s25, s14, $0xb8;
	[tilespmem:$0x1E800] =	vst v63  }
0x8a: {  	_ =	swait.ge [sflag:s12], $0x4000  }
0x8b: {  	s26 =	smov.u32 s30;
	s25 =	sshra.s32 s29, $0x2;
	[sflag:s12] =	ssyncset.done $0x0  }
0x8c: {  	s26 =	sadd.s32 $0x80, s25;
	[sflag:s12] =	ssyncadd.s32 $0xFFFFC000  }
0x8d: {  	[tilespmem:s16], [sflag:$0x2] =	stream.indirect.gather [hbm4b:s4+s14], $0x80, s26, s14, $0xb8;
	[tilespmem:$0x1E800] =	vst v63  }
0x8e: {  	_ =	swait.ge [sflag:s17], $0x4000  }
0x8f: {  	[sflag:s17] =	ssyncset.done $0x0  }
0x90: {  	s29 =	sadd.s32 $0x1400, s25;
	[sflag:s17] =	ssyncadd.s32 $0xFFFFC000  }
0x91: {  	[spmem:s2] =	stream.indirect.scatter.add.f32 [tilespmem:s15], [sflag:$0x3], $0x80, s29, s14, $0xb8;
	[tilespmem:$0x1E800] =	vst v63  }
0x92: {  	_ =	swait.ge [sflag:s12], $0x4000  }
0x93: {  	[sflag:s12] =	ssyncset.done $0x0  }
0x94: {  	s30 =	sadd.s32 $0x100, s25;
	[sflag:s12] =	ssyncadd.s32 $0xFFFFC000  }
0x95: {  	[tilespmem:s15], [sflag:$0x1] =	stream.indirect.gather [hbm4b:s4+s14], $0x80, s30, s14, $0xb8;
	[tilespmem:$0x1E800] =	vst v63  }
0x96: {  	_ =	swait.ge [sflag:s18], $0x4000  }
0x97: {  	[sflag:s18] =	ssyncset.done $0x0  }
0x98: {  	s31 =	sadd.s32 $0x1480, s25;
	[sflag:s18] =	ssyncadd.s32 $0xFFFFC000  }
0x99: {  	[spmem:s2] =	stream.indirect.scatter.add.f32 [tilespmem:s16], [sflag:$0x3], $0x80, s31, s14, $0xb8;
	[tilespmem:$0x1E800] =	vst v63  }
0x9a: {  	_ =	swait.ge [sflag:s12], $0x4000  }
0x9b: {  	[sflag:s12] =	ssyncset.done $0x0  }
0x9c: {  	[sflag:s12] =	ssyncadd.s32 $0xFFFFC000  }
0x9d: {  	[tilespmem:s16], [sflag:$0x2] =	stream.indirect.gather [hbm4b:s4+s14], $0x80, s19, s14, $0xb8;
	[tilespmem:$0x1E800] =	vst v63  }
0x9e: {  	_ =	swait.ge [sflag:s17], $0x4000  }
0x9f: {  	[sflag:s17] =	ssyncset.done $0x0  }
0xa0: {  	[sflag:s17] =	ssyncadd.s32 $0xFFFFC000  }
0xa1: {  	[spmem:s2] =	stream.indirect.scatter.add.f32 [tilespmem:s15], [sflag:$0x3], $0x80, s20, s14, $0xb8;
	[tilespmem:$0x1E800] =	vst v63  }
0xa2: {  	_ =	swait.ge [sflag:s12], $0x4000  }
0xa3: {  	[sflag:s12] =	ssyncset.done $0x0  }
0xa4: {  	[sflag:s12] =	ssyncadd.s32 $0xFFFFC000  }
0xa5: {  	_ =	swait.ge [sflag:s18], $0x4000  }
0xa6: {  	[sflag:s18] =	ssyncset.done $0x0  }
0xa7: {  	[sflag:s18] =	ssyncadd.s32 $0xFFFFC000  }
0xa8: {  	[spmem:s2] =	stream.indirect.scatter.add.f32 [tilespmem:s16], [sflag:$0x3], $0x80, s21, s14, $0xb8;
	[tilespmem:$0x1E800] =	vst v63  }
0xa9: {  	_ =	swait.ge [sflag:s12], $0x4000  }
0xaa: {  	s24 =	sadd.s32 $0x1, s24;
	[sflag:s12] =	ssyncset.done $0x0  }
0xab: {  	p0 =	sne.s32 s24, s10;
	[sflag:s12] =	ssyncadd.s32 $0xFFFFC000  }
.Ltmp2:
0xac: {  	[bflag:$0x0] =	sbarrier.arrive $0xFFFF;
	(pc) =	sbr.rel @p0 .LBB2_1-.Ltmp2, $4  }
0xad: {  	[hbm:s9], [sflag:s6] =	dma.local [spmem:s11], $0x2800  }
0xae: {  	_ =	swait.ge [sflag:s12], $0x2800  }
0xaf: {  	[sflag:s12] =	ssyncset.done $0x0  }
0xb0: {  	[sflag:s12] =	ssyncadd.s32 $0xFFFFD800  }
0xb1: {  	_ =	sfence.sel $0x180000  }
0xb2: {  	[bflag:$0x0] =	sbarrier.arrive $0xFFFF  }
0xb3: {  	p0 =	sne.s32 s1, $0x0;
	_ =	strace $0x9000004A  }
0xb4: {  	s0 =	sadd.s32 @!p0 $0x100000, s0;
	[bflag:$0x2] =	sbarrier.arrive $0xFFFF  }
0xb5: {  	[sflag:s0] =	ssyncadd.tile.s32 @!p0 $0x1;
	_ =	shalt  }
.Lfunc_end2:
_tile_overlayer_lowered:
.L_overlay_start_2:
0xb6: {  	(tag) =	ssettag $0x2  }
0xb7: {  	s0 =	rddreg [dreg:$0x0];
	s2 =	stileid.u32  }
0xb8: {  	s1 =	rddreg [dreg:$0x1];
	p0 =	sne.s32 s2, $0x0  }
0xb9: {  	s3 =	rddreg [dreg:$0x2];
	[bflag:$0x3] =	sbarrier.arrive $0xFFFF;
	s2 =	simm.s32 @!p0 $0x1C03  }
0xba: {  	[timem:s3], [sflag:s2] =	dma.local @!p0 [hbm:s0], s1  }
0xbb: {  	s0 =	simm.s32 @!p0 $0x3  }
0xbc: {  	_ =	swait.ge @!p0 [sflag:s0], s1  }
0xbd: {  	s1 =	ssub.s32 @!p0 $0x0, s1;
	[sflag:s0] =	ssyncset.done @!p0 $0x0  }
0xbe: {  	[sflag:s0] =	ssyncadd.s32 @!p0 s1  }
0xbf: {  	[bflag:$0x3] =	sbarrier.arrive $0xFFFF  }
0xc0: {  	_ =	shalt  }

</sc_bundles>
